<compile_context>
chip_gen: v7x
topology: tpu7x:2x2x1
jax: 0.10.2.dev20260603
libtpu: 0.0.44.dev20260713+nightly
codegen_flags: <defaults>
</compile_context>

<pallas_src>
import functools

import jax
import jax.numpy as jnp
from jax import lax
from jax.experimental import pallas as pl
from jax.experimental.pallas import tpu as pltpu
from jax.experimental.pallas import tpu_sc as plsc

NC = 2
NS = 16
NW = NC * NS
CH = 104
BLK = 1024
BLKS = 2048


def _node_values(x, Wv, bv, W1v, b1):
    n, c = x.shape
    h = W1v.shape[1]
    nb = pl.cdiv(n, BLK)

    def body(x_ref, wv_ref, bv_ref, w1v_ref, b1_ref, v_ref, weff_ref, beff_ref):
        @pl.when(pl.program_id(0) == 0)
        def _():
            weff_ref[...] = jnp.dot(wv_ref[...], w1v_ref[...],
                                    preferred_element_type=jnp.float32)
            beff_ref[...] = jnp.dot(bv_ref[...], w1v_ref[...],
                                    preferred_element_type=jnp.float32) + b1_ref[...]

        v_ref[...] = jnp.dot(x_ref[...], weff_ref[...],
                             preferred_element_type=jnp.float32) + beff_ref[...]

    return pl.pallas_call(
        body,
        grid=(nb,),
        in_specs=[
            pl.BlockSpec((BLK, c), lambda i: (i, 0)),
            pl.BlockSpec((c, c), lambda i: (0, 0)),
            pl.BlockSpec((1, c), lambda i: (0, 0)),
            pl.BlockSpec((c, h), lambda i: (0, 0)),
            pl.BlockSpec((1, h), lambda i: (0, 0)),
        ],
        out_specs=pl.BlockSpec((BLK, h), lambda i: (i, 0)),
        out_shape=jax.ShapeDtypeStruct((n, h), jnp.float32),
        scratch_shapes=[pltpu.VMEM((c, h), jnp.float32),
                        pltpu.VMEM((1, h), jnp.float32)],
    )(x, Wv, bv, W1v, b1)


def _sc_mesh():
    return plsc.VectorSubcoreMesh(core_axis_name="c", subcore_axis_name="s")


def _worker_base(epw):
    wid = lax.axis_index("s") * NC + lax.axis_index("c")
    return wid * epw


def _edge_geometry(pos_cols, dst_p, ep, e_real):
    epw = ep // NW
    nch = epw // CH

    @functools.partial(
        pl.kernel,
        mesh=_sc_mesh(),
        compiler_params=pltpu.CompilerParams(needs_layout_passes=False),
        out_type=[jax.ShapeDtypeStruct((ep,), jnp.float32),
                  jax.ShapeDtypeStruct((4, ep), jnp.float32)],
        scratch_types=[pltpu.VMEM((epw,), jnp.int32)]
        + [pltpu.VMEM((epw,), jnp.float32) for _ in range(7)]
        + [pltpu.VMEM((epw,), jnp.float32),
           pltpu.VMEM((4, epw), jnp.float32),
           pltpu.SemaphoreType.DMA],
    )
    def k(px_hbm, py_hbm, pz_hbm, pw_hbm, dst_hbm, pe_hbm, rel_hbm,
          idx_v, pjx_v, pjy_v, pjz_v, pjw_v, pix_v, piy_v, piz_v,
          pe_v, rel_v, sem):
        base = _worker_base(epw)
        pltpu.sync_copy(dst_hbm.at[pl.ds(base, epw)], idx_v)
        pltpu.sync_copy(px_hbm.at[pl.ds(base, epw)], pix_v)
        pltpu.sync_copy(py_hbm.at[pl.ds(base, epw)], piy_v)
        pltpu.sync_copy(pz_hbm.at[pl.ds(base, epw)], piz_v)
        cps = []
        for kk in range(nch):
            isl = idx_v.at[pl.ds(kk * CH, CH)]
            osl = pl.ds(kk * CH, CH)
            for tab, dv in ((px_hbm, pjx_v), (py_hbm, pjy_v),
                            (pz_hbm, pjz_v), (pw_hbm, pjw_v)):
                cps.append(pltpu.async_copy(tab.at[isl], dv.at[osl], sem))
        for cp in cps:
            cp.wait()

        def chunk(j, carry):
            r = j * 16
            sl = pl.ds(r, 16)
            rows = lax.iota(jnp.int32, 16) + r
            rx = pjx_v[sl] - pix_v[sl]
            ry = pjy_v[sl] - piy_v[sl]
            rz = pjz_v[sl] - piz_v[sl]
            pe = jnp.maximum(jnp.maximum(jnp.abs(rx), jnp.abs(ry)), jnp.abs(rz))
            pe = jnp.where(rows + base < e_real, pe, 0.0)
            pe_v[sl] = pe
            rel_v[0, sl] = rx
            rel_v[1, sl] = ry
            rel_v[2, sl] = rz
            rel_v[3, sl] = pjw_v[sl]
            return carry

        lax.fori_loop(0, epw // 16, chunk, 0)
        pltpu.sync_copy(pe_v, pe_hbm.at[pl.ds(base, epw)])
        pltpu.sync_copy(rel_v, rel_hbm.at[:, pl.ds(base, epw)])

    return k(*pos_cols, dst_p)


def _segment_max(src_p, pe, ep):
    npw = ep // NW
    qn = 4
    qs = ep // qn

    @functools.partial(
        pl.kernel,
        mesh=_sc_mesh(),
        compiler_params=pltpu.CompilerParams(needs_layout_passes=False),
        out_type=jax.ShapeDtypeStruct((ep,), jnp.float32),
        scratch_types=[pltpu.VMEM((qs,), jnp.int32),
                       pltpu.VMEM((qs,), jnp.int32),
                       pltpu.VMEM((qs,), jnp.float32),
                       pltpu.VMEM((qs,), jnp.float32),
                       pltpu.VMEM((32 * npw,), jnp.float32),
                       pltpu.VMEM((npw,), jnp.float32),
                       pltpu.SemaphoreType.DMA],
    )
    def k(src_hbm, pe_hbm, seg_hbm, src0_v, src1_v, pe0_v, pe1_v,
          seg32_v, seg_v, sem):
        n0 = _worker_base(npw)
        iota = lax.iota(jnp.int32, 16)
        plane_a = iota * npw
        plane_b = plane_a + 16 * npw
        srcs = (src0_v, src1_v)
        pes = (pe0_v, pe1_v)

        def zi(j, carry):
            seg32_v[pl.ds(j * 16, 16)] = jnp.zeros((16,), jnp.float32)
            return carry

        cps = {0: (pltpu.async_copy(src_hbm.at[pl.ds(0, qs)], src0_v, sem),
                   pltpu.async_copy(pe_hbm.at[pl.ds(0, qs)], pe0_v, sem))}
        lax.fori_loop(0, 2 * npw, zi, 0)

        def scat(sv, pv):
            def chunk(j, carry):
                sla = pl.ds(j * 32, 16)
                slb = pl.ds(j * 32 + 16, 16)
                la = sv[sla] - n0
                lb = sv[slb] - n0
                va = pv[sla]
                vb = pv[slb]
                ma = (la >= 0) & (la < npw)
                mb = (lb >= 0) & (lb < npw)
                ia = jnp.clip(la, 0, npw - 1) + plane_a
                ib = jnp.clip(lb, 0, npw - 1) + plane_b
                oa = plsc.load_gather(seg32_v, [ia])
                ob = plsc.load_gather(seg32_v, [ib])
                plsc.store_scatter(seg32_v, [ia], jnp.maximum(oa, va), mask=ma)
                plsc.store_scatter(seg32_v, [ib], jnp.maximum(ob, vb), mask=mb)
                return carry

            lax.fori_loop(0, qs // 32, chunk, 0)

        for q in range(qn):
            if q + 1 < qn:
                b = (q + 1) % 2
                cps[q + 1] = (
                    pltpu.async_copy(src_hbm.at[pl.ds((q + 1) * qs, qs)],
                                     srcs[b], sem),
                    pltpu.async_copy(pe_hbm.at[pl.ds((q + 1) * qs, qs)],
                                     pes[b], sem))
            cps[q][0].wait()
            cps[q][1].wait()
            scat(srcs[q % 2], pes[q % 2])

        def red(j, carry):
            acc = seg32_v[pl.ds(j * 16, 16)]
            for p in range(1, 32):
                acc = jnp.maximum(acc, seg32_v[pl.ds(p * npw + j * 16, 16)])
            seg_v[pl.ds(j * 16, 16)] = acc
            return carry

        lax.fori_loop(0, npw // 16, red, 0)
        pltpu.sync_copy(seg_v, seg_hbm.at[pl.ds(n0, npw)])

    return k(src_p, pe)


def _edge_assemble(seg, src_p, dst_p, rel, v_nodes, ep):
    epw = ep // NW
    nch = epw // CH
    nb = 7
    h = v_nodes.shape[1]

    @functools.partial(
        pl.kernel,
        mesh=_sc_mesh(),
        compiler_params=pltpu.CompilerParams(needs_layout_passes=False),
        out_type=[jax.ShapeDtypeStruct((4, ep), jnp.float32),
                  jax.ShapeDtypeStruct((ep, h), jnp.float32)],
        scratch_types=[pltpu.VMEM((epw,), jnp.int32),
                       pltpu.VMEM((epw,), jnp.int32),
                       pltpu.VMEM((epw,), jnp.float32),
                       pltpu.VMEM((4, epw), jnp.float32),
                       pltpu.VMEM((4, epw), jnp.float32)]
        + [pltpu.VMEM((CH, h), jnp.float32) for _ in range(nb)]
        + [pltpu.SemaphoreType.DMA,
           pltpu.SemaphoreType.DMA,
           pltpu.SemaphoreType.DMA],
    )
    def k(seg_hbm, src_hbm, dst_hbm, rel_hbm, v_hbm, geom_hbm, vg_hbm,
          sidx_v, didx_v, maxd_v, rel_v, geom_v, *bufs_and_sems):
        bufs = bufs_and_sems[:nb]
        gsem, osem, msem = bufs_and_sems[nb:]
        base = _worker_base(epw)
        pltpu.sync_copy(dst_hbm.at[pl.ds(base, epw)], didx_v)

        gcp = [pltpu.async_copy(v_hbm.at[didx_v.at[pl.ds(kk * CH, CH)]],
                                bufs[kk % nb], gsem)
               for kk in range(nb)]
        gcp += [None] * (nch - nb)

        pltpu.sync_copy(src_hbm.at[pl.ds(base, epw)], sidx_v)
        mcp = [pltpu.async_copy(seg_hbm.at[sidx_v.at[pl.ds(kk * CH, CH)]],
                                maxd_v.at[pl.ds(kk * CH, CH)], msem)
               for kk in range(nch)]
        pltpu.sync_copy(rel_hbm.at[:, pl.ds(base, epw)], rel_v)
        for cp in mcp:
            cp.wait()

        def chunk(j, carry):
            sl = pl.ds(j * 16, 16)
            inv = 1.0 / jnp.maximum(maxd_v[sl], 1e-8)
            geom_v[0, sl] = rel_v[0, sl] * inv
            geom_v[1, sl] = rel_v[1, sl] * inv
            geom_v[2, sl] = rel_v[2, sl] * inv
            geom_v[3, sl] = rel_v[3, sl]
            return carry

        lax.fori_loop(0, epw // 16, chunk, 0)
        pltpu.sync_copy(geom_v, geom_hbm.at[:, pl.ds(base, epw)])

        ocp = {}
        for kk in range(nch):
            gcp[kk].wait()
            ocp[kk] = pltpu.async_copy(
                bufs[kk % nb], vg_hbm.at[pl.ds(base + kk * CH, CH)], osem)
            prev = kk - 1
            if prev >= 0 and prev + nb < nch:
                ocp[prev].wait()
                gcp[prev + nb] = pltpu.async_copy(
                    v_hbm.at[didx_v.at[pl.ds((prev + nb) * CH, CH)]],
                    bufs[prev % nb], gsem)
        for kk in range(max(nch - nb, 0), nch):
            if kk >= 0:
                ocp[kk].wait()

    return k(seg, src_p, dst_p, rel, v_nodes)


def _h_block(vg_ref, g_ref, w1g_ref):
    acc = vg_ref[...]
    acc += lax.dot_general(g_ref[...], w1g_ref[...],
                           (((0,), (0,)), ((), ())),
                           preferred_element_type=jnp.float32)
    return jnp.maximum(acc, 0.0)


def _stats(vg, geom, W1g, e_real):
    ep, hp = vg.shape
    h = hp
    nb_grid = pl.cdiv(e_real, BLKS)

    def body(vg_ref, g_ref, w1g_ref, s_ref, q_ref):
        i = pl.program_id(0)
        acc = _h_block(vg_ref, g_ref, w1g_ref)
        rows = i * BLKS + lax.broadcasted_iota(jnp.int32, (BLKS, 1), 0)
        acc = jnp.where(rows < e_real, acc, 0.0)

        @pl.when(i == 0)
        def _():
            s_ref[...] = jnp.zeros_like(s_ref)
            q_ref[...] = jnp.zeros_like(q_ref)

        s_ref[...] += jnp.sum(acc, axis=0, keepdims=True)
        q_ref[...] += jnp.sum(acc * acc, axis=0, keepdims=True)

    return pl.pallas_call(
        body,
        grid=(nb_grid,),
        in_specs=[
            pl.BlockSpec((BLKS, hp), lambda i: (i, 0)),
            pl.BlockSpec((4, BLKS), lambda i: (0, i)),
            pl.BlockSpec((4, h), lambda i: (0, 0)),
        ],
        out_specs=[
            pl.BlockSpec((1, h), lambda i: (0, 0)),
            pl.BlockSpec((1, h), lambda i: (0, 0)),
        ],
        out_shape=[jax.ShapeDtypeStruct((1, h), jnp.float32),
                   jax.ShapeDtypeStruct((1, h), jnp.float32)],
    )(vg, geom, W1g)


def _normalize(vg, geom, W1g, s, q, gamma, beta, e_real):
    ep, hp = vg.shape
    h = hp
    nb_grid = pl.cdiv(e_real, BLKS)
    inv_n = 1.0 / e_real

    def body(vg_ref, g_ref, w1g_ref, s_ref, q_ref, gam_ref, bet_ref, o_ref):
        acc = _h_block(vg_ref, g_ref, w1g_ref)
        mean = s_ref[...] * inv_n
        var = q_ref[...] * inv_n - mean * mean
        scale = gam_ref[...] / jnp.sqrt(var + 1e-5)
        o_ref[...] = (acc - mean) * scale + bet_ref[...]

    return pl.pallas_call(
        body,
        grid=(nb_grid,),
        in_specs=[
            pl.BlockSpec((BLKS, hp), lambda i: (i, 0)),
            pl.BlockSpec((4, BLKS), lambda i: (0, i)),
            pl.BlockSpec((4, h), lambda i: (0, 0)),
            pl.BlockSpec((1, h), lambda i: (0, 0)),
            pl.BlockSpec((1, h), lambda i: (0, 0)),
            pl.BlockSpec((1, h), lambda i: (0, 0)),
            pl.BlockSpec((1, h), lambda i: (0, 0)),
        ],
        out_specs=pl.BlockSpec((BLKS, h), lambda i: (i, 0)),
        out_shape=jax.ShapeDtypeStruct((e_real, h), jnp.float32),
    )(vg, geom, W1g, s, q, gamma, beta)


def kernel(x, pos, edge_index, Wq, bq, Wk, bk, Wv, bv, W1, b1, gamma, beta):
    n, c = x.shape
    e = edge_index.shape[1]
    h = W1.shape[1]

    src = edge_index[0].astype(jnp.int32)
    dst = edge_index[1].astype(jnp.int32)

    epw = -(-e // (NW * CH)) * CH
    ep = NW * epw
    src_p = jnp.concatenate([src, jnp.zeros((ep - e,), jnp.int32)])
    dst_p = jnp.concatenate([dst, jnp.zeros((ep - e,), jnp.int32)])
    zpad = jnp.zeros((ep - n,), jnp.float32)
    pos_cols = [jnp.concatenate([pos[:, i], zpad]) for i in range(4)]

    W1v = W1[:c]
    W1g = W1[c:]

    v_nodes = _node_values(x, Wv, bv[None, :], W1v, b1[None, :])
    pe, rel = _edge_geometry(pos_cols, dst_p, ep, e)
    seg = _segment_max(src_p, pe, ep)
    geom, vg = _edge_assemble(seg, src_p, dst_p, rel, v_nodes, ep)
    s, q = _stats(vg, geom, W1g, e)
    return _normalize(vg, geom, W1g, s, q, gamma[None, :], beta[None, :], e)

# --- scband reference (transcript-rebuilt; emitter-appended) ---
"""Pipeline reference for scband-point-net-18983755448435 (READ-ONLY COPY).

The authoritative reference and input builder live on the scoring server;
editing this copy changes nothing except your own understanding.
"""

import jax, jax.numpy as jnp
import numpy as np

N = 50000
C_IN = 512
C_OUT = 512
H = 128

def setup_inputs(seed: int = 0) -> dict:
    key = jax.random.key(seed)
    ks = jax.random.split(key, 16)
    x = jax.random.normal(ks[0], (N, C_IN), dtype=jnp.float32)
    pos = jax.random.normal(ks[1], (N, 4), dtype=jnp.float32)
    edge_index = jax.random.randint(ks[2], (2, N), 0, N, dtype=jnp.int64)
    def lin_init(kw, kb, fan_in, fan_out):
        bound = 1.0 / np.sqrt(fan_in)
        W = jax.random.uniform(kw, (fan_in, fan_out), minval=-bound, maxval=bound, dtype=jnp.float32)
        b = jax.random.uniform(kb, (fan_out,), minval=-bound, maxval=bound, dtype=jnp.float32)
        return W, b
    Wq, bq = lin_init(ks[3], ks[4], C_IN, C_OUT)
    Wk, bk = lin_init(ks[5], ks[6], C_IN, C_OUT)
    Wv, bv = lin_init(ks[7], ks[8], C_IN, C_OUT)
    W1, b1 = lin_init(ks[9], ks[10], C_OUT + 4, H)
    gamma = jnp.ones((H,), dtype=jnp.float32)
    beta = jnp.zeros((H,), dtype=jnp.float32)
    return {"x": x, "pos": pos, "edge_index": edge_index, "Wq": Wq, "bq": bq, "Wk": Wk, "bk": bk, "Wv": Wv, "bv": bv, "W1": W1, "b1": b1, "gamma": gamma, "beta": beta}

def reference(x, pos, edge_index, Wq, bq, Wk, bk, Wv, bv, W1, b1, gamma, beta):
    src = edge_index[0]
    dst = edge_index[1]
    x_i = x
    x_j = jnp.take(x, dst, axis=0)
    pos_i = pos
    pos_j = jnp.take(pos, dst, axis=0)
    # message geometry part
    relative_pos = pos_j[:, :3] - pos_i[:, :3]
    per_edge = jnp.max(jnp.abs(relative_pos), axis=1, keepdims=True)  # [E,1]
    seg_max = jax.ops.segment_max(per_edge, src, num_segments=pos.shape[0])  # scatter_max
    max_distances = jnp.take(seg_max, src, axis=0)
    max_distances = jnp.maximum(max_distances, 1e-08)
    msg_xyz = relative_pos / max_distances
    all_zero = jnp.all(pos_j[:, 3] == 0)
    col3 = jnp.where(all_zero, jnp.zeros_like(pos_j[:, 3]), pos_j[:, 3])
    msg = jnp.concatenate([msg_xyz, col3[:, None]], axis=1)  # [E,4]
    # attention layer
    query = x_i @ Wq + bq
    key_ = x_j @ Wk + bk
    value = x_j @ Wv + bv
    attention_scores = jnp.sum(query * key_, axis=1, keepdims=True)  # [E,1]
    attention_weights = jax.nn.softmax(attention_scores, axis=1)
    attended_values = attention_weights * value
    msg = jnp.concatenate([attended_values, msg], axis=1)  # [E, C_OUT+4]
    # local_nn: Linear -> ReLU -> BatchNorm1d (training-mode batch stats)
    h = msg @ W1 + b1
    h = jax.nn.relu(h)
    mean = jnp.mean(h, axis=0)
    var = jnp.var(h, axis=0)
    h = (h - mean) / jnp.sqrt(var + 1e-05) * gamma + beta
    return h

if __name__ == "__main__":
    import jax
    _d = setup_inputs()
    print(jax.jit(kernel)(*tuple(_d.values())))

</pallas_src>

<mosaic_0001>
#map = affine_map<(d0, d1) -> (0)>
#map1 = affine_map<(d0, d1) -> (0, 0)>
module attributes {stable_mosaic.version = 14 : i64} {
  func.func @k(%arg0: i32, %arg1: i32, %arg2: memref<53248xf32, #tpu.memory_space<hbm>>, %arg3: memref<53248xi32, #tpu.memory_space<hbm>>, %arg4: memref<53248xi32, #tpu.memory_space<hbm>>, %arg5: memref<4x53248xf32, #tpu.memory_space<hbm>>, %arg6: memref<50000x128xf32, #tpu.memory_space<hbm>>, %arg7: memref<4x53248xf32, #tpu.memory_space<hbm>>, %arg8: memref<53248x128xf32, #tpu.memory_space<hbm>>, %arg9: memref<1664xi32, #tpu.memory_space<vmem>>, %arg10: memref<1664xi32, #tpu.memory_space<vmem>>, %arg11: memref<1664xf32, #tpu.memory_space<vmem>>, %arg12: memref<4x1664xf32, #tpu.memory_space<vmem>>, %arg13: memref<4x1664xf32, #tpu.memory_space<vmem>>, %arg14: memref<104x128xf32, #tpu.memory_space<vmem>>, %arg15: memref<104x128xf32, #tpu.memory_space<vmem>>, %arg16: memref<104x128xf32, #tpu.memory_space<vmem>>, %arg17: memref<104x128xf32, #tpu.memory_space<vmem>>, %arg18: memref<104x128xf32, #tpu.memory_space<vmem>>, %arg19: memref<104x128xf32, #tpu.memory_space<vmem>>, %arg20: memref<104x128xf32, #tpu.memory_space<vmem>>, %arg21: memref<!tpu.dma_semaphore, #tpu.memory_space<semaphore_mem>>, %arg22: memref<!tpu.dma_semaphore, #tpu.memory_space<semaphore_mem>>, %arg23: memref<!tpu.dma_semaphore, #tpu.memory_space<semaphore_mem>>) attributes {dimension_semantics = [#tpu.dimension_semantics<core_parallel>, #tpu.dimension_semantics<subcore_parallel>], iteration_bounds = array<i64: 2, 16>, scalar_prefetch = 0 : i64, scratch_operands = 15 : i64, tpu.core_type = #tpu.core_type<sc_vector_subcore>, window_params = [{transform_indices = #map}, {transform_indices = #map}, {transform_indices = #map}, {transform_indices = #map1}, {transform_indices = #map1}, {transform_indices = #map1}, {transform_indices = #map1}]} {
    %mul3A = arith.constant 2 : i32
    %mul3A_0 = arith.muli %arg1, %mul3A : i32
    %add3A = arith.addi %mul3A_0, %arg0 : i32
    %mul3A_1 = arith.constant 1664 : i32
    %mul3A_2 = arith.muli %add3A, %mul3A_1 : i32
    "tpu.region"() ({
      %run_scoped3A = tpu.sem_alloc : memref<!tpu.dma_semaphore, #tpu.memory_space<semaphore_mem>>
      %dma_start3A_518 = tpu.memref_slice %arg4[%mul3A_2] : memref<53248xi32, #tpu.memory_space<hbm>> -> memref<1664xi32, #tpu.memory_space<hbm>>
      %dma_start3A_519 = tpu.memref_slice %arg4[%mul3A_2] : memref<53248xi32, #tpu.memory_space<hbm>> -> memref<1664xi32, #tpu.memory_space<hbm>>
      tpu.enqueue_dma source(%dma_start3A_519 : memref<1664xi32, #tpu.memory_space<hbm>>) target(%arg10 : memref<1664xi32, #tpu.memory_space<vmem>>) target_semaphore(%run_scoped3A : memref<!tpu.dma_semaphore, #tpu.memory_space<semaphore_mem>>)
      %dma_wait3A_520 = tpu.memref_slice %arg4[%mul3A_2] : memref<53248xi32, #tpu.memory_space<hbm>> -> memref<1664xi32, #tpu.memory_space<hbm>>
      %dma_wait3A_521 = tpu.memref_slice %arg4[%mul3A_2] : memref<53248xi32, #tpu.memory_space<hbm>> -> memref<1664xi32, #tpu.memory_space<hbm>>
      tpu.wait_dma2 semaphore(%run_scoped3A : memref<!tpu.dma_semaphore, #tpu.memory_space<semaphore_mem>>) src(%dma_wait3A_521 : memref<1664xi32, #tpu.memory_space<hbm>>) dst(%arg10 : memref<1664xi32, #tpu.memory_space<vmem>>)
      tpu.yield
    }) : () -> ()
    %dma_start3A = arith.constant 0 : i32
    %dma_start3A_3 = tpu.memref_slice %arg10[%dma_start3A] : memref<1664xi32, #tpu.memory_space<vmem>> -> memref<104xi32, #tpu.memory_space<vmem>>
    %dma_start3A_4 = arith.constant 0 : i32
    %dma_start3A_5 = arith.constant 0 : i32
    %dma_start3A_6 = tpu.memref_slice %arg6[%dma_start3A_4, %dma_start3A_5] : memref<50000x128xf32, #tpu.memory_space<hbm>> -> memref<50000x128xf32, #tpu.memory_space<hbm>>
    tpu.enqueue_indirect_dma source(%dma_start3A_6 : memref<50000x128xf32, #tpu.memory_space<hbm>>) target(%arg14 : memref<104x128xf32, #tpu.memory_space<vmem>>) offsets(%dma_start3A_3 : memref<104xi32, #tpu.memory_space<vmem>>) semaphore(%arg21 : memref<!tpu.dma_semaphore, #tpu.memory_space<semaphore_mem>>)
    %dma_start3A_7 = arith.constant 104 : i32
    %dma_start3A_8 = tpu.memref_slice %arg10[%dma_start3A_7] : memref<1664xi32, #tpu.memory_space<vmem>> -> memref<104xi32, #tpu.memory_space<vmem>>
    %dma_start3A_9 = arith.constant 0 : i32
    %dma_start3A_10 = arith.constant 0 : i32
    %dma_start3A_11 = tpu.memref_slice %arg6[%dma_start3A_9, %dma_start3A_10] : memref<50000x128xf32, #tpu.memory_space<hbm>> -> memref<50000x128xf32, #tpu.memory_space<hbm>>
    tpu.enqueue_indirect_dma source(%dma_start3A_11 : memref<50000x128xf32, #tpu.memory_space<hbm>>) target(%arg15 : memref<104x128xf32, #tpu.memory_space<vmem>>) offsets(%dma_start3A_8 : memref<104xi32, #tpu.memory_space<vmem>>) semaphore(%arg21 : memref<!tpu.dma_semaphore, #tpu.memory_space<semaphore_mem>>)
    %dma_start3A_12 = arith.constant 208 : i32
    %dma_start3A_13 = tpu.memref_slice %arg10[%dma_start3A_12] : memref<1664xi32, #tpu.memory_space<vmem>> -> memref<104xi32, #tpu.memory_space<vmem>>
    %dma_start3A_14 = arith.constant 0 : i32
    %dma_start3A_15 = arith.constant 0 : i32
    %dma_start3A_16 = tpu.memref_slice %arg6[%dma_start3A_14, %dma_start3A_15] : memref<50000x128xf32, #tpu.memory_space<hbm>> -> memref<50000x128xf32, #tpu.memory_space<hbm>>
    tpu.enqueue_indirect_dma source(%dma_start3A_16 : memref<50000x128xf32, #tpu.memory_space<hbm>>) target(%arg16 : memref<104x128xf32, #tpu.memory_space<vmem>>) offsets(%dma_start3A_13 : memref<104xi32, #tpu.memory_space<vmem>>) semaphore(%arg21 : memref<!tpu.dma_semaphore, #tpu.memory_space<semaphore_mem>>)
    %dma_start3A_17 = arith.constant 312 : i32
    %dma_start3A_18 = tpu.memref_slice %arg10[%dma_start3A_17] : memref<1664xi32, #tpu.memory_space<vmem>> -> memref<104xi32, #tpu.memory_space<vmem>>
    %dma_start3A_19 = arith.constant 0 : i32
    %dma_start3A_20 = arith.constant 0 : i32
    %dma_start3A_21 = tpu.memref_slice %arg6[%dma_start3A_19, %dma_start3A_20] : memref<50000x128xf32, #tpu.memory_space<hbm>> -> memref<50000x128xf32, #tpu.memory_space<hbm>>
    tpu.enqueue_indirect_dma source(%dma_start3A_21 : memref<50000x128xf32, #tpu.memory_space<hbm>>) target(%arg17 : memref<104x128xf32, #tpu.memory_space<vmem>>) offsets(%dma_start3A_18 : memref<104xi32, #tpu.memory_space<vmem>>) semaphore(%arg21 : memref<!tpu.dma_semaphore, #tpu.memory_space<semaphore_mem>>)
    %dma_start3A_22 = arith.constant 416 : i32
    %dma_start3A_23 = tpu.memref_slice %arg10[%dma_start3A_22] : memref<1664xi32, #tpu.memory_space<vmem>> -> memref<104xi32, #tpu.memory_space<vmem>>
    %dma_start3A_24 = arith.constant 0 : i32
    %dma_start3A_25 = arith.constant 0 : i32
    %dma_start3A_26 = tpu.memref_slice %arg6[%dma_start3A_24, %dma_start3A_25] : memref<50000x128xf32, #tpu.memory_space<hbm>> -> memref<50000x128xf32, #tpu.memory_space<hbm>>
    tpu.enqueue_indirect_dma source(%dma_start3A_26 : memref<50000x128xf32, #tpu.memory_space<hbm>>) target(%arg18 : memref<104x128xf32, #tpu.memory_space<vmem>>) offsets(%dma_start3A_23 : memref<104xi32, #tpu.memory_space<vmem>>) semaphore(%arg21 : memref<!tpu.dma_semaphore, #tpu.memory_space<semaphore_mem>>)
    %dma_start3A_27 = arith.constant 520 : i32
    %dma_start3A_28 = tpu.memref_slice %arg10[%dma_start3A_27] : memref<1664xi32, #tpu.memory_space<vmem>> -> memref<104xi32, #tpu.memory_space<vmem>>
    %dma_start3A_29 = arith.constant 0 : i32
    %dma_start3A_30 = arith.constant 0 : i32
    %dma_start3A_31 = tpu.memref_slice %arg6[%dma_start3A_29, %dma_start3A_30] : memref<50000x128xf32, #tpu.memory_space<hbm>> -> memref<50000x128xf32, #tpu.memory_space<hbm>>
    tpu.enqueue_indirect_dma source(%dma_start3A_31 : memref<50000x128xf32, #tpu.memory_space<hbm>>) target(%arg19 : memref<104x128xf32, #tpu.memory_space<vmem>>) offsets(%dma_start3A_28 : memref<104xi32, #tpu.memory_space<vmem>>) semaphore(%arg21 : memref<!tpu.dma_semaphore, #tpu.memory_space<semaphore_mem>>)
    %dma_start3A_32 = arith.constant 624 : i32
    %dma_start3A_33 = tpu.memref_slice %arg10[%dma_start3A_32] : memref<1664xi32, #tpu.memory_space<vmem>> -> memref<104xi32, #tpu.memory_space<vmem>>
    %dma_start3A_34 = arith.constant 0 : i32
    %dma_start3A_35 = arith.constant 0 : i32
    %dma_start3A_36 = tpu.memref_slice %arg6[%dma_start3A_34, %dma_start3A_35] : memref<50000x128xf32, #tpu.memory_space<hbm>> -> memref<50000x128xf32, #tpu.memory_space<hbm>>
    tpu.enqueue_indirect_dma source(%dma_start3A_36 : memref<50000x128xf32, #tpu.memory_space<hbm>>) target(%arg20 : memref<104x128xf32, #tpu.memory_space<vmem>>) offsets(%dma_start3A_33 : memref<104xi32, #tpu.memory_space<vmem>>) semaphore(%arg21 : memref<!tpu.dma_semaphore, #tpu.memory_space<semaphore_mem>>)
    "tpu.region"() ({
      %run_scoped3A = tpu.sem_alloc : memref<!tpu.dma_semaphore, #tpu.memory_space<semaphore_mem>>
      %dma_start3A_518 = tpu.memref_slice %arg3[%mul3A_2] : memref<53248xi32, #tpu.memory_space<hbm>> -> memref<1664xi32, #tpu.memory_space<hbm>>
      %dma_start3A_519 = tpu.memref_slice %arg3[%mul3A_2] : memref<53248xi32, #tpu.memory_space<hbm>> -> memref<1664xi32, #tpu.memory_space<hbm>>
      tpu.enqueue_dma source(%dma_start3A_519 : memref<1664xi32, #tpu.memory_space<hbm>>) target(%arg9 : memref<1664xi32, #tpu.memory_space<vmem>>) target_semaphore(%run_scoped3A : memref<!tpu.dma_semaphore, #tpu.memory_space<semaphore_mem>>)
      %dma_wait3A_520 = tpu.memref_slice %arg3[%mul3A_2] : memref<53248xi32, #tpu.memory_space<hbm>> -> memref<1664xi32, #tpu.memory_space<hbm>>
      %dma_wait3A_521 = tpu.memref_slice %arg3[%mul3A_2] : memref<53248xi32, #tpu.memory_space<hbm>> -> memref<1664xi32, #tpu.memory_space<hbm>>
      tpu.wait_dma2 semaphore(%run_scoped3A : memref<!tpu.dma_semaphore, #tpu.memory_space<semaphore_mem>>) src(%dma_wait3A_521 : memref<1664xi32, #tpu.memory_space<hbm>>) dst(%arg9 : memref<1664xi32, #tpu.memory_space<vmem>>)
      tpu.yield
    }) : () -> ()
    %dma_start3A_37 = arith.constant 0 : i32
    %dma_start3A_38 = tpu.memref_slice %arg11[%dma_start3A_37] : memref<1664xf32, #tpu.memory_space<vmem>> -> memref<104xf32, #tpu.memory_space<vmem>>
    %dma_start3A_39 = arith.constant 0 : i32
    %dma_start3A_40 = tpu.memref_slice %arg9[%dma_start3A_39] : memref<1664xi32, #tpu.memory_space<vmem>> -> memref<104xi32, #tpu.memory_space<vmem>>
    %dma_start3A_41 = arith.constant 0 : i32
    %dma_start3A_42 = tpu.memref_slice %arg2[%dma_start3A_41] : memref<53248xf32, #tpu.memory_space<hbm>> -> memref<53248xf32, #tpu.memory_space<hbm>>
    tpu.enqueue_indirect_dma source(%dma_start3A_42 : memref<53248xf32, #tpu.memory_space<hbm>>) target(%dma_start3A_38 : memref<104xf32, #tpu.memory_space<vmem>>) offsets(%dma_start3A_40 : memref<104xi32, #tpu.memory_space<vmem>>) semaphore(%arg23 : memref<!tpu.dma_semaphore, #tpu.memory_space<semaphore_mem>>)
    %dma_start3A_43 = arith.constant 104 : i32
    %dma_start3A_44 = tpu.memref_slice %arg11[%dma_start3A_43] : memref<1664xf32, #tpu.memory_space<vmem>> -> memref<104xf32, #tpu.memory_space<vmem>>
    %dma_start3A_45 = arith.constant 104 : i32
    %dma_start3A_46 = tpu.memref_slice %arg9[%dma_start3A_45] : memref<1664xi32, #tpu.memory_space<vmem>> -> memref<104xi32, #tpu.memory_space<vmem>>
    %dma_start3A_47 = arith.constant 0 : i32
    %dma_start3A_48 = tpu.memref_slice %arg2[%dma_start3A_47] : memref<53248xf32, #tpu.memory_space<hbm>> -> memref<53248xf32, #tpu.memory_space<hbm>>
    tpu.enqueue_indirect_dma source(%dma_start3A_48 : memref<53248xf32, #tpu.memory_space<hbm>>) target(%dma_start3A_44 : memref<104xf32, #tpu.memory_space<vmem>>) offsets(%dma_start3A_46 : memref<104xi32, #tpu.memory_space<vmem>>) semaphore(%arg23 : memref<!tpu.dma_semaphore, #tpu.memory_space<semaphore_mem>>)
    %dma_start3A_49 = arith.constant 208 : i32
    %dma_start3A_50 = tpu.memref_slice %arg11[%dma_start3A_49] : memref<1664xf32, #tpu.memory_space<vmem>> -> memref<104xf32, #tpu.memory_space<vmem>>
    %dma_start3A_51 = arith.constant 208 : i32
    %dma_start3A_52 = tpu.memref_slice %arg9[%dma_start3A_51] : memref<1664xi32, #tpu.memory_space<vmem>> -> memref<104xi32, #tpu.memory_space<vmem>>
    %dma_start3A_53 = arith.constant 0 : i32
    %dma_start3A_54 = tpu.memref_slice %arg2[%dma_start3A_53] : memref<53248xf32, #tpu.memory_space<hbm>> -> memref<53248xf32, #tpu.memory_space<hbm>>
    tpu.enqueue_indirect_dma source(%dma_start3A_54 : memref<53248xf32, #tpu.memory_space<hbm>>) target(%dma_start3A_50 : memref<104xf32, #tpu.memory_space<vmem>>) offsets(%dma_start3A_52 : memref<104xi32, #tpu.memory_space<vmem>>) semaphore(%arg23 : memref<!tpu.dma_semaphore, #tpu.memory_space<semaphore_mem>>)
    %dma_start3A_55 = arith.constant 312 : i32
    %dma_start3A_56 = tpu.memref_slice %arg11[%dma_start3A_55] : memref<1664xf32, #tpu.memory_space<vmem>> -> memref<104xf32, #tpu.memory_space<vmem>>
    %dma_start3A_57 = arith.constant 312 : i32
    %dma_start3A_58 = tpu.memref_slice %arg9[%dma_start3A_57] : memref<1664xi32, #tpu.memory_space<vmem>> -> memref<104xi32, #tpu.memory_space<vmem>>
    %dma_start3A_59 = arith.constant 0 : i32
    %dma_start3A_60 = tpu.memref_slice %arg2[%dma_start3A_59] : memref<53248xf32, #tpu.memory_space<hbm>> -> memref<53248xf32, #tpu.memory_space<hbm>>
    tpu.enqueue_indirect_dma source(%dma_start3A_60 : memref<53248xf32, #tpu.memory_space<hbm>>) target(%dma_start3A_56 : memref<104xf32, #tpu.memory_space<vmem>>) offsets(%dma_start3A_58 : memref<104xi32, #tpu.memory_space<vmem>>) semaphore(%arg23 : memref<!tpu.dma_semaphore, #tpu.memory_space<semaphore_mem>>)
    %dma_start3A_61 = arith.constant 416 : i32
    %dma_start3A_62 = tpu.memref_slice %arg11[%dma_start3A_61] : memref<1664xf32, #tpu.memory_space<vmem>> -> memref<104xf32, #tpu.memory_space<vmem>>
    %dma_start3A_63 = arith.constant 416 : i32
    %dma_start3A_64 = tpu.memref_slice %arg9[%dma_start3A_63] : memref<1664xi32, #tpu.memory_space<vmem>> -> memref<104xi32, #tpu.memory_space<vmem>>
    %dma_start3A_65 = arith.constant 0 : i32
    %dma_start3A_66 = tpu.memref_slice %arg2[%dma_start3A_65] : memref<53248xf32, #tpu.memory_space<hbm>> -> memref<53248xf32, #tpu.memory_space<hbm>>
    tpu.enqueue_indirect_dma source(%dma_start3A_66 : memref<53248xf32, #tpu.memory_space<hbm>>) target(%dma_start3A_62 : memref<104xf32, #tpu.memory_space<vmem>>) offsets(%dma_start3A_64 : memref<104xi32, #tpu.memory_space<vmem>>) semaphore(%arg23 : memref<!tpu.dma_semaphore, #tpu.memory_space<semaphore_mem>>)
    %dma_start3A_67 = arith.constant 520 : i32
    %dma_start3A_68 = tpu.memref_slice %arg11[%dma_start3A_67] : memref<1664xf32, #tpu.memory_space<vmem>> -> memref<104xf32, #tpu.memory_space<vmem>>
    %dma_start3A_69 = arith.constant 520 : i32
    %dma_start3A_70 = tpu.memref_slice %arg9[%dma_start3A_69] : memref<1664xi32, #tpu.memory_space<vmem>> -> memref<104xi32, #tpu.memory_space<vmem>>
    %dma_start3A_71 = arith.constant 0 : i32
    %dma_start3A_72 = tpu.memref_slice %arg2[%dma_start3A_71] : memref<53248xf32, #tpu.memory_space<hbm>> -> memref<53248xf32, #tpu.memory_space<hbm>>
    tpu.enqueue_indirect_dma source(%dma_start3A_72 : memref<53248xf32, #tpu.memory_space<hbm>>) target(%dma_start3A_68 : memref<104xf32, #tpu.memory_space<vmem>>) offsets(%dma_start3A_70 : memref<104xi32, #tpu.memory_space<vmem>>) semaphore(%arg23 : memref<!tpu.dma_semaphore, #tpu.memory_space<semaphore_mem>>)
    %dma_start3A_73 = arith.constant 624 : i32
    %dma_start3A_74 = tpu.memref_slice %arg11[%dma_start3A_73] : memref<1664xf32, #tpu.memory_space<vmem>> -> memref<104xf32, #tpu.memory_space<vmem>>
    %dma_start3A_75 = arith.constant 624 : i32
    %dma_start3A_76 = tpu.memref_slice %arg9[%dma_start3A_75] : memref<1664xi32, #tpu.memory_space<vmem>> -> memref<104xi32, #tpu.memory_space<vmem>>
    %dma_start3A_77 = arith.constant 0 : i32
    %dma_start3A_78 = tpu.memref_slice %arg2[%dma_start3A_77] : memref<53248xf32, #tpu.memory_space<hbm>> -> memref<53248xf32, #tpu.memory_space<hbm>>
    tpu.enqueue_indirect_dma source(%dma_start3A_78 : memref<53248xf32, #tpu.memory_space<hbm>>) target(%dma_start3A_74 : memref<104xf32, #tpu.memory_space<vmem>>) offsets(%dma_start3A_76 : memref<104xi32, #tpu.memory_space<vmem>>) semaphore(%arg23 : memref<!tpu.dma_semaphore, #tpu.memory_space<semaphore_mem>>)
    %dma_start3A_79 = arith.constant 728 : i32
    %dma_start3A_80 = tpu.memref_slice %arg11[%dma_start3A_79] : memref<1664xf32, #tpu.memory_space<vmem>> -> memref<104xf32, #tpu.memory_space<vmem>>
    %dma_start3A_81 = arith.constant 728 : i32
    %dma_start3A_82 = tpu.memref_slice %arg9[%dma_start3A_81] : memref<1664xi32, #tpu.memory_space<vmem>> -> memref<104xi32, #tpu.memory_space<vmem>>
    %dma_start3A_83 = arith.constant 0 : i32
    %dma_start3A_84 = tpu.memref_slice %arg2[%dma_start3A_83] : memref<53248xf32, #tpu.memory_space<hbm>> -> memref<53248xf32, #tpu.memory_space<hbm>>
    tpu.enqueue_indirect_dma source(%dma_start3A_84 : memref<53248xf32, #tpu.memory_space<hbm>>) target(%dma_start3A_80 : memref<104xf32, #tpu.memory_space<vmem>>) offsets(%dma_start3A_82 : memref<104xi32, #tpu.memory_space<vmem>>) semaphore(%arg23 : memref<!tpu.dma_semaphore, #tpu.memory_space<semaphore_mem>>)
    %dma_start3A_85 = arith.constant 832 : i32
    %dma_start3A_86 = tpu.memref_slice %arg11[%dma_start3A_85] : memref<1664xf32, #tpu.memory_space<vmem>> -> memref<104xf32, #tpu.memory_space<vmem>>
    %dma_start3A_87 = arith.constant 832 : i32
    %dma_start3A_88 = tpu.memref_slice %arg9[%dma_start3A_87] : memref<1664xi32, #tpu.memory_space<vmem>> -> memref<104xi32, #tpu.memory_space<vmem>>
    %dma_start3A_89 = arith.constant 0 : i32
    %dma_start3A_90 = tpu.memref_slice %arg2[%dma_start3A_89] : memref<53248xf32, #tpu.memory_space<hbm>> -> memref<53248xf32, #tpu.memory_space<hbm>>
    tpu.enqueue_indirect_dma source(%dma_start3A_90 : memref<53248xf32, #tpu.memory_space<hbm>>) target(%dma_start3A_86 : memref<104xf32, #tpu.memory_space<vmem>>) offsets(%dma_start3A_88 : memref<104xi32, #tpu.memory_space<vmem>>) semaphore(%arg23 : memref<!tpu.dma_semaphore, #tpu.memory_space<semaphore_mem>>)
    %dma_start3A_91 = arith.constant 936 : i32
    %dma_start3A_92 = tpu.memref_slice %arg11[%dma_start3A_91] : memref<1664xf32, #tpu.memory_space<vmem>> -> memref<104xf32, #tpu.memory_space<vmem>>
    %dma_start3A_93 = arith.constant 936 : i32
    %dma_start3A_94 = tpu.memref_slice %arg9[%dma_start3A_93] : memref<1664xi32, #tpu.memory_space<vmem>> -> memref<104xi32, #tpu.memory_space<vmem>>
    %dma_start3A_95 = arith.constant 0 : i32
    %dma_start3A_96 = tpu.memref_slice %arg2[%dma_start3A_95] : memref<53248xf32, #tpu.memory_space<hbm>> -> memref<53248xf32, #tpu.memory_space<hbm>>
    tpu.enqueue_indirect_dma source(%dma_start3A_96 : memref<53248xf32, #tpu.memory_space<hbm>>) target(%dma_start3A_92 : memref<104xf32, #tpu.memory_space<vmem>>) offsets(%dma_start3A_94 : memref<104xi32, #tpu.memory_space<vmem>>) semaphore(%arg23 : memref<!tpu.dma_semaphore, #tpu.memory_space<semaphore_mem>>)
    %dma_start3A_97 = arith.constant 1040 : i32
    %dma_start3A_98 = tpu.memref_slice %arg11[%dma_start3A_97] : memref<1664xf32, #tpu.memory_space<vmem>> -> memref<104xf32, #tpu.memory_space<vmem>>
    %dma_start3A_99 = arith.constant 1040 : i32
    %dma_start3A_100 = tpu.memref_slice %arg9[%dma_start3A_99] : memref<1664xi32, #tpu.memory_space<vmem>> -> memref<104xi32, #tpu.memory_space<vmem>>
    %dma_start3A_101 = arith.constant 0 : i32
    %dma_start3A_102 = tpu.memref_slice %arg2[%dma_start3A_101] : memref<53248xf32, #tpu.memory_space<hbm>> -> memref<53248xf32, #tpu.memory_space<hbm>>
    tpu.enqueue_indirect_dma source(%dma_start3A_102 : memref<53248xf32, #tpu.memory_space<hbm>>) target(%dma_start3A_98 : memref<104xf32, #tpu.memory_space<vmem>>) offsets(%dma_start3A_100 : memref<104xi32, #tpu.memory_space<vmem>>) semaphore(%arg23 : memref<!tpu.dma_semaphore, #tpu.memory_space<semaphore_mem>>)
    %dma_start3A_103 = arith.constant 1144 : i32
    %dma_start3A_104 = tpu.memref_slice %arg11[%dma_start3A_103] : memref<1664xf32, #tpu.memory_space<vmem>> -> memref<104xf32, #tpu.memory_space<vmem>>
    %dma_start3A_105 = arith.constant 1144 : i32
    %dma_start3A_106 = tpu.memref_slice %arg9[%dma_start3A_105] : memref<1664xi32, #tpu.memory_space<vmem>> -> memref<104xi32, #tpu.memory_space<vmem>>
    %dma_start3A_107 = arith.constant 0 : i32
    %dma_start3A_108 = tpu.memref_slice %arg2[%dma_start3A_107] : memref<53248xf32, #tpu.memory_space<hbm>> -> memref<53248xf32, #tpu.memory_space<hbm>>
    tpu.enqueue_indirect_dma source(%dma_start3A_108 : memref<53248xf32, #tpu.memory_space<hbm>>) target(%dma_start3A_104 : memref<104xf32, #tpu.memory_space<vmem>>) offsets(%dma_start3A_106 : memref<104xi32, #tpu.memory_space<vmem>>) semaphore(%arg23 : memref<!tpu.dma_semaphore, #tpu.memory_space<semaphore_mem>>)
    %dma_start3A_109 = arith.constant 1248 : i32
    %dma_start3A_110 = tpu.memref_slice %arg11[%dma_start3A_109] : memref<1664xf32, #tpu.memory_space<vmem>> -> memref<104xf32, #tpu.memory_space<vmem>>
    %dma_start3A_111 = arith.constant 1248 : i32
    %dma_start3A_112 = tpu.memref_slice %arg9[%dma_start3A_111] : memref<1664xi32, #tpu.memory_space<vmem>> -> memref<104xi32, #tpu.memory_space<vmem>>
    %dma_start3A_113 = arith.constant 0 : i32
    %dma_start3A_114 = tpu.memref_slice %arg2[%dma_start3A_113] : memref<53248xf32, #tpu.memory_space<hbm>> -> memref<53248xf32, #tpu.memory_space<hbm>>
    tpu.enqueue_indirect_dma source(%dma_start3A_114 : memref<53248xf32, #tpu.memory_space<hbm>>) target(%dma_start3A_110 : memref<104xf32, #tpu.memory_space<vmem>>) offsets(%dma_start3A_112 : memref<104xi32, #tpu.memory_space<vmem>>) semaphore(%arg23 : memref<!tpu.dma_semaphore, #tpu.memory_space<semaphore_mem>>)
    %dma_start3A_115 = arith.constant 1352 : i32
    %dma_start3A_116 = tpu.memref_slice %arg11[%dma_start3A_115] : memref<1664xf32, #tpu.memory_space<vmem>> -> memref<104xf32, #tpu.memory_space<vmem>>
    %dma_start3A_117 = arith.constant 1352 : i32
    %dma_start3A_118 = tpu.memref_slice %arg9[%dma_start3A_117] : memref<1664xi32, #tpu.memory_space<vmem>> -> memref<104xi32, #tpu.memory_space<vmem>>
    %dma_start3A_119 = arith.constant 0 : i32
    %dma_start3A_120 = tpu.memref_slice %arg2[%dma_start3A_119] : memref<53248xf32, #tpu.memory_space<hbm>> -> memref<53248xf32, #tpu.memory_space<hbm>>
    tpu.enqueue_indirect_dma source(%dma_start3A_120 : memref<53248xf32, #tpu.memory_space<hbm>>) target(%dma_start3A_116 : memref<104xf32, #tpu.memory_space<vmem>>) offsets(%dma_start3A_118 : memref<104xi32, #tpu.memory_space<vmem>>) semaphore(%arg23 : memref<!tpu.dma_semaphore, #tpu.memory_space<semaphore_mem>>)
    %dma_start3A_121 = arith.constant 1456 : i32
    %dma_start3A_122 = tpu.memref_slice %arg11[%dma_start3A_121] : memref<1664xf32, #tpu.memory_space<vmem>> -> memref<104xf32, #tpu.memory_space<vmem>>
    %dma_start3A_123 = arith.constant 1456 : i32
    %dma_start3A_124 = tpu.memref_slice %arg9[%dma_start3A_123] : memref<1664xi32, #tpu.memory_space<vmem>> -> memref<104xi32, #tpu.memory_space<vmem>>
    %dma_start3A_125 = arith.constant 0 : i32
    %dma_start3A_126 = tpu.memref_slice %arg2[%dma_start3A_125] : memref<53248xf32, #tpu.memory_space<hbm>> -> memref<53248xf32, #tpu.memory_space<hbm>>
    tpu.enqueue_indirect_dma source(%dma_start3A_126 : memref<53248xf32, #tpu.memory_space<hbm>>) target(%dma_start3A_122 : memref<104xf32, #tpu.memory_space<vmem>>) offsets(%dma_start3A_124 : memref<104xi32, #tpu.memory_space<vmem>>) semaphore(%arg23 : memref<!tpu.dma_semaphore, #tpu.memory_space<semaphore_mem>>)
    %dma_start3A_127 = arith.constant 1560 : i32
    %dma_start3A_128 = tpu.memref_slice %arg11[%dma_start3A_127] : memref<1664xf32, #tpu.memory_space<vmem>> -> memref<104xf32, #tpu.memory_space<vmem>>
    %dma_start3A_129 = arith.constant 1560 : i32
    %dma_start3A_130 = tpu.memref_slice %arg9[%dma_start3A_129] : memref<1664xi32, #tpu.memory_space<vmem>> -> memref<104xi32, #tpu.memory_space<vmem>>
    %dma_start3A_131 = arith.constant 0 : i32
    %dma_start3A_132 = tpu.memref_slice %arg2[%dma_start3A_131] : memref<53248xf32, #tpu.memory_space<hbm>> -> memref<53248xf32, #tpu.memory_space<hbm>>
    tpu.enqueue_indirect_dma source(%dma_start3A_132 : memref<53248xf32, #tpu.memory_space<hbm>>) target(%dma_start3A_128 : memref<104xf32, #tpu.memory_space<vmem>>) offsets(%dma_start3A_130 : memref<104xi32, #tpu.memory_space<vmem>>) semaphore(%arg23 : memref<!tpu.dma_semaphore, #tpu.memory_space<semaphore_mem>>)
    "tpu.region"() ({
      %run_scoped3A = tpu.sem_alloc : memref<!tpu.dma_semaphore, #tpu.memory_space<semaphore_mem>>
      %dma_start3A_518 = arith.constant 0 : i32
      %dma_start3A_519 = tpu.memref_slice %arg5[%dma_start3A_518, %mul3A_2] : memref<4x53248xf32, #tpu.memory_space<hbm>> -> memref<4x1664xf32, #tpu.memory_space<hbm>>
      %dma_start3A_520 = arith.constant 0 : i32
      %dma_start3A_521 = tpu.memref_slice %arg5[%dma_start3A_520, %mul3A_2] : memref<4x53248xf32, #tpu.memory_space<hbm>> -> memref<4x1664xf32, #tpu.memory_space<hbm>>
      tpu.enqueue_dma source(%dma_start3A_521 : memref<4x1664xf32, #tpu.memory_space<hbm>>) target(%arg12 : memref<4x1664xf32, #tpu.memory_space<vmem>>) target_semaphore(%run_scoped3A : memref<!tpu.dma_semaphore, #tpu.memory_space<semaphore_mem>>)
      %dma_wait3A_522 = arith.constant 0 : i32
      %dma_wait3A_523 = tpu.memref_slice %arg5[%dma_wait3A_522, %mul3A_2] : memref<4x53248xf32, #tpu.memory_space<hbm>> -> memref<4x1664xf32, #tpu.memory_space<hbm>>
      %dma_wait3A_524 = arith.constant 0 : i32
      %dma_wait3A_525 = tpu.memref_slice %arg5[%dma_wait3A_524, %mul3A_2] : memref<4x53248xf32, #tpu.memory_space<hbm>> -> memref<4x1664xf32, #tpu.memory_space<hbm>>
      tpu.wait_dma2 semaphore(%run_scoped3A : memref<!tpu.dma_semaphore, #tpu.memory_space<semaphore_mem>>) src(%dma_wait3A_525 : memref<4x1664xf32, #tpu.memory_space<hbm>>) dst(%arg12 : memref<4x1664xf32, #tpu.memory_space<vmem>>)
      tpu.yield
    }) : () -> ()
    %dma_wait3A = arith.constant 0 : i32
    %dma_wait3A_133 = tpu.memref_slice %arg11[%dma_wait3A] : memref<1664xf32, #tpu.memory_space<vmem>> -> memref<104xf32, #tpu.memory_space<vmem>>
    %dma_wait3A_134 = arith.constant 0 : i32
    %dma_wait3A_135 = tpu.memref_slice %arg9[%dma_wait3A_134] : memref<1664xi32, #tpu.memory_space<vmem>> -> memref<104xi32, #tpu.memory_space<vmem>>
    %dma_wait3A_136 = arith.constant 0 : i32
    %dma_wait3A_137 = tpu.memref_slice %arg2[%dma_wait3A_136] : memref<53248xf32, #tpu.memory_space<hbm>> -> memref<53248xf32, #tpu.memory_space<hbm>>
    tpu.wait_indirect_dma semaphore(%arg23 : memref<!tpu.dma_semaphore, #tpu.memory_space<semaphore_mem>>) src(%dma_wait3A_137 : memref<53248xf32, #tpu.memory_space<hbm>>) dst(%dma_wait3A_133 : memref<104xf32, #tpu.memory_space<vmem>>)
    %dma_wait3A_138 = arith.constant 104 : i32
    %dma_wait3A_139 = tpu.memref_slice %arg11[%dma_wait3A_138] : memref<1664xf32, #tpu.memory_space<vmem>> -> memref<104xf32, #tpu.memory_space<vmem>>
    %dma_wait3A_140 = arith.constant 104 : i32
    %dma_wait3A_141 = tpu.memref_slice %arg9[%dma_wait3A_140] : memref<1664xi32, #tpu.memory_space<vmem>> -> memref<104xi32, #tpu.memory_space<vmem>>
    %dma_wait3A_142 = arith.constant 0 : i32
    %dma_wait3A_143 = tpu.memref_slice %arg2[%dma_wait3A_142] : memref<53248xf32, #tpu.memory_space<hbm>> -> memref<53248xf32, #tpu.memory_space<hbm>>
    tpu.wait_indirect_dma semaphore(%arg23 : memref<!tpu.dma_semaphore, #tpu.memory_space<semaphore_mem>>) src(%dma_wait3A_143 : memref<53248xf32, #tpu.memory_space<hbm>>) dst(%dma_wait3A_139 : memref<104xf32, #tpu.memory_space<vmem>>)
    %dma_wait3A_144 = arith.constant 208 : i32
    %dma_wait3A_145 = tpu.memref_slice %arg11[%dma_wait3A_144] : memref<1664xf32, #tpu.memory_space<vmem>> -> memref<104xf32, #tpu.memory_space<vmem>>
    %dma_wait3A_146 = arith.constant 208 : i32
    %dma_wait3A_147 = tpu.memref_slice %arg9[%dma_wait3A_146] : memref<1664xi32, #tpu.memory_space<vmem>> -> memref<104xi32, #tpu.memory_space<vmem>>
    %dma_wait3A_148 = arith.constant 0 : i32
    %dma_wait3A_149 = tpu.memref_slice %arg2[%dma_wait3A_148] : memref<53248xf32, #tpu.memory_space<hbm>> -> memref<53248xf32, #tpu.memory_space<hbm>>
    tpu.wait_indirect_dma semaphore(%arg23 : memref<!tpu.dma_semaphore, #tpu.memory_space<semaphore_mem>>) src(%dma_wait3A_149 : memref<53248xf32, #tpu.memory_space<hbm>>) dst(%dma_wait3A_145 : memref<104xf32, #tpu.memory_space<vmem>>)
    %dma_wait3A_150 = arith.constant 312 : i32
    %dma_wait3A_151 = tpu.memref_slice %arg11[%dma_wait3A_150] : memref<1664xf32, #tpu.memory_space<vmem>> -> memref<104xf32, #tpu.memory_space<vmem>>
    %dma_wait3A_152 = arith.constant 312 : i32
    %dma_wait3A_153 = tpu.memref_slice %arg9[%dma_wait3A_152] : memref<1664xi32, #tpu.memory_space<vmem>> -> memref<104xi32, #tpu.memory_space<vmem>>
    %dma_wait3A_154 = arith.constant 0 : i32
    %dma_wait3A_155 = tpu.memref_slice %arg2[%dma_wait3A_154] : memref<53248xf32, #tpu.memory_space<hbm>> -> memref<53248xf32, #tpu.memory_space<hbm>>
    tpu.wait_indirect_dma semaphore(%arg23 : memref<!tpu.dma_semaphore, #tpu.memory_space<semaphore_mem>>) src(%dma_wait3A_155 : memref<53248xf32, #tpu.memory_space<hbm>>) dst(%dma_wait3A_151 : memref<104xf32, #tpu.memory_space<vmem>>)
    %dma_wait3A_156 = arith.constant 416 : i32
    %dma_wait3A_157 = tpu.memref_slice %arg11[%dma_wait3A_156] : memref<1664xf32, #tpu.memory_space<vmem>> -> memref<104xf32, #tpu.memory_space<vmem>>
    %dma_wait3A_158 = arith.constant 416 : i32
    %dma_wait3A_159 = tpu.memref_slice %arg9[%dma_wait3A_158] : memref<1664xi32, #tpu.memory_space<vmem>> -> memref<104xi32, #tpu.memory_space<vmem>>
    %dma_wait3A_160 = arith.constant 0 : i32
    %dma_wait3A_161 = tpu.memref_slice %arg2[%dma_wait3A_160] : memref<53248xf32, #tpu.memory_space<hbm>> -> memref<53248xf32, #tpu.memory_space<hbm>>
    tpu.wait_indirect_dma semaphore(%arg23 : memref<!tpu.dma_semaphore, #tpu.memory_space<semaphore_mem>>) src(%dma_wait3A_161 : memref<53248xf32, #tpu.memory_space<hbm>>) dst(%dma_wait3A_157 : memref<104xf32, #tpu.memory_space<vmem>>)
    %dma_wait3A_162 = arith.constant 520 : i32
    %dma_wait3A_163 = tpu.memref_slice %arg11[%dma_wait3A_162] : memref<1664xf32, #tpu.memory_space<vmem>> -> memref<104xf32, #tpu.memory_space<vmem>>
    %dma_wait3A_164 = arith.constant 520 : i32
    %dma_wait3A_165 = tpu.memref_slice %arg9[%dma_wait3A_164] : memref<1664xi32, #tpu.memory_space<vmem>> -> memref<104xi32, #tpu.memory_space<vmem>>
    %dma_wait3A_166 = arith.constant 0 : i32
    %dma_wait3A_167 = tpu.memref_slice %arg2[%dma_wait3A_166] : memref<53248xf32, #tpu.memory_space<hbm>> -> memref<53248xf32, #tpu.memory_space<hbm>>
    tpu.wait_indirect_dma semaphore(%arg23 : memref<!tpu.dma_semaphore, #tpu.memory_space<semaphore_mem>>) src(%dma_wait3A_167 : memref<53248xf32, #tpu.memory_space<hbm>>) dst(%dma_wait3A_163 : memref<104xf32, #tpu.memory_space<vmem>>)
    %dma_wait3A_168 = arith.constant 624 : i32
    %dma_wait3A_169 = tpu.memref_slice %arg11[%dma_wait3A_168] : memref<1664xf32, #tpu.memory_space<vmem>> -> memref<104xf32, #tpu.memory_space<vmem>>
    %dma_wait3A_170 = arith.constant 624 : i32
    %dma_wait3A_171 = tpu.memref_slice %arg9[%dma_wait3A_170] : memref<1664xi32, #tpu.memory_space<vmem>> -> memref<104xi32, #tpu.memory_space<vmem>>
    %dma_wait3A_172 = arith.constant 0 : i32
    %dma_wait3A_173 = tpu.memref_slice %arg2[%dma_wait3A_172] : memref<53248xf32, #tpu.memory_space<hbm>> -> memref<53248xf32, #tpu.memory_space<hbm>>
    tpu.wait_indirect_dma semaphore(%arg23 : memref<!tpu.dma_semaphore, #tpu.memory_space<semaphore_mem>>) src(%dma_wait3A_173 : memref<53248xf32, #tpu.memory_space<hbm>>) dst(%dma_wait3A_169 : memref<104xf32, #tpu.memory_space<vmem>>)
    %dma_wait3A_174 = arith.constant 728 : i32
    %dma_wait3A_175 = tpu.memref_slice %arg11[%dma_wait3A_174] : memref<1664xf32, #tpu.memory_space<vmem>> -> memref<104xf32, #tpu.memory_space<vmem>>
    %dma_wait3A_176 = arith.constant 728 : i32
    %dma_wait3A_177 = tpu.memref_slice %arg9[%dma_wait3A_176] : memref<1664xi32, #tpu.memory_space<vmem>> -> memref<104xi32, #tpu.memory_space<vmem>>
    %dma_wait3A_178 = arith.constant 0 : i32
    %dma_wait3A_179 = tpu.memref_slice %arg2[%dma_wait3A_178] : memref<53248xf32, #tpu.memory_space<hbm>> -> memref<53248xf32, #tpu.memory_space<hbm>>
    tpu.wait_indirect_dma semaphore(%arg23 : memref<!tpu.dma_semaphore, #tpu.memory_space<semaphore_mem>>) src(%dma_wait3A_179 : memref<53248xf32, #tpu.memory_space<hbm>>) dst(%dma_wait3A_175 : memref<104xf32, #tpu.memory_space<vmem>>)
    %dma_wait3A_180 = arith.constant 832 : i32
    %dma_wait3A_181 = tpu.memref_slice %arg11[%dma_wait3A_180] : memref<1664xf32, #tpu.memory_space<vmem>> -> memref<104xf32, #tpu.memory_space<vmem>>
    %dma_wait3A_182 = arith.constant 832 : i32
    %dma_wait3A_183 = tpu.memref_slice %arg9[%dma_wait3A_182] : memref<1664xi32, #tpu.memory_space<vmem>> -> memref<104xi32, #tpu.memory_space<vmem>>
    %dma_wait3A_184 = arith.constant 0 : i32
    %dma_wait3A_185 = tpu.memref_slice %arg2[%dma_wait3A_184] : memref<53248xf32, #tpu.memory_space<hbm>> -> memref<53248xf32, #tpu.memory_space<hbm>>
    tpu.wait_indirect_dma semaphore(%arg23 : memref<!tpu.dma_semaphore, #tpu.memory_space<semaphore_mem>>) src(%dma_wait3A_185 : memref<53248xf32, #tpu.memory_space<hbm>>) dst(%dma_wait3A_181 : memref<104xf32, #tpu.memory_space<vmem>>)
    %dma_wait3A_186 = arith.constant 936 : i32
    %dma_wait3A_187 = tpu.memref_slice %arg11[%dma_wait3A_186] : memref<1664xf32, #tpu.memory_space<vmem>> -> memref<104xf32, #tpu.memory_space<vmem>>
    %dma_wait3A_188 = arith.constant 936 : i32
    %dma_wait3A_189 = tpu.memref_slice %arg9[%dma_wait3A_188] : memref<1664xi32, #tpu.memory_space<vmem>> -> memref<104xi32, #tpu.memory_space<vmem>>
    %dma_wait3A_190 = arith.constant 0 : i32
    %dma_wait3A_191 = tpu.memref_slice %arg2[%dma_wait3A_190] : memref<53248xf32, #tpu.memory_space<hbm>> -> memref<53248xf32, #tpu.memory_space<hbm>>
    tpu.wait_indirect_dma semaphore(%arg23 : memref<!tpu.dma_semaphore, #tpu.memory_space<semaphore_mem>>) src(%dma_wait3A_191 : memref<53248xf32, #tpu.memory_space<hbm>>) dst(%dma_wait3A_187 : memref<104xf32, #tpu.memory_space<vmem>>)
    %dma_wait3A_192 = arith.constant 1040 : i32
    %dma_wait3A_193 = tpu.memref_slice %arg11[%dma_wait3A_192] : memref<1664xf32, #tpu.memory_space<vmem>> -> memref<104xf32, #tpu.memory_space<vmem>>
    %dma_wait3A_194 = arith.constant 1040 : i32
    %dma_wait3A_195 = tpu.memref_slice %arg9[%dma_wait3A_194] : memref<1664xi32, #tpu.memory_space<vmem>> -> memref<104xi32, #tpu.memory_space<vmem>>
    %dma_wait3A_196 = arith.constant 0 : i32
    %dma_wait3A_197 = tpu.memref_slice %arg2[%dma_wait3A_196] : memref<53248xf32, #tpu.memory_space<hbm>> -> memref<53248xf32, #tpu.memory_space<hbm>>
    tpu.wait_indirect_dma semaphore(%arg23 : memref<!tpu.dma_semaphore, #tpu.memory_space<semaphore_mem>>) src(%dma_wait3A_197 : memref<53248xf32, #tpu.memory_space<hbm>>) dst(%dma_wait3A_193 : memref<104xf32, #tpu.memory_space<vmem>>)
    %dma_wait3A_198 = arith.constant 1144 : i32
    %dma_wait3A_199 = tpu.memref_slice %arg11[%dma_wait3A_198] : memref<1664xf32, #tpu.memory_space<vmem>> -> memref<104xf32, #tpu.memory_space<vmem>>
    %dma_wait3A_200 = arith.constant 1144 : i32
    %dma_wait3A_201 = tpu.memref_slice %arg9[%dma_wait3A_200] : memref<1664xi32, #tpu.memory_space<vmem>> -> memref<104xi32, #tpu.memory_space<vmem>>
    %dma_wait3A_202 = arith.constant 0 : i32
    %dma_wait3A_203 = tpu.memref_slice %arg2[%dma_wait3A_202] : memref<53248xf32, #tpu.memory_space<hbm>> -> memref<53248xf32, #tpu.memory_space<hbm>>
    tpu.wait_indirect_dma semaphore(%arg23 : memref<!tpu.dma_semaphore, #tpu.memory_space<semaphore_mem>>) src(%dma_wait3A_203 : memref<53248xf32, #tpu.memory_space<hbm>>) dst(%dma_wait3A_199 : memref<104xf32, #tpu.memory_space<vmem>>)
    %dma_wait3A_204 = arith.constant 1248 : i32
    %dma_wait3A_205 = tpu.memref_slice %arg11[%dma_wait3A_204] : memref<1664xf32, #tpu.memory_space<vmem>> -> memref<104xf32, #tpu.memory_space<vmem>>
    %dma_wait3A_206 = arith.constant 1248 : i32
    %dma_wait3A_207 = tpu.memref_slice %arg9[%dma_wait3A_206] : memref<1664xi32, #tpu.memory_space<vmem>> -> memref<104xi32, #tpu.memory_space<vmem>>
    %dma_wait3A_208 = arith.constant 0 : i32
    %dma_wait3A_209 = tpu.memref_slice %arg2[%dma_wait3A_208] : memref<53248xf32, #tpu.memory_space<hbm>> -> memref<53248xf32, #tpu.memory_space<hbm>>
    tpu.wait_indirect_dma semaphore(%arg23 : memref<!tpu.dma_semaphore, #tpu.memory_space<semaphore_mem>>) src(%dma_wait3A_209 : memref<53248xf32, #tpu.memory_space<hbm>>) dst(%dma_wait3A_205 : memref<104xf32, #tpu.memory_space<vmem>>)
    %dma_wait3A_210 = arith.constant 1352 : i32
    %dma_wait3A_211 = tpu.memref_slice %arg11[%dma_wait3A_210] : memref<1664xf32, #tpu.memory_space<vmem>> -> memref<104xf32, #tpu.memory_space<vmem>>
    %dma_wait3A_212 = arith.constant 1352 : i32
    %dma_wait3A_213 = tpu.memref_slice %arg9[%dma_wait3A_212] : memref<1664xi32, #tpu.memory_space<vmem>> -> memref<104xi32, #tpu.memory_space<vmem>>
    %dma_wait3A_214 = arith.constant 0 : i32
    %dma_wait3A_215 = tpu.memref_slice %arg2[%dma_wait3A_214] : memref<53248xf32, #tpu.memory_space<hbm>> -> memref<53248xf32, #tpu.memory_space<hbm>>
    tpu.wait_indirect_dma semaphore(%arg23 : memref<!tpu.dma_semaphore, #tpu.memory_space<semaphore_mem>>) src(%dma_wait3A_215 : memref<53248xf32, #tpu.memory_space<hbm>>) dst(%dma_wait3A_211 : memref<104xf32, #tpu.memory_space<vmem>>)
    %dma_wait3A_216 = arith.constant 1456 : i32
    %dma_wait3A_217 = tpu.memref_slice %arg11[%dma_wait3A_216] : memref<1664xf32, #tpu.memory_space<vmem>> -> memref<104xf32, #tpu.memory_space<vmem>>
    %dma_wait3A_218 = arith.constant 1456 : i32
    %dma_wait3A_219 = tpu.memref_slice %arg9[%dma_wait3A_218] : memref<1664xi32, #tpu.memory_space<vmem>> -> memref<104xi32, #tpu.memory_space<vmem>>
    %dma_wait3A_220 = arith.constant 0 : i32
    %dma_wait3A_221 = tpu.memref_slice %arg2[%dma_wait3A_220] : memref<53248xf32, #tpu.memory_space<hbm>> -> memref<53248xf32, #tpu.memory_space<hbm>>
    tpu.wait_indirect_dma semaphore(%arg23 : memref<!tpu.dma_semaphore, #tpu.memory_space<semaphore_mem>>) src(%dma_wait3A_221 : memref<53248xf32, #tpu.memory_space<hbm>>) dst(%dma_wait3A_217 : memref<104xf32, #tpu.memory_space<vmem>>)
    %dma_wait3A_222 = arith.constant 1560 : i32
    %dma_wait3A_223 = tpu.memref_slice %arg11[%dma_wait3A_222] : memref<1664xf32, #tpu.memory_space<vmem>> -> memref<104xf32, #tpu.memory_space<vmem>>
    %dma_wait3A_224 = arith.constant 1560 : i32
    %dma_wait3A_225 = tpu.memref_slice %arg9[%dma_wait3A_224] : memref<1664xi32, #tpu.memory_space<vmem>> -> memref<104xi32, #tpu.memory_space<vmem>>
    %dma_wait3A_226 = arith.constant 0 : i32
    %dma_wait3A_227 = tpu.memref_slice %arg2[%dma_wait3A_226] : memref<53248xf32, #tpu.memory_space<hbm>> -> memref<53248xf32, #tpu.memory_space<hbm>>
    tpu.wait_indirect_dma semaphore(%arg23 : memref<!tpu.dma_semaphore, #tpu.memory_space<semaphore_mem>>) src(%dma_wait3A_227 : memref<53248xf32, #tpu.memory_space<hbm>>) dst(%dma_wait3A_223 : memref<104xf32, #tpu.memory_space<vmem>>)
    %scan3A = arith.constant 0 : i32
    %scan3A_228 = arith.constant 0 : i32
    %scan3A_229 = arith.constant 104 : i32
    %scan3A_230 = arith.addi %scan3A_228, %scan3A_229 : i32
    %scan3A_231 = arith.constant 1 : i32
    scf.for %scan3A_518 = %scan3A_228 to %scan3A_230 step %scan3A_231  : i32 {
      %mul3A_519 = arith.constant 16 : i32
      %mul3A_520 = arith.muli %scan3A_518, %mul3A_519 : i32
      %get3A = arith.index_cast %mul3A_520 : i32 to index
      %get3A_521 = tpu.vector_load %arg11[%get3A] {strides = array<i32>} : memref<1664xf32, #tpu.memory_space<vmem>>, vector<16xf32>,
      %max3A = arith.constant 9.99999993E-9 : f32
      %max3A_522 = vector.broadcast %max3A : f32 to vector<16xf32>
      %max3A_523 = arith.maximumf %get3A_521, %max3A_522 : vector<16xf32>
      %div3A = arith.constant 1.000000e+00 : f32
      %div3A_524 = vector.broadcast %div3A : f32 to vector<16xf32>
      %div3A_525 = arith.divf %div3A_524, %max3A_523 : vector<16xf32>
      %get3A_526 = arith.constant 0 : i32
      %get3A_527 = arith.index_cast %get3A_526 : i32 to index
      %get3A_528 = arith.index_cast %mul3A_520 : i32 to index
      %get3A_529 = tpu.vector_load %arg12[%get3A_527, %get3A_528] {strides = array<i32>} : memref<4x1664xf32, #tpu.memory_space<vmem>>, vector<16xf32>,
      %mul3A_530 = arith.mulf %get3A_529, %div3A_525 : vector<16xf32>
      %swap3A = arith.constant 0 : i32
      %swap3A_531 = arith.index_cast %swap3A : i32 to index
      %swap3A_532 = arith.index_cast %mul3A_520 : i32 to index
      %swap3A_533 = tpu.vector_load %arg13[%swap3A_531, %swap3A_532] {strides = array<i32>} : memref<4x1664xf32, #tpu.memory_space<vmem>>, vector<16xf32>,
      tpu.vector_store %arg13[%swap3A_531, %swap3A_532], %mul3A_530 {strides = array<i32>} : memref<4x1664xf32, #tpu.memory_space<vmem>>, vector<16xf32>,
      %get3A_534 = arith.constant 1 : i32
      %get3A_535 = arith.index_cast %get3A_534 : i32 to index
      %get3A_536 = arith.index_cast %mul3A_520 : i32 to index
      %get3A_537 = tpu.vector_load %arg12[%get3A_535, %get3A_536] {strides = array<i32>} : memref<4x1664xf32, #tpu.memory_space<vmem>>, vector<16xf32>,
      %mul3A_538 = arith.mulf %get3A_537, %div3A_525 : vector<16xf32>
      %swap3A_539 = arith.constant 1 : i32
      %swap3A_540 = arith.index_cast %swap3A_539 : i32 to index
      %swap3A_541 = arith.index_cast %mul3A_520 : i32 to index
      %swap3A_542 = tpu.vector_load %arg13[%swap3A_540, %swap3A_541] {strides = array<i32>} : memref<4x1664xf32, #tpu.memory_space<vmem>>, vector<16xf32>,
      tpu.vector_store %arg13[%swap3A_540, %swap3A_541], %mul3A_538 {strides = array<i32>} : memref<4x1664xf32, #tpu.memory_space<vmem>>, vector<16xf32>,
      %get3A_543 = arith.constant 2 : i32
      %get3A_544 = arith.index_cast %get3A_543 : i32 to index
      %get3A_545 = arith.index_cast %mul3A_520 : i32 to index
      %get3A_546 = tpu.vector_load %arg12[%get3A_544, %get3A_545] {strides = array<i32>} : memref<4x1664xf32, #tpu.memory_space<vmem>>, vector<16xf32>,
      %mul3A_547 = arith.mulf %get3A_546, %div3A_525 : vector<16xf32>
      %swap3A_548 = arith.constant 2 : i32
      %swap3A_549 = arith.index_cast %swap3A_548 : i32 to index
      %swap3A_550 = arith.index_cast %mul3A_520 : i32 to index
      %swap3A_551 = tpu.vector_load %arg13[%swap3A_549, %swap3A_550] {strides = array<i32>} : memref<4x1664xf32, #tpu.memory_space<vmem>>, vector<16xf32>,
      tpu.vector_store %arg13[%swap3A_549, %swap3A_550], %mul3A_547 {strides = array<i32>} : memref<4x1664xf32, #tpu.memory_space<vmem>>, vector<16xf32>,
      %get3A_552 = arith.constant 3 : i32
      %get3A_553 = arith.index_cast %get3A_552 : i32 to index
      %get3A_554 = arith.index_cast %mul3A_520 : i32 to index
      %get3A_555 = tpu.vector_load %arg12[%get3A_553, %get3A_554] {strides = array<i32>} : memref<4x1664xf32, #tpu.memory_space<vmem>>, vector<16xf32>,
      %swap3A_556 = arith.constant 3 : i32
      %swap3A_557 = arith.index_cast %swap3A_556 : i32 to index
      %swap3A_558 = arith.index_cast %mul3A_520 : i32 to index
      %swap3A_559 = tpu.vector_load %arg13[%swap3A_557, %swap3A_558] {strides = array<i32>} : memref<4x1664xf32, #tpu.memory_space<vmem>>, vector<16xf32>,
      tpu.vector_store %arg13[%swap3A_557, %swap3A_558], %get3A_555 {strides = array<i32>} : memref<4x1664xf32, #tpu.memory_space<vmem>>, vector<16xf32>,
    }
    %scan3A_232 = arith.constant 104 : i32
    "tpu.region"() ({
      %run_scoped3A = tpu.sem_alloc : memref<!tpu.dma_semaphore, #tpu.memory_space<semaphore_mem>>
      %dma_start3A_518 = arith.constant 0 : i32
      %dma_start3A_519 = tpu.memref_slice %arg7[%dma_start3A_518, %mul3A_2] : memref<4x53248xf32, #tpu.memory_space<hbm>> -> memref<4x1664xf32, #tpu.memory_space<hbm>>
      %dma_start3A_520 = arith.constant 0 : i32
      %dma_start3A_521 = tpu.memref_slice %arg7[%dma_start3A_520, %mul3A_2] : memref<4x53248xf32, #tpu.memory_space<hbm>> -> memref<4x1664xf32, #tpu.memory_space<hbm>>
      tpu.enqueue_dma source(%arg13 : memref<4x1664xf32, #tpu.memory_space<vmem>>) target(%dma_start3A_521 : memref<4x1664xf32, #tpu.memory_space<hbm>>) target_semaphore(%run_scoped3A : memref<!tpu.dma_semaphore, #tpu.memory_space<semaphore_mem>>)
      %dma_wait3A_522 = arith.constant 0 : i32
      %dma_wait3A_523 = tpu.memref_slice %arg7[%dma_wait3A_522, %mul3A_2] : memref<4x53248xf32, #tpu.memory_space<hbm>> -> memref<4x1664xf32, #tpu.memory_space<hbm>>
      %dma_wait3A_524 = arith.constant 0 : i32
      %dma_wait3A_525 = tpu.memref_slice %arg7[%dma_wait3A_524, %mul3A_2] : memref<4x53248xf32, #tpu.memory_space<hbm>> -> memref<4x1664xf32, #tpu.memory_space<hbm>>
      tpu.wait_dma2 semaphore(%run_scoped3A : memref<!tpu.dma_semaphore, #tpu.memory_space<semaphore_mem>>) src(%arg13 : memref<4x1664xf32, #tpu.memory_space<vmem>>) dst(%dma_wait3A_525 : memref<4x1664xf32, #tpu.memory_space<hbm>>)
      tpu.yield
    }) : () -> ()
    %dma_wait3A_233 = arith.constant 0 : i32
    %dma_wait3A_234 = tpu.memref_slice %arg10[%dma_wait3A_233] : memref<1664xi32, #tpu.memory_space<vmem>> -> memref<104xi32, #tpu.memory_space<vmem>>
    %dma_wait3A_235 = arith.constant 0 : i32
    %dma_wait3A_236 = arith.constant 0 : i32
    %dma_wait3A_237 = tpu.memref_slice %arg6[%dma_wait3A_235, %dma_wait3A_236] : memref<50000x128xf32, #tpu.memory_space<hbm>> -> memref<50000x128xf32, #tpu.memory_space<hbm>>
    tpu.wait_indirect_dma semaphore(%arg21 : memref<!tpu.dma_semaphore, #tpu.memory_space<semaphore_mem>>) src(%dma_wait3A_237 : memref<50000x128xf32, #tpu.memory_space<hbm>>) dst(%arg14 : memref<104x128xf32, #tpu.memory_space<vmem>>)
    %add3A_238 = arith.constant 0 : i32
    %add3A_239 = arith.addi %mul3A_2, %add3A_238 : i32
    %dma_start3A_240 = arith.constant 0 : i32
    %dma_start3A_241 = tpu.memref_slice %arg8[%add3A_239, %dma_start3A_240] : memref<53248x128xf32, #tpu.memory_space<hbm>> -> memref<104x128xf32, #tpu.memory_space<hbm>>
    %dma_start3A_242 = arith.constant 0 : i32
    %dma_start3A_243 = tpu.memref_slice %arg8[%add3A_239, %dma_start3A_242] : memref<53248x128xf32, #tpu.memory_space<hbm>> -> memref<104x128xf32, #tpu.memory_space<hbm>>
    tpu.enqueue_dma source(%arg14 : memref<104x128xf32, #tpu.memory_space<vmem>>) target(%dma_start3A_243 : memref<104x128xf32, #tpu.memory_space<hbm>>) target_semaphore(%arg22 : memref<!tpu.dma_semaphore, #tpu.memory_space<semaphore_mem>>)
    %dma_wait3A_244 = arith.constant 104 : i32
    %dma_wait3A_245 = tpu.memref_slice %arg10[%dma_wait3A_244] : memref<1664xi32, #tpu.memory_space<vmem>> -> memref<104xi32, #tpu.memory_space<vmem>>
    %dma_wait3A_246 = arith.constant 0 : i32
    %dma_wait3A_247 = arith.constant 0 : i32
    %dma_wait3A_248 = tpu.memref_slice %arg6[%dma_wait3A_246, %dma_wait3A_247] : memref<50000x128xf32, #tpu.memory_space<hbm>> -> memref<50000x128xf32, #tpu.memory_space<hbm>>
    tpu.wait_indirect_dma semaphore(%arg21 : memref<!tpu.dma_semaphore, #tpu.memory_space<semaphore_mem>>) src(%dma_wait3A_248 : memref<50000x128xf32, #tpu.memory_space<hbm>>) dst(%arg15 : memref<104x128xf32, #tpu.memory_space<vmem>>)
    %add3A_249 = arith.constant 104 : i32
    %add3A_250 = arith.addi %mul3A_2, %add3A_249 : i32
    %dma_start3A_251 = arith.constant 0 : i32
    %dma_start3A_252 = tpu.memref_slice %arg8[%add3A_250, %dma_start3A_251] : memref<53248x128xf32, #tpu.memory_space<hbm>> -> memref<104x128xf32, #tpu.memory_space<hbm>>
    %dma_start3A_253 = arith.constant 0 : i32
    %dma_start3A_254 = tpu.memref_slice %arg8[%add3A_250, %dma_start3A_253] : memref<53248x128xf32, #tpu.memory_space<hbm>> -> memref<104x128xf32, #tpu.memory_space<hbm>>
    tpu.enqueue_dma source(%arg15 : memref<104x128xf32, #tpu.memory_space<vmem>>) target(%dma_start3A_254 : memref<104x128xf32, #tpu.memory_space<hbm>>) target_semaphore(%arg22 : memref<!tpu.dma_semaphore, #tpu.memory_space<semaphore_mem>>)
    %dma_wait3A_255 = arith.constant 0 : i32
    %dma_wait3A_256 = tpu.memref_slice %arg8[%add3A_239, %dma_wait3A_255] : memref<53248x128xf32, #tpu.memory_space<hbm>> -> memref<104x128xf32, #tpu.memory_space<hbm>>
    %dma_wait3A_257 = arith.constant 0 : i32
    %dma_wait3A_258 = tpu.memref_slice %arg8[%add3A_239, %dma_wait3A_257] : memref<53248x128xf32, #tpu.memory_space<hbm>> -> memref<104x128xf32, #tpu.memory_space<hbm>>
    tpu.wait_dma2 semaphore(%arg22 : memref<!tpu.dma_semaphore, #tpu.memory_space<semaphore_mem>>) src(%arg14 : memref<104x128xf32, #tpu.memory_space<vmem>>) dst(%dma_wait3A_258 : memref<104x128xf32, #tpu.memory_space<hbm>>)
    %dma_start3A_259 = arith.constant 728 : i32
    %dma_start3A_260 = tpu.memref_slice %arg10[%dma_start3A_259] : memref<1664xi32, #tpu.memory_space<vmem>> -> memref<104xi32, #tpu.memory_space<vmem>>
    %dma_start3A_261 = arith.constant 0 : i32
    %dma_start3A_262 = arith.constant 0 : i32
    %dma_start3A_263 = tpu.memref_slice %arg6[%dma_start3A_261, %dma_start3A_262] : memref<50000x128xf32, #tpu.memory_space<hbm>> -> memref<50000x128xf32, #tpu.memory_space<hbm>>
    tpu.enqueue_indirect_dma source(%dma_start3A_263 : memref<50000x128xf32, #tpu.memory_space<hbm>>) target(%arg14 : memref<104x128xf32, #tpu.memory_space<vmem>>) offsets(%dma_start3A_260 : memref<104xi32, #tpu.memory_space<vmem>>) semaphore(%arg21 : memref<!tpu.dma_semaphore, #tpu.memory_space<semaphore_mem>>)
    %dma_wait3A_264 = arith.constant 208 : i32
    %dma_wait3A_265 = tpu.memref_slice %arg10[%dma_wait3A_264] : memref<1664xi32, #tpu.memory_space<vmem>> -> memref<104xi32, #tpu.memory_space<vmem>>
    %dma_wait3A_266 = arith.constant 0 : i32
    %dma_wait3A_267 = arith.constant 0 : i32
    %dma_wait3A_268 = tpu.memref_slice %arg6[%dma_wait3A_266, %dma_wait3A_267] : memref<50000x128xf32, #tpu.memory_space<hbm>> -> memref<50000x128xf32, #tpu.memory_space<hbm>>
    tpu.wait_indirect_dma semaphore(%arg21 : memref<!tpu.dma_semaphore, #tpu.memory_space<semaphore_mem>>) src(%dma_wait3A_268 : memref<50000x128xf32, #tpu.memory_space<hbm>>) dst(%arg16 : memref<104x128xf32, #tpu.memory_space<vmem>>)
    %add3A_269 = arith.constant 208 : i32
    %add3A_270 = arith.addi %mul3A_2, %add3A_269 : i32
    %dma_start3A_271 = arith.constant 0 : i32
    %dma_start3A_272 = tpu.memref_slice %arg8[%add3A_270, %dma_start3A_271] : memref<53248x128xf32, #tpu.memory_space<hbm>> -> memref<104x128xf32, #tpu.memory_space<hbm>>
    %dma_start3A_273 = arith.constant 0 : i32
    %dma_start3A_274 = tpu.memref_slice %arg8[%add3A_270, %dma_start3A_273] : memref<53248x128xf32, #tpu.memory_space<hbm>> -> memref<104x128xf32, #tpu.memory_space<hbm>>
    tpu.enqueue_dma source(%arg16 : memref<104x128xf32, #tpu.memory_space<vmem>>) target(%dma_start3A_274 : memref<104x128xf32, #tpu.memory_space<hbm>>) target_semaphore(%arg22 : memref<!tpu.dma_semaphore, #tpu.memory_space<semaphore_mem>>)
    %dma_wait3A_275 = arith.constant 0 : i32
    %dma_wait3A_276 = tpu.memref_slice %arg8[%add3A_250, %dma_wait3A_275] : memref<53248x128xf32, #tpu.memory_space<hbm>> -> memref<104x128xf32, #tpu.memory_space<hbm>>
    %dma_wait3A_277 = arith.constant 0 : i32
    %dma_wait3A_278 = tpu.memref_slice %arg8[%add3A_250, %dma_wait3A_277] : memref<53248x128xf32, #tpu.memory_space<hbm>> -> memref<104x128xf32, #tpu.memory_space<hbm>>
    tpu.wait_dma2 semaphore(%arg22 : memref<!tpu.dma_semaphore, #tpu.memory_space<semaphore_mem>>) src(%arg15 : memref<104x128xf32, #tpu.memory_space<vmem>>) dst(%dma_wait3A_278 : memref<104x128xf32, #tpu.memory_space<hbm>>)
    %dma_start3A_279 = arith.constant 832 : i32
    %dma_start3A_280 = tpu.memref_slice %arg10[%dma_start3A_279] : memref<1664xi32, #tpu.memory_space<vmem>> -> memref<104xi32, #tpu.memory_space<vmem>>
    %dma_start3A_281 = arith.constant 0 : i32
    %dma_start3A_282 = arith.constant 0 : i32
    %dma_start3A_283 = tpu.memref_slice %arg6[%dma_start3A_281, %dma_start3A_282] : memref<50000x128xf32, #tpu.memory_space<hbm>> -> memref<50000x128xf32, #tpu.memory_space<hbm>>
    tpu.enqueue_indirect_dma source(%dma_start3A_283 : memref<50000x128xf32, #tpu.memory_space<hbm>>) target(%arg15 : memref<104x128xf32, #tpu.memory_space<vmem>>) offsets(%dma_start3A_280 : memref<104xi32, #tpu.memory_space<vmem>>) semaphore(%arg21 : memref<!tpu.dma_semaphore, #tpu.memory_space<semaphore_mem>>)
    %dma_wait3A_284 = arith.constant 312 : i32
    %dma_wait3A_285 = tpu.memref_slice %arg10[%dma_wait3A_284] : memref<1664xi32, #tpu.memory_space<vmem>> -> memref<104xi32, #tpu.memory_space<vmem>>
    %dma_wait3A_286 = arith.constant 0 : i32
    %dma_wait3A_287 = arith.constant 0 : i32
    %dma_wait3A_288 = tpu.memref_slice %arg6[%dma_wait3A_286, %dma_wait3A_287] : memref<50000x128xf32, #tpu.memory_space<hbm>> -> memref<50000x128xf32, #tpu.memory_space<hbm>>
    tpu.wait_indirect_dma semaphore(%arg21 : memref<!tpu.dma_semaphore, #tpu.memory_space<semaphore_mem>>) src(%dma_wait3A_288 : memref<50000x128xf32, #tpu.memory_space<hbm>>) dst(%arg17 : memref<104x128xf32, #tpu.memory_space<vmem>>)
    %add3A_289 = arith.constant 312 : i32
    %add3A_290 = arith.addi %mul3A_2, %add3A_289 : i32
    %dma_start3A_291 = arith.constant 0 : i32
    %dma_start3A_292 = tpu.memref_slice %arg8[%add3A_290, %dma_start3A_291] : memref<53248x128xf32, #tpu.memory_space<hbm>> -> memref<104x128xf32, #tpu.memory_space<hbm>>
    %dma_start3A_293 = arith.constant 0 : i32
    %dma_start3A_294 = tpu.memref_slice %arg8[%add3A_290, %dma_start3A_293] : memref<53248x128xf32, #tpu.memory_space<hbm>> -> memref<104x128xf32, #tpu.memory_space<hbm>>
    tpu.enqueue_dma source(%arg17 : memref<104x128xf32, #tpu.memory_space<vmem>>) target(%dma_start3A_294 : memref<104x128xf32, #tpu.memory_space<hbm>>) target_semaphore(%arg22 : memref<!tpu.dma_semaphore, #tpu.memory_space<semaphore_mem>>)
    %dma_wait3A_295 = arith.constant 0 : i32
    %dma_wait3A_296 = tpu.memref_slice %arg8[%add3A_270, %dma_wait3A_295] : memref<53248x128xf32, #tpu.memory_space<hbm>> -> memref<104x128xf32, #tpu.memory_space<hbm>>
    %dma_wait3A_297 = arith.constant 0 : i32
    %dma_wait3A_298 = tpu.memref_slice %arg8[%add3A_270, %dma_wait3A_297] : memref<53248x128xf32, #tpu.memory_space<hbm>> -> memref<104x128xf32, #tpu.memory_space<hbm>>
    tpu.wait_dma2 semaphore(%arg22 : memref<!tpu.dma_semaphore, #tpu.memory_space<semaphore_mem>>) src(%arg16 : memref<104x128xf32, #tpu.memory_space<vmem>>) dst(%dma_wait3A_298 : memref<104x128xf32, #tpu.memory_space<hbm>>)
    %dma_start3A_299 = arith.constant 936 : i32
    %dma_start3A_300 = tpu.memref_slice %arg10[%dma_start3A_299] : memref<1664xi32, #tpu.memory_space<vmem>> -> memref<104xi32, #tpu.memory_space<vmem>>
    %dma_start3A_301 = arith.constant 0 : i32
    %dma_start3A_302 = arith.constant 0 : i32
    %dma_start3A_303 = tpu.memref_slice %arg6[%dma_start3A_301, %dma_start3A_302] : memref<50000x128xf32, #tpu.memory_space<hbm>> -> memref<50000x128xf32, #tpu.memory_space<hbm>>
    tpu.enqueue_indirect_dma source(%dma_start3A_303 : memref<50000x128xf32, #tpu.memory_space<hbm>>) target(%arg16 : memref<104x128xf32, #tpu.memory_space<vmem>>) offsets(%dma_start3A_300 : memref<104xi32, #tpu.memory_space<vmem>>) semaphore(%arg21 : memref<!tpu.dma_semaphore, #tpu.memory_space<semaphore_mem>>)
    %dma_wait3A_304 = arith.constant 416 : i32
    %dma_wait3A_305 = tpu.memref_slice %arg10[%dma_wait3A_304] : memref<1664xi32, #tpu.memory_space<vmem>> -> memref<104xi32, #tpu.memory_space<vmem>>
    %dma_wait3A_306 = arith.constant 0 : i32
    %dma_wait3A_307 = arith.constant 0 : i32
    %dma_wait3A_308 = tpu.memref_slice %arg6[%dma_wait3A_306, %dma_wait3A_307] : memref<50000x128xf32, #tpu.memory_space<hbm>> -> memref<50000x128xf32, #tpu.memory_space<hbm>>
    tpu.wait_indirect_dma semaphore(%arg21 : memref<!tpu.dma_semaphore, #tpu.memory_space<semaphore_mem>>) src(%dma_wait3A_308 : memref<50000x128xf32, #tpu.memory_space<hbm>>) dst(%arg18 : memref<104x128xf32, #tpu.memory_space<vmem>>)
    %add3A_309 = arith.constant 416 : i32
    %add3A_310 = arith.addi %mul3A_2, %add3A_309 : i32
    %dma_start3A_311 = arith.constant 0 : i32
    %dma_start3A_312 = tpu.memref_slice %arg8[%add3A_310, %dma_start3A_311] : memref<53248x128xf32, #tpu.memory_space<hbm>> -> memref<104x128xf32, #tpu.memory_space<hbm>>
    %dma_start3A_313 = arith.constant 0 : i32
    %dma_start3A_314 = tpu.memref_slice %arg8[%add3A_310, %dma_start3A_313] : memref<53248x128xf32, #tpu.memory_space<hbm>> -> memref<104x128xf32, #tpu.memory_space<hbm>>
    tpu.enqueue_dma source(%arg18 : memref<104x128xf32, #tpu.memory_space<vmem>>) target(%dma_start3A_314 : memref<104x128xf32, #tpu.memory_space<hbm>>) target_semaphore(%arg22 : memref<!tpu.dma_semaphore, #tpu.memory_space<semaphore_mem>>)
    %dma_wait3A_315 = arith.constant 0 : i32
    %dma_wait3A_316 = tpu.memref_slice %arg8[%add3A_290, %dma_wait3A_315] : memref<53248x128xf32, #tpu.memory_space<hbm>> -> memref<104x128xf32, #tpu.memory_space<hbm>>
    %dma_wait3A_317 = arith.constant 0 : i32
    %dma_wait3A_318 = tpu.memref_slice %arg8[%add3A_290, %dma_wait3A_317] : memref<53248x128xf32, #tpu.memory_space<hbm>> -> memref<104x128xf32, #tpu.memory_space<hbm>>
    tpu.wait_dma2 semaphore(%arg22 : memref<!tpu.dma_semaphore, #tpu.memory_space<semaphore_mem>>) src(%arg17 : memref<104x128xf32, #tpu.memory_space<vmem>>) dst(%dma_wait3A_318 : memref<104x128xf32, #tpu.memory_space<hbm>>)
    %dma_start3A_319 = arith.constant 1040 : i32
    %dma_start3A_320 = tpu.memref_slice %arg10[%dma_start3A_319] : memref<1664xi32, #tpu.memory_space<vmem>> -> memref<104xi32, #tpu.memory_space<vmem>>
    %dma_start3A_321 = arith.constant 0 : i32
    %dma_start3A_322 = arith.constant 0 : i32
    %dma_start3A_323 = tpu.memref_slice %arg6[%dma_start3A_321, %dma_start3A_322] : memref<50000x128xf32, #tpu.memory_space<hbm>> -> memref<50000x128xf32, #tpu.memory_space<hbm>>
    tpu.enqueue_indirect_dma source(%dma_start3A_323 : memref<50000x128xf32, #tpu.memory_space<hbm>>) target(%arg17 : memref<104x128xf32, #tpu.memory_space<vmem>>) offsets(%dma_start3A_320 : memref<104xi32, #tpu.memory_space<vmem>>) semaphore(%arg21 : memref<!tpu.dma_semaphore, #tpu.memory_space<semaphore_mem>>)
    %dma_wait3A_324 = arith.constant 520 : i32
    %dma_wait3A_325 = tpu.memref_slice %arg10[%dma_wait3A_324] : memref<1664xi32, #tpu.memory_space<vmem>> -> memref<104xi32, #tpu.memory_space<vmem>>
    %dma_wait3A_326 = arith.constant 0 : i32
    %dma_wait3A_327 = arith.constant 0 : i32
    %dma_wait3A_328 = tpu.memref_slice %arg6[%dma_wait3A_326, %dma_wait3A_327] : memref<50000x128xf32, #tpu.memory_space<hbm>> -> memref<50000x128xf32, #tpu.memory_space<hbm>>
    tpu.wait_indirect_dma semaphore(%arg21 : memref<!tpu.dma_semaphore, #tpu.memory_space<semaphore_mem>>) src(%dma_wait3A_328 : memref<50000x128xf32, #tpu.memory_space<hbm>>) dst(%arg19 : memref<104x128xf32, #tpu.memory_space<vmem>>)
    %add3A_329 = arith.constant 520 : i32
    %add3A_330 = arith.addi %mul3A_2, %add3A_329 : i32
    %dma_start3A_331 = arith.constant 0 : i32
    %dma_start3A_332 = tpu.memref_slice %arg8[%add3A_330, %dma_start3A_331] : memref<53248x128xf32, #tpu.memory_space<hbm>> -> memref<104x128xf32, #tpu.memory_space<hbm>>
    %dma_start3A_333 = arith.constant 0 : i32
    %dma_start3A_334 = tpu.memref_slice %arg8[%add3A_330, %dma_start3A_333] : memref<53248x128xf32, #tpu.memory_space<hbm>> -> memref<104x128xf32, #tpu.memory_space<hbm>>
    tpu.enqueue_dma source(%arg19 : memref<104x128xf32, #tpu.memory_space<vmem>>) target(%dma_start3A_334 : memref<104x128xf32, #tpu.memory_space<hbm>>) target_semaphore(%arg22 : memref<!tpu.dma_semaphore, #tpu.memory_space<semaphore_mem>>)
    %dma_wait3A_335 = arith.constant 0 : i32
    %dma_wait3A_336 = tpu.memref_slice %arg8[%add3A_310, %dma_wait3A_335] : memref<53248x128xf32, #tpu.memory_space<hbm>> -> memref<104x128xf32, #tpu.memory_space<hbm>>
    %dma_wait3A_337 = arith.constant 0 : i32
    %dma_wait3A_338 = tpu.memref_slice %arg8[%add3A_310, %dma_wait3A_337] : memref<53248x128xf32, #tpu.memory_space<hbm>> -> memref<104x128xf32, #tpu.memory_space<hbm>>
    tpu.wait_dma2 semaphore(%arg22 : memref<!tpu.dma_semaphore, #tpu.memory_space<semaphore_mem>>) src(%arg18 : memref<104x128xf32, #tpu.memory_space<vmem>>) dst(%dma_wait3A_338 : memref<104x128xf32, #tpu.memory_space<hbm>>)
    %dma_start3A_339 = arith.constant 1144 : i32
    %dma_start3A_340 = tpu.memref_slice %arg10[%dma_start3A_339] : memref<1664xi32, #tpu.memory_space<vmem>> -> memref<104xi32, #tpu.memory_space<vmem>>
    %dma_start3A_341 = arith.constant 0 : i32
    %dma_start3A_342 = arith.constant 0 : i32
    %dma_start3A_343 = tpu.memref_slice %arg6[%dma_start3A_341, %dma_start3A_342] : memref<50000x128xf32, #tpu.memory_space<hbm>> -> memref<50000x128xf32, #tpu.memory_space<hbm>>
    tpu.enqueue_indirect_dma source(%dma_start3A_343 : memref<50000x128xf32, #tpu.memory_space<hbm>>) target(%arg18 : memref<104x128xf32, #tpu.memory_space<vmem>>) offsets(%dma_start3A_340 : memref<104xi32, #tpu.memory_space<vmem>>) semaphore(%arg21 : memref<!tpu.dma_semaphore, #tpu.memory_space<semaphore_mem>>)
    %dma_wait3A_344 = arith.constant 624 : i32
    %dma_wait3A_345 = tpu.memref_slice %arg10[%dma_wait3A_344] : memref<1664xi32, #tpu.memory_space<vmem>> -> memref<104xi32, #tpu.memory_space<vmem>>
    %dma_wait3A_346 = arith.constant 0 : i32
    %dma_wait3A_347 = arith.constant 0 : i32
    %dma_wait3A_348 = tpu.memref_slice %arg6[%dma_wait3A_346, %dma_wait3A_347] : memref<50000x128xf32, #tpu.memory_space<hbm>> -> memref<50000x128xf32, #tpu.memory_space<hbm>>
    tpu.wait_indirect_dma semaphore(%arg21 : memref<!tpu.dma_semaphore, #tpu.memory_space<semaphore_mem>>) src(%dma_wait3A_348 : memref<50000x128xf32, #tpu.memory_space<hbm>>) dst(%arg20 : memref<104x128xf32, #tpu.memory_space<vmem>>)
    %add3A_349 = arith.constant 624 : i32
    %add3A_350 = arith.addi %mul3A_2, %add3A_349 : i32
    %dma_start3A_351 = arith.constant 0 : i32
    %dma_start3A_352 = tpu.memref_slice %arg8[%add3A_350, %dma_start3A_351] : memref<53248x128xf32, #tpu.memory_space<hbm>> -> memref<104x128xf32, #tpu.memory_space<hbm>>
    %dma_start3A_353 = arith.constant 0 : i32
    %dma_start3A_354 = tpu.memref_slice %arg8[%add3A_350, %dma_start3A_353] : memref<53248x128xf32, #tpu.memory_space<hbm>> -> memref<104x128xf32, #tpu.memory_space<hbm>>
    tpu.enqueue_dma source(%arg20 : memref<104x128xf32, #tpu.memory_space<vmem>>) target(%dma_start3A_354 : memref<104x128xf32, #tpu.memory_space<hbm>>) target_semaphore(%arg22 : memref<!tpu.dma_semaphore, #tpu.memory_space<semaphore_mem>>)
    %dma_wait3A_355 = arith.constant 0 : i32
    %dma_wait3A_356 = tpu.memref_slice %arg8[%add3A_330, %dma_wait3A_355] : memref<53248x128xf32, #tpu.memory_space<hbm>> -> memref<104x128xf32, #tpu.memory_space<hbm>>
    %dma_wait3A_357 = arith.constant 0 : i32
    %dma_wait3A_358 = tpu.memref_slice %arg8[%add3A_330, %dma_wait3A_357] : memref<53248x128xf32, #tpu.memory_space<hbm>> -> memref<104x128xf32, #tpu.memory_space<hbm>>
    tpu.wait_dma2 semaphore(%arg22 : memref<!tpu.dma_semaphore, #tpu.memory_space<semaphore_mem>>) src(%arg19 : memref<104x128xf32, #tpu.memory_space<vmem>>) dst(%dma_wait3A_358 : memref<104x128xf32, #tpu.memory_space<hbm>>)
    %dma_start3A_359 = arith.constant 1248 : i32
    %dma_start3A_360 = tpu.memref_slice %arg10[%dma_start3A_359] : memref<1664xi32, #tpu.memory_space<vmem>> -> memref<104xi32, #tpu.memory_space<vmem>>
    %dma_start3A_361 = arith.constant 0 : i32
    %dma_start3A_362 = arith.constant 0 : i32
    %dma_start3A_363 = tpu.memref_slice %arg6[%dma_start3A_361, %dma_start3A_362] : memref<50000x128xf32, #tpu.memory_space<hbm>> -> memref<50000x128xf32, #tpu.memory_space<hbm>>
    tpu.enqueue_indirect_dma source(%dma_start3A_363 : memref<50000x128xf32, #tpu.memory_space<hbm>>) target(%arg19 : memref<104x128xf32, #tpu.memory_space<vmem>>) offsets(%dma_start3A_360 : memref<104xi32, #tpu.memory_space<vmem>>) semaphore(%arg21 : memref<!tpu.dma_semaphore, #tpu.memory_space<semaphore_mem>>)
    %dma_wait3A_364 = arith.constant 728 : i32
    %dma_wait3A_365 = tpu.memref_slice %arg10[%dma_wait3A_364] : memref<1664xi32, #tpu.memory_space<vmem>> -> memref<104xi32, #tpu.memory_space<vmem>>
    %dma_wait3A_366 = arith.constant 0 : i32
    %dma_wait3A_367 = arith.constant 0 : i32
    %dma_wait3A_368 = tpu.memref_slice %arg6[%dma_wait3A_366, %dma_wait3A_367] : memref<50000x128xf32, #tpu.memory_space<hbm>> -> memref<50000x128xf32, #tpu.memory_space<hbm>>
    tpu.wait_indirect_dma semaphore(%arg21 : memref<!tpu.dma_semaphore, #tpu.memory_space<semaphore_mem>>) src(%dma_wait3A_368 : memref<50000x128xf32, #tpu.memory_space<hbm>>) dst(%arg14 : memref<104x128xf32, #tpu.memory_space<vmem>>)
    %add3A_369 = arith.constant 728 : i32
    %add3A_370 = arith.addi %mul3A_2, %add3A_369 : i32
    %dma_start3A_371 = arith.constant 0 : i32
    %dma_start3A_372 = tpu.memref_slice %arg8[%add3A_370, %dma_start3A_371] : memref<53248x128xf32, #tpu.memory_space<hbm>> -> memref<104x128xf32, #tpu.memory_space<hbm>>
    %dma_start3A_373 = arith.constant 0 : i32
    %dma_start3A_374 = tpu.memref_slice %arg8[%add3A_370, %dma_start3A_373] : memref<53248x128xf32, #tpu.memory_space<hbm>> -> memref<104x128xf32, #tpu.memory_space<hbm>>
    tpu.enqueue_dma source(%arg14 : memref<104x128xf32, #tpu.memory_space<vmem>>) target(%dma_start3A_374 : memref<104x128xf32, #tpu.memory_space<hbm>>) target_semaphore(%arg22 : memref<!tpu.dma_semaphore, #tpu.memory_space<semaphore_mem>>)
    %dma_wait3A_375 = arith.constant 0 : i32
    %dma_wait3A_376 = tpu.memref_slice %arg8[%add3A_350, %dma_wait3A_375] : memref<53248x128xf32, #tpu.memory_space<hbm>> -> memref<104x128xf32, #tpu.memory_space<hbm>>
    %dma_wait3A_377 = arith.constant 0 : i32
    %dma_wait3A_378 = tpu.memref_slice %arg8[%add3A_350, %dma_wait3A_377] : memref<53248x128xf32, #tpu.memory_space<hbm>> -> memref<104x128xf32, #tpu.memory_space<hbm>>
    tpu.wait_dma2 semaphore(%arg22 : memref<!tpu.dma_semaphore, #tpu.memory_space<semaphore_mem>>) src(%arg20 : memref<104x128xf32, #tpu.memory_space<vmem>>) dst(%dma_wait3A_378 : memref<104x128xf32, #tpu.memory_space<hbm>>)
    %dma_start3A_379 = arith.constant 1352 : i32
    %dma_start3A_380 = tpu.memref_slice %arg10[%dma_start3A_379] : memref<1664xi32, #tpu.memory_space<vmem>> -> memref<104xi32, #tpu.memory_space<vmem>>
    %dma_start3A_381 = arith.constant 0 : i32
    %dma_start3A_382 = arith.constant 0 : i32
    %dma_start3A_383 = tpu.memref_slice %arg6[%dma_start3A_381, %dma_start3A_382] : memref<50000x128xf32, #tpu.memory_space<hbm>> -> memref<50000x128xf32, #tpu.memory_space<hbm>>
    tpu.enqueue_indirect_dma source(%dma_start3A_383 : memref<50000x128xf32, #tpu.memory_space<hbm>>) target(%arg20 : memref<104x128xf32, #tpu.memory_space<vmem>>) offsets(%dma_start3A_380 : memref<104xi32, #tpu.memory_space<vmem>>) semaphore(%arg21 : memref<!tpu.dma_semaphore, #tpu.memory_space<semaphore_mem>>)
    %dma_wait3A_384 = arith.constant 832 : i32
    %dma_wait3A_385 = tpu.memref_slice %arg10[%dma_wait3A_384] : memref<1664xi32, #tpu.memory_space<vmem>> -> memref<104xi32, #tpu.memory_space<vmem>>
    %dma_wait3A_386 = arith.constant 0 : i32
    %dma_wait3A_387 = arith.constant 0 : i32
    %dma_wait3A_388 = tpu.memref_slice %arg6[%dma_wait3A_386, %dma_wait3A_387] : memref<50000x128xf32, #tpu.memory_space<hbm>> -> memref<50000x128xf32, #tpu.memory_space<hbm>>
    tpu.wait_indirect_dma semaphore(%arg21 : memref<!tpu.dma_semaphore, #tpu.memory_space<semaphore_mem>>) src(%dma_wait3A_388 : memref<50000x128xf32, #tpu.memory_space<hbm>>) dst(%arg15 : memref<104x128xf32, #tpu.memory_space<vmem>>)
    %add3A_389 = arith.constant 832 : i32
    %add3A_390 = arith.addi %mul3A_2, %add3A_389 : i32
    %dma_start3A_391 = arith.constant 0 : i32
    %dma_start3A_392 = tpu.memref_slice %arg8[%add3A_390, %dma_start3A_391] : memref<53248x128xf32, #tpu.memory_space<hbm>> -> memref<104x128xf32, #tpu.memory_space<hbm>>
    %dma_start3A_393 = arith.constant 0 : i32
    %dma_start3A_394 = tpu.memref_slice %arg8[%add3A_390, %dma_start3A_393] : memref<53248x128xf32, #tpu.memory_space<hbm>> -> memref<104x128xf32, #tpu.memory_space<hbm>>
    tpu.enqueue_dma source(%arg15 : memref<104x128xf32, #tpu.memory_space<vmem>>) target(%dma_start3A_394 : memref<104x128xf32, #tpu.memory_space<hbm>>) target_semaphore(%arg22 : memref<!tpu.dma_semaphore, #tpu.memory_space<semaphore_mem>>)
    %dma_wait3A_395 = arith.constant 0 : i32
    %dma_wait3A_396 = tpu.memref_slice %arg8[%add3A_370, %dma_wait3A_395] : memref<53248x128xf32, #tpu.memory_space<hbm>> -> memref<104x128xf32, #tpu.memory_space<hbm>>
    %dma_wait3A_397 = arith.constant 0 : i32
    %dma_wait3A_398 = tpu.memref_slice %arg8[%add3A_370, %dma_wait3A_397] : memref<53248x128xf32, #tpu.memory_space<hbm>> -> memref<104x128xf32, #tpu.memory_space<hbm>>
    tpu.wait_dma2 semaphore(%arg22 : memref<!tpu.dma_semaphore, #tpu.memory_space<semaphore_mem>>) src(%arg14 : memref<104x128xf32, #tpu.memory_space<vmem>>) dst(%dma_wait3A_398 : memref<104x128xf32, #tpu.memory_space<hbm>>)
    %dma_start3A_399 = arith.constant 1456 : i32
    %dma_start3A_400 = tpu.memref_slice %arg10[%dma_start3A_399] : memref<1664xi32, #tpu.memory_space<vmem>> -> memref<104xi32, #tpu.memory_space<vmem>>
    %dma_start3A_401 = arith.constant 0 : i32
    %dma_start3A_402 = arith.constant 0 : i32
    %dma_start3A_403 = tpu.memref_slice %arg6[%dma_start3A_401, %dma_start3A_402] : memref<50000x128xf32, #tpu.memory_space<hbm>> -> memref<50000x128xf32, #tpu.memory_space<hbm>>
    tpu.enqueue_indirect_dma source(%dma_start3A_403 : memref<50000x128xf32, #tpu.memory_space<hbm>>) target(%arg14 : memref<104x128xf32, #tpu.memory_space<vmem>>) offsets(%dma_start3A_400 : memref<104xi32, #tpu.memory_space<vmem>>) semaphore(%arg21 : memref<!tpu.dma_semaphore, #tpu.memory_space<semaphore_mem>>)
    %dma_wait3A_404 = arith.constant 936 : i32
    %dma_wait3A_405 = tpu.memref_slice %arg10[%dma_wait3A_404] : memref<1664xi32, #tpu.memory_space<vmem>> -> memref<104xi32, #tpu.memory_space<vmem>>
    %dma_wait3A_406 = arith.constant 0 : i32
    %dma_wait3A_407 = arith.constant 0 : i32
    %dma_wait3A_408 = tpu.memref_slice %arg6[%dma_wait3A_406, %dma_wait3A_407] : memref<50000x128xf32, #tpu.memory_space<hbm>> -> memref<50000x128xf32, #tpu.memory_space<hbm>>
    tpu.wait_indirect_dma semaphore(%arg21 : memref<!tpu.dma_semaphore, #tpu.memory_space<semaphore_mem>>) src(%dma_wait3A_408 : memref<50000x128xf32, #tpu.memory_space<hbm>>) dst(%arg16 : memref<104x128xf32, #tpu.memory_space<vmem>>)
    %add3A_409 = arith.constant 936 : i32
    %add3A_410 = arith.addi %mul3A_2, %add3A_409 : i32
    %dma_start3A_411 = arith.constant 0 : i32
    %dma_start3A_412 = tpu.memref_slice %arg8[%add3A_410, %dma_start3A_411] : memref<53248x128xf32, #tpu.memory_space<hbm>> -> memref<104x128xf32, #tpu.memory_space<hbm>>
    %dma_start3A_413 = arith.constant 0 : i32
    %dma_start3A_414 = tpu.memref_slice %arg8[%add3A_410, %dma_start3A_413] : memref<53248x128xf32, #tpu.memory_space<hbm>> -> memref<104x128xf32, #tpu.memory_space<hbm>>
    tpu.enqueue_dma source(%arg16 : memref<104x128xf32, #tpu.memory_space<vmem>>) target(%dma_start3A_414 : memref<104x128xf32, #tpu.memory_space<hbm>>) target_semaphore(%arg22 : memref<!tpu.dma_semaphore, #tpu.memory_space<semaphore_mem>>)
    %dma_wait3A_415 = arith.constant 0 : i32
    %dma_wait3A_416 = tpu.memref_slice %arg8[%add3A_390, %dma_wait3A_415] : memref<53248x128xf32, #tpu.memory_space<hbm>> -> memref<104x128xf32, #tpu.memory_space<hbm>>
    %dma_wait3A_417 = arith.constant 0 : i32
    %dma_wait3A_418 = tpu.memref_slice %arg8[%add3A_390, %dma_wait3A_417] : memref<53248x128xf32, #tpu.memory_space<hbm>> -> memref<104x128xf32, #tpu.memory_space<hbm>>
    tpu.wait_dma2 semaphore(%arg22 : memref<!tpu.dma_semaphore, #tpu.memory_space<semaphore_mem>>) src(%arg15 : memref<104x128xf32, #tpu.memory_space<vmem>>) dst(%dma_wait3A_418 : memref<104x128xf32, #tpu.memory_space<hbm>>)
    %dma_start3A_419 = arith.constant 1560 : i32
    %dma_start3A_420 = tpu.memref_slice %arg10[%dma_start3A_419] : memref<1664xi32, #tpu.memory_space<vmem>> -> memref<104xi32, #tpu.memory_space<vmem>>
    %dma_start3A_421 = arith.constant 0 : i32
    %dma_start3A_422 = arith.constant 0 : i32
    %dma_start3A_423 = tpu.memref_slice %arg6[%dma_start3A_421, %dma_start3A_422] : memref<50000x128xf32, #tpu.memory_space<hbm>> -> memref<50000x128xf32, #tpu.memory_space<hbm>>
    tpu.enqueue_indirect_dma source(%dma_start3A_423 : memref<50000x128xf32, #tpu.memory_space<hbm>>) target(%arg15 : memref<104x128xf32, #tpu.memory_space<vmem>>) offsets(%dma_start3A_420 : memref<104xi32, #tpu.memory_space<vmem>>) semaphore(%arg21 : memref<!tpu.dma_semaphore, #tpu.memory_space<semaphore_mem>>)
    %dma_wait3A_424 = arith.constant 1040 : i32
    %dma_wait3A_425 = tpu.memref_slice %arg10[%dma_wait3A_424] : memref<1664xi32, #tpu.memory_space<vmem>> -> memref<104xi32, #tpu.memory_space<vmem>>
    %dma_wait3A_426 = arith.constant 0 : i32
    %dma_wait3A_427 = arith.constant 0 : i32
    %dma_wait3A_428 = tpu.memref_slice %arg6[%dma_wait3A_426, %dma_wait3A_427] : memref<50000x128xf32, #tpu.memory_space<hbm>> -> memref<50000x128xf32, #tpu.memory_space<hbm>>
    tpu.wait_indirect_dma semaphore(%arg21 : memref<!tpu.dma_semaphore, #tpu.memory_space<semaphore_mem>>) src(%dma_wait3A_428 : memref<50000x128xf32, #tpu.memory_space<hbm>>) dst(%arg17 : memref<104x128xf32, #tpu.memory_space<vmem>>)
    %add3A_429 = arith.constant 1040 : i32
    %add3A_430 = arith.addi %mul3A_2, %add3A_429 : i32
    %dma_start3A_431 = arith.constant 0 : i32
    %dma_start3A_432 = tpu.memref_slice %arg8[%add3A_430, %dma_start3A_431] : memref<53248x128xf32, #tpu.memory_space<hbm>> -> memref<104x128xf32, #tpu.memory_space<hbm>>
    %dma_start3A_433 = arith.constant 0 : i32
    %dma_start3A_434 = tpu.memref_slice %arg8[%add3A_430, %dma_start3A_433] : memref<53248x128xf32, #tpu.memory_space<hbm>> -> memref<104x128xf32, #tpu.memory_space<hbm>>
    tpu.enqueue_dma source(%arg17 : memref<104x128xf32, #tpu.memory_space<vmem>>) target(%dma_start3A_434 : memref<104x128xf32, #tpu.memory_space<hbm>>) target_semaphore(%arg22 : memref<!tpu.dma_semaphore, #tpu.memory_space<semaphore_mem>>)
    %dma_wait3A_435 = arith.constant 1144 : i32
    %dma_wait3A_436 = tpu.memref_slice %arg10[%dma_wait3A_435] : memref<1664xi32, #tpu.memory_space<vmem>> -> memref<104xi32, #tpu.memory_space<vmem>>
    %dma_wait3A_437 = arith.constant 0 : i32
    %dma_wait3A_438 = arith.constant 0 : i32
    %dma_wait3A_439 = tpu.memref_slice %arg6[%dma_wait3A_437, %dma_wait3A_438] : memref<50000x128xf32, #tpu.memory_space<hbm>> -> memref<50000x128xf32, #tpu.memory_space<hbm>>
    tpu.wait_indirect_dma semaphore(%arg21 : memref<!tpu.dma_semaphore, #tpu.memory_space<semaphore_mem>>) src(%dma_wait3A_439 : memref<50000x128xf32, #tpu.memory_space<hbm>>) dst(%arg18 : memref<104x128xf32, #tpu.memory_space<vmem>>)
    %add3A_440 = arith.constant 1144 : i32
    %add3A_441 = arith.addi %mul3A_2, %add3A_440 : i32
    %dma_start3A_442 = arith.constant 0 : i32
    %dma_start3A_443 = tpu.memref_slice %arg8[%add3A_441, %dma_start3A_442] : memref<53248x128xf32, #tpu.memory_space<hbm>> -> memref<104x128xf32, #tpu.memory_space<hbm>>
    %dma_start3A_444 = arith.constant 0 : i32
    %dma_start3A_445 = tpu.memref_slice %arg8[%add3A_441, %dma_start3A_444] : memref<53248x128xf32, #tpu.memory_space<hbm>> -> memref<104x128xf32, #tpu.memory_space<hbm>>
    tpu.enqueue_dma source(%arg18 : memref<104x128xf32, #tpu.memory_space<vmem>>) target(%dma_start3A_445 : memref<104x128xf32, #tpu.memory_space<hbm>>) target_semaphore(%arg22 : memref<!tpu.dma_semaphore, #tpu.memory_space<semaphore_mem>>)
    %dma_wait3A_446 = arith.constant 1248 : i32
    %dma_wait3A_447 = tpu.memref_slice %arg10[%dma_wait3A_446] : memref<1664xi32, #tpu.memory_space<vmem>> -> memref<104xi32, #tpu.memory_space<vmem>>
    %dma_wait3A_448 = arith.constant 0 : i32
    %dma_wait3A_449 = arith.constant 0 : i32
    %dma_wait3A_450 = tpu.memref_slice %arg6[%dma_wait3A_448, %dma_wait3A_449] : memref<50000x128xf32, #tpu.memory_space<hbm>> -> memref<50000x128xf32, #tpu.memory_space<hbm>>
    tpu.wait_indirect_dma semaphore(%arg21 : memref<!tpu.dma_semaphore, #tpu.memory_space<semaphore_mem>>) src(%dma_wait3A_450 : memref<50000x128xf32, #tpu.memory_space<hbm>>) dst(%arg19 : memref<104x128xf32, #tpu.memory_space<vmem>>)
    %add3A_451 = arith.constant 1248 : i32
    %add3A_452 = arith.addi %mul3A_2, %add3A_451 : i32
    %dma_start3A_453 = arith.constant 0 : i32
    %dma_start3A_454 = tpu.memref_slice %arg8[%add3A_452, %dma_start3A_453] : memref<53248x128xf32, #tpu.memory_space<hbm>> -> memref<104x128xf32, #tpu.memory_space<hbm>>
    %dma_start3A_455 = arith.constant 0 : i32
    %dma_start3A_456 = tpu.memref_slice %arg8[%add3A_452, %dma_start3A_455] : memref<53248x128xf32, #tpu.memory_space<hbm>> -> memref<104x128xf32, #tpu.memory_space<hbm>>
    tpu.enqueue_dma source(%arg19 : memref<104x128xf32, #tpu.memory_space<vmem>>) target(%dma_start3A_456 : memref<104x128xf32, #tpu.memory_space<hbm>>) target_semaphore(%arg22 : memref<!tpu.dma_semaphore, #tpu.memory_space<semaphore_mem>>)
    %dma_wait3A_457 = arith.constant 1352 : i32
    %dma_wait3A_458 = tpu.memref_slice %arg10[%dma_wait3A_457] : memref<1664xi32, #tpu.memory_space<vmem>> -> memref<104xi32, #tpu.memory_space<vmem>>
    %dma_wait3A_459 = arith.constant 0 : i32
    %dma_wait3A_460 = arith.constant 0 : i32
    %dma_wait3A_461 = tpu.memref_slice %arg6[%dma_wait3A_459, %dma_wait3A_460] : memref<50000x128xf32, #tpu.memory_space<hbm>> -> memref<50000x128xf32, #tpu.memory_space<hbm>>
    tpu.wait_indirect_dma semaphore(%arg21 : memref<!tpu.dma_semaphore, #tpu.memory_space<semaphore_mem>>) src(%dma_wait3A_461 : memref<50000x128xf32, #tpu.memory_space<hbm>>) dst(%arg20 : memref<104x128xf32, #tpu.memory_space<vmem>>)
    %add3A_462 = arith.constant 1352 : i32
    %add3A_463 = arith.addi %mul3A_2, %add3A_462 : i32
    %dma_start3A_464 = arith.constant 0 : i32
    %dma_start3A_465 = tpu.memref_slice %arg8[%add3A_463, %dma_start3A_464] : memref<53248x128xf32, #tpu.memory_space<hbm>> -> memref<104x128xf32, #tpu.memory_space<hbm>>
    %dma_start3A_466 = arith.constant 0 : i32
    %dma_start3A_467 = tpu.memref_slice %arg8[%add3A_463, %dma_start3A_466] : memref<53248x128xf32, #tpu.memory_space<hbm>> -> memref<104x128xf32, #tpu.memory_space<hbm>>
    tpu.enqueue_dma source(%arg20 : memref<104x128xf32, #tpu.memory_space<vmem>>) target(%dma_start3A_467 : memref<104x128xf32, #tpu.memory_space<hbm>>) target_semaphore(%arg22 : memref<!tpu.dma_semaphore, #tpu.memory_space<semaphore_mem>>)
    %dma_wait3A_468 = arith.constant 1456 : i32
    %dma_wait3A_469 = tpu.memref_slice %arg10[%dma_wait3A_468] : memref<1664xi32, #tpu.memory_space<vmem>> -> memref<104xi32, #tpu.memory_space<vmem>>
    %dma_wait3A_470 = arith.constant 0 : i32
    %dma_wait3A_471 = arith.constant 0 : i32
    %dma_wait3A_472 = tpu.memref_slice %arg6[%dma_wait3A_470, %dma_wait3A_471] : memref<50000x128xf32, #tpu.memory_space<hbm>> -> memref<50000x128xf32, #tpu.memory_space<hbm>>
    tpu.wait_indirect_dma semaphore(%arg21 : memref<!tpu.dma_semaphore, #tpu.memory_space<semaphore_mem>>) src(%dma_wait3A_472 : memref<50000x128xf32, #tpu.memory_space<hbm>>) dst(%arg14 : memref<104x128xf32, #tpu.memory_space<vmem>>)
    %add3A_473 = arith.constant 1456 : i32
    %add3A_474 = arith.addi %mul3A_2, %add3A_473 : i32
    %dma_start3A_475 = arith.constant 0 : i32
    %dma_start3A_476 = tpu.memref_slice %arg8[%add3A_474, %dma_start3A_475] : memref<53248x128xf32, #tpu.memory_space<hbm>> -> memref<104x128xf32, #tpu.memory_space<hbm>>
    %dma_start3A_477 = arith.constant 0 : i32
    %dma_start3A_478 = tpu.memref_slice %arg8[%add3A_474, %dma_start3A_477] : memref<53248x128xf32, #tpu.memory_space<hbm>> -> memref<104x128xf32, #tpu.memory_space<hbm>>
    tpu.enqueue_dma source(%arg14 : memref<104x128xf32, #tpu.memory_space<vmem>>) target(%dma_start3A_478 : memref<104x128xf32, #tpu.memory_space<hbm>>) target_semaphore(%arg22 : memref<!tpu.dma_semaphore, #tpu.memory_space<semaphore_mem>>)
    %dma_wait3A_479 = arith.constant 1560 : i32
    %dma_wait3A_480 = tpu.memref_slice %arg10[%dma_wait3A_479] : memref<1664xi32, #tpu.memory_space<vmem>> -> memref<104xi32, #tpu.memory_space<vmem>>
    %dma_wait3A_481 = arith.constant 0 : i32
    %dma_wait3A_482 = arith.constant 0 : i32
    %dma_wait3A_483 = tpu.memref_slice %arg6[%dma_wait3A_481, %dma_wait3A_482] : memref<50000x128xf32, #tpu.memory_space<hbm>> -> memref<50000x128xf32, #tpu.memory_space<hbm>>
    tpu.wait_indirect_dma semaphore(%arg21 : memref<!tpu.dma_semaphore, #tpu.memory_space<semaphore_mem>>) src(%dma_wait3A_483 : memref<50000x128xf32, #tpu.memory_space<hbm>>) dst(%arg15 : memref<104x128xf32, #tpu.memory_space<vmem>>)
    %add3A_484 = arith.constant 1560 : i32
    %add3A_485 = arith.addi %mul3A_2, %add3A_484 : i32
    %dma_start3A_486 = arith.constant 0 : i32
    %dma_start3A_487 = tpu.memref_slice %arg8[%add3A_485, %dma_start3A_486] : memref<53248x128xf32, #tpu.memory_space<hbm>> -> memref<104x128xf32, #tpu.memory_space<hbm>>
    %dma_start3A_488 = arith.constant 0 : i32
    %dma_start3A_489 = tpu.memref_slice %arg8[%add3A_485, %dma_start3A_488] : memref<53248x128xf32, #tpu.memory_space<hbm>> -> memref<104x128xf32, #tpu.memory_space<hbm>>
    tpu.enqueue_dma source(%arg15 : memref<104x128xf32, #tpu.memory_space<vmem>>) target(%dma_start3A_489 : memref<104x128xf32, #tpu.memory_space<hbm>>) target_semaphore(%arg22 : memref<!tpu.dma_semaphore, #tpu.memory_space<semaphore_mem>>)
    %dma_wait3A_490 = arith.constant 0 : i32
    %dma_wait3A_491 = tpu.memref_slice %arg8[%add3A_410, %dma_wait3A_490] : memref<53248x128xf32, #tpu.memory_space<hbm>> -> memref<104x128xf32, #tpu.memory_space<hbm>>
    %dma_wait3A_492 = arith.constant 0 : i32
    %dma_wait3A_493 = tpu.memref_slice %arg8[%add3A_410, %dma_wait3A_492] : memref<53248x128xf32, #tpu.memory_space<hbm>> -> memref<104x128xf32, #tpu.memory_space<hbm>>
    tpu.wait_dma2 semaphore(%arg22 : memref<!tpu.dma_semaphore, #tpu.memory_space<semaphore_mem>>) src(%arg16 : memref<104x128xf32, #tpu.memory_space<vmem>>) dst(%dma_wait3A_493 : memref<104x128xf32, #tpu.memory_space<hbm>>)
    %dma_wait3A_494 = arith.constant 0 : i32
    %dma_wait3A_495 = tpu.memref_slice %arg8[%add3A_430, %dma_wait3A_494] : memref<53248x128xf32, #tpu.memory_space<hbm>> -> memref<104x128xf32, #tpu.memory_space<hbm>>
    %dma_wait3A_496 = arith.constant 0 : i32
    %dma_wait3A_497 = tpu.memref_slice %arg8[%add3A_430, %dma_wait3A_496] : memref<53248x128xf32, #tpu.memory_space<hbm>> -> memref<104x128xf32, #tpu.memory_space<hbm>>
    tpu.wait_dma2 semaphore(%arg22 : memref<!tpu.dma_semaphore, #tpu.memory_space<semaphore_mem>>) src(%arg17 : memref<104x128xf32, #tpu.memory_space<vmem>>) dst(%dma_wait3A_497 : memref<104x128xf32, #tpu.memory_space<hbm>>)
    %dma_wait3A_498 = arith.constant 0 : i32
    %dma_wait3A_499 = tpu.memref_slice %arg8[%add3A_441, %dma_wait3A_498] : memref<53248x128xf32, #tpu.memory_space<hbm>> -> memref<104x128xf32, #tpu.memory_space<hbm>>
    %dma_wait3A_500 = arith.constant 0 : i32
    %dma_wait3A_501 = tpu.memref_slice %arg8[%add3A_441, %dma_wait3A_500] : memref<53248x128xf32, #tpu.memory_space<hbm>> -> memref<104x128xf32, #tpu.memory_space<hbm>>
    tpu.wait_dma2 semaphore(%arg22 : memref<!tpu.dma_semaphore, #tpu.memory_space<semaphore_mem>>) src(%arg18 : memref<104x128xf32, #tpu.memory_space<vmem>>) dst(%dma_wait3A_501 : memref<104x128xf32, #tpu.memory_space<hbm>>)
    %dma_wait3A_502 = arith.constant 0 : i32
    %dma_wait3A_503 = tpu.memref_slice %arg8[%add3A_452, %dma_wait3A_502] : memref<53248x128xf32, #tpu.memory_space<hbm>> -> memref<104x128xf32, #tpu.memory_space<hbm>>
    %dma_wait3A_504 = arith.constant 0 : i32
    %dma_wait3A_505 = tpu.memref_slice %arg8[%add3A_452, %dma_wait3A_504] : memref<53248x128xf32, #tpu.memory_space<hbm>> -> memref<104x128xf32, #tpu.memory_space<hbm>>
    tpu.wait_dma2 semaphore(%arg22 : memref<!tpu.dma_semaphore, #tpu.memory_space<semaphore_mem>>) src(%arg19 : memref<104x128xf32, #tpu.memory_space<vmem>>) dst(%dma_wait3A_505 : memref<104x128xf32, #tpu.memory_space<hbm>>)
    %dma_wait3A_506 = arith.constant 0 : i32
    %dma_wait3A_507 = tpu.memref_slice %arg8[%add3A_463, %dma_wait3A_506] : memref<53248x128xf32, #tpu.memory_space<hbm>> -> memref<104x128xf32, #tpu.memory_space<hbm>>
    %dma_wait3A_508 = arith.constant 0 : i32
    %dma_wait3A_509 = tpu.memref_slice %arg8[%add3A_463, %dma_wait3A_508] : memref<53248x128xf32, #tpu.memory_space<hbm>> -> memref<104x128xf32, #tpu.memory_space<hbm>>
    tpu.wait_dma2 semaphore(%arg22 : memref<!tpu.dma_semaphore, #tpu.memory_space<semaphore_mem>>) src(%arg20 : memref<104x128xf32, #tpu.memory_space<vmem>>) dst(%dma_wait3A_509 : memref<104x128xf32, #tpu.memory_space<hbm>>)
    %dma_wait3A_510 = arith.constant 0 : i32
    %dma_wait3A_511 = tpu.memref_slice %arg8[%add3A_474, %dma_wait3A_510] : memref<53248x128xf32, #tpu.memory_space<hbm>> -> memref<104x128xf32, #tpu.memory_space<hbm>>
    %dma_wait3A_512 = arith.constant 0 : i32
    %dma_wait3A_513 = tpu.memref_slice %arg8[%add3A_474, %dma_wait3A_512] : memref<53248x128xf32, #tpu.memory_space<hbm>> -> memref<104x128xf32, #tpu.memory_space<hbm>>
    tpu.wait_dma2 semaphore(%arg22 : memref<!tpu.dma_semaphore, #tpu.memory_space<semaphore_mem>>) src(%arg14 : memref<104x128xf32, #tpu.memory_space<vmem>>) dst(%dma_wait3A_513 : memref<104x128xf32, #tpu.memory_space<hbm>>)
    %dma_wait3A_514 = arith.constant 0 : i32
    %dma_wait3A_515 = tpu.memref_slice %arg8[%add3A_485, %dma_wait3A_514] : memref<53248x128xf32, #tpu.memory_space<hbm>> -> memref<104x128xf32, #tpu.memory_space<hbm>>
    %dma_wait3A_516 = arith.constant 0 : i32
    %dma_wait3A_517 = tpu.memref_slice %arg8[%add3A_485, %dma_wait3A_516] : memref<53248x128xf32, #tpu.memory_space<hbm>> -> memref<104x128xf32, #tpu.memory_space<hbm>>
    tpu.wait_dma2 semaphore(%arg22 : memref<!tpu.dma_semaphore, #tpu.memory_space<semaphore_mem>>) src(%arg15 : memref<104x128xf32, #tpu.memory_space<vmem>>) dst(%dma_wait3A_517 : memref<104x128xf32, #tpu.memory_space<hbm>>)
    return
  }
}

#map = affine_map<(d0, d1) -> (0)>
#map1 = affine_map<(d0, d1) -> (0, 0)>
module attributes {stable_mosaic.version = 14 : i64} {
  func.func @k(%arg0: i32, %arg1: i32, %arg2: memref<53248xf32, #tpu.memory_space<hbm>>, %arg3: memref<53248xf32, #tpu.memory_space<hbm>>, %arg4: memref<53248xf32, #tpu.memory_space<hbm>>, %arg5: memref<53248xf32, #tpu.memory_space<hbm>>, %arg6: memref<53248xi32, #tpu.memory_space<hbm>>, %arg7: memref<53248xf32, #tpu.memory_space<hbm>>, %arg8: memref<4x53248xf32, #tpu.memory_space<hbm>>, %arg9: memref<1664xi32, #tpu.memory_space<vmem>>, %arg10: memref<1664xf32, #tpu.memory_space<vmem>>, %arg11: memref<1664xf32, #tpu.memory_space<vmem>>, %arg12: memref<1664xf32, #tpu.memory_space<vmem>>, %arg13: memref<1664xf32, #tpu.memory_space<vmem>>, %arg14: memref<1664xf32, #tpu.memory_space<vmem>>, %arg15: memref<1664xf32, #tpu.memory_space<vmem>>, %arg16: memref<1664xf32, #tpu.memory_space<vmem>>, %arg17: memref<1664xf32, #tpu.memory_space<vmem>>, %arg18: memref<4x1664xf32, #tpu.memory_space<vmem>>, %arg19: memref<!tpu.dma_semaphore, #tpu.memory_space<semaphore_mem>>) attributes {dimension_semantics = [#tpu.dimension_semantics<core_parallel>, #tpu.dimension_semantics<subcore_parallel>], iteration_bounds = array<i64: 2, 16>, scalar_prefetch = 0 : i64, scratch_operands = 11 : i64, tpu.core_type = #tpu.core_type<sc_vector_subcore>, window_params = [{transform_indices = #map}, {transform_indices = #map}, {transform_indices = #map}, {transform_indices = #map}, {transform_indices = #map}, {transform_indices = #map}, {transform_indices = #map1}]} {
    %mul3A = arith.constant 2 : i32
    %mul3A_0 = arith.muli %arg1, %mul3A : i32
    %add3A = arith.addi %mul3A_0, %arg0 : i32
    %mul3A_1 = arith.constant 1664 : i32
    %mul3A_2 = arith.muli %add3A, %mul3A_1 : i32
    "tpu.region"() ({
      %run_scoped3A = tpu.sem_alloc : memref<!tpu.dma_semaphore, #tpu.memory_space<semaphore_mem>>
      %dma_start3A_774 = tpu.memref_slice %arg6[%mul3A_2] : memref<53248xi32, #tpu.memory_space<hbm>> -> memref<1664xi32, #tpu.memory_space<hbm>>
      %dma_start3A_775 = tpu.memref_slice %arg6[%mul3A_2] : memref<53248xi32, #tpu.memory_space<hbm>> -> memref<1664xi32, #tpu.memory_space<hbm>>
      tpu.enqueue_dma source(%dma_start3A_775 : memref<1664xi32, #tpu.memory_space<hbm>>) target(%arg9 : memref<1664xi32, #tpu.memory_space<vmem>>) target_semaphore(%run_scoped3A : memref<!tpu.dma_semaphore, #tpu.memory_space<semaphore_mem>>)
      %dma_wait3A_776 = tpu.memref_slice %arg6[%mul3A_2] : memref<53248xi32, #tpu.memory_space<hbm>> -> memref<1664xi32, #tpu.memory_space<hbm>>
      %dma_wait3A_777 = tpu.memref_slice %arg6[%mul3A_2] : memref<53248xi32, #tpu.memory_space<hbm>> -> memref<1664xi32, #tpu.memory_space<hbm>>
      tpu.wait_dma2 semaphore(%run_scoped3A : memref<!tpu.dma_semaphore, #tpu.memory_space<semaphore_mem>>) src(%dma_wait3A_777 : memref<1664xi32, #tpu.memory_space<hbm>>) dst(%arg9 : memref<1664xi32, #tpu.memory_space<vmem>>)
      tpu.yield
    }) : () -> ()
    "tpu.region"() ({
      %run_scoped3A = tpu.sem_alloc : memref<!tpu.dma_semaphore, #tpu.memory_space<semaphore_mem>>
      %dma_start3A_774 = tpu.memref_slice %arg2[%mul3A_2] : memref<53248xf32, #tpu.memory_space<hbm>> -> memref<1664xf32, #tpu.memory_space<hbm>>
      %dma_start3A_775 = tpu.memref_slice %arg2[%mul3A_2] : memref<53248xf32, #tpu.memory_space<hbm>> -> memref<1664xf32, #tpu.memory_space<hbm>>
      tpu.enqueue_dma source(%dma_start3A_775 : memref<1664xf32, #tpu.memory_space<hbm>>) target(%arg14 : memref<1664xf32, #tpu.memory_space<vmem>>) target_semaphore(%run_scoped3A : memref<!tpu.dma_semaphore, #tpu.memory_space<semaphore_mem>>)
      %dma_wait3A_776 = tpu.memref_slice %arg2[%mul3A_2] : memref<53248xf32, #tpu.memory_space<hbm>> -> memref<1664xf32, #tpu.memory_space<hbm>>
      %dma_wait3A_777 = tpu.memref_slice %arg2[%mul3A_2] : memref<53248xf32, #tpu.memory_space<hbm>> -> memref<1664xf32, #tpu.memory_space<hbm>>
      tpu.wait_dma2 semaphore(%run_scoped3A : memref<!tpu.dma_semaphore, #tpu.memory_space<semaphore_mem>>) src(%dma_wait3A_777 : memref<1664xf32, #tpu.memory_space<hbm>>) dst(%arg14 : memref<1664xf32, #tpu.memory_space<vmem>>)
      tpu.yield
    }) : () -> ()
    "tpu.region"() ({
      %run_scoped3A = tpu.sem_alloc : memref<!tpu.dma_semaphore, #tpu.memory_space<semaphore_mem>>
      %dma_start3A_774 = tpu.memref_slice %arg3[%mul3A_2] : memref<53248xf32, #tpu.memory_space<hbm>> -> memref<1664xf32, #tpu.memory_space<hbm>>
      %dma_start3A_775 = tpu.memref_slice %arg3[%mul3A_2] : memref<53248xf32, #tpu.memory_space<hbm>> -> memref<1664xf32, #tpu.memory_space<hbm>>
      tpu.enqueue_dma source(%dma_start3A_775 : memref<1664xf32, #tpu.memory_space<hbm>>) target(%arg15 : memref<1664xf32, #tpu.memory_space<vmem>>) target_semaphore(%run_scoped3A : memref<!tpu.dma_semaphore, #tpu.memory_space<semaphore_mem>>)
      %dma_wait3A_776 = tpu.memref_slice %arg3[%mul3A_2] : memref<53248xf32, #tpu.memory_space<hbm>> -> memref<1664xf32, #tpu.memory_space<hbm>>
      %dma_wait3A_777 = tpu.memref_slice %arg3[%mul3A_2] : memref<53248xf32, #tpu.memory_space<hbm>> -> memref<1664xf32, #tpu.memory_space<hbm>>
      tpu.wait_dma2 semaphore(%run_scoped3A : memref<!tpu.dma_semaphore, #tpu.memory_space<semaphore_mem>>) src(%dma_wait3A_777 : memref<1664xf32, #tpu.memory_space<hbm>>) dst(%arg15 : memref<1664xf32, #tpu.memory_space<vmem>>)
      tpu.yield
    }) : () -> ()
    "tpu.region"() ({
      %run_scoped3A = tpu.sem_alloc : memref<!tpu.dma_semaphore, #tpu.memory_space<semaphore_mem>>
      %dma_start3A_774 = tpu.memref_slice %arg4[%mul3A_2] : memref<53248xf32, #tpu.memory_space<hbm>> -> memref<1664xf32, #tpu.memory_space<hbm>>
      %dma_start3A_775 = tpu.memref_slice %arg4[%mul3A_2] : memref<53248xf32, #tpu.memory_space<hbm>> -> memref<1664xf32, #tpu.memory_space<hbm>>
      tpu.enqueue_dma source(%dma_start3A_775 : memref<1664xf32, #tpu.memory_space<hbm>>) target(%arg16 : memref<1664xf32, #tpu.memory_space<vmem>>) target_semaphore(%run_scoped3A : memref<!tpu.dma_semaphore, #tpu.memory_space<semaphore_mem>>)
      %dma_wait3A_776 = tpu.memref_slice %arg4[%mul3A_2] : memref<53248xf32, #tpu.memory_space<hbm>> -> memref<1664xf32, #tpu.memory_space<hbm>>
      %dma_wait3A_777 = tpu.memref_slice %arg4[%mul3A_2] : memref<53248xf32, #tpu.memory_space<hbm>> -> memref<1664xf32, #tpu.memory_space<hbm>>
      tpu.wait_dma2 semaphore(%run_scoped3A : memref<!tpu.dma_semaphore, #tpu.memory_space<semaphore_mem>>) src(%dma_wait3A_777 : memref<1664xf32, #tpu.memory_space<hbm>>) dst(%arg16 : memref<1664xf32, #tpu.memory_space<vmem>>)
      tpu.yield
    }) : () -> ()
    %dma_start3A = arith.constant 0 : i32
    %dma_start3A_3 = tpu.memref_slice %arg10[%dma_start3A] : memref<1664xf32, #tpu.memory_space<vmem>> -> memref<104xf32, #tpu.memory_space<vmem>>
    %dma_start3A_4 = arith.constant 0 : i32
    %dma_start3A_5 = tpu.memref_slice %arg9[%dma_start3A_4] : memref<1664xi32, #tpu.memory_space<vmem>> -> memref<104xi32, #tpu.memory_space<vmem>>
    %dma_start3A_6 = arith.constant 0 : i32
    %dma_start3A_7 = tpu.memref_slice %arg2[%dma_start3A_6] : memref<53248xf32, #tpu.memory_space<hbm>> -> memref<53248xf32, #tpu.memory_space<hbm>>
    tpu.enqueue_indirect_dma source(%dma_start3A_7 : memref<53248xf32, #tpu.memory_space<hbm>>) target(%dma_start3A_3 : memref<104xf32, #tpu.memory_space<vmem>>) offsets(%dma_start3A_5 : memref<104xi32, #tpu.memory_space<vmem>>) semaphore(%arg19 : memref<!tpu.dma_semaphore, #tpu.memory_space<semaphore_mem>>)
    %dma_start3A_8 = arith.constant 0 : i32
    %dma_start3A_9 = tpu.memref_slice %arg11[%dma_start3A_8] : memref<1664xf32, #tpu.memory_space<vmem>> -> memref<104xf32, #tpu.memory_space<vmem>>
    %dma_start3A_10 = arith.constant 0 : i32
    %dma_start3A_11 = tpu.memref_slice %arg9[%dma_start3A_10] : memref<1664xi32, #tpu.memory_space<vmem>> -> memref<104xi32, #tpu.memory_space<vmem>>
    %dma_start3A_12 = arith.constant 0 : i32
    %dma_start3A_13 = tpu.memref_slice %arg3[%dma_start3A_12] : memref<53248xf32, #tpu.memory_space<hbm>> -> memref<53248xf32, #tpu.memory_space<hbm>>
    tpu.enqueue_indirect_dma source(%dma_start3A_13 : memref<53248xf32, #tpu.memory_space<hbm>>) target(%dma_start3A_9 : memref<104xf32, #tpu.memory_space<vmem>>) offsets(%dma_start3A_11 : memref<104xi32, #tpu.memory_space<vmem>>) semaphore(%arg19 : memref<!tpu.dma_semaphore, #tpu.memory_space<semaphore_mem>>)
    %dma_start3A_14 = arith.constant 0 : i32
    %dma_start3A_15 = tpu.memref_slice %arg12[%dma_start3A_14] : memref<1664xf32, #tpu.memory_space<vmem>> -> memref<104xf32, #tpu.memory_space<vmem>>
    %dma_start3A_16 = arith.constant 0 : i32
    %dma_start3A_17 = tpu.memref_slice %arg9[%dma_start3A_16] : memref<1664xi32, #tpu.memory_space<vmem>> -> memref<104xi32, #tpu.memory_space<vmem>>
    %dma_start3A_18 = arith.constant 0 : i32
    %dma_start3A_19 = tpu.memref_slice %arg4[%dma_start3A_18] : memref<53248xf32, #tpu.memory_space<hbm>> -> memref<53248xf32, #tpu.memory_space<hbm>>
    tpu.enqueue_indirect_dma source(%dma_start3A_19 : memref<53248xf32, #tpu.memory_space<hbm>>) target(%dma_start3A_15 : memref<104xf32, #tpu.memory_space<vmem>>) offsets(%dma_start3A_17 : memref<104xi32, #tpu.memory_space<vmem>>) semaphore(%arg19 : memref<!tpu.dma_semaphore, #tpu.memory_space<semaphore_mem>>)
    %dma_start3A_20 = arith.constant 0 : i32
    %dma_start3A_21 = tpu.memref_slice %arg13[%dma_start3A_20] : memref<1664xf32, #tpu.memory_space<vmem>> -> memref<104xf32, #tpu.memory_space<vmem>>
    %dma_start3A_22 = arith.constant 0 : i32
    %dma_start3A_23 = tpu.memref_slice %arg9[%dma_start3A_22] : memref<1664xi32, #tpu.memory_space<vmem>> -> memref<104xi32, #tpu.memory_space<vmem>>
    %dma_start3A_24 = arith.constant 0 : i32
    %dma_start3A_25 = tpu.memref_slice %arg5[%dma_start3A_24] : memref<53248xf32, #tpu.memory_space<hbm>> -> memref<53248xf32, #tpu.memory_space<hbm>>
    tpu.enqueue_indirect_dma source(%dma_start3A_25 : memref<53248xf32, #tpu.memory_space<hbm>>) target(%dma_start3A_21 : memref<104xf32, #tpu.memory_space<vmem>>) offsets(%dma_start3A_23 : memref<104xi32, #tpu.memory_space<vmem>>) semaphore(%arg19 : memref<!tpu.dma_semaphore, #tpu.memory_space<semaphore_mem>>)
    %dma_start3A_26 = arith.constant 104 : i32
    %dma_start3A_27 = tpu.memref_slice %arg10[%dma_start3A_26] : memref<1664xf32, #tpu.memory_space<vmem>> -> memref<104xf32, #tpu.memory_space<vmem>>
    %dma_start3A_28 = arith.constant 104 : i32
    %dma_start3A_29 = tpu.memref_slice %arg9[%dma_start3A_28] : memref<1664xi32, #tpu.memory_space<vmem>> -> memref<104xi32, #tpu.memory_space<vmem>>
    %dma_start3A_30 = arith.constant 0 : i32
    %dma_start3A_31 = tpu.memref_slice %arg2[%dma_start3A_30] : memref<53248xf32, #tpu.memory_space<hbm>> -> memref<53248xf32, #tpu.memory_space<hbm>>
    tpu.enqueue_indirect_dma source(%dma_start3A_31 : memref<53248xf32, #tpu.memory_space<hbm>>) target(%dma_start3A_27 : memref<104xf32, #tpu.memory_space<vmem>>) offsets(%dma_start3A_29 : memref<104xi32, #tpu.memory_space<vmem>>) semaphore(%arg19 : memref<!tpu.dma_semaphore, #tpu.memory_space<semaphore_mem>>)
    %dma_start3A_32 = arith.constant 104 : i32
    %dma_start3A_33 = tpu.memref_slice %arg11[%dma_start3A_32] : memref<1664xf32, #tpu.memory_space<vmem>> -> memref<104xf32, #tpu.memory_space<vmem>>
    %dma_start3A_34 = arith.constant 104 : i32
    %dma_start3A_35 = tpu.memref_slice %arg9[%dma_start3A_34] : memref<1664xi32, #tpu.memory_space<vmem>> -> memref<104xi32, #tpu.memory_space<vmem>>
    %dma_start3A_36 = arith.constant 0 : i32
    %dma_start3A_37 = tpu.memref_slice %arg3[%dma_start3A_36] : memref<53248xf32, #tpu.memory_space<hbm>> -> memref<53248xf32, #tpu.memory_space<hbm>>
    tpu.enqueue_indirect_dma source(%dma_start3A_37 : memref<53248xf32, #tpu.memory_space<hbm>>) target(%dma_start3A_33 : memref<104xf32, #tpu.memory_space<vmem>>) offsets(%dma_start3A_35 : memref<104xi32, #tpu.memory_space<vmem>>) semaphore(%arg19 : memref<!tpu.dma_semaphore, #tpu.memory_space<semaphore_mem>>)
    %dma_start3A_38 = arith.constant 104 : i32
    %dma_start3A_39 = tpu.memref_slice %arg12[%dma_start3A_38] : memref<1664xf32, #tpu.memory_space<vmem>> -> memref<104xf32, #tpu.memory_space<vmem>>
    %dma_start3A_40 = arith.constant 104 : i32
    %dma_start3A_41 = tpu.memref_slice %arg9[%dma_start3A_40] : memref<1664xi32, #tpu.memory_space<vmem>> -> memref<104xi32, #tpu.memory_space<vmem>>
    %dma_start3A_42 = arith.constant 0 : i32
    %dma_start3A_43 = tpu.memref_slice %arg4[%dma_start3A_42] : memref<53248xf32, #tpu.memory_space<hbm>> -> memref<53248xf32, #tpu.memory_space<hbm>>
    tpu.enqueue_indirect_dma source(%dma_start3A_43 : memref<53248xf32, #tpu.memory_space<hbm>>) target(%dma_start3A_39 : memref<104xf32, #tpu.memory_space<vmem>>) offsets(%dma_start3A_41 : memref<104xi32, #tpu.memory_space<vmem>>) semaphore(%arg19 : memref<!tpu.dma_semaphore, #tpu.memory_space<semaphore_mem>>)
    %dma_start3A_44 = arith.constant 104 : i32
    %dma_start3A_45 = tpu.memref_slice %arg13[%dma_start3A_44] : memref<1664xf32, #tpu.memory_space<vmem>> -> memref<104xf32, #tpu.memory_space<vmem>>
    %dma_start3A_46 = arith.constant 104 : i32
    %dma_start3A_47 = tpu.memref_slice %arg9[%dma_start3A_46] : memref<1664xi32, #tpu.memory_space<vmem>> -> memref<104xi32, #tpu.memory_space<vmem>>
    %dma_start3A_48 = arith.constant 0 : i32
    %dma_start3A_49 = tpu.memref_slice %arg5[%dma_start3A_48] : memref<53248xf32, #tpu.memory_space<hbm>> -> memref<53248xf32, #tpu.memory_space<hbm>>
    tpu.enqueue_indirect_dma source(%dma_start3A_49 : memref<53248xf32, #tpu.memory_space<hbm>>) target(%dma_start3A_45 : memref<104xf32, #tpu.memory_space<vmem>>) offsets(%dma_start3A_47 : memref<104xi32, #tpu.memory_space<vmem>>) semaphore(%arg19 : memref<!tpu.dma_semaphore, #tpu.memory_space<semaphore_mem>>)
    %dma_start3A_50 = arith.constant 208 : i32
    %dma_start3A_51 = tpu.memref_slice %arg10[%dma_start3A_50] : memref<1664xf32, #tpu.memory_space<vmem>> -> memref<104xf32, #tpu.memory_space<vmem>>
    %dma_start3A_52 = arith.constant 208 : i32
    %dma_start3A_53 = tpu.memref_slice %arg9[%dma_start3A_52] : memref<1664xi32, #tpu.memory_space<vmem>> -> memref<104xi32, #tpu.memory_space<vmem>>
    %dma_start3A_54 = arith.constant 0 : i32
    %dma_start3A_55 = tpu.memref_slice %arg2[%dma_start3A_54] : memref<53248xf32, #tpu.memory_space<hbm>> -> memref<53248xf32, #tpu.memory_space<hbm>>
    tpu.enqueue_indirect_dma source(%dma_start3A_55 : memref<53248xf32, #tpu.memory_space<hbm>>) target(%dma_start3A_51 : memref<104xf32, #tpu.memory_space<vmem>>) offsets(%dma_start3A_53 : memref<104xi32, #tpu.memory_space<vmem>>) semaphore(%arg19 : memref<!tpu.dma_semaphore, #tpu.memory_space<semaphore_mem>>)
    %dma_start3A_56 = arith.constant 208 : i32
    %dma_start3A_57 = tpu.memref_slice %arg11[%dma_start3A_56] : memref<1664xf32, #tpu.memory_space<vmem>> -> memref<104xf32, #tpu.memory_space<vmem>>
    %dma_start3A_58 = arith.constant 208 : i32
    %dma_start3A_59 = tpu.memref_slice %arg9[%dma_start3A_58] : memref<1664xi32, #tpu.memory_space<vmem>> -> memref<104xi32, #tpu.memory_space<vmem>>
    %dma_start3A_60 = arith.constant 0 : i32
    %dma_start3A_61 = tpu.memref_slice %arg3[%dma_start3A_60] : memref<53248xf32, #tpu.memory_space<hbm>> -> memref<53248xf32, #tpu.memory_space<hbm>>
    tpu.enqueue_indirect_dma source(%dma_start3A_61 : memref<53248xf32, #tpu.memory_space<hbm>>) target(%dma_start3A_57 : memref<104xf32, #tpu.memory_space<vmem>>) offsets(%dma_start3A_59 : memref<104xi32, #tpu.memory_space<vmem>>) semaphore(%arg19 : memref<!tpu.dma_semaphore, #tpu.memory_space<semaphore_mem>>)
    %dma_start3A_62 = arith.constant 208 : i32
    %dma_start3A_63 = tpu.memref_slice %arg12[%dma_start3A_62] : memref<1664xf32, #tpu.memory_space<vmem>> -> memref<104xf32, #tpu.memory_space<vmem>>
    %dma_start3A_64 = arith.constant 208 : i32
    %dma_start3A_65 = tpu.memref_slice %arg9[%dma_start3A_64] : memref<1664xi32, #tpu.memory_space<vmem>> -> memref<104xi32, #tpu.memory_space<vmem>>
    %dma_start3A_66 = arith.constant 0 : i32
    %dma_start3A_67 = tpu.memref_slice %arg4[%dma_start3A_66] : memref<53248xf32, #tpu.memory_space<hbm>> -> memref<53248xf32, #tpu.memory_space<hbm>>
    tpu.enqueue_indirect_dma source(%dma_start3A_67 : memref<53248xf32, #tpu.memory_space<hbm>>) target(%dma_start3A_63 : memref<104xf32, #tpu.memory_space<vmem>>) offsets(%dma_start3A_65 : memref<104xi32, #tpu.memory_space<vmem>>) semaphore(%arg19 : memref<!tpu.dma_semaphore, #tpu.memory_space<semaphore_mem>>)
    %dma_start3A_68 = arith.constant 208 : i32
    %dma_start3A_69 = tpu.memref_slice %arg13[%dma_start3A_68] : memref<1664xf32, #tpu.memory_space<vmem>> -> memref<104xf32, #tpu.memory_space<vmem>>
    %dma_start3A_70 = arith.constant 208 : i32
    %dma_start3A_71 = tpu.memref_slice %arg9[%dma_start3A_70] : memref<1664xi32, #tpu.memory_space<vmem>> -> memref<104xi32, #tpu.memory_space<vmem>>
    %dma_start3A_72 = arith.constant 0 : i32
    %dma_start3A_73 = tpu.memref_slice %arg5[%dma_start3A_72] : memref<53248xf32, #tpu.memory_space<hbm>> -> memref<53248xf32, #tpu.memory_space<hbm>>
    tpu.enqueue_indirect_dma source(%dma_start3A_73 : memref<53248xf32, #tpu.memory_space<hbm>>) target(%dma_start3A_69 : memref<104xf32, #tpu.memory_space<vmem>>) offsets(%dma_start3A_71 : memref<104xi32, #tpu.memory_space<vmem>>) semaphore(%arg19 : memref<!tpu.dma_semaphore, #tpu.memory_space<semaphore_mem>>)
    %dma_start3A_74 = arith.constant 312 : i32
    %dma_start3A_75 = tpu.memref_slice %arg10[%dma_start3A_74] : memref<1664xf32, #tpu.memory_space<vmem>> -> memref<104xf32, #tpu.memory_space<vmem>>
    %dma_start3A_76 = arith.constant 312 : i32
    %dma_start3A_77 = tpu.memref_slice %arg9[%dma_start3A_76] : memref<1664xi32, #tpu.memory_space<vmem>> -> memref<104xi32, #tpu.memory_space<vmem>>
    %dma_start3A_78 = arith.constant 0 : i32
    %dma_start3A_79 = tpu.memref_slice %arg2[%dma_start3A_78] : memref<53248xf32, #tpu.memory_space<hbm>> -> memref<53248xf32, #tpu.memory_space<hbm>>
    tpu.enqueue_indirect_dma source(%dma_start3A_79 : memref<53248xf32, #tpu.memory_space<hbm>>) target(%dma_start3A_75 : memref<104xf32, #tpu.memory_space<vmem>>) offsets(%dma_start3A_77 : memref<104xi32, #tpu.memory_space<vmem>>) semaphore(%arg19 : memref<!tpu.dma_semaphore, #tpu.memory_space<semaphore_mem>>)
    %dma_start3A_80 = arith.constant 312 : i32
    %dma_start3A_81 = tpu.memref_slice %arg11[%dma_start3A_80] : memref<1664xf32, #tpu.memory_space<vmem>> -> memref<104xf32, #tpu.memory_space<vmem>>
    %dma_start3A_82 = arith.constant 312 : i32
    %dma_start3A_83 = tpu.memref_slice %arg9[%dma_start3A_82] : memref<1664xi32, #tpu.memory_space<vmem>> -> memref<104xi32, #tpu.memory_space<vmem>>
    %dma_start3A_84 = arith.constant 0 : i32
    %dma_start3A_85 = tpu.memref_slice %arg3[%dma_start3A_84] : memref<53248xf32, #tpu.memory_space<hbm>> -> memref<53248xf32, #tpu.memory_space<hbm>>
    tpu.enqueue_indirect_dma source(%dma_start3A_85 : memref<53248xf32, #tpu.memory_space<hbm>>) target(%dma_start3A_81 : memref<104xf32, #tpu.memory_space<vmem>>) offsets(%dma_start3A_83 : memref<104xi32, #tpu.memory_space<vmem>>) semaphore(%arg19 : memref<!tpu.dma_semaphore, #tpu.memory_space<semaphore_mem>>)
    %dma_start3A_86 = arith.constant 312 : i32
    %dma_start3A_87 = tpu.memref_slice %arg12[%dma_start3A_86] : memref<1664xf32, #tpu.memory_space<vmem>> -> memref<104xf32, #tpu.memory_space<vmem>>
    %dma_start3A_88 = arith.constant 312 : i32
    %dma_start3A_89 = tpu.memref_slice %arg9[%dma_start3A_88] : memref<1664xi32, #tpu.memory_space<vmem>> -> memref<104xi32, #tpu.memory_space<vmem>>
    %dma_start3A_90 = arith.constant 0 : i32
    %dma_start3A_91 = tpu.memref_slice %arg4[%dma_start3A_90] : memref<53248xf32, #tpu.memory_space<hbm>> -> memref<53248xf32, #tpu.memory_space<hbm>>
    tpu.enqueue_indirect_dma source(%dma_start3A_91 : memref<53248xf32, #tpu.memory_space<hbm>>) target(%dma_start3A_87 : memref<104xf32, #tpu.memory_space<vmem>>) offsets(%dma_start3A_89 : memref<104xi32, #tpu.memory_space<vmem>>) semaphore(%arg19 : memref<!tpu.dma_semaphore, #tpu.memory_space<semaphore_mem>>)
    %dma_start3A_92 = arith.constant 312 : i32
    %dma_start3A_93 = tpu.memref_slice %arg13[%dma_start3A_92] : memref<1664xf32, #tpu.memory_space<vmem>> -> memref<104xf32, #tpu.memory_space<vmem>>
    %dma_start3A_94 = arith.constant 312 : i32
    %dma_start3A_95 = tpu.memref_slice %arg9[%dma_start3A_94] : memref<1664xi32, #tpu.memory_space<vmem>> -> memref<104xi32, #tpu.memory_space<vmem>>
    %dma_start3A_96 = arith.constant 0 : i32
    %dma_start3A_97 = tpu.memref_slice %arg5[%dma_start3A_96] : memref<53248xf32, #tpu.memory_space<hbm>> -> memref<53248xf32, #tpu.memory_space<hbm>>
    tpu.enqueue_indirect_dma source(%dma_start3A_97 : memref<53248xf32, #tpu.memory_space<hbm>>) target(%dma_start3A_93 : memref<104xf32, #tpu.memory_space<vmem>>) offsets(%dma_start3A_95 : memref<104xi32, #tpu.memory_space<vmem>>) semaphore(%arg19 : memref<!tpu.dma_semaphore, #tpu.memory_space<semaphore_mem>>)
    %dma_start3A_98 = arith.constant 416 : i32
    %dma_start3A_99 = tpu.memref_slice %arg10[%dma_start3A_98] : memref<1664xf32, #tpu.memory_space<vmem>> -> memref<104xf32, #tpu.memory_space<vmem>>
    %dma_start3A_100 = arith.constant 416 : i32
    %dma_start3A_101 = tpu.memref_slice %arg9[%dma_start3A_100] : memref<1664xi32, #tpu.memory_space<vmem>> -> memref<104xi32, #tpu.memory_space<vmem>>
    %dma_start3A_102 = arith.constant 0 : i32
    %dma_start3A_103 = tpu.memref_slice %arg2[%dma_start3A_102] : memref<53248xf32, #tpu.memory_space<hbm>> -> memref<53248xf32, #tpu.memory_space<hbm>>
    tpu.enqueue_indirect_dma source(%dma_start3A_103 : memref<53248xf32, #tpu.memory_space<hbm>>) target(%dma_start3A_99 : memref<104xf32, #tpu.memory_space<vmem>>) offsets(%dma_start3A_101 : memref<104xi32, #tpu.memory_space<vmem>>) semaphore(%arg19 : memref<!tpu.dma_semaphore, #tpu.memory_space<semaphore_mem>>)
    %dma_start3A_104 = arith.constant 416 : i32
    %dma_start3A_105 = tpu.memref_slice %arg11[%dma_start3A_104] : memref<1664xf32, #tpu.memory_space<vmem>> -> memref<104xf32, #tpu.memory_space<vmem>>
    %dma_start3A_106 = arith.constant 416 : i32
    %dma_start3A_107 = tpu.memref_slice %arg9[%dma_start3A_106] : memref<1664xi32, #tpu.memory_space<vmem>> -> memref<104xi32, #tpu.memory_space<vmem>>
    %dma_start3A_108 = arith.constant 0 : i32
    %dma_start3A_109 = tpu.memref_slice %arg3[%dma_start3A_108] : memref<53248xf32, #tpu.memory_space<hbm>> -> memref<53248xf32, #tpu.memory_space<hbm>>
    tpu.enqueue_indirect_dma source(%dma_start3A_109 : memref<53248xf32, #tpu.memory_space<hbm>>) target(%dma_start3A_105 : memref<104xf32, #tpu.memory_space<vmem>>) offsets(%dma_start3A_107 : memref<104xi32, #tpu.memory_space<vmem>>) semaphore(%arg19 : memref<!tpu.dma_semaphore, #tpu.memory_space<semaphore_mem>>)
    %dma_start3A_110 = arith.constant 416 : i32
    %dma_start3A_111 = tpu.memref_slice %arg12[%dma_start3A_110] : memref<1664xf32, #tpu.memory_space<vmem>> -> memref<104xf32, #tpu.memory_space<vmem>>
    %dma_start3A_112 = arith.constant 416 : i32
    %dma_start3A_113 = tpu.memref_slice %arg9[%dma_start3A_112] : memref<1664xi32, #tpu.memory_space<vmem>> -> memref<104xi32, #tpu.memory_space<vmem>>
    %dma_start3A_114 = arith.constant 0 : i32
    %dma_start3A_115 = tpu.memref_slice %arg4[%dma_start3A_114] : memref<53248xf32, #tpu.memory_space<hbm>> -> memref<53248xf32, #tpu.memory_space<hbm>>
    tpu.enqueue_indirect_dma source(%dma_start3A_115 : memref<53248xf32, #tpu.memory_space<hbm>>) target(%dma_start3A_111 : memref<104xf32, #tpu.memory_space<vmem>>) offsets(%dma_start3A_113 : memref<104xi32, #tpu.memory_space<vmem>>) semaphore(%arg19 : memref<!tpu.dma_semaphore, #tpu.memory_space<semaphore_mem>>)
    %dma_start3A_116 = arith.constant 416 : i32
    %dma_start3A_117 = tpu.memref_slice %arg13[%dma_start3A_116] : memref<1664xf32, #tpu.memory_space<vmem>> -> memref<104xf32, #tpu.memory_space<vmem>>
    %dma_start3A_118 = arith.constant 416 : i32
    %dma_start3A_119 = tpu.memref_slice %arg9[%dma_start3A_118] : memref<1664xi32, #tpu.memory_space<vmem>> -> memref<104xi32, #tpu.memory_space<vmem>>
    %dma_start3A_120 = arith.constant 0 : i32
    %dma_start3A_121 = tpu.memref_slice %arg5[%dma_start3A_120] : memref<53248xf32, #tpu.memory_space<hbm>> -> memref<53248xf32, #tpu.memory_space<hbm>>
    tpu.enqueue_indirect_dma source(%dma_start3A_121 : memref<53248xf32, #tpu.memory_space<hbm>>) target(%dma_start3A_117 : memref<104xf32, #tpu.memory_space<vmem>>) offsets(%dma_start3A_119 : memref<104xi32, #tpu.memory_space<vmem>>) semaphore(%arg19 : memref<!tpu.dma_semaphore, #tpu.memory_space<semaphore_mem>>)
    %dma_start3A_122 = arith.constant 520 : i32
    %dma_start3A_123 = tpu.memref_slice %arg10[%dma_start3A_122] : memref<1664xf32, #tpu.memory_space<vmem>> -> memref<104xf32, #tpu.memory_space<vmem>>
    %dma_start3A_124 = arith.constant 520 : i32
    %dma_start3A_125 = tpu.memref_slice %arg9[%dma_start3A_124] : memref<1664xi32, #tpu.memory_space<vmem>> -> memref<104xi32, #tpu.memory_space<vmem>>
    %dma_start3A_126 = arith.constant 0 : i32
    %dma_start3A_127 = tpu.memref_slice %arg2[%dma_start3A_126] : memref<53248xf32, #tpu.memory_space<hbm>> -> memref<53248xf32, #tpu.memory_space<hbm>>
    tpu.enqueue_indirect_dma source(%dma_start3A_127 : memref<53248xf32, #tpu.memory_space<hbm>>) target(%dma_start3A_123 : memref<104xf32, #tpu.memory_space<vmem>>) offsets(%dma_start3A_125 : memref<104xi32, #tpu.memory_space<vmem>>) semaphore(%arg19 : memref<!tpu.dma_semaphore, #tpu.memory_space<semaphore_mem>>)
    %dma_start3A_128 = arith.constant 520 : i32
    %dma_start3A_129 = tpu.memref_slice %arg11[%dma_start3A_128] : memref<1664xf32, #tpu.memory_space<vmem>> -> memref<104xf32, #tpu.memory_space<vmem>>
    %dma_start3A_130 = arith.constant 520 : i32
    %dma_start3A_131 = tpu.memref_slice %arg9[%dma_start3A_130] : memref<1664xi32, #tpu.memory_space<vmem>> -> memref<104xi32, #tpu.memory_space<vmem>>
    %dma_start3A_132 = arith.constant 0 : i32
    %dma_start3A_133 = tpu.memref_slice %arg3[%dma_start3A_132] : memref<53248xf32, #tpu.memory_space<hbm>> -> memref<53248xf32, #tpu.memory_space<hbm>>
    tpu.enqueue_indirect_dma source(%dma_start3A_133 : memref<53248xf32, #tpu.memory_space<hbm>>) target(%dma_start3A_129 : memref<104xf32, #tpu.memory_space<vmem>>) offsets(%dma_start3A_131 : memref<104xi32, #tpu.memory_space<vmem>>) semaphore(%arg19 : memref<!tpu.dma_semaphore, #tpu.memory_space<semaphore_mem>>)
    %dma_start3A_134 = arith.constant 520 : i32
    %dma_start3A_135 = tpu.memref_slice %arg12[%dma_start3A_134] : memref<1664xf32, #tpu.memory_space<vmem>> -> memref<104xf32, #tpu.memory_space<vmem>>
    %dma_start3A_136 = arith.constant 520 : i32
    %dma_start3A_137 = tpu.memref_slice %arg9[%dma_start3A_136] : memref<1664xi32, #tpu.memory_space<vmem>> -> memref<104xi32, #tpu.memory_space<vmem>>
    %dma_start3A_138 = arith.constant 0 : i32
    %dma_start3A_139 = tpu.memref_slice %arg4[%dma_start3A_138] : memref<53248xf32, #tpu.memory_space<hbm>> -> memref<53248xf32, #tpu.memory_space<hbm>>
    tpu.enqueue_indirect_dma source(%dma_start3A_139 : memref<53248xf32, #tpu.memory_space<hbm>>) target(%dma_start3A_135 : memref<104xf32, #tpu.memory_space<vmem>>) offsets(%dma_start3A_137 : memref<104xi32, #tpu.memory_space<vmem>>) semaphore(%arg19 : memref<!tpu.dma_semaphore, #tpu.memory_space<semaphore_mem>>)
    %dma_start3A_140 = arith.constant 520 : i32
    %dma_start3A_141 = tpu.memref_slice %arg13[%dma_start3A_140] : memref<1664xf32, #tpu.memory_space<vmem>> -> memref<104xf32, #tpu.memory_space<vmem>>
    %dma_start3A_142 = arith.constant 520 : i32
    %dma_start3A_143 = tpu.memref_slice %arg9[%dma_start3A_142] : memref<1664xi32, #tpu.memory_space<vmem>> -> memref<104xi32, #tpu.memory_space<vmem>>
    %dma_start3A_144 = arith.constant 0 : i32
    %dma_start3A_145 = tpu.memref_slice %arg5[%dma_start3A_144] : memref<53248xf32, #tpu.memory_space<hbm>> -> memref<53248xf32, #tpu.memory_space<hbm>>
    tpu.enqueue_indirect_dma source(%dma_start3A_145 : memref<53248xf32, #tpu.memory_space<hbm>>) target(%dma_start3A_141 : memref<104xf32, #tpu.memory_space<vmem>>) offsets(%dma_start3A_143 : memref<104xi32, #tpu.memory_space<vmem>>) semaphore(%arg19 : memref<!tpu.dma_semaphore, #tpu.memory_space<semaphore_mem>>)
    %dma_start3A_146 = arith.constant 624 : i32
    %dma_start3A_147 = tpu.memref_slice %arg10[%dma_start3A_146] : memref<1664xf32, #tpu.memory_space<vmem>> -> memref<104xf32, #tpu.memory_space<vmem>>
    %dma_start3A_148 = arith.constant 624 : i32
    %dma_start3A_149 = tpu.memref_slice %arg9[%dma_start3A_148] : memref<1664xi32, #tpu.memory_space<vmem>> -> memref<104xi32, #tpu.memory_space<vmem>>
    %dma_start3A_150 = arith.constant 0 : i32
    %dma_start3A_151 = tpu.memref_slice %arg2[%dma_start3A_150] : memref<53248xf32, #tpu.memory_space<hbm>> -> memref<53248xf32, #tpu.memory_space<hbm>>
    tpu.enqueue_indirect_dma source(%dma_start3A_151 : memref<53248xf32, #tpu.memory_space<hbm>>) target(%dma_start3A_147 : memref<104xf32, #tpu.memory_space<vmem>>) offsets(%dma_start3A_149 : memref<104xi32, #tpu.memory_space<vmem>>) semaphore(%arg19 : memref<!tpu.dma_semaphore, #tpu.memory_space<semaphore_mem>>)
    %dma_start3A_152 = arith.constant 624 : i32
    %dma_start3A_153 = tpu.memref_slice %arg11[%dma_start3A_152] : memref<1664xf32, #tpu.memory_space<vmem>> -> memref<104xf32, #tpu.memory_space<vmem>>
    %dma_start3A_154 = arith.constant 624 : i32
    %dma_start3A_155 = tpu.memref_slice %arg9[%dma_start3A_154] : memref<1664xi32, #tpu.memory_space<vmem>> -> memref<104xi32, #tpu.memory_space<vmem>>
    %dma_start3A_156 = arith.constant 0 : i32
    %dma_start3A_157 = tpu.memref_slice %arg3[%dma_start3A_156] : memref<53248xf32, #tpu.memory_space<hbm>> -> memref<53248xf32, #tpu.memory_space<hbm>>
    tpu.enqueue_indirect_dma source(%dma_start3A_157 : memref<53248xf32, #tpu.memory_space<hbm>>) target(%dma_start3A_153 : memref<104xf32, #tpu.memory_space<vmem>>) offsets(%dma_start3A_155 : memref<104xi32, #tpu.memory_space<vmem>>) semaphore(%arg19 : memref<!tpu.dma_semaphore, #tpu.memory_space<semaphore_mem>>)
    %dma_start3A_158 = arith.constant 624 : i32
    %dma_start3A_159 = tpu.memref_slice %arg12[%dma_start3A_158] : memref<1664xf32, #tpu.memory_space<vmem>> -> memref<104xf32, #tpu.memory_space<vmem>>
    %dma_start3A_160 = arith.constant 624 : i32
    %dma_start3A_161 = tpu.memref_slice %arg9[%dma_start3A_160] : memref<1664xi32, #tpu.memory_space<vmem>> -> memref<104xi32, #tpu.memory_space<vmem>>
    %dma_start3A_162 = arith.constant 0 : i32
    %dma_start3A_163 = tpu.memref_slice %arg4[%dma_start3A_162] : memref<53248xf32, #tpu.memory_space<hbm>> -> memref<53248xf32, #tpu.memory_space<hbm>>
    tpu.enqueue_indirect_dma source(%dma_start3A_163 : memref<53248xf32, #tpu.memory_space<hbm>>) target(%dma_start3A_159 : memref<104xf32, #tpu.memory_space<vmem>>) offsets(%dma_start3A_161 : memref<104xi32, #tpu.memory_space<vmem>>) semaphore(%arg19 : memref<!tpu.dma_semaphore, #tpu.memory_space<semaphore_mem>>)
    %dma_start3A_164 = arith.constant 624 : i32
    %dma_start3A_165 = tpu.memref_slice %arg13[%dma_start3A_164] : memref<1664xf32, #tpu.memory_space<vmem>> -> memref<104xf32, #tpu.memory_space<vmem>>
    %dma_start3A_166 = arith.constant 624 : i32
    %dma_start3A_167 = tpu.memref_slice %arg9[%dma_start3A_166] : memref<1664xi32, #tpu.memory_space<vmem>> -> memref<104xi32, #tpu.memory_space<vmem>>
    %dma_start3A_168 = arith.constant 0 : i32
    %dma_start3A_169 = tpu.memref_slice %arg5[%dma_start3A_168] : memref<53248xf32, #tpu.memory_space<hbm>> -> memref<53248xf32, #tpu.memory_space<hbm>>
    tpu.enqueue_indirect_dma source(%dma_start3A_169 : memref<53248xf32, #tpu.memory_space<hbm>>) target(%dma_start3A_165 : memref<104xf32, #tpu.memory_space<vmem>>) offsets(%dma_start3A_167 : memref<104xi32, #tpu.memory_space<vmem>>) semaphore(%arg19 : memref<!tpu.dma_semaphore, #tpu.memory_space<semaphore_mem>>)
    %dma_start3A_170 = arith.constant 728 : i32
    %dma_start3A_171 = tpu.memref_slice %arg10[%dma_start3A_170] : memref<1664xf32, #tpu.memory_space<vmem>> -> memref<104xf32, #tpu.memory_space<vmem>>
    %dma_start3A_172 = arith.constant 728 : i32
    %dma_start3A_173 = tpu.memref_slice %arg9[%dma_start3A_172] : memref<1664xi32, #tpu.memory_space<vmem>> -> memref<104xi32, #tpu.memory_space<vmem>>
    %dma_start3A_174 = arith.constant 0 : i32
    %dma_start3A_175 = tpu.memref_slice %arg2[%dma_start3A_174] : memref<53248xf32, #tpu.memory_space<hbm>> -> memref<53248xf32, #tpu.memory_space<hbm>>
    tpu.enqueue_indirect_dma source(%dma_start3A_175 : memref<53248xf32, #tpu.memory_space<hbm>>) target(%dma_start3A_171 : memref<104xf32, #tpu.memory_space<vmem>>) offsets(%dma_start3A_173 : memref<104xi32, #tpu.memory_space<vmem>>) semaphore(%arg19 : memref<!tpu.dma_semaphore, #tpu.memory_space<semaphore_mem>>)
    %dma_start3A_176 = arith.constant 728 : i32
    %dma_start3A_177 = tpu.memref_slice %arg11[%dma_start3A_176] : memref<1664xf32, #tpu.memory_space<vmem>> -> memref<104xf32, #tpu.memory_space<vmem>>
    %dma_start3A_178 = arith.constant 728 : i32
    %dma_start3A_179 = tpu.memref_slice %arg9[%dma_start3A_178] : memref<1664xi32, #tpu.memory_space<vmem>> -> memref<104xi32, #tpu.memory_space<vmem>>
    %dma_start3A_180 = arith.constant 0 : i32
    %dma_start3A_181 = tpu.memref_slice %arg3[%dma_start3A_180] : memref<53248xf32, #tpu.memory_space<hbm>> -> memref<53248xf32, #tpu.memory_space<hbm>>
    tpu.enqueue_indirect_dma source(%dma_start3A_181 : memref<53248xf32, #tpu.memory_space<hbm>>) target(%dma_start3A_177 : memref<104xf32, #tpu.memory_space<vmem>>) offsets(%dma_start3A_179 : memref<104xi32, #tpu.memory_space<vmem>>) semaphore(%arg19 : memref<!tpu.dma_semaphore, #tpu.memory_space<semaphore_mem>>)
    %dma_start3A_182 = arith.constant 728 : i32
    %dma_start3A_183 = tpu.memref_slice %arg12[%dma_start3A_182] : memref<1664xf32, #tpu.memory_space<vmem>> -> memref<104xf32, #tpu.memory_space<vmem>>
    %dma_start3A_184 = arith.constant 728 : i32
    %dma_start3A_185 = tpu.memref_slice %arg9[%dma_start3A_184] : memref<1664xi32, #tpu.memory_space<vmem>> -> memref<104xi32, #tpu.memory_space<vmem>>
    %dma_start3A_186 = arith.constant 0 : i32
    %dma_start3A_187 = tpu.memref_slice %arg4[%dma_start3A_186] : memref<53248xf32, #tpu.memory_space<hbm>> -> memref<53248xf32, #tpu.memory_space<hbm>>
    tpu.enqueue_indirect_dma source(%dma_start3A_187 : memref<53248xf32, #tpu.memory_space<hbm>>) target(%dma_start3A_183 : memref<104xf32, #tpu.memory_space<vmem>>) offsets(%dma_start3A_185 : memref<104xi32, #tpu.memory_space<vmem>>) semaphore(%arg19 : memref<!tpu.dma_semaphore, #tpu.memory_space<semaphore_mem>>)
    %dma_start3A_188 = arith.constant 728 : i32
    %dma_start3A_189 = tpu.memref_slice %arg13[%dma_start3A_188] : memref<1664xf32, #tpu.memory_space<vmem>> -> memref<104xf32, #tpu.memory_space<vmem>>
    %dma_start3A_190 = arith.constant 728 : i32
    %dma_start3A_191 = tpu.memref_slice %arg9[%dma_start3A_190] : memref<1664xi32, #tpu.memory_space<vmem>> -> memref<104xi32, #tpu.memory_space<vmem>>
    %dma_start3A_192 = arith.constant 0 : i32
    %dma_start3A_193 = tpu.memref_slice %arg5[%dma_start3A_192] : memref<53248xf32, #tpu.memory_space<hbm>> -> memref<53248xf32, #tpu.memory_space<hbm>>
    tpu.enqueue_indirect_dma source(%dma_start3A_193 : memref<53248xf32, #tpu.memory_space<hbm>>) target(%dma_start3A_189 : memref<104xf32, #tpu.memory_space<vmem>>) offsets(%dma_start3A_191 : memref<104xi32, #tpu.memory_space<vmem>>) semaphore(%arg19 : memref<!tpu.dma_semaphore, #tpu.memory_space<semaphore_mem>>)
    %dma_start3A_194 = arith.constant 832 : i32
    %dma_start3A_195 = tpu.memref_slice %arg10[%dma_start3A_194] : memref<1664xf32, #tpu.memory_space<vmem>> -> memref<104xf32, #tpu.memory_space<vmem>>
    %dma_start3A_196 = arith.constant 832 : i32
    %dma_start3A_197 = tpu.memref_slice %arg9[%dma_start3A_196] : memref<1664xi32, #tpu.memory_space<vmem>> -> memref<104xi32, #tpu.memory_space<vmem>>
    %dma_start3A_198 = arith.constant 0 : i32
    %dma_start3A_199 = tpu.memref_slice %arg2[%dma_start3A_198] : memref<53248xf32, #tpu.memory_space<hbm>> -> memref<53248xf32, #tpu.memory_space<hbm>>
    tpu.enqueue_indirect_dma source(%dma_start3A_199 : memref<53248xf32, #tpu.memory_space<hbm>>) target(%dma_start3A_195 : memref<104xf32, #tpu.memory_space<vmem>>) offsets(%dma_start3A_197 : memref<104xi32, #tpu.memory_space<vmem>>) semaphore(%arg19 : memref<!tpu.dma_semaphore, #tpu.memory_space<semaphore_mem>>)
    %dma_start3A_200 = arith.constant 832 : i32
    %dma_start3A_201 = tpu.memref_slice %arg11[%dma_start3A_200] : memref<1664xf32, #tpu.memory_space<vmem>> -> memref<104xf32, #tpu.memory_space<vmem>>
    %dma_start3A_202 = arith.constant 832 : i32
    %dma_start3A_203 = tpu.memref_slice %arg9[%dma_start3A_202] : memref<1664xi32, #tpu.memory_space<vmem>> -> memref<104xi32, #tpu.memory_space<vmem>>
    %dma_start3A_204 = arith.constant 0 : i32
    %dma_start3A_205 = tpu.memref_slice %arg3[%dma_start3A_204] : memref<53248xf32, #tpu.memory_space<hbm>> -> memref<53248xf32, #tpu.memory_space<hbm>>
    tpu.enqueue_indirect_dma source(%dma_start3A_205 : memref<53248xf32, #tpu.memory_space<hbm>>) target(%dma_start3A_201 : memref<104xf32, #tpu.memory_space<vmem>>) offsets(%dma_start3A_203 : memref<104xi32, #tpu.memory_space<vmem>>) semaphore(%arg19 : memref<!tpu.dma_semaphore, #tpu.memory_space<semaphore_mem>>)
    %dma_start3A_206 = arith.constant 832 : i32
    %dma_start3A_207 = tpu.memref_slice %arg12[%dma_start3A_206] : memref<1664xf32, #tpu.memory_space<vmem>> -> memref<104xf32, #tpu.memory_space<vmem>>
    %dma_start3A_208 = arith.constant 832 : i32
    %dma_start3A_209 = tpu.memref_slice %arg9[%dma_start3A_208] : memref<1664xi32, #tpu.memory_space<vmem>> -> memref<104xi32, #tpu.memory_space<vmem>>
    %dma_start3A_210 = arith.constant 0 : i32
    %dma_start3A_211 = tpu.memref_slice %arg4[%dma_start3A_210] : memref<53248xf32, #tpu.memory_space<hbm>> -> memref<53248xf32, #tpu.memory_space<hbm>>
    tpu.enqueue_indirect_dma source(%dma_start3A_211 : memref<53248xf32, #tpu.memory_space<hbm>>) target(%dma_start3A_207 : memref<104xf32, #tpu.memory_space<vmem>>) offsets(%dma_start3A_209 : memref<104xi32, #tpu.memory_space<vmem>>) semaphore(%arg19 : memref<!tpu.dma_semaphore, #tpu.memory_space<semaphore_mem>>)
    %dma_start3A_212 = arith.constant 832 : i32
    %dma_start3A_213 = tpu.memref_slice %arg13[%dma_start3A_212] : memref<1664xf32, #tpu.memory_space<vmem>> -> memref<104xf32, #tpu.memory_space<vmem>>
    %dma_start3A_214 = arith.constant 832 : i32
    %dma_start3A_215 = tpu.memref_slice %arg9[%dma_start3A_214] : memref<1664xi32, #tpu.memory_space<vmem>> -> memref<104xi32, #tpu.memory_space<vmem>>
    %dma_start3A_216 = arith.constant 0 : i32
    %dma_start3A_217 = tpu.memref_slice %arg5[%dma_start3A_216] : memref<53248xf32, #tpu.memory_space<hbm>> -> memref<53248xf32, #tpu.memory_space<hbm>>
    tpu.enqueue_indirect_dma source(%dma_start3A_217 : memref<53248xf32, #tpu.memory_space<hbm>>) target(%dma_start3A_213 : memref<104xf32, #tpu.memory_space<vmem>>) offsets(%dma_start3A_215 : memref<104xi32, #tpu.memory_space<vmem>>) semaphore(%arg19 : memref<!tpu.dma_semaphore, #tpu.memory_space<semaphore_mem>>)
    %dma_start3A_218 = arith.constant 936 : i32
    %dma_start3A_219 = tpu.memref_slice %arg10[%dma_start3A_218] : memref<1664xf32, #tpu.memory_space<vmem>> -> memref<104xf32, #tpu.memory_space<vmem>>
    %dma_start3A_220 = arith.constant 936 : i32
    %dma_start3A_221 = tpu.memref_slice %arg9[%dma_start3A_220] : memref<1664xi32, #tpu.memory_space<vmem>> -> memref<104xi32, #tpu.memory_space<vmem>>
    %dma_start3A_222 = arith.constant 0 : i32
    %dma_start3A_223 = tpu.memref_slice %arg2[%dma_start3A_222] : memref<53248xf32, #tpu.memory_space<hbm>> -> memref<53248xf32, #tpu.memory_space<hbm>>
    tpu.enqueue_indirect_dma source(%dma_start3A_223 : memref<53248xf32, #tpu.memory_space<hbm>>) target(%dma_start3A_219 : memref<104xf32, #tpu.memory_space<vmem>>) offsets(%dma_start3A_221 : memref<104xi32, #tpu.memory_space<vmem>>) semaphore(%arg19 : memref<!tpu.dma_semaphore, #tpu.memory_space<semaphore_mem>>)
    %dma_start3A_224 = arith.constant 936 : i32
    %dma_start3A_225 = tpu.memref_slice %arg11[%dma_start3A_224] : memref<1664xf32, #tpu.memory_space<vmem>> -> memref<104xf32, #tpu.memory_space<vmem>>
    %dma_start3A_226 = arith.constant 936 : i32
    %dma_start3A_227 = tpu.memref_slice %arg9[%dma_start3A_226] : memref<1664xi32, #tpu.memory_space<vmem>> -> memref<104xi32, #tpu.memory_space<vmem>>
    %dma_start3A_228 = arith.constant 0 : i32
    %dma_start3A_229 = tpu.memref_slice %arg3[%dma_start3A_228] : memref<53248xf32, #tpu.memory_space<hbm>> -> memref<53248xf32, #tpu.memory_space<hbm>>
    tpu.enqueue_indirect_dma source(%dma_start3A_229 : memref<53248xf32, #tpu.memory_space<hbm>>) target(%dma_start3A_225 : memref<104xf32, #tpu.memory_space<vmem>>) offsets(%dma_start3A_227 : memref<104xi32, #tpu.memory_space<vmem>>) semaphore(%arg19 : memref<!tpu.dma_semaphore, #tpu.memory_space<semaphore_mem>>)
    %dma_start3A_230 = arith.constant 936 : i32
    %dma_start3A_231 = tpu.memref_slice %arg12[%dma_start3A_230] : memref<1664xf32, #tpu.memory_space<vmem>> -> memref<104xf32, #tpu.memory_space<vmem>>
    %dma_start3A_232 = arith.constant 936 : i32
    %dma_start3A_233 = tpu.memref_slice %arg9[%dma_start3A_232] : memref<1664xi32, #tpu.memory_space<vmem>> -> memref<104xi32, #tpu.memory_space<vmem>>
    %dma_start3A_234 = arith.constant 0 : i32
    %dma_start3A_235 = tpu.memref_slice %arg4[%dma_start3A_234] : memref<53248xf32, #tpu.memory_space<hbm>> -> memref<53248xf32, #tpu.memory_space<hbm>>
    tpu.enqueue_indirect_dma source(%dma_start3A_235 : memref<53248xf32, #tpu.memory_space<hbm>>) target(%dma_start3A_231 : memref<104xf32, #tpu.memory_space<vmem>>) offsets(%dma_start3A_233 : memref<104xi32, #tpu.memory_space<vmem>>) semaphore(%arg19 : memref<!tpu.dma_semaphore, #tpu.memory_space<semaphore_mem>>)
    %dma_start3A_236 = arith.constant 936 : i32
    %dma_start3A_237 = tpu.memref_slice %arg13[%dma_start3A_236] : memref<1664xf32, #tpu.memory_space<vmem>> -> memref<104xf32, #tpu.memory_space<vmem>>
    %dma_start3A_238 = arith.constant 936 : i32
    %dma_start3A_239 = tpu.memref_slice %arg9[%dma_start3A_238] : memref<1664xi32, #tpu.memory_space<vmem>> -> memref<104xi32, #tpu.memory_space<vmem>>
    %dma_start3A_240 = arith.constant 0 : i32
    %dma_start3A_241 = tpu.memref_slice %arg5[%dma_start3A_240] : memref<53248xf32, #tpu.memory_space<hbm>> -> memref<53248xf32, #tpu.memory_space<hbm>>
    tpu.enqueue_indirect_dma source(%dma_start3A_241 : memref<53248xf32, #tpu.memory_space<hbm>>) target(%dma_start3A_237 : memref<104xf32, #tpu.memory_space<vmem>>) offsets(%dma_start3A_239 : memref<104xi32, #tpu.memory_space<vmem>>) semaphore(%arg19 : memref<!tpu.dma_semaphore, #tpu.memory_space<semaphore_mem>>)
    %dma_start3A_242 = arith.constant 1040 : i32
    %dma_start3A_243 = tpu.memref_slice %arg10[%dma_start3A_242] : memref<1664xf32, #tpu.memory_space<vmem>> -> memref<104xf32, #tpu.memory_space<vmem>>
    %dma_start3A_244 = arith.constant 1040 : i32
    %dma_start3A_245 = tpu.memref_slice %arg9[%dma_start3A_244] : memref<1664xi32, #tpu.memory_space<vmem>> -> memref<104xi32, #tpu.memory_space<vmem>>
    %dma_start3A_246 = arith.constant 0 : i32
    %dma_start3A_247 = tpu.memref_slice %arg2[%dma_start3A_246] : memref<53248xf32, #tpu.memory_space<hbm>> -> memref<53248xf32, #tpu.memory_space<hbm>>
    tpu.enqueue_indirect_dma source(%dma_start3A_247 : memref<53248xf32, #tpu.memory_space<hbm>>) target(%dma_start3A_243 : memref<104xf32, #tpu.memory_space<vmem>>) offsets(%dma_start3A_245 : memref<104xi32, #tpu.memory_space<vmem>>) semaphore(%arg19 : memref<!tpu.dma_semaphore, #tpu.memory_space<semaphore_mem>>)
    %dma_start3A_248 = arith.constant 1040 : i32
    %dma_start3A_249 = tpu.memref_slice %arg11[%dma_start3A_248] : memref<1664xf32, #tpu.memory_space<vmem>> -> memref<104xf32, #tpu.memory_space<vmem>>
    %dma_start3A_250 = arith.constant 1040 : i32
    %dma_start3A_251 = tpu.memref_slice %arg9[%dma_start3A_250] : memref<1664xi32, #tpu.memory_space<vmem>> -> memref<104xi32, #tpu.memory_space<vmem>>
    %dma_start3A_252 = arith.constant 0 : i32
    %dma_start3A_253 = tpu.memref_slice %arg3[%dma_start3A_252] : memref<53248xf32, #tpu.memory_space<hbm>> -> memref<53248xf32, #tpu.memory_space<hbm>>
    tpu.enqueue_indirect_dma source(%dma_start3A_253 : memref<53248xf32, #tpu.memory_space<hbm>>) target(%dma_start3A_249 : memref<104xf32, #tpu.memory_space<vmem>>) offsets(%dma_start3A_251 : memref<104xi32, #tpu.memory_space<vmem>>) semaphore(%arg19 : memref<!tpu.dma_semaphore, #tpu.memory_space<semaphore_mem>>)
    %dma_start3A_254 = arith.constant 1040 : i32
    %dma_start3A_255 = tpu.memref_slice %arg12[%dma_start3A_254] : memref<1664xf32, #tpu.memory_space<vmem>> -> memref<104xf32, #tpu.memory_space<vmem>>
    %dma_start3A_256 = arith.constant 1040 : i32
    %dma_start3A_257 = tpu.memref_slice %arg9[%dma_start3A_256] : memref<1664xi32, #tpu.memory_space<vmem>> -> memref<104xi32, #tpu.memory_space<vmem>>
    %dma_start3A_258 = arith.constant 0 : i32
    %dma_start3A_259 = tpu.memref_slice %arg4[%dma_start3A_258] : memref<53248xf32, #tpu.memory_space<hbm>> -> memref<53248xf32, #tpu.memory_space<hbm>>
    tpu.enqueue_indirect_dma source(%dma_start3A_259 : memref<53248xf32, #tpu.memory_space<hbm>>) target(%dma_start3A_255 : memref<104xf32, #tpu.memory_space<vmem>>) offsets(%dma_start3A_257 : memref<104xi32, #tpu.memory_space<vmem>>) semaphore(%arg19 : memref<!tpu.dma_semaphore, #tpu.memory_space<semaphore_mem>>)
    %dma_start3A_260 = arith.constant 1040 : i32
    %dma_start3A_261 = tpu.memref_slice %arg13[%dma_start3A_260] : memref<1664xf32, #tpu.memory_space<vmem>> -> memref<104xf32, #tpu.memory_space<vmem>>
    %dma_start3A_262 = arith.constant 1040 : i32
    %dma_start3A_263 = tpu.memref_slice %arg9[%dma_start3A_262] : memref<1664xi32, #tpu.memory_space<vmem>> -> memref<104xi32, #tpu.memory_space<vmem>>
    %dma_start3A_264 = arith.constant 0 : i32
    %dma_start3A_265 = tpu.memref_slice %arg5[%dma_start3A_264] : memref<53248xf32, #tpu.memory_space<hbm>> -> memref<53248xf32, #tpu.memory_space<hbm>>
    tpu.enqueue_indirect_dma source(%dma_start3A_265 : memref<53248xf32, #tpu.memory_space<hbm>>) target(%dma_start3A_261 : memref<104xf32, #tpu.memory_space<vmem>>) offsets(%dma_start3A_263 : memref<104xi32, #tpu.memory_space<vmem>>) semaphore(%arg19 : memref<!tpu.dma_semaphore, #tpu.memory_space<semaphore_mem>>)
    %dma_start3A_266 = arith.constant 1144 : i32
    %dma_start3A_267 = tpu.memref_slice %arg10[%dma_start3A_266] : memref<1664xf32, #tpu.memory_space<vmem>> -> memref<104xf32, #tpu.memory_space<vmem>>
    %dma_start3A_268 = arith.constant 1144 : i32
    %dma_start3A_269 = tpu.memref_slice %arg9[%dma_start3A_268] : memref<1664xi32, #tpu.memory_space<vmem>> -> memref<104xi32, #tpu.memory_space<vmem>>
    %dma_start3A_270 = arith.constant 0 : i32
    %dma_start3A_271 = tpu.memref_slice %arg2[%dma_start3A_270] : memref<53248xf32, #tpu.memory_space<hbm>> -> memref<53248xf32, #tpu.memory_space<hbm>>
    tpu.enqueue_indirect_dma source(%dma_start3A_271 : memref<53248xf32, #tpu.memory_space<hbm>>) target(%dma_start3A_267 : memref<104xf32, #tpu.memory_space<vmem>>) offsets(%dma_start3A_269 : memref<104xi32, #tpu.memory_space<vmem>>) semaphore(%arg19 : memref<!tpu.dma_semaphore, #tpu.memory_space<semaphore_mem>>)
    %dma_start3A_272 = arith.constant 1144 : i32
    %dma_start3A_273 = tpu.memref_slice %arg11[%dma_start3A_272] : memref<1664xf32, #tpu.memory_space<vmem>> -> memref<104xf32, #tpu.memory_space<vmem>>
    %dma_start3A_274 = arith.constant 1144 : i32
    %dma_start3A_275 = tpu.memref_slice %arg9[%dma_start3A_274] : memref<1664xi32, #tpu.memory_space<vmem>> -> memref<104xi32, #tpu.memory_space<vmem>>
    %dma_start3A_276 = arith.constant 0 : i32
    %dma_start3A_277 = tpu.memref_slice %arg3[%dma_start3A_276] : memref<53248xf32, #tpu.memory_space<hbm>> -> memref<53248xf32, #tpu.memory_space<hbm>>
    tpu.enqueue_indirect_dma source(%dma_start3A_277 : memref<53248xf32, #tpu.memory_space<hbm>>) target(%dma_start3A_273 : memref<104xf32, #tpu.memory_space<vmem>>) offsets(%dma_start3A_275 : memref<104xi32, #tpu.memory_space<vmem>>) semaphore(%arg19 : memref<!tpu.dma_semaphore, #tpu.memory_space<semaphore_mem>>)
    %dma_start3A_278 = arith.constant 1144 : i32
    %dma_start3A_279 = tpu.memref_slice %arg12[%dma_start3A_278] : memref<1664xf32, #tpu.memory_space<vmem>> -> memref<104xf32, #tpu.memory_space<vmem>>
    %dma_start3A_280 = arith.constant 1144 : i32
    %dma_start3A_281 = tpu.memref_slice %arg9[%dma_start3A_280] : memref<1664xi32, #tpu.memory_space<vmem>> -> memref<104xi32, #tpu.memory_space<vmem>>
    %dma_start3A_282 = arith.constant 0 : i32
    %dma_start3A_283 = tpu.memref_slice %arg4[%dma_start3A_282] : memref<53248xf32, #tpu.memory_space<hbm>> -> memref<53248xf32, #tpu.memory_space<hbm>>
    tpu.enqueue_indirect_dma source(%dma_start3A_283 : memref<53248xf32, #tpu.memory_space<hbm>>) target(%dma_start3A_279 : memref<104xf32, #tpu.memory_space<vmem>>) offsets(%dma_start3A_281 : memref<104xi32, #tpu.memory_space<vmem>>) semaphore(%arg19 : memref<!tpu.dma_semaphore, #tpu.memory_space<semaphore_mem>>)
    %dma_start3A_284 = arith.constant 1144 : i32
    %dma_start3A_285 = tpu.memref_slice %arg13[%dma_start3A_284] : memref<1664xf32, #tpu.memory_space<vmem>> -> memref<104xf32, #tpu.memory_space<vmem>>
    %dma_start3A_286 = arith.constant 1144 : i32
    %dma_start3A_287 = tpu.memref_slice %arg9[%dma_start3A_286] : memref<1664xi32, #tpu.memory_space<vmem>> -> memref<104xi32, #tpu.memory_space<vmem>>
    %dma_start3A_288 = arith.constant 0 : i32
    %dma_start3A_289 = tpu.memref_slice %arg5[%dma_start3A_288] : memref<53248xf32, #tpu.memory_space<hbm>> -> memref<53248xf32, #tpu.memory_space<hbm>>
    tpu.enqueue_indirect_dma source(%dma_start3A_289 : memref<53248xf32, #tpu.memory_space<hbm>>) target(%dma_start3A_285 : memref<104xf32, #tpu.memory_space<vmem>>) offsets(%dma_start3A_287 : memref<104xi32, #tpu.memory_space<vmem>>) semaphore(%arg19 : memref<!tpu.dma_semaphore, #tpu.memory_space<semaphore_mem>>)
    %dma_start3A_290 = arith.constant 1248 : i32
    %dma_start3A_291 = tpu.memref_slice %arg10[%dma_start3A_290] : memref<1664xf32, #tpu.memory_space<vmem>> -> memref<104xf32, #tpu.memory_space<vmem>>
    %dma_start3A_292 = arith.constant 1248 : i32
    %dma_start3A_293 = tpu.memref_slice %arg9[%dma_start3A_292] : memref<1664xi32, #tpu.memory_space<vmem>> -> memref<104xi32, #tpu.memory_space<vmem>>
    %dma_start3A_294 = arith.constant 0 : i32
    %dma_start3A_295 = tpu.memref_slice %arg2[%dma_start3A_294] : memref<53248xf32, #tpu.memory_space<hbm>> -> memref<53248xf32, #tpu.memory_space<hbm>>
    tpu.enqueue_indirect_dma source(%dma_start3A_295 : memref<53248xf32, #tpu.memory_space<hbm>>) target(%dma_start3A_291 : memref<104xf32, #tpu.memory_space<vmem>>) offsets(%dma_start3A_293 : memref<104xi32, #tpu.memory_space<vmem>>) semaphore(%arg19 : memref<!tpu.dma_semaphore, #tpu.memory_space<semaphore_mem>>)
    %dma_start3A_296 = arith.constant 1248 : i32
    %dma_start3A_297 = tpu.memref_slice %arg11[%dma_start3A_296] : memref<1664xf32, #tpu.memory_space<vmem>> -> memref<104xf32, #tpu.memory_space<vmem>>
    %dma_start3A_298 = arith.constant 1248 : i32
    %dma_start3A_299 = tpu.memref_slice %arg9[%dma_start3A_298] : memref<1664xi32, #tpu.memory_space<vmem>> -> memref<104xi32, #tpu.memory_space<vmem>>
    %dma_start3A_300 = arith.constant 0 : i32
    %dma_start3A_301 = tpu.memref_slice %arg3[%dma_start3A_300] : memref<53248xf32, #tpu.memory_space<hbm>> -> memref<53248xf32, #tpu.memory_space<hbm>>
    tpu.enqueue_indirect_dma source(%dma_start3A_301 : memref<53248xf32, #tpu.memory_space<hbm>>) target(%dma_start3A_297 : memref<104xf32, #tpu.memory_space<vmem>>) offsets(%dma_start3A_299 : memref<104xi32, #tpu.memory_space<vmem>>) semaphore(%arg19 : memref<!tpu.dma_semaphore, #tpu.memory_space<semaphore_mem>>)
    %dma_start3A_302 = arith.constant 1248 : i32
    %dma_start3A_303 = tpu.memref_slice %arg12[%dma_start3A_302] : memref<1664xf32, #tpu.memory_space<vmem>> -> memref<104xf32, #tpu.memory_space<vmem>>
    %dma_start3A_304 = arith.constant 1248 : i32
    %dma_start3A_305 = tpu.memref_slice %arg9[%dma_start3A_304] : memref<1664xi32, #tpu.memory_space<vmem>> -> memref<104xi32, #tpu.memory_space<vmem>>
    %dma_start3A_306 = arith.constant 0 : i32
    %dma_start3A_307 = tpu.memref_slice %arg4[%dma_start3A_306] : memref<53248xf32, #tpu.memory_space<hbm>> -> memref<53248xf32, #tpu.memory_space<hbm>>
    tpu.enqueue_indirect_dma source(%dma_start3A_307 : memref<53248xf32, #tpu.memory_space<hbm>>) target(%dma_start3A_303 : memref<104xf32, #tpu.memory_space<vmem>>) offsets(%dma_start3A_305 : memref<104xi32, #tpu.memory_space<vmem>>) semaphore(%arg19 : memref<!tpu.dma_semaphore, #tpu.memory_space<semaphore_mem>>)
    %dma_start3A_308 = arith.constant 1248 : i32
    %dma_start3A_309 = tpu.memref_slice %arg13[%dma_start3A_308] : memref<1664xf32, #tpu.memory_space<vmem>> -> memref<104xf32, #tpu.memory_space<vmem>>
    %dma_start3A_310 = arith.constant 1248 : i32
    %dma_start3A_311 = tpu.memref_slice %arg9[%dma_start3A_310] : memref<1664xi32, #tpu.memory_space<vmem>> -> memref<104xi32, #tpu.memory_space<vmem>>
    %dma_start3A_312 = arith.constant 0 : i32
    %dma_start3A_313 = tpu.memref_slice %arg5[%dma_start3A_312] : memref<53248xf32, #tpu.memory_space<hbm>> -> memref<53248xf32, #tpu.memory_space<hbm>>
    tpu.enqueue_indirect_dma source(%dma_start3A_313 : memref<53248xf32, #tpu.memory_space<hbm>>) target(%dma_start3A_309 : memref<104xf32, #tpu.memory_space<vmem>>) offsets(%dma_start3A_311 : memref<104xi32, #tpu.memory_space<vmem>>) semaphore(%arg19 : memref<!tpu.dma_semaphore, #tpu.memory_space<semaphore_mem>>)
    %dma_start3A_314 = arith.constant 1352 : i32
    %dma_start3A_315 = tpu.memref_slice %arg10[%dma_start3A_314] : memref<1664xf32, #tpu.memory_space<vmem>> -> memref<104xf32, #tpu.memory_space<vmem>>
    %dma_start3A_316 = arith.constant 1352 : i32
    %dma_start3A_317 = tpu.memref_slice %arg9[%dma_start3A_316] : memref<1664xi32, #tpu.memory_space<vmem>> -> memref<104xi32, #tpu.memory_space<vmem>>
    %dma_start3A_318 = arith.constant 0 : i32
    %dma_start3A_319 = tpu.memref_slice %arg2[%dma_start3A_318] : memref<53248xf32, #tpu.memory_space<hbm>> -> memref<53248xf32, #tpu.memory_space<hbm>>
    tpu.enqueue_indirect_dma source(%dma_start3A_319 : memref<53248xf32, #tpu.memory_space<hbm>>) target(%dma_start3A_315 : memref<104xf32, #tpu.memory_space<vmem>>) offsets(%dma_start3A_317 : memref<104xi32, #tpu.memory_space<vmem>>) semaphore(%arg19 : memref<!tpu.dma_semaphore, #tpu.memory_space<semaphore_mem>>)
    %dma_start3A_320 = arith.constant 1352 : i32
    %dma_start3A_321 = tpu.memref_slice %arg11[%dma_start3A_320] : memref<1664xf32, #tpu.memory_space<vmem>> -> memref<104xf32, #tpu.memory_space<vmem>>
    %dma_start3A_322 = arith.constant 1352 : i32
    %dma_start3A_323 = tpu.memref_slice %arg9[%dma_start3A_322] : memref<1664xi32, #tpu.memory_space<vmem>> -> memref<104xi32, #tpu.memory_space<vmem>>
    %dma_start3A_324 = arith.constant 0 : i32
    %dma_start3A_325 = tpu.memref_slice %arg3[%dma_start3A_324] : memref<53248xf32, #tpu.memory_space<hbm>> -> memref<53248xf32, #tpu.memory_space<hbm>>
    tpu.enqueue_indirect_dma source(%dma_start3A_325 : memref<53248xf32, #tpu.memory_space<hbm>>) target(%dma_start3A_321 : memref<104xf32, #tpu.memory_space<vmem>>) offsets(%dma_start3A_323 : memref<104xi32, #tpu.memory_space<vmem>>) semaphore(%arg19 : memref<!tpu.dma_semaphore, #tpu.memory_space<semaphore_mem>>)
    %dma_start3A_326 = arith.constant 1352 : i32
    %dma_start3A_327 = tpu.memref_slice %arg12[%dma_start3A_326] : memref<1664xf32, #tpu.memory_space<vmem>> -> memref<104xf32, #tpu.memory_space<vmem>>
    %dma_start3A_328 = arith.constant 1352 : i32
    %dma_start3A_329 = tpu.memref_slice %arg9[%dma_start3A_328] : memref<1664xi32, #tpu.memory_space<vmem>> -> memref<104xi32, #tpu.memory_space<vmem>>
    %dma_start3A_330 = arith.constant 0 : i32
    %dma_start3A_331 = tpu.memref_slice %arg4[%dma_start3A_330] : memref<53248xf32, #tpu.memory_space<hbm>> -> memref<53248xf32, #tpu.memory_space<hbm>>
    tpu.enqueue_indirect_dma source(%dma_start3A_331 : memref<53248xf32, #tpu.memory_space<hbm>>) target(%dma_start3A_327 : memref<104xf32, #tpu.memory_space<vmem>>) offsets(%dma_start3A_329 : memref<104xi32, #tpu.memory_space<vmem>>) semaphore(%arg19 : memref<!tpu.dma_semaphore, #tpu.memory_space<semaphore_mem>>)
    %dma_start3A_332 = arith.constant 1352 : i32
    %dma_start3A_333 = tpu.memref_slice %arg13[%dma_start3A_332] : memref<1664xf32, #tpu.memory_space<vmem>> -> memref<104xf32, #tpu.memory_space<vmem>>
    %dma_start3A_334 = arith.constant 1352 : i32
    %dma_start3A_335 = tpu.memref_slice %arg9[%dma_start3A_334] : memref<1664xi32, #tpu.memory_space<vmem>> -> memref<104xi32, #tpu.memory_space<vmem>>
    %dma_start3A_336 = arith.constant 0 : i32
    %dma_start3A_337 = tpu.memref_slice %arg5[%dma_start3A_336] : memref<53248xf32, #tpu.memory_space<hbm>> -> memref<53248xf32, #tpu.memory_space<hbm>>
    tpu.enqueue_indirect_dma source(%dma_start3A_337 : memref<53248xf32, #tpu.memory_space<hbm>>) target(%dma_start3A_333 : memref<104xf32, #tpu.memory_space<vmem>>) offsets(%dma_start3A_335 : memref<104xi32, #tpu.memory_space<vmem>>) semaphore(%arg19 : memref<!tpu.dma_semaphore, #tpu.memory_space<semaphore_mem>>)
    %dma_start3A_338 = arith.constant 1456 : i32
    %dma_start3A_339 = tpu.memref_slice %arg10[%dma_start3A_338] : memref<1664xf32, #tpu.memory_space<vmem>> -> memref<104xf32, #tpu.memory_space<vmem>>
    %dma_start3A_340 = arith.constant 1456 : i32
    %dma_start3A_341 = tpu.memref_slice %arg9[%dma_start3A_340] : memref<1664xi32, #tpu.memory_space<vmem>> -> memref<104xi32, #tpu.memory_space<vmem>>
    %dma_start3A_342 = arith.constant 0 : i32
    %dma_start3A_343 = tpu.memref_slice %arg2[%dma_start3A_342] : memref<53248xf32, #tpu.memory_space<hbm>> -> memref<53248xf32, #tpu.memory_space<hbm>>
    tpu.enqueue_indirect_dma source(%dma_start3A_343 : memref<53248xf32, #tpu.memory_space<hbm>>) target(%dma_start3A_339 : memref<104xf32, #tpu.memory_space<vmem>>) offsets(%dma_start3A_341 : memref<104xi32, #tpu.memory_space<vmem>>) semaphore(%arg19 : memref<!tpu.dma_semaphore, #tpu.memory_space<semaphore_mem>>)
    %dma_start3A_344 = arith.constant 1456 : i32
    %dma_start3A_345 = tpu.memref_slice %arg11[%dma_start3A_344] : memref<1664xf32, #tpu.memory_space<vmem>> -> memref<104xf32, #tpu.memory_space<vmem>>
    %dma_start3A_346 = arith.constant 1456 : i32
    %dma_start3A_347 = tpu.memref_slice %arg9[%dma_start3A_346] : memref<1664xi32, #tpu.memory_space<vmem>> -> memref<104xi32, #tpu.memory_space<vmem>>
    %dma_start3A_348 = arith.constant 0 : i32
    %dma_start3A_349 = tpu.memref_slice %arg3[%dma_start3A_348] : memref<53248xf32, #tpu.memory_space<hbm>> -> memref<53248xf32, #tpu.memory_space<hbm>>
    tpu.enqueue_indirect_dma source(%dma_start3A_349 : memref<53248xf32, #tpu.memory_space<hbm>>) target(%dma_start3A_345 : memref<104xf32, #tpu.memory_space<vmem>>) offsets(%dma_start3A_347 : memref<104xi32, #tpu.memory_space<vmem>>) semaphore(%arg19 : memref<!tpu.dma_semaphore, #tpu.memory_space<semaphore_mem>>)
    %dma_start3A_350 = arith.constant 1456 : i32
    %dma_start3A_351 = tpu.memref_slice %arg12[%dma_start3A_350] : memref<1664xf32, #tpu.memory_space<vmem>> -> memref<104xf32, #tpu.memory_space<vmem>>
    %dma_start3A_352 = arith.constant 1456 : i32
    %dma_start3A_353 = tpu.memref_slice %arg9[%dma_start3A_352] : memref<1664xi32, #tpu.memory_space<vmem>> -> memref<104xi32, #tpu.memory_space<vmem>>
    %dma_start3A_354 = arith.constant 0 : i32
    %dma_start3A_355 = tpu.memref_slice %arg4[%dma_start3A_354] : memref<53248xf32, #tpu.memory_space<hbm>> -> memref<53248xf32, #tpu.memory_space<hbm>>
    tpu.enqueue_indirect_dma source(%dma_start3A_355 : memref<53248xf32, #tpu.memory_space<hbm>>) target(%dma_start3A_351 : memref<104xf32, #tpu.memory_space<vmem>>) offsets(%dma_start3A_353 : memref<104xi32, #tpu.memory_space<vmem>>) semaphore(%arg19 : memref<!tpu.dma_semaphore, #tpu.memory_space<semaphore_mem>>)
    %dma_start3A_356 = arith.constant 1456 : i32
    %dma_start3A_357 = tpu.memref_slice %arg13[%dma_start3A_356] : memref<1664xf32, #tpu.memory_space<vmem>> -> memref<104xf32, #tpu.memory_space<vmem>>
    %dma_start3A_358 = arith.constant 1456 : i32
    %dma_start3A_359 = tpu.memref_slice %arg9[%dma_start3A_358] : memref<1664xi32, #tpu.memory_space<vmem>> -> memref<104xi32, #tpu.memory_space<vmem>>
    %dma_start3A_360 = arith.constant 0 : i32
    %dma_start3A_361 = tpu.memref_slice %arg5[%dma_start3A_360] : memref<53248xf32, #tpu.memory_space<hbm>> -> memref<53248xf32, #tpu.memory_space<hbm>>
    tpu.enqueue_indirect_dma source(%dma_start3A_361 : memref<53248xf32, #tpu.memory_space<hbm>>) target(%dma_start3A_357 : memref<104xf32, #tpu.memory_space<vmem>>) offsets(%dma_start3A_359 : memref<104xi32, #tpu.memory_space<vmem>>) semaphore(%arg19 : memref<!tpu.dma_semaphore, #tpu.memory_space<semaphore_mem>>)
    %dma_start3A_362 = arith.constant 1560 : i32
    %dma_start3A_363 = tpu.memref_slice %arg10[%dma_start3A_362] : memref<1664xf32, #tpu.memory_space<vmem>> -> memref<104xf32, #tpu.memory_space<vmem>>
    %dma_start3A_364 = arith.constant 1560 : i32
    %dma_start3A_365 = tpu.memref_slice %arg9[%dma_start3A_364] : memref<1664xi32, #tpu.memory_space<vmem>> -> memref<104xi32, #tpu.memory_space<vmem>>
    %dma_start3A_366 = arith.constant 0 : i32
    %dma_start3A_367 = tpu.memref_slice %arg2[%dma_start3A_366] : memref<53248xf32, #tpu.memory_space<hbm>> -> memref<53248xf32, #tpu.memory_space<hbm>>
    tpu.enqueue_indirect_dma source(%dma_start3A_367 : memref<53248xf32, #tpu.memory_space<hbm>>) target(%dma_start3A_363 : memref<104xf32, #tpu.memory_space<vmem>>) offsets(%dma_start3A_365 : memref<104xi32, #tpu.memory_space<vmem>>) semaphore(%arg19 : memref<!tpu.dma_semaphore, #tpu.memory_space<semaphore_mem>>)
    %dma_start3A_368 = arith.constant 1560 : i32
    %dma_start3A_369 = tpu.memref_slice %arg11[%dma_start3A_368] : memref<1664xf32, #tpu.memory_space<vmem>> -> memref<104xf32, #tpu.memory_space<vmem>>
    %dma_start3A_370 = arith.constant 1560 : i32
    %dma_start3A_371 = tpu.memref_slice %arg9[%dma_start3A_370] : memref<1664xi32, #tpu.memory_space<vmem>> -> memref<104xi32, #tpu.memory_space<vmem>>
    %dma_start3A_372 = arith.constant 0 : i32
    %dma_start3A_373 = tpu.memref_slice %arg3[%dma_start3A_372] : memref<53248xf32, #tpu.memory_space<hbm>> -> memref<53248xf32, #tpu.memory_space<hbm>>
    tpu.enqueue_indirect_dma source(%dma_start3A_373 : memref<53248xf32, #tpu.memory_space<hbm>>) target(%dma_start3A_369 : memref<104xf32, #tpu.memory_space<vmem>>) offsets(%dma_start3A_371 : memref<104xi32, #tpu.memory_space<vmem>>) semaphore(%arg19 : memref<!tpu.dma_semaphore, #tpu.memory_space<semaphore_mem>>)
    %dma_start3A_374 = arith.constant 1560 : i32
    %dma_start3A_375 = tpu.memref_slice %arg12[%dma_start3A_374] : memref<1664xf32, #tpu.memory_space<vmem>> -> memref<104xf32, #tpu.memory_space<vmem>>
    %dma_start3A_376 = arith.constant 1560 : i32
    %dma_start3A_377 = tpu.memref_slice %arg9[%dma_start3A_376] : memref<1664xi32, #tpu.memory_space<vmem>> -> memref<104xi32, #tpu.memory_space<vmem>>
    %dma_start3A_378 = arith.constant 0 : i32
    %dma_start3A_379 = tpu.memref_slice %arg4[%dma_start3A_378] : memref<53248xf32, #tpu.memory_space<hbm>> -> memref<53248xf32, #tpu.memory_space<hbm>>
    tpu.enqueue_indirect_dma source(%dma_start3A_379 : memref<53248xf32, #tpu.memory_space<hbm>>) target(%dma_start3A_375 : memref<104xf32, #tpu.memory_space<vmem>>) offsets(%dma_start3A_377 : memref<104xi32, #tpu.memory_space<vmem>>) semaphore(%arg19 : memref<!tpu.dma_semaphore, #tpu.memory_space<semaphore_mem>>)
    %dma_start3A_380 = arith.constant 1560 : i32
    %dma_start3A_381 = tpu.memref_slice %arg13[%dma_start3A_380] : memref<1664xf32, #tpu.memory_space<vmem>> -> memref<104xf32, #tpu.memory_space<vmem>>
    %dma_start3A_382 = arith.constant 1560 : i32
    %dma_start3A_383 = tpu.memref_slice %arg9[%dma_start3A_382] : memref<1664xi32, #tpu.memory_space<vmem>> -> memref<104xi32, #tpu.memory_space<vmem>>
    %dma_start3A_384 = arith.constant 0 : i32
    %dma_start3A_385 = tpu.memref_slice %arg5[%dma_start3A_384] : memref<53248xf32, #tpu.memory_space<hbm>> -> memref<53248xf32, #tpu.memory_space<hbm>>
    tpu.enqueue_indirect_dma source(%dma_start3A_385 : memref<53248xf32, #tpu.memory_space<hbm>>) target(%dma_start3A_381 : memref<104xf32, #tpu.memory_space<vmem>>) offsets(%dma_start3A_383 : memref<104xi32, #tpu.memory_space<vmem>>) semaphore(%arg19 : memref<!tpu.dma_semaphore, #tpu.memory_space<semaphore_mem>>)
    %dma_wait3A = arith.constant 0 : i32
    %dma_wait3A_386 = tpu.memref_slice %arg10[%dma_wait3A] : memref<1664xf32, #tpu.memory_space<vmem>> -> memref<104xf32, #tpu.memory_space<vmem>>
    %dma_wait3A_387 = arith.constant 0 : i32
    %dma_wait3A_388 = tpu.memref_slice %arg9[%dma_wait3A_387] : memref<1664xi32, #tpu.memory_space<vmem>> -> memref<104xi32, #tpu.memory_space<vmem>>
    %dma_wait3A_389 = arith.constant 0 : i32
    %dma_wait3A_390 = tpu.memref_slice %arg2[%dma_wait3A_389] : memref<53248xf32, #tpu.memory_space<hbm>> -> memref<53248xf32, #tpu.memory_space<hbm>>
    tpu.wait_indirect_dma semaphore(%arg19 : memref<!tpu.dma_semaphore, #tpu.memory_space<semaphore_mem>>) src(%dma_wait3A_390 : memref<53248xf32, #tpu.memory_space<hbm>>) dst(%dma_wait3A_386 : memref<104xf32, #tpu.memory_space<vmem>>)
    %dma_wait3A_391 = arith.constant 0 : i32
    %dma_wait3A_392 = tpu.memref_slice %arg11[%dma_wait3A_391] : memref<1664xf32, #tpu.memory_space<vmem>> -> memref<104xf32, #tpu.memory_space<vmem>>
    %dma_wait3A_393 = arith.constant 0 : i32
    %dma_wait3A_394 = tpu.memref_slice %arg9[%dma_wait3A_393] : memref<1664xi32, #tpu.memory_space<vmem>> -> memref<104xi32, #tpu.memory_space<vmem>>
    %dma_wait3A_395 = arith.constant 0 : i32
    %dma_wait3A_396 = tpu.memref_slice %arg3[%dma_wait3A_395] : memref<53248xf32, #tpu.memory_space<hbm>> -> memref<53248xf32, #tpu.memory_space<hbm>>
    tpu.wait_indirect_dma semaphore(%arg19 : memref<!tpu.dma_semaphore, #tpu.memory_space<semaphore_mem>>) src(%dma_wait3A_396 : memref<53248xf32, #tpu.memory_space<hbm>>) dst(%dma_wait3A_392 : memref<104xf32, #tpu.memory_space<vmem>>)
    %dma_wait3A_397 = arith.constant 0 : i32
    %dma_wait3A_398 = tpu.memref_slice %arg12[%dma_wait3A_397] : memref<1664xf32, #tpu.memory_space<vmem>> -> memref<104xf32, #tpu.memory_space<vmem>>
    %dma_wait3A_399 = arith.constant 0 : i32
    %dma_wait3A_400 = tpu.memref_slice %arg9[%dma_wait3A_399] : memref<1664xi32, #tpu.memory_space<vmem>> -> memref<104xi32, #tpu.memory_space<vmem>>
    %dma_wait3A_401 = arith.constant 0 : i32
    %dma_wait3A_402 = tpu.memref_slice %arg4[%dma_wait3A_401] : memref<53248xf32, #tpu.memory_space<hbm>> -> memref<53248xf32, #tpu.memory_space<hbm>>
    tpu.wait_indirect_dma semaphore(%arg19 : memref<!tpu.dma_semaphore, #tpu.memory_space<semaphore_mem>>) src(%dma_wait3A_402 : memref<53248xf32, #tpu.memory_space<hbm>>) dst(%dma_wait3A_398 : memref<104xf32, #tpu.memory_space<vmem>>)
    %dma_wait3A_403 = arith.constant 0 : i32
    %dma_wait3A_404 = tpu.memref_slice %arg13[%dma_wait3A_403] : memref<1664xf32, #tpu.memory_space<vmem>> -> memref<104xf32, #tpu.memory_space<vmem>>
    %dma_wait3A_405 = arith.constant 0 : i32
    %dma_wait3A_406 = tpu.memref_slice %arg9[%dma_wait3A_405] : memref<1664xi32, #tpu.memory_space<vmem>> -> memref<104xi32, #tpu.memory_space<vmem>>
    %dma_wait3A_407 = arith.constant 0 : i32
    %dma_wait3A_408 = tpu.memref_slice %arg5[%dma_wait3A_407] : memref<53248xf32, #tpu.memory_space<hbm>> -> memref<53248xf32, #tpu.memory_space<hbm>>
    tpu.wait_indirect_dma semaphore(%arg19 : memref<!tpu.dma_semaphore, #tpu.memory_space<semaphore_mem>>) src(%dma_wait3A_408 : memref<53248xf32, #tpu.memory_space<hbm>>) dst(%dma_wait3A_404 : memref<104xf32, #tpu.memory_space<vmem>>)
    %dma_wait3A_409 = arith.constant 104 : i32
    %dma_wait3A_410 = tpu.memref_slice %arg10[%dma_wait3A_409] : memref<1664xf32, #tpu.memory_space<vmem>> -> memref<104xf32, #tpu.memory_space<vmem>>
    %dma_wait3A_411 = arith.constant 104 : i32
    %dma_wait3A_412 = tpu.memref_slice %arg9[%dma_wait3A_411] : memref<1664xi32, #tpu.memory_space<vmem>> -> memref<104xi32, #tpu.memory_space<vmem>>
    %dma_wait3A_413 = arith.constant 0 : i32
    %dma_wait3A_414 = tpu.memref_slice %arg2[%dma_wait3A_413] : memref<53248xf32, #tpu.memory_space<hbm>> -> memref<53248xf32, #tpu.memory_space<hbm>>
    tpu.wait_indirect_dma semaphore(%arg19 : memref<!tpu.dma_semaphore, #tpu.memory_space<semaphore_mem>>) src(%dma_wait3A_414 : memref<53248xf32, #tpu.memory_space<hbm>>) dst(%dma_wait3A_410 : memref<104xf32, #tpu.memory_space<vmem>>)
    %dma_wait3A_415 = arith.constant 104 : i32
    %dma_wait3A_416 = tpu.memref_slice %arg11[%dma_wait3A_415] : memref<1664xf32, #tpu.memory_space<vmem>> -> memref<104xf32, #tpu.memory_space<vmem>>
    %dma_wait3A_417 = arith.constant 104 : i32
    %dma_wait3A_418 = tpu.memref_slice %arg9[%dma_wait3A_417] : memref<1664xi32, #tpu.memory_space<vmem>> -> memref<104xi32, #tpu.memory_space<vmem>>
    %dma_wait3A_419 = arith.constant 0 : i32
    %dma_wait3A_420 = tpu.memref_slice %arg3[%dma_wait3A_419] : memref<53248xf32, #tpu.memory_space<hbm>> -> memref<53248xf32, #tpu.memory_space<hbm>>
    tpu.wait_indirect_dma semaphore(%arg19 : memref<!tpu.dma_semaphore, #tpu.memory_space<semaphore_mem>>) src(%dma_wait3A_420 : memref<53248xf32, #tpu.memory_space<hbm>>) dst(%dma_wait3A_416 : memref<104xf32, #tpu.memory_space<vmem>>)
    %dma_wait3A_421 = arith.constant 104 : i32
    %dma_wait3A_422 = tpu.memref_slice %arg12[%dma_wait3A_421] : memref<1664xf32, #tpu.memory_space<vmem>> -> memref<104xf32, #tpu.memory_space<vmem>>
    %dma_wait3A_423 = arith.constant 104 : i32
    %dma_wait3A_424 = tpu.memref_slice %arg9[%dma_wait3A_423] : memref<1664xi32, #tpu.memory_space<vmem>> -> memref<104xi32, #tpu.memory_space<vmem>>
    %dma_wait3A_425 = arith.constant 0 : i32
    %dma_wait3A_426 = tpu.memref_slice %arg4[%dma_wait3A_425] : memref<53248xf32, #tpu.memory_space<hbm>> -> memref<53248xf32, #tpu.memory_space<hbm>>
    tpu.wait_indirect_dma semaphore(%arg19 : memref<!tpu.dma_semaphore, #tpu.memory_space<semaphore_mem>>) src(%dma_wait3A_426 : memref<53248xf32, #tpu.memory_space<hbm>>) dst(%dma_wait3A_422 : memref<104xf32, #tpu.memory_space<vmem>>)
    %dma_wait3A_427 = arith.constant 104 : i32
    %dma_wait3A_428 = tpu.memref_slice %arg13[%dma_wait3A_427] : memref<1664xf32, #tpu.memory_space<vmem>> -> memref<104xf32, #tpu.memory_space<vmem>>
    %dma_wait3A_429 = arith.constant 104 : i32
    %dma_wait3A_430 = tpu.memref_slice %arg9[%dma_wait3A_429] : memref<1664xi32, #tpu.memory_space<vmem>> -> memref<104xi32, #tpu.memory_space<vmem>>
    %dma_wait3A_431 = arith.constant 0 : i32
    %dma_wait3A_432 = tpu.memref_slice %arg5[%dma_wait3A_431] : memref<53248xf32, #tpu.memory_space<hbm>> -> memref<53248xf32, #tpu.memory_space<hbm>>
    tpu.wait_indirect_dma semaphore(%arg19 : memref<!tpu.dma_semaphore, #tpu.memory_space<semaphore_mem>>) src(%dma_wait3A_432 : memref<53248xf32, #tpu.memory_space<hbm>>) dst(%dma_wait3A_428 : memref<104xf32, #tpu.memory_space<vmem>>)
    %dma_wait3A_433 = arith.constant 208 : i32
    %dma_wait3A_434 = tpu.memref_slice %arg10[%dma_wait3A_433] : memref<1664xf32, #tpu.memory_space<vmem>> -> memref<104xf32, #tpu.memory_space<vmem>>
    %dma_wait3A_435 = arith.constant 208 : i32
    %dma_wait3A_436 = tpu.memref_slice %arg9[%dma_wait3A_435] : memref<1664xi32, #tpu.memory_space<vmem>> -> memref<104xi32, #tpu.memory_space<vmem>>
    %dma_wait3A_437 = arith.constant 0 : i32
    %dma_wait3A_438 = tpu.memref_slice %arg2[%dma_wait3A_437] : memref<53248xf32, #tpu.memory_space<hbm>> -> memref<53248xf32, #tpu.memory_space<hbm>>
    tpu.wait_indirect_dma semaphore(%arg19 : memref<!tpu.dma_semaphore, #tpu.memory_space<semaphore_mem>>) src(%dma_wait3A_438 : memref<53248xf32, #tpu.memory_space<hbm>>) dst(%dma_wait3A_434 : memref<104xf32, #tpu.memory_space<vmem>>)
    %dma_wait3A_439 = arith.constant 208 : i32
    %dma_wait3A_440 = tpu.memref_slice %arg11[%dma_wait3A_439] : memref<1664xf32, #tpu.memory_space<vmem>> -> memref<104xf32, #tpu.memory_space<vmem>>
    %dma_wait3A_441 = arith.constant 208 : i32
    %dma_wait3A_442 = tpu.memref_slice %arg9[%dma_wait3A_441] : memref<1664xi32, #tpu.memory_space<vmem>> -> memref<104xi32, #tpu.memory_space<vmem>>
    %dma_wait3A_443 = arith.constant 0 : i32
    %dma_wait3A_444 = tpu.memref_slice %arg3[%dma_wait3A_443] : memref<53248xf32, #tpu.memory_space<hbm>> -> memref<53248xf32, #tpu.memory_space<hbm>>
    tpu.wait_indirect_dma semaphore(%arg19 : memref<!tpu.dma_semaphore, #tpu.memory_space<semaphore_mem>>) src(%dma_wait3A_444 : memref<53248xf32, #tpu.memory_space<hbm>>) dst(%dma_wait3A_440 : memref<104xf32, #tpu.memory_space<vmem>>)
    %dma_wait3A_445 = arith.constant 208 : i32
    %dma_wait3A_446 = tpu.memref_slice %arg12[%dma_wait3A_445] : memref<1664xf32, #tpu.memory_space<vmem>> -> memref<104xf32, #tpu.memory_space<vmem>>
    %dma_wait3A_447 = arith.constant 208 : i32
    %dma_wait3A_448 = tpu.memref_slice %arg9[%dma_wait3A_447] : memref<1664xi32, #tpu.memory_space<vmem>> -> memref<104xi32, #tpu.memory_space<vmem>>
    %dma_wait3A_449 = arith.constant 0 : i32
    %dma_wait3A_450 = tpu.memref_slice %arg4[%dma_wait3A_449] : memref<53248xf32, #tpu.memory_space<hbm>> -> memref<53248xf32, #tpu.memory_space<hbm>>
    tpu.wait_indirect_dma semaphore(%arg19 : memref<!tpu.dma_semaphore, #tpu.memory_space<semaphore_mem>>) src(%dma_wait3A_450 : memref<53248xf32, #tpu.memory_space<hbm>>) dst(%dma_wait3A_446 : memref<104xf32, #tpu.memory_space<vmem>>)
    %dma_wait3A_451 = arith.constant 208 : i32
    %dma_wait3A_452 = tpu.memref_slice %arg13[%dma_wait3A_451] : memref<1664xf32, #tpu.memory_space<vmem>> -> memref<104xf32, #tpu.memory_space<vmem>>
    %dma_wait3A_453 = arith.constant 208 : i32
    %dma_wait3A_454 = tpu.memref_slice %arg9[%dma_wait3A_453] : memref<1664xi32, #tpu.memory_space<vmem>> -> memref<104xi32, #tpu.memory_space<vmem>>
    %dma_wait3A_455 = arith.constant 0 : i32
    %dma_wait3A_456 = tpu.memref_slice %arg5[%dma_wait3A_455] : memref<53248xf32, #tpu.memory_space<hbm>> -> memref<53248xf32, #tpu.memory_space<hbm>>
    tpu.wait_indirect_dma semaphore(%arg19 : memref<!tpu.dma_semaphore, #tpu.memory_space<semaphore_mem>>) src(%dma_wait3A_456 : memref<53248xf32, #tpu.memory_space<hbm>>) dst(%dma_wait3A_452 : memref<104xf32, #tpu.memory_space<vmem>>)
    %dma_wait3A_457 = arith.constant 312 : i32
    %dma_wait3A_458 = tpu.memref_slice %arg10[%dma_wait3A_457] : memref<1664xf32, #tpu.memory_space<vmem>> -> memref<104xf32, #tpu.memory_space<vmem>>
    %dma_wait3A_459 = arith.constant 312 : i32
    %dma_wait3A_460 = tpu.memref_slice %arg9[%dma_wait3A_459] : memref<1664xi32, #tpu.memory_space<vmem>> -> memref<104xi32, #tpu.memory_space<vmem>>
    %dma_wait3A_461 = arith.constant 0 : i32
    %dma_wait3A_462 = tpu.memref_slice %arg2[%dma_wait3A_461] : memref<53248xf32, #tpu.memory_space<hbm>> -> memref<53248xf32, #tpu.memory_space<hbm>>
    tpu.wait_indirect_dma semaphore(%arg19 : memref<!tpu.dma_semaphore, #tpu.memory_space<semaphore_mem>>) src(%dma_wait3A_462 : memref<53248xf32, #tpu.memory_space<hbm>>) dst(%dma_wait3A_458 : memref<104xf32, #tpu.memory_space<vmem>>)
    %dma_wait3A_463 = arith.constant 312 : i32
    %dma_wait3A_464 = tpu.memref_slice %arg11[%dma_wait3A_463] : memref<1664xf32, #tpu.memory_space<vmem>> -> memref<104xf32, #tpu.memory_space<vmem>>
    %dma_wait3A_465 = arith.constant 312 : i32
    %dma_wait3A_466 = tpu.memref_slice %arg9[%dma_wait3A_465] : memref<1664xi32, #tpu.memory_space<vmem>> -> memref<104xi32, #tpu.memory_space<vmem>>
    %dma_wait3A_467 = arith.constant 0 : i32
    %dma_wait3A_468 = tpu.memref_slice %arg3[%dma_wait3A_467] : memref<53248xf32, #tpu.memory_space<hbm>> -> memref<53248xf32, #tpu.memory_space<hbm>>
    tpu.wait_indirect_dma semaphore(%arg19 : memref<!tpu.dma_semaphore, #tpu.memory_space<semaphore_mem>>) src(%dma_wait3A_468 : memref<53248xf32, #tpu.memory_space<hbm>>) dst(%dma_wait3A_464 : memref<104xf32, #tpu.memory_space<vmem>>)
    %dma_wait3A_469 = arith.constant 312 : i32
    %dma_wait3A_470 = tpu.memref_slice %arg12[%dma_wait3A_469] : memref<1664xf32, #tpu.memory_space<vmem>> -> memref<104xf32, #tpu.memory_space<vmem>>
    %dma_wait3A_471 = arith.constant 312 : i32
    %dma_wait3A_472 = tpu.memref_slice %arg9[%dma_wait3A_471] : memref<1664xi32, #tpu.memory_space<vmem>> -> memref<104xi32, #tpu.memory_space<vmem>>
    %dma_wait3A_473 = arith.constant 0 : i32
    %dma_wait3A_474 = tpu.memref_slice %arg4[%dma_wait3A_473] : memref<53248xf32, #tpu.memory_space<hbm>> -> memref<53248xf32, #tpu.memory_space<hbm>>
    tpu.wait_indirect_dma semaphore(%arg19 : memref<!tpu.dma_semaphore, #tpu.memory_space<semaphore_mem>>) src(%dma_wait3A_474 : memref<53248xf32, #tpu.memory_space<hbm>>) dst(%dma_wait3A_470 : memref<104xf32, #tpu.memory_space<vmem>>)
    %dma_wait3A_475 = arith.constant 312 : i32
    %dma_wait3A_476 = tpu.memref_slice %arg13[%dma_wait3A_475] : memref<1664xf32, #tpu.memory_space<vmem>> -> memref<104xf32, #tpu.memory_space<vmem>>
    %dma_wait3A_477 = arith.constant 312 : i32
    %dma_wait3A_478 = tpu.memref_slice %arg9[%dma_wait3A_477] : memref<1664xi32, #tpu.memory_space<vmem>> -> memref<104xi32, #tpu.memory_space<vmem>>
    %dma_wait3A_479 = arith.constant 0 : i32
    %dma_wait3A_480 = tpu.memref_slice %arg5[%dma_wait3A_479] : memref<53248xf32, #tpu.memory_space<hbm>> -> memref<53248xf32, #tpu.memory_space<hbm>>
    tpu.wait_indirect_dma semaphore(%arg19 : memref<!tpu.dma_semaphore, #tpu.memory_space<semaphore_mem>>) src(%dma_wait3A_480 : memref<53248xf32, #tpu.memory_space<hbm>>) dst(%dma_wait3A_476 : memref<104xf32, #tpu.memory_space<vmem>>)
    %dma_wait3A_481 = arith.constant 416 : i32
    %dma_wait3A_482 = tpu.memref_slice %arg10[%dma_wait3A_481] : memref<1664xf32, #tpu.memory_space<vmem>> -> memref<104xf32, #tpu.memory_space<vmem>>
    %dma_wait3A_483 = arith.constant 416 : i32
    %dma_wait3A_484 = tpu.memref_slice %arg9[%dma_wait3A_483] : memref<1664xi32, #tpu.memory_space<vmem>> -> memref<104xi32, #tpu.memory_space<vmem>>
    %dma_wait3A_485 = arith.constant 0 : i32
    %dma_wait3A_486 = tpu.memref_slice %arg2[%dma_wait3A_485] : memref<53248xf32, #tpu.memory_space<hbm>> -> memref<53248xf32, #tpu.memory_space<hbm>>
    tpu.wait_indirect_dma semaphore(%arg19 : memref<!tpu.dma_semaphore, #tpu.memory_space<semaphore_mem>>) src(%dma_wait3A_486 : memref<53248xf32, #tpu.memory_space<hbm>>) dst(%dma_wait3A_482 : memref<104xf32, #tpu.memory_space<vmem>>)
    %dma_wait3A_487 = arith.constant 416 : i32
    %dma_wait3A_488 = tpu.memref_slice %arg11[%dma_wait3A_487] : memref<1664xf32, #tpu.memory_space<vmem>> -> memref<104xf32, #tpu.memory_space<vmem>>
    %dma_wait3A_489 = arith.constant 416 : i32
    %dma_wait3A_490 = tpu.memref_slice %arg9[%dma_wait3A_489] : memref<1664xi32, #tpu.memory_space<vmem>> -> memref<104xi32, #tpu.memory_space<vmem>>
    %dma_wait3A_491 = arith.constant 0 : i32
    %dma_wait3A_492 = tpu.memref_slice %arg3[%dma_wait3A_491] : memref<53248xf32, #tpu.memory_space<hbm>> -> memref<53248xf32, #tpu.memory_space<hbm>>
    tpu.wait_indirect_dma semaphore(%arg19 : memref<!tpu.dma_semaphore, #tpu.memory_space<semaphore_mem>>) src(%dma_wait3A_492 : memref<53248xf32, #tpu.memory_space<hbm>>) dst(%dma_wait3A_488 : memref<104xf32, #tpu.memory_space<vmem>>)
    %dma_wait3A_493 = arith.constant 416 : i32
    %dma_wait3A_494 = tpu.memref_slice %arg12[%dma_wait3A_493] : memref<1664xf32, #tpu.memory_space<vmem>> -> memref<104xf32, #tpu.memory_space<vmem>>
    %dma_wait3A_495 = arith.constant 416 : i32
    %dma_wait3A_496 = tpu.memref_slice %arg9[%dma_wait3A_495] : memref<1664xi32, #tpu.memory_space<vmem>> -> memref<104xi32, #tpu.memory_space<vmem>>
    %dma_wait3A_497 = arith.constant 0 : i32
    %dma_wait3A_498 = tpu.memref_slice %arg4[%dma_wait3A_497] : memref<53248xf32, #tpu.memory_space<hbm>> -> memref<53248xf32, #tpu.memory_space<hbm>>
    tpu.wait_indirect_dma semaphore(%arg19 : memref<!tpu.dma_semaphore, #tpu.memory_space<semaphore_mem>>) src(%dma_wait3A_498 : memref<53248xf32, #tpu.memory_space<hbm>>) dst(%dma_wait3A_494 : memref<104xf32, #tpu.memory_space<vmem>>)
    %dma_wait3A_499 = arith.constant 416 : i32
    %dma_wait3A_500 = tpu.memref_slice %arg13[%dma_wait3A_499] : memref<1664xf32, #tpu.memory_space<vmem>> -> memref<104xf32, #tpu.memory_space<vmem>>
    %dma_wait3A_501 = arith.constant 416 : i32
    %dma_wait3A_502 = tpu.memref_slice %arg9[%dma_wait3A_501] : memref<1664xi32, #tpu.memory_space<vmem>> -> memref<104xi32, #tpu.memory_space<vmem>>
    %dma_wait3A_503 = arith.constant 0 : i32
    %dma_wait3A_504 = tpu.memref_slice %arg5[%dma_wait3A_503] : memref<53248xf32, #tpu.memory_space<hbm>> -> memref<53248xf32, #tpu.memory_space<hbm>>
    tpu.wait_indirect_dma semaphore(%arg19 : memref<!tpu.dma_semaphore, #tpu.memory_space<semaphore_mem>>) src(%dma_wait3A_504 : memref<53248xf32, #tpu.memory_space<hbm>>) dst(%dma_wait3A_500 : memref<104xf32, #tpu.memory_space<vmem>>)
    %dma_wait3A_505 = arith.constant 520 : i32
    %dma_wait3A_506 = tpu.memref_slice %arg10[%dma_wait3A_505] : memref<1664xf32, #tpu.memory_space<vmem>> -> memref<104xf32, #tpu.memory_space<vmem>>
    %dma_wait3A_507 = arith.constant 520 : i32
    %dma_wait3A_508 = tpu.memref_slice %arg9[%dma_wait3A_507] : memref<1664xi32, #tpu.memory_space<vmem>> -> memref<104xi32, #tpu.memory_space<vmem>>
    %dma_wait3A_509 = arith.constant 0 : i32
    %dma_wait3A_510 = tpu.memref_slice %arg2[%dma_wait3A_509] : memref<53248xf32, #tpu.memory_space<hbm>> -> memref<53248xf32, #tpu.memory_space<hbm>>
    tpu.wait_indirect_dma semaphore(%arg19 : memref<!tpu.dma_semaphore, #tpu.memory_space<semaphore_mem>>) src(%dma_wait3A_510 : memref<53248xf32, #tpu.memory_space<hbm>>) dst(%dma_wait3A_506 : memref<104xf32, #tpu.memory_space<vmem>>)
    %dma_wait3A_511 = arith.constant 520 : i32
    %dma_wait3A_512 = tpu.memref_slice %arg11[%dma_wait3A_511] : memref<1664xf32, #tpu.memory_space<vmem>> -> memref<104xf32, #tpu.memory_space<vmem>>
    %dma_wait3A_513 = arith.constant 520 : i32
    %dma_wait3A_514 = tpu.memref_slice %arg9[%dma_wait3A_513] : memref<1664xi32, #tpu.memory_space<vmem>> -> memref<104xi32, #tpu.memory_space<vmem>>
    %dma_wait3A_515 = arith.constant 0 : i32
    %dma_wait3A_516 = tpu.memref_slice %arg3[%dma_wait3A_515] : memref<53248xf32, #tpu.memory_space<hbm>> -> memref<53248xf32, #tpu.memory_space<hbm>>
    tpu.wait_indirect_dma semaphore(%arg19 : memref<!tpu.dma_semaphore, #tpu.memory_space<semaphore_mem>>) src(%dma_wait3A_516 : memref<53248xf32, #tpu.memory_space<hbm>>) dst(%dma_wait3A_512 : memref<104xf32, #tpu.memory_space<vmem>>)
    %dma_wait3A_517 = arith.constant 520 : i32
    %dma_wait3A_518 = tpu.memref_slice %arg12[%dma_wait3A_517] : memref<1664xf32, #tpu.memory_space<vmem>> -> memref<104xf32, #tpu.memory_space<vmem>>
    %dma_wait3A_519 = arith.constant 520 : i32
    %dma_wait3A_520 = tpu.memref_slice %arg9[%dma_wait3A_519] : memref<1664xi32, #tpu.memory_space<vmem>> -> memref<104xi32, #tpu.memory_space<vmem>>
    %dma_wait3A_521 = arith.constant 0 : i32
    %dma_wait3A_522 = tpu.memref_slice %arg4[%dma_wait3A_521] : memref<53248xf32, #tpu.memory_space<hbm>> -> memref<53248xf32, #tpu.memory_space<hbm>>
    tpu.wait_indirect_dma semaphore(%arg19 : memref<!tpu.dma_semaphore, #tpu.memory_space<semaphore_mem>>) src(%dma_wait3A_522 : memref<53248xf32, #tpu.memory_space<hbm>>) dst(%dma_wait3A_518 : memref<104xf32, #tpu.memory_space<vmem>>)
    %dma_wait3A_523 = arith.constant 520 : i32
    %dma_wait3A_524 = tpu.memref_slice %arg13[%dma_wait3A_523] : memref<1664xf32, #tpu.memory_space<vmem>> -> memref<104xf32, #tpu.memory_space<vmem>>
    %dma_wait3A_525 = arith.constant 520 : i32
    %dma_wait3A_526 = tpu.memref_slice %arg9[%dma_wait3A_525] : memref<1664xi32, #tpu.memory_space<vmem>> -> memref<104xi32, #tpu.memory_space<vmem>>
    %dma_wait3A_527 = arith.constant 0 : i32
    %dma_wait3A_528 = tpu.memref_slice %arg5[%dma_wait3A_527] : memref<53248xf32, #tpu.memory_space<hbm>> -> memref<53248xf32, #tpu.memory_space<hbm>>
    tpu.wait_indirect_dma semaphore(%arg19 : memref<!tpu.dma_semaphore, #tpu.memory_space<semaphore_mem>>) src(%dma_wait3A_528 : memref<53248xf32, #tpu.memory_space<hbm>>) dst(%dma_wait3A_524 : memref<104xf32, #tpu.memory_space<vmem>>)
    %dma_wait3A_529 = arith.constant 624 : i32
    %dma_wait3A_530 = tpu.memref_slice %arg10[%dma_wait3A_529] : memref<1664xf32, #tpu.memory_space<vmem>> -> memref<104xf32, #tpu.memory_space<vmem>>
    %dma_wait3A_531 = arith.constant 624 : i32
    %dma_wait3A_532 = tpu.memref_slice %arg9[%dma_wait3A_531] : memref<1664xi32, #tpu.memory_space<vmem>> -> memref<104xi32, #tpu.memory_space<vmem>>
    %dma_wait3A_533 = arith.constant 0 : i32
    %dma_wait3A_534 = tpu.memref_slice %arg2[%dma_wait3A_533] : memref<53248xf32, #tpu.memory_space<hbm>> -> memref<53248xf32, #tpu.memory_space<hbm>>
    tpu.wait_indirect_dma semaphore(%arg19 : memref<!tpu.dma_semaphore, #tpu.memory_space<semaphore_mem>>) src(%dma_wait3A_534 : memref<53248xf32, #tpu.memory_space<hbm>>) dst(%dma_wait3A_530 : memref<104xf32, #tpu.memory_space<vmem>>)
    %dma_wait3A_535 = arith.constant 624 : i32
    %dma_wait3A_536 = tpu.memref_slice %arg11[%dma_wait3A_535] : memref<1664xf32, #tpu.memory_space<vmem>> -> memref<104xf32, #tpu.memory_space<vmem>>
    %dma_wait3A_537 = arith.constant 624 : i32
    %dma_wait3A_538 = tpu.memref_slice %arg9[%dma_wait3A_537] : memref<1664xi32, #tpu.memory_space<vmem>> -> memref<104xi32, #tpu.memory_space<vmem>>
    %dma_wait3A_539 = arith.constant 0 : i32
    %dma_wait3A_540 = tpu.memref_slice %arg3[%dma_wait3A_539] : memref<53248xf32, #tpu.memory_space<hbm>> -> memref<53248xf32, #tpu.memory_space<hbm>>
    tpu.wait_indirect_dma semaphore(%arg19 : memref<!tpu.dma_semaphore, #tpu.memory_space<semaphore_mem>>) src(%dma_wait3A_540 : memref<53248xf32, #tpu.memory_space<hbm>>) dst(%dma_wait3A_536 : memref<104xf32, #tpu.memory_space<vmem>>)
    %dma_wait3A_541 = arith.constant 624 : i32
    %dma_wait3A_542 = tpu.memref_slice %arg12[%dma_wait3A_541] : memref<1664xf32, #tpu.memory_space<vmem>> -> memref<104xf32, #tpu.memory_space<vmem>>
    %dma_wait3A_543 = arith.constant 624 : i32
    %dma_wait3A_544 = tpu.memref_slice %arg9[%dma_wait3A_543] : memref<1664xi32, #tpu.memory_space<vmem>> -> memref<104xi32, #tpu.memory_space<vmem>>
    %dma_wait3A_545 = arith.constant 0 : i32
    %dma_wait3A_546 = tpu.memref_slice %arg4[%dma_wait3A_545] : memref<53248xf32, #tpu.memory_space<hbm>> -> memref<53248xf32, #tpu.memory_space<hbm>>
    tpu.wait_indirect_dma semaphore(%arg19 : memref<!tpu.dma_semaphore, #tpu.memory_space<semaphore_mem>>) src(%dma_wait3A_546 : memref<53248xf32, #tpu.memory_space<hbm>>) dst(%dma_wait3A_542 : memref<104xf32, #tpu.memory_space<vmem>>)
    %dma_wait3A_547 = arith.constant 624 : i32
    %dma_wait3A_548 = tpu.memref_slice %arg13[%dma_wait3A_547] : memref<1664xf32, #tpu.memory_space<vmem>> -> memref<104xf32, #tpu.memory_space<vmem>>
    %dma_wait3A_549 = arith.constant 624 : i32
    %dma_wait3A_550 = tpu.memref_slice %arg9[%dma_wait3A_549] : memref<1664xi32, #tpu.memory_space<vmem>> -> memref<104xi32, #tpu.memory_space<vmem>>
    %dma_wait3A_551 = arith.constant 0 : i32
    %dma_wait3A_552 = tpu.memref_slice %arg5[%dma_wait3A_551] : memref<53248xf32, #tpu.memory_space<hbm>> -> memref<53248xf32, #tpu.memory_space<hbm>>
    tpu.wait_indirect_dma semaphore(%arg19 : memref<!tpu.dma_semaphore, #tpu.memory_space<semaphore_mem>>) src(%dma_wait3A_552 : memref<53248xf32, #tpu.memory_space<hbm>>) dst(%dma_wait3A_548 : memref<104xf32, #tpu.memory_space<vmem>>)
    %dma_wait3A_553 = arith.constant 728 : i32
    %dma_wait3A_554 = tpu.memref_slice %arg10[%dma_wait3A_553] : memref<1664xf32, #tpu.memory_space<vmem>> -> memref<104xf32, #tpu.memory_space<vmem>>
    %dma_wait3A_555 = arith.constant 728 : i32
    %dma_wait3A_556 = tpu.memref_slice %arg9[%dma_wait3A_555] : memref<1664xi32, #tpu.memory_space<vmem>> -> memref<104xi32, #tpu.memory_space<vmem>>
    %dma_wait3A_557 = arith.constant 0 : i32
    %dma_wait3A_558 = tpu.memref_slice %arg2[%dma_wait3A_557] : memref<53248xf32, #tpu.memory_space<hbm>> -> memref<53248xf32, #tpu.memory_space<hbm>>
    tpu.wait_indirect_dma semaphore(%arg19 : memref<!tpu.dma_semaphore, #tpu.memory_space<semaphore_mem>>) src(%dma_wait3A_558 : memref<53248xf32, #tpu.memory_space<hbm>>) dst(%dma_wait3A_554 : memref<104xf32, #tpu.memory_space<vmem>>)
    %dma_wait3A_559 = arith.constant 728 : i32
    %dma_wait3A_560 = tpu.memref_slice %arg11[%dma_wait3A_559] : memref<1664xf32, #tpu.memory_space<vmem>> -> memref<104xf32, #tpu.memory_space<vmem>>
    %dma_wait3A_561 = arith.constant 728 : i32
    %dma_wait3A_562 = tpu.memref_slice %arg9[%dma_wait3A_561] : memref<1664xi32, #tpu.memory_space<vmem>> -> memref<104xi32, #tpu.memory_space<vmem>>
    %dma_wait3A_563 = arith.constant 0 : i32
    %dma_wait3A_564 = tpu.memref_slice %arg3[%dma_wait3A_563] : memref<53248xf32, #tpu.memory_space<hbm>> -> memref<53248xf32, #tpu.memory_space<hbm>>
    tpu.wait_indirect_dma semaphore(%arg19 : memref<!tpu.dma_semaphore, #tpu.memory_space<semaphore_mem>>) src(%dma_wait3A_564 : memref<53248xf32, #tpu.memory_space<hbm>>) dst(%dma_wait3A_560 : memref<104xf32, #tpu.memory_space<vmem>>)
    %dma_wait3A_565 = arith.constant 728 : i32
    %dma_wait3A_566 = tpu.memref_slice %arg12[%dma_wait3A_565] : memref<1664xf32, #tpu.memory_space<vmem>> -> memref<104xf32, #tpu.memory_space<vmem>>
    %dma_wait3A_567 = arith.constant 728 : i32
    %dma_wait3A_568 = tpu.memref_slice %arg9[%dma_wait3A_567] : memref<1664xi32, #tpu.memory_space<vmem>> -> memref<104xi32, #tpu.memory_space<vmem>>
    %dma_wait3A_569 = arith.constant 0 : i32
    %dma_wait3A_570 = tpu.memref_slice %arg4[%dma_wait3A_569] : memref<53248xf32, #tpu.memory_space<hbm>> -> memref<53248xf32, #tpu.memory_space<hbm>>
    tpu.wait_indirect_dma semaphore(%arg19 : memref<!tpu.dma_semaphore, #tpu.memory_space<semaphore_mem>>) src(%dma_wait3A_570 : memref<53248xf32, #tpu.memory_space<hbm>>) dst(%dma_wait3A_566 : memref<104xf32, #tpu.memory_space<vmem>>)
    %dma_wait3A_571 = arith.constant 728 : i32
    %dma_wait3A_572 = tpu.memref_slice %arg13[%dma_wait3A_571] : memref<1664xf32, #tpu.memory_space<vmem>> -> memref<104xf32, #tpu.memory_space<vmem>>
    %dma_wait3A_573 = arith.constant 728 : i32
    %dma_wait3A_574 = tpu.memref_slice %arg9[%dma_wait3A_573] : memref<1664xi32, #tpu.memory_space<vmem>> -> memref<104xi32, #tpu.memory_space<vmem>>
    %dma_wait3A_575 = arith.constant 0 : i32
    %dma_wait3A_576 = tpu.memref_slice %arg5[%dma_wait3A_575] : memref<53248xf32, #tpu.memory_space<hbm>> -> memref<53248xf32, #tpu.memory_space<hbm>>
    tpu.wait_indirect_dma semaphore(%arg19 : memref<!tpu.dma_semaphore, #tpu.memory_space<semaphore_mem>>) src(%dma_wait3A_576 : memref<53248xf32, #tpu.memory_space<hbm>>) dst(%dma_wait3A_572 : memref<104xf32, #tpu.memory_space<vmem>>)
    %dma_wait3A_577 = arith.constant 832 : i32
    %dma_wait3A_578 = tpu.memref_slice %arg10[%dma_wait3A_577] : memref<1664xf32, #tpu.memory_space<vmem>> -> memref<104xf32, #tpu.memory_space<vmem>>
    %dma_wait3A_579 = arith.constant 832 : i32
    %dma_wait3A_580 = tpu.memref_slice %arg9[%dma_wait3A_579] : memref<1664xi32, #tpu.memory_space<vmem>> -> memref<104xi32, #tpu.memory_space<vmem>>
    %dma_wait3A_581 = arith.constant 0 : i32
    %dma_wait3A_582 = tpu.memref_slice %arg2[%dma_wait3A_581] : memref<53248xf32, #tpu.memory_space<hbm>> -> memref<53248xf32, #tpu.memory_space<hbm>>
    tpu.wait_indirect_dma semaphore(%arg19 : memref<!tpu.dma_semaphore, #tpu.memory_space<semaphore_mem>>) src(%dma_wait3A_582 : memref<53248xf32, #tpu.memory_space<hbm>>) dst(%dma_wait3A_578 : memref<104xf32, #tpu.memory_space<vmem>>)
    %dma_wait3A_583 = arith.constant 832 : i32
    %dma_wait3A_584 = tpu.memref_slice %arg11[%dma_wait3A_583] : memref<1664xf32, #tpu.memory_space<vmem>> -> memref<104xf32, #tpu.memory_space<vmem>>
    %dma_wait3A_585 = arith.constant 832 : i32
    %dma_wait3A_586 = tpu.memref_slice %arg9[%dma_wait3A_585] : memref<1664xi32, #tpu.memory_space<vmem>> -> memref<104xi32, #tpu.memory_space<vmem>>
    %dma_wait3A_587 = arith.constant 0 : i32
    %dma_wait3A_588 = tpu.memref_slice %arg3[%dma_wait3A_587] : memref<53248xf32, #tpu.memory_space<hbm>> -> memref<53248xf32, #tpu.memory_space<hbm>>
    tpu.wait_indirect_dma semaphore(%arg19 : memref<!tpu.dma_semaphore, #tpu.memory_space<semaphore_mem>>) src(%dma_wait3A_588 : memref<53248xf32, #tpu.memory_space<hbm>>) dst(%dma_wait3A_584 : memref<104xf32, #tpu.memory_space<vmem>>)
    %dma_wait3A_589 = arith.constant 832 : i32
    %dma_wait3A_590 = tpu.memref_slice %arg12[%dma_wait3A_589] : memref<1664xf32, #tpu.memory_space<vmem>> -> memref<104xf32, #tpu.memory_space<vmem>>
    %dma_wait3A_591 = arith.constant 832 : i32
    %dma_wait3A_592 = tpu.memref_slice %arg9[%dma_wait3A_591] : memref<1664xi32, #tpu.memory_space<vmem>> -> memref<104xi32, #tpu.memory_space<vmem>>
    %dma_wait3A_593 = arith.constant 0 : i32
    %dma_wait3A_594 = tpu.memref_slice %arg4[%dma_wait3A_593] : memref<53248xf32, #tpu.memory_space<hbm>> -> memref<53248xf32, #tpu.memory_space<hbm>>
    tpu.wait_indirect_dma semaphore(%arg19 : memref<!tpu.dma_semaphore, #tpu.memory_space<semaphore_mem>>) src(%dma_wait3A_594 : memref<53248xf32, #tpu.memory_space<hbm>>) dst(%dma_wait3A_590 : memref<104xf32, #tpu.memory_space<vmem>>)
    %dma_wait3A_595 = arith.constant 832 : i32
    %dma_wait3A_596 = tpu.memref_slice %arg13[%dma_wait3A_595] : memref<1664xf32, #tpu.memory_space<vmem>> -> memref<104xf32, #tpu.memory_space<vmem>>
    %dma_wait3A_597 = arith.constant 832 : i32
    %dma_wait3A_598 = tpu.memref_slice %arg9[%dma_wait3A_597] : memref<1664xi32, #tpu.memory_space<vmem>> -> memref<104xi32, #tpu.memory_space<vmem>>
    %dma_wait3A_599 = arith.constant 0 : i32
    %dma_wait3A_600 = tpu.memref_slice %arg5[%dma_wait3A_599] : memref<53248xf32, #tpu.memory_space<hbm>> -> memref<53248xf32, #tpu.memory_space<hbm>>
    tpu.wait_indirect_dma semaphore(%arg19 : memref<!tpu.dma_semaphore, #tpu.memory_space<semaphore_mem>>) src(%dma_wait3A_600 : memref<53248xf32, #tpu.memory_space<hbm>>) dst(%dma_wait3A_596 : memref<104xf32, #tpu.memory_space<vmem>>)
    %dma_wait3A_601 = arith.constant 936 : i32
    %dma_wait3A_602 = tpu.memref_slice %arg10[%dma_wait3A_601] : memref<1664xf32, #tpu.memory_space<vmem>> -> memref<104xf32, #tpu.memory_space<vmem>>
    %dma_wait3A_603 = arith.constant 936 : i32
    %dma_wait3A_604 = tpu.memref_slice %arg9[%dma_wait3A_603] : memref<1664xi32, #tpu.memory_space<vmem>> -> memref<104xi32, #tpu.memory_space<vmem>>
    %dma_wait3A_605 = arith.constant 0 : i32
    %dma_wait3A_606 = tpu.memref_slice %arg2[%dma_wait3A_605] : memref<53248xf32, #tpu.memory_space<hbm>> -> memref<53248xf32, #tpu.memory_space<hbm>>
    tpu.wait_indirect_dma semaphore(%arg19 : memref<!tpu.dma_semaphore, #tpu.memory_space<semaphore_mem>>) src(%dma_wait3A_606 : memref<53248xf32, #tpu.memory_space<hbm>>) dst(%dma_wait3A_602 : memref<104xf32, #tpu.memory_space<vmem>>)
    %dma_wait3A_607 = arith.constant 936 : i32
    %dma_wait3A_608 = tpu.memref_slice %arg11[%dma_wait3A_607] : memref<1664xf32, #tpu.memory_space<vmem>> -> memref<104xf32, #tpu.memory_space<vmem>>
    %dma_wait3A_609 = arith.constant 936 : i32
    %dma_wait3A_610 = tpu.memref_slice %arg9[%dma_wait3A_609] : memref<1664xi32, #tpu.memory_space<vmem>> -> memref<104xi32, #tpu.memory_space<vmem>>
    %dma_wait3A_611 = arith.constant 0 : i32
    %dma_wait3A_612 = tpu.memref_slice %arg3[%dma_wait3A_611] : memref<53248xf32, #tpu.memory_space<hbm>> -> memref<53248xf32, #tpu.memory_space<hbm>>
    tpu.wait_indirect_dma semaphore(%arg19 : memref<!tpu.dma_semaphore, #tpu.memory_space<semaphore_mem>>) src(%dma_wait3A_612 : memref<53248xf32, #tpu.memory_space<hbm>>) dst(%dma_wait3A_608 : memref<104xf32, #tpu.memory_space<vmem>>)
    %dma_wait3A_613 = arith.constant 936 : i32
    %dma_wait3A_614 = tpu.memref_slice %arg12[%dma_wait3A_613] : memref<1664xf32, #tpu.memory_space<vmem>> -> memref<104xf32, #tpu.memory_space<vmem>>
    %dma_wait3A_615 = arith.constant 936 : i32
    %dma_wait3A_616 = tpu.memref_slice %arg9[%dma_wait3A_615] : memref<1664xi32, #tpu.memory_space<vmem>> -> memref<104xi32, #tpu.memory_space<vmem>>
    %dma_wait3A_617 = arith.constant 0 : i32
    %dma_wait3A_618 = tpu.memref_slice %arg4[%dma_wait3A_617] : memref<53248xf32, #tpu.memory_space<hbm>> -> memref<53248xf32, #tpu.memory_space<hbm>>
    tpu.wait_indirect_dma semaphore(%arg19 : memref<!tpu.dma_semaphore, #tpu.memory_space<semaphore_mem>>) src(%dma_wait3A_618 : memref<53248xf32, #tpu.memory_space<hbm>>) dst(%dma_wait3A_614 : memref<104xf32, #tpu.memory_space<vmem>>)
    %dma_wait3A_619 = arith.constant 936 : i32
    %dma_wait3A_620 = tpu.memref_slice %arg13[%dma_wait3A_619] : memref<1664xf32, #tpu.memory_space<vmem>> -> memref<104xf32, #tpu.memory_space<vmem>>
    %dma_wait3A_621 = arith.constant 936 : i32
    %dma_wait3A_622 = tpu.memref_slice %arg9[%dma_wait3A_621] : memref<1664xi32, #tpu.memory_space<vmem>> -> memref<104xi32, #tpu.memory_space<vmem>>
    %dma_wait3A_623 = arith.constant 0 : i32
    %dma_wait3A_624 = tpu.memref_slice %arg5[%dma_wait3A_623] : memref<53248xf32, #tpu.memory_space<hbm>> -> memref<53248xf32, #tpu.memory_space<hbm>>
    tpu.wait_indirect_dma semaphore(%arg19 : memref<!tpu.dma_semaphore, #tpu.memory_space<semaphore_mem>>) src(%dma_wait3A_624 : memref<53248xf32, #tpu.memory_space<hbm>>) dst(%dma_wait3A_620 : memref<104xf32, #tpu.memory_space<vmem>>)
    %dma_wait3A_625 = arith.constant 1040 : i32
    %dma_wait3A_626 = tpu.memref_slice %arg10[%dma_wait3A_625] : memref<1664xf32, #tpu.memory_space<vmem>> -> memref<104xf32, #tpu.memory_space<vmem>>
    %dma_wait3A_627 = arith.constant 1040 : i32
    %dma_wait3A_628 = tpu.memref_slice %arg9[%dma_wait3A_627] : memref<1664xi32, #tpu.memory_space<vmem>> -> memref<104xi32, #tpu.memory_space<vmem>>
    %dma_wait3A_629 = arith.constant 0 : i32
    %dma_wait3A_630 = tpu.memref_slice %arg2[%dma_wait3A_629] : memref<53248xf32, #tpu.memory_space<hbm>> -> memref<53248xf32, #tpu.memory_space<hbm>>
    tpu.wait_indirect_dma semaphore(%arg19 : memref<!tpu.dma_semaphore, #tpu.memory_space<semaphore_mem>>) src(%dma_wait3A_630 : memref<53248xf32, #tpu.memory_space<hbm>>) dst(%dma_wait3A_626 : memref<104xf32, #tpu.memory_space<vmem>>)
    %dma_wait3A_631 = arith.constant 1040 : i32
    %dma_wait3A_632 = tpu.memref_slice %arg11[%dma_wait3A_631] : memref<1664xf32, #tpu.memory_space<vmem>> -> memref<104xf32, #tpu.memory_space<vmem>>
    %dma_wait3A_633 = arith.constant 1040 : i32
    %dma_wait3A_634 = tpu.memref_slice %arg9[%dma_wait3A_633] : memref<1664xi32, #tpu.memory_space<vmem>> -> memref<104xi32, #tpu.memory_space<vmem>>
    %dma_wait3A_635 = arith.constant 0 : i32
    %dma_wait3A_636 = tpu.memref_slice %arg3[%dma_wait3A_635] : memref<53248xf32, #tpu.memory_space<hbm>> -> memref<53248xf32, #tpu.memory_space<hbm>>
    tpu.wait_indirect_dma semaphore(%arg19 : memref<!tpu.dma_semaphore, #tpu.memory_space<semaphore_mem>>) src(%dma_wait3A_636 : memref<53248xf32, #tpu.memory_space<hbm>>) dst(%dma_wait3A_632 : memref<104xf32, #tpu.memory_space<vmem>>)
    %dma_wait3A_637 = arith.constant 1040 : i32
    %dma_wait3A_638 = tpu.memref_slice %arg12[%dma_wait3A_637] : memref<1664xf32, #tpu.memory_space<vmem>> -> memref<104xf32, #tpu.memory_space<vmem>>
    %dma_wait3A_639 = arith.constant 1040 : i32
    %dma_wait3A_640 = tpu.memref_slice %arg9[%dma_wait3A_639] : memref<1664xi32, #tpu.memory_space<vmem>> -> memref<104xi32, #tpu.memory_space<vmem>>
    %dma_wait3A_641 = arith.constant 0 : i32
    %dma_wait3A_642 = tpu.memref_slice %arg4[%dma_wait3A_641] : memref<53248xf32, #tpu.memory_space<hbm>> -> memref<53248xf32, #tpu.memory_space<hbm>>
    tpu.wait_indirect_dma semaphore(%arg19 : memref<!tpu.dma_semaphore, #tpu.memory_space<semaphore_mem>>) src(%dma_wait3A_642 : memref<53248xf32, #tpu.memory_space<hbm>>) dst(%dma_wait3A_638 : memref<104xf32, #tpu.memory_space<vmem>>)
    %dma_wait3A_643 = arith.constant 1040 : i32
    %dma_wait3A_644 = tpu.memref_slice %arg13[%dma_wait3A_643] : memref<1664xf32, #tpu.memory_space<vmem>> -> memref<104xf32, #tpu.memory_space<vmem>>
    %dma_wait3A_645 = arith.constant 1040 : i32
    %dma_wait3A_646 = tpu.memref_slice %arg9[%dma_wait3A_645] : memref<1664xi32, #tpu.memory_space<vmem>> -> memref<104xi32, #tpu.memory_space<vmem>>
    %dma_wait3A_647 = arith.constant 0 : i32
    %dma_wait3A_648 = tpu.memref_slice %arg5[%dma_wait3A_647] : memref<53248xf32, #tpu.memory_space<hbm>> -> memref<53248xf32, #tpu.memory_space<hbm>>
    tpu.wait_indirect_dma semaphore(%arg19 : memref<!tpu.dma_semaphore, #tpu.memory_space<semaphore_mem>>) src(%dma_wait3A_648 : memref<53248xf32, #tpu.memory_space<hbm>>) dst(%dma_wait3A_644 : memref<104xf32, #tpu.memory_space<vmem>>)
    %dma_wait3A_649 = arith.constant 1144 : i32
    %dma_wait3A_650 = tpu.memref_slice %arg10[%dma_wait3A_649] : memref<1664xf32, #tpu.memory_space<vmem>> -> memref<104xf32, #tpu.memory_space<vmem>>
    %dma_wait3A_651 = arith.constant 1144 : i32
    %dma_wait3A_652 = tpu.memref_slice %arg9[%dma_wait3A_651] : memref<1664xi32, #tpu.memory_space<vmem>> -> memref<104xi32, #tpu.memory_space<vmem>>
    %dma_wait3A_653 = arith.constant 0 : i32
    %dma_wait3A_654 = tpu.memref_slice %arg2[%dma_wait3A_653] : memref<53248xf32, #tpu.memory_space<hbm>> -> memref<53248xf32, #tpu.memory_space<hbm>>
    tpu.wait_indirect_dma semaphore(%arg19 : memref<!tpu.dma_semaphore, #tpu.memory_space<semaphore_mem>>) src(%dma_wait3A_654 : memref<53248xf32, #tpu.memory_space<hbm>>) dst(%dma_wait3A_650 : memref<104xf32, #tpu.memory_space<vmem>>)
    %dma_wait3A_655 = arith.constant 1144 : i32
    %dma_wait3A_656 = tpu.memref_slice %arg11[%dma_wait3A_655] : memref<1664xf32, #tpu.memory_space<vmem>> -> memref<104xf32, #tpu.memory_space<vmem>>
    %dma_wait3A_657 = arith.constant 1144 : i32
    %dma_wait3A_658 = tpu.memref_slice %arg9[%dma_wait3A_657] : memref<1664xi32, #tpu.memory_space<vmem>> -> memref<104xi32, #tpu.memory_space<vmem>>
    %dma_wait3A_659 = arith.constant 0 : i32
    %dma_wait3A_660 = tpu.memref_slice %arg3[%dma_wait3A_659] : memref<53248xf32, #tpu.memory_space<hbm>> -> memref<53248xf32, #tpu.memory_space<hbm>>
    tpu.wait_indirect_dma semaphore(%arg19 : memref<!tpu.dma_semaphore, #tpu.memory_space<semaphore_mem>>) src(%dma_wait3A_660 : memref<53248xf32, #tpu.memory_space<hbm>>) dst(%dma_wait3A_656 : memref<104xf32, #tpu.memory_space<vmem>>)
    %dma_wait3A_661 = arith.constant 1144 : i32
    %dma_wait3A_662 = tpu.memref_slice %arg12[%dma_wait3A_661] : memref<1664xf32, #tpu.memory_space<vmem>> -> memref<104xf32, #tpu.memory_space<vmem>>
    %dma_wait3A_663 = arith.constant 1144 : i32
    %dma_wait3A_664 = tpu.memref_slice %arg9[%dma_wait3A_663] : memref<1664xi32, #tpu.memory_space<vmem>> -> memref<104xi32, #tpu.memory_space<vmem>>
    %dma_wait3A_665 = arith.constant 0 : i32
    %dma_wait3A_666 = tpu.memref_slice %arg4[%dma_wait3A_665] : memref<53248xf32, #tpu.memory_space<hbm>> -> memref<53248xf32, #tpu.memory_space<hbm>>
    tpu.wait_indirect_dma semaphore(%arg19 : memref<!tpu.dma_semaphore, #tpu.memory_space<semaphore_mem>>) src(%dma_wait3A_666 : memref<53248xf32, #tpu.memory_space<hbm>>) dst(%dma_wait3A_662 : memref<104xf32, #tpu.memory_space<vmem>>)
    %dma_wait3A_667 = arith.constant 1144 : i32
    %dma_wait3A_668 = tpu.memref_slice %arg13[%dma_wait3A_667] : memref<1664xf32, #tpu.memory_space<vmem>> -> memref<104xf32, #tpu.memory_space<vmem>>
    %dma_wait3A_669 = arith.constant 1144 : i32
    %dma_wait3A_670 = tpu.memref_slice %arg9[%dma_wait3A_669] : memref<1664xi32, #tpu.memory_space<vmem>> -> memref<104xi32, #tpu.memory_space<vmem>>
    %dma_wait3A_671 = arith.constant 0 : i32
    %dma_wait3A_672 = tpu.memref_slice %arg5[%dma_wait3A_671] : memref<53248xf32, #tpu.memory_space<hbm>> -> memref<53248xf32, #tpu.memory_space<hbm>>
    tpu.wait_indirect_dma semaphore(%arg19 : memref<!tpu.dma_semaphore, #tpu.memory_space<semaphore_mem>>) src(%dma_wait3A_672 : memref<53248xf32, #tpu.memory_space<hbm>>) dst(%dma_wait3A_668 : memref<104xf32, #tpu.memory_space<vmem>>)
    %dma_wait3A_673 = arith.constant 1248 : i32
    %dma_wait3A_674 = tpu.memref_slice %arg10[%dma_wait3A_673] : memref<1664xf32, #tpu.memory_space<vmem>> -> memref<104xf32, #tpu.memory_space<vmem>>
    %dma_wait3A_675 = arith.constant 1248 : i32
    %dma_wait3A_676 = tpu.memref_slice %arg9[%dma_wait3A_675] : memref<1664xi32, #tpu.memory_space<vmem>> -> memref<104xi32, #tpu.memory_space<vmem>>
    %dma_wait3A_677 = arith.constant 0 : i32
    %dma_wait3A_678 = tpu.memref_slice %arg2[%dma_wait3A_677] : memref<53248xf32, #tpu.memory_space<hbm>> -> memref<53248xf32, #tpu.memory_space<hbm>>
    tpu.wait_indirect_dma semaphore(%arg19 : memref<!tpu.dma_semaphore, #tpu.memory_space<semaphore_mem>>) src(%dma_wait3A_678 : memref<53248xf32, #tpu.memory_space<hbm>>) dst(%dma_wait3A_674 : memref<104xf32, #tpu.memory_space<vmem>>)
    %dma_wait3A_679 = arith.constant 1248 : i32
    %dma_wait3A_680 = tpu.memref_slice %arg11[%dma_wait3A_679] : memref<1664xf32, #tpu.memory_space<vmem>> -> memref<104xf32, #tpu.memory_space<vmem>>
    %dma_wait3A_681 = arith.constant 1248 : i32
    %dma_wait3A_682 = tpu.memref_slice %arg9[%dma_wait3A_681] : memref<1664xi32, #tpu.memory_space<vmem>> -> memref<104xi32, #tpu.memory_space<vmem>>
    %dma_wait3A_683 = arith.constant 0 : i32
    %dma_wait3A_684 = tpu.memref_slice %arg3[%dma_wait3A_683] : memref<53248xf32, #tpu.memory_space<hbm>> -> memref<53248xf32, #tpu.memory_space<hbm>>
    tpu.wait_indirect_dma semaphore(%arg19 : memref<!tpu.dma_semaphore, #tpu.memory_space<semaphore_mem>>) src(%dma_wait3A_684 : memref<53248xf32, #tpu.memory_space<hbm>>) dst(%dma_wait3A_680 : memref<104xf32, #tpu.memory_space<vmem>>)
    %dma_wait3A_685 = arith.constant 1248 : i32
    %dma_wait3A_686 = tpu.memref_slice %arg12[%dma_wait3A_685] : memref<1664xf32, #tpu.memory_space<vmem>> -> memref<104xf32, #tpu.memory_space<vmem>>
    %dma_wait3A_687 = arith.constant 1248 : i32
    %dma_wait3A_688 = tpu.memref_slice %arg9[%dma_wait3A_687] : memref<1664xi32, #tpu.memory_space<vmem>> -> memref<104xi32, #tpu.memory_space<vmem>>
    %dma_wait3A_689 = arith.constant 0 : i32
    %dma_wait3A_690 = tpu.memref_slice %arg4[%dma_wait3A_689] : memref<53248xf32, #tpu.memory_space<hbm>> -> memref<53248xf32, #tpu.memory_space<hbm>>
    tpu.wait_indirect_dma semaphore(%arg19 : memref<!tpu.dma_semaphore, #tpu.memory_space<semaphore_mem>>) src(%dma_wait3A_690 : memref<53248xf32, #tpu.memory_space<hbm>>) dst(%dma_wait3A_686 : memref<104xf32, #tpu.memory_space<vmem>>)
    %dma_wait3A_691 = arith.constant 1248 : i32
    %dma_wait3A_692 = tpu.memref_slice %arg13[%dma_wait3A_691] : memref<1664xf32, #tpu.memory_space<vmem>> -> memref<104xf32, #tpu.memory_space<vmem>>
    %dma_wait3A_693 = arith.constant 1248 : i32
    %dma_wait3A_694 = tpu.memref_slice %arg9[%dma_wait3A_693] : memref<1664xi32, #tpu.memory_space<vmem>> -> memref<104xi32, #tpu.memory_space<vmem>>
    %dma_wait3A_695 = arith.constant 0 : i32
    %dma_wait3A_696 = tpu.memref_slice %arg5[%dma_wait3A_695] : memref<53248xf32, #tpu.memory_space<hbm>> -> memref<53248xf32, #tpu.memory_space<hbm>>
    tpu.wait_indirect_dma semaphore(%arg19 : memref<!tpu.dma_semaphore, #tpu.memory_space<semaphore_mem>>) src(%dma_wait3A_696 : memref<53248xf32, #tpu.memory_space<hbm>>) dst(%dma_wait3A_692 : memref<104xf32, #tpu.memory_space<vmem>>)
    %dma_wait3A_697 = arith.constant 1352 : i32
    %dma_wait3A_698 = tpu.memref_slice %arg10[%dma_wait3A_697] : memref<1664xf32, #tpu.memory_space<vmem>> -> memref<104xf32, #tpu.memory_space<vmem>>
    %dma_wait3A_699 = arith.constant 1352 : i32
    %dma_wait3A_700 = tpu.memref_slice %arg9[%dma_wait3A_699] : memref<1664xi32, #tpu.memory_space<vmem>> -> memref<104xi32, #tpu.memory_space<vmem>>
    %dma_wait3A_701 = arith.constant 0 : i32
    %dma_wait3A_702 = tpu.memref_slice %arg2[%dma_wait3A_701] : memref<53248xf32, #tpu.memory_space<hbm>> -> memref<53248xf32, #tpu.memory_space<hbm>>
    tpu.wait_indirect_dma semaphore(%arg19 : memref<!tpu.dma_semaphore, #tpu.memory_space<semaphore_mem>>) src(%dma_wait3A_702 : memref<53248xf32, #tpu.memory_space<hbm>>) dst(%dma_wait3A_698 : memref<104xf32, #tpu.memory_space<vmem>>)
    %dma_wait3A_703 = arith.constant 1352 : i32
    %dma_wait3A_704 = tpu.memref_slice %arg11[%dma_wait3A_703] : memref<1664xf32, #tpu.memory_space<vmem>> -> memref<104xf32, #tpu.memory_space<vmem>>
    %dma_wait3A_705 = arith.constant 1352 : i32
    %dma_wait3A_706 = tpu.memref_slice %arg9[%dma_wait3A_705] : memref<1664xi32, #tpu.memory_space<vmem>> -> memref<104xi32, #tpu.memory_space<vmem>>
    %dma_wait3A_707 = arith.constant 0 : i32
    %dma_wait3A_708 = tpu.memref_slice %arg3[%dma_wait3A_707] : memref<53248xf32, #tpu.memory_space<hbm>> -> memref<53248xf32, #tpu.memory_space<hbm>>
    tpu.wait_indirect_dma semaphore(%arg19 : memref<!tpu.dma_semaphore, #tpu.memory_space<semaphore_mem>>) src(%dma_wait3A_708 : memref<53248xf32, #tpu.memory_space<hbm>>) dst(%dma_wait3A_704 : memref<104xf32, #tpu.memory_space<vmem>>)
    %dma_wait3A_709 = arith.constant 1352 : i32
    %dma_wait3A_710 = tpu.memref_slice %arg12[%dma_wait3A_709] : memref<1664xf32, #tpu.memory_space<vmem>> -> memref<104xf32, #tpu.memory_space<vmem>>
    %dma_wait3A_711 = arith.constant 1352 : i32
    %dma_wait3A_712 = tpu.memref_slice %arg9[%dma_wait3A_711] : memref<1664xi32, #tpu.memory_space<vmem>> -> memref<104xi32, #tpu.memory_space<vmem>>
    %dma_wait3A_713 = arith.constant 0 : i32
    %dma_wait3A_714 = tpu.memref_slice %arg4[%dma_wait3A_713] : memref<53248xf32, #tpu.memory_space<hbm>> -> memref<53248xf32, #tpu.memory_space<hbm>>
    tpu.wait_indirect_dma semaphore(%arg19 : memref<!tpu.dma_semaphore, #tpu.memory_space<semaphore_mem>>) src(%dma_wait3A_714 : memref<53248xf32, #tpu.memory_space<hbm>>) dst(%dma_wait3A_710 : memref<104xf32, #tpu.memory_space<vmem>>)
    %dma_wait3A_715 = arith.constant 1352 : i32
    %dma_wait3A_716 = tpu.memref_slice %arg13[%dma_wait3A_715] : memref<1664xf32, #tpu.memory_space<vmem>> -> memref<104xf32, #tpu.memory_space<vmem>>
    %dma_wait3A_717 = arith.constant 1352 : i32
    %dma_wait3A_718 = tpu.memref_slice %arg9[%dma_wait3A_717] : memref<1664xi32, #tpu.memory_space<vmem>> -> memref<104xi32, #tpu.memory_space<vmem>>
    %dma_wait3A_719 = arith.constant 0 : i32
    %dma_wait3A_720 = tpu.memref_slice %arg5[%dma_wait3A_719] : memref<53248xf32, #tpu.memory_space<hbm>> -> memref<53248xf32, #tpu.memory_space<hbm>>
    tpu.wait_indirect_dma semaphore(%arg19 : memref<!tpu.dma_semaphore, #tpu.memory_space<semaphore_mem>>) src(%dma_wait3A_720 : memref<53248xf32, #tpu.memory_space<hbm>>) dst(%dma_wait3A_716 : memref<104xf32, #tpu.memory_space<vmem>>)
    %dma_wait3A_721 = arith.constant 1456 : i32
    %dma_wait3A_722 = tpu.memref_slice %arg10[%dma_wait3A_721] : memref<1664xf32, #tpu.memory_space<vmem>> -> memref<104xf32, #tpu.memory_space<vmem>>
    %dma_wait3A_723 = arith.constant 1456 : i32
    %dma_wait3A_724 = tpu.memref_slice %arg9[%dma_wait3A_723] : memref<1664xi32, #tpu.memory_space<vmem>> -> memref<104xi32, #tpu.memory_space<vmem>>
    %dma_wait3A_725 = arith.constant 0 : i32
    %dma_wait3A_726 = tpu.memref_slice %arg2[%dma_wait3A_725] : memref<53248xf32, #tpu.memory_space<hbm>> -> memref<53248xf32, #tpu.memory_space<hbm>>
    tpu.wait_indirect_dma semaphore(%arg19 : memref<!tpu.dma_semaphore, #tpu.memory_space<semaphore_mem>>) src(%dma_wait3A_726 : memref<53248xf32, #tpu.memory_space<hbm>>) dst(%dma_wait3A_722 : memref<104xf32, #tpu.memory_space<vmem>>)
    %dma_wait3A_727 = arith.constant 1456 : i32
    %dma_wait3A_728 = tpu.memref_slice %arg11[%dma_wait3A_727] : memref<1664xf32, #tpu.memory_space<vmem>> -> memref<104xf32, #tpu.memory_space<vmem>>
    %dma_wait3A_729 = arith.constant 1456 : i32
    %dma_wait3A_730 = tpu.memref_slice %arg9[%dma_wait3A_729] : memref<1664xi32, #tpu.memory_space<vmem>> -> memref<104xi32, #tpu.memory_space<vmem>>
    %dma_wait3A_731 = arith.constant 0 : i32
    %dma_wait3A_732 = tpu.memref_slice %arg3[%dma_wait3A_731] : memref<53248xf32, #tpu.memory_space<hbm>> -> memref<53248xf32, #tpu.memory_space<hbm>>
    tpu.wait_indirect_dma semaphore(%arg19 : memref<!tpu.dma_semaphore, #tpu.memory_space<semaphore_mem>>) src(%dma_wait3A_732 : memref<53248xf32, #tpu.memory_space<hbm>>) dst(%dma_wait3A_728 : memref<104xf32, #tpu.memory_space<vmem>>)
    %dma_wait3A_733 = arith.constant 1456 : i32
    %dma_wait3A_734 = tpu.memref_slice %arg12[%dma_wait3A_733] : memref<1664xf32, #tpu.memory_space<vmem>> -> memref<104xf32, #tpu.memory_space<vmem>>
    %dma_wait3A_735 = arith.constant 1456 : i32
    %dma_wait3A_736 = tpu.memref_slice %arg9[%dma_wait3A_735] : memref<1664xi32, #tpu.memory_space<vmem>> -> memref<104xi32, #tpu.memory_space<vmem>>
    %dma_wait3A_737 = arith.constant 0 : i32
    %dma_wait3A_738 = tpu.memref_slice %arg4[%dma_wait3A_737] : memref<53248xf32, #tpu.memory_space<hbm>> -> memref<53248xf32, #tpu.memory_space<hbm>>
    tpu.wait_indirect_dma semaphore(%arg19 : memref<!tpu.dma_semaphore, #tpu.memory_space<semaphore_mem>>) src(%dma_wait3A_738 : memref<53248xf32, #tpu.memory_space<hbm>>) dst(%dma_wait3A_734 : memref<104xf32, #tpu.memory_space<vmem>>)
    %dma_wait3A_739 = arith.constant 1456 : i32
    %dma_wait3A_740 = tpu.memref_slice %arg13[%dma_wait3A_739] : memref<1664xf32, #tpu.memory_space<vmem>> -> memref<104xf32, #tpu.memory_space<vmem>>
    %dma_wait3A_741 = arith.constant 1456 : i32
    %dma_wait3A_742 = tpu.memref_slice %arg9[%dma_wait3A_741] : memref<1664xi32, #tpu.memory_space<vmem>> -> memref<104xi32, #tpu.memory_space<vmem>>
    %dma_wait3A_743 = arith.constant 0 : i32
    %dma_wait3A_744 = tpu.memref_slice %arg5[%dma_wait3A_743] : memref<53248xf32, #tpu.memory_space<hbm>> -> memref<53248xf32, #tpu.memory_space<hbm>>
    tpu.wait_indirect_dma semaphore(%arg19 : memref<!tpu.dma_semaphore, #tpu.memory_space<semaphore_mem>>) src(%dma_wait3A_744 : memref<53248xf32, #tpu.memory_space<hbm>>) dst(%dma_wait3A_740 : memref<104xf32, #tpu.memory_space<vmem>>)
    %dma_wait3A_745 = arith.constant 1560 : i32
    %dma_wait3A_746 = tpu.memref_slice %arg10[%dma_wait3A_745] : memref<1664xf32, #tpu.memory_space<vmem>> -> memref<104xf32, #tpu.memory_space<vmem>>
    %dma_wait3A_747 = arith.constant 1560 : i32
    %dma_wait3A_748 = tpu.memref_slice %arg9[%dma_wait3A_747] : memref<1664xi32, #tpu.memory_space<vmem>> -> memref<104xi32, #tpu.memory_space<vmem>>
    %dma_wait3A_749 = arith.constant 0 : i32
    %dma_wait3A_750 = tpu.memref_slice %arg2[%dma_wait3A_749] : memref<53248xf32, #tpu.memory_space<hbm>> -> memref<53248xf32, #tpu.memory_space<hbm>>
    tpu.wait_indirect_dma semaphore(%arg19 : memref<!tpu.dma_semaphore, #tpu.memory_space<semaphore_mem>>) src(%dma_wait3A_750 : memref<53248xf32, #tpu.memory_space<hbm>>) dst(%dma_wait3A_746 : memref<104xf32, #tpu.memory_space<vmem>>)
    %dma_wait3A_751 = arith.constant 1560 : i32
    %dma_wait3A_752 = tpu.memref_slice %arg11[%dma_wait3A_751] : memref<1664xf32, #tpu.memory_space<vmem>> -> memref<104xf32, #tpu.memory_space<vmem>>
    %dma_wait3A_753 = arith.constant 1560 : i32
    %dma_wait3A_754 = tpu.memref_slice %arg9[%dma_wait3A_753] : memref<1664xi32, #tpu.memory_space<vmem>> -> memref<104xi32, #tpu.memory_space<vmem>>
    %dma_wait3A_755 = arith.constant 0 : i32
    %dma_wait3A_756 = tpu.memref_slice %arg3[%dma_wait3A_755] : memref<53248xf32, #tpu.memory_space<hbm>> -> memref<53248xf32, #tpu.memory_space<hbm>>
    tpu.wait_indirect_dma semaphore(%arg19 : memref<!tpu.dma_semaphore, #tpu.memory_space<semaphore_mem>>) src(%dma_wait3A_756 : memref<53248xf32, #tpu.memory_space<hbm>>) dst(%dma_wait3A_752 : memref<104xf32, #tpu.memory_space<vmem>>)
    %dma_wait3A_757 = arith.constant 1560 : i32
    %dma_wait3A_758 = tpu.memref_slice %arg12[%dma_wait3A_757] : memref<1664xf32, #tpu.memory_space<vmem>> -> memref<104xf32, #tpu.memory_space<vmem>>
    %dma_wait3A_759 = arith.constant 1560 : i32
    %dma_wait3A_760 = tpu.memref_slice %arg9[%dma_wait3A_759] : memref<1664xi32, #tpu.memory_space<vmem>> -> memref<104xi32, #tpu.memory_space<vmem>>
    %dma_wait3A_761 = arith.constant 0 : i32
    %dma_wait3A_762 = tpu.memref_slice %arg4[%dma_wait3A_761] : memref<53248xf32, #tpu.memory_space<hbm>> -> memref<53248xf32, #tpu.memory_space<hbm>>
    tpu.wait_indirect_dma semaphore(%arg19 : memref<!tpu.dma_semaphore, #tpu.memory_space<semaphore_mem>>) src(%dma_wait3A_762 : memref<53248xf32, #tpu.memory_space<hbm>>) dst(%dma_wait3A_758 : memref<104xf32, #tpu.memory_space<vmem>>)
    %dma_wait3A_763 = arith.constant 1560 : i32
    %dma_wait3A_764 = tpu.memref_slice %arg13[%dma_wait3A_763] : memref<1664xf32, #tpu.memory_space<vmem>> -> memref<104xf32, #tpu.memory_space<vmem>>
    %dma_wait3A_765 = arith.constant 1560 : i32
    %dma_wait3A_766 = tpu.memref_slice %arg9[%dma_wait3A_765] : memref<1664xi32, #tpu.memory_space<vmem>> -> memref<104xi32, #tpu.memory_space<vmem>>
    %dma_wait3A_767 = arith.constant 0 : i32
    %dma_wait3A_768 = tpu.memref_slice %arg5[%dma_wait3A_767] : memref<53248xf32, #tpu.memory_space<hbm>> -> memref<53248xf32, #tpu.memory_space<hbm>>
    tpu.wait_indirect_dma semaphore(%arg19 : memref<!tpu.dma_semaphore, #tpu.memory_space<semaphore_mem>>) src(%dma_wait3A_768 : memref<53248xf32, #tpu.memory_space<hbm>>) dst(%dma_wait3A_764 : memref<104xf32, #tpu.memory_space<vmem>>)
    %scan3A = arith.constant 0 : i32
    %scan3A_769 = arith.constant 0 : i32
    %scan3A_770 = arith.constant 104 : i32
    %scan3A_771 = arith.addi %scan3A_769, %scan3A_770 : i32
    %scan3A_772 = arith.constant 1 : i32
    scf.for %scan3A_774 = %scan3A_769 to %scan3A_771 step %scan3A_772  : i32 {
      %mul3A_775 = arith.constant 16 : i32
      %mul3A_776 = arith.muli %scan3A_774, %mul3A_775 : i32
      %iota3A = tpu.iota {dimensions = array<i32: 0>} : vector<16xi32>
      %add3A_777 = vector.broadcast %mul3A_776 : i32 to vector<16xi32>
      %add3A_778 = arith.addi %iota3A, %add3A_777 : vector<16xi32>
      %get3A = arith.index_cast %mul3A_776 : i32 to index
      %get3A_779 = tpu.vector_load %arg10[%get3A] {strides = array<i32>} : memref<1664xf32, #tpu.memory_space<vmem>>, vector<16xf32>,
      %get3A_780 = arith.index_cast %mul3A_776 : i32 to index
      %get3A_781 = tpu.vector_load %arg14[%get3A_780] {strides = array<i32>} : memref<1664xf32, #tpu.memory_space<vmem>>, vector<16xf32>,
      %sub3A = arith.subf %get3A_779, %get3A_781 : vector<16xf32>
      %get3A_782 = arith.index_cast %mul3A_776 : i32 to index
      %get3A_783 = tpu.vector_load %arg11[%get3A_782] {strides = array<i32>} : memref<1664xf32, #tpu.memory_space<vmem>>, vector<16xf32>,
      %get3A_784 = arith.index_cast %mul3A_776 : i32 to index
      %get3A_785 = tpu.vector_load %arg15[%get3A_784] {strides = array<i32>} : memref<1664xf32, #tpu.memory_space<vmem>>, vector<16xf32>,
      %sub3A_786 = arith.subf %get3A_783, %get3A_785 : vector<16xf32>
      %get3A_787 = arith.index_cast %mul3A_776 : i32 to index
      %get3A_788 = tpu.vector_load %arg12[%get3A_787] {strides = array<i32>} : memref<1664xf32, #tpu.memory_space<vmem>>, vector<16xf32>,
      %get3A_789 = arith.index_cast %mul3A_776 : i32 to index
      %get3A_790 = tpu.vector_load %arg16[%get3A_789] {strides = array<i32>} : memref<1664xf32, #tpu.memory_space<vmem>>, vector<16xf32>,
      %sub3A_791 = arith.subf %get3A_788, %get3A_790 : vector<16xf32>
      %abs3A = math.absf %sub3A : vector<16xf32>
      %abs3A_792 = math.absf %sub3A_786 : vector<16xf32>
      %max3A = arith.maximumf %abs3A, %abs3A_792 : vector<16xf32>
      %abs3A_793 = math.absf %sub3A_791 : vector<16xf32>
      %max3A_794 = arith.maximumf %max3A, %abs3A_793 : vector<16xf32>
      %add3A_795 = vector.broadcast %mul3A_2 : i32 to vector<16xi32>
      %add3A_796 = arith.addi %add3A_778, %add3A_795 : vector<16xi32>
      %lt3A = arith.constant 50000 : i32
      %lt3A_797 = vector.broadcast %lt3A : i32 to vector<16xi32>
      %lt3A_798 = arith.cmpi slt, %add3A_796, %lt3A_797 : vector<16xi32>
      %jit3A = arith.constant 0.000000e+00 : f32
      %broadcast_in_dim3A = vector.broadcast %jit3A : f32 to vector<16xf32>
      %select_n3A = arith.select %lt3A_798, %max3A_794, %broadcast_in_dim3A : vector<16xi1>, vector<16xf32>
      %swap3A = arith.index_cast %mul3A_776 : i32 to index
      %swap3A_799 = tpu.vector_load %arg17[%swap3A] {strides = array<i32>} : memref<1664xf32, #tpu.memory_space<vmem>>, vector<16xf32>,
      tpu.vector_store %arg17[%swap3A], %select_n3A {strides = array<i32>} : memref<1664xf32, #tpu.memory_space<vmem>>, vector<16xf32>,
      %swap3A_800 = arith.constant 0 : i32
      %swap3A_801 = arith.index_cast %swap3A_800 : i32 to index
      %swap3A_802 = arith.index_cast %mul3A_776 : i32 to index
      %swap3A_803 = tpu.vector_load %arg18[%swap3A_801, %swap3A_802] {strides = array<i32>} : memref<4x1664xf32, #tpu.memory_space<vmem>>, vector<16xf32>,
      tpu.vector_store %arg18[%swap3A_801, %swap3A_802], %sub3A {strides = array<i32>} : memref<4x1664xf32, #tpu.memory_space<vmem>>, vector<16xf32>,
      %swap3A_804 = arith.constant 1 : i32
      %swap3A_805 = arith.index_cast %swap3A_804 : i32 to index
      %swap3A_806 = arith.index_cast %mul3A_776 : i32 to index
      %swap3A_807 = tpu.vector_load %arg18[%swap3A_805, %swap3A_806] {strides = array<i32>} : memref<4x1664xf32, #tpu.memory_space<vmem>>, vector<16xf32>,
      tpu.vector_store %arg18[%swap3A_805, %swap3A_806], %sub3A_786 {strides = array<i32>} : memref<4x1664xf32, #tpu.memory_space<vmem>>, vector<16xf32>,
      %swap3A_808 = arith.constant 2 : i32
      %swap3A_809 = arith.index_cast %swap3A_808 : i32 to index
      %swap3A_810 = arith.index_cast %mul3A_776 : i32 to index
      %swap3A_811 = tpu.vector_load %arg18[%swap3A_809, %swap3A_810] {strides = array<i32>} : memref<4x1664xf32, #tpu.memory_space<vmem>>, vector<16xf32>,
      tpu.vector_store %arg18[%swap3A_809, %swap3A_810], %sub3A_791 {strides = array<i32>} : memref<4x1664xf32, #tpu.memory_space<vmem>>, vector<16xf32>,
      %get3A_812 = arith.index_cast %mul3A_776 : i32 to index
      %get3A_813 = tpu.vector_load %arg13[%get3A_812] {strides = array<i32>} : memref<1664xf32, #tpu.memory_space<vmem>>, vector<16xf32>,
      %swap3A_814 = arith.constant 3 : i32
      %swap3A_815 = arith.index_cast %swap3A_814 : i32 to index
      %swap3A_816 = arith.index_cast %mul3A_776 : i32 to index
      %swap3A_817 = tpu.vector_load %arg18[%swap3A_815, %swap3A_816] {strides = array<i32>} : memref<4x1664xf32, #tpu.memory_space<vmem>>, vector<16xf32>,
      tpu.vector_store %arg18[%swap3A_815, %swap3A_816], %get3A_813 {strides = array<i32>} : memref<4x1664xf32, #tpu.memory_space<vmem>>, vector<16xf32>,
    }
    %scan3A_773 = arith.constant 104 : i32
    "tpu.region"() ({
      %run_scoped3A = tpu.sem_alloc : memref<!tpu.dma_semaphore, #tpu.memory_space<semaphore_mem>>
      %dma_start3A_774 = tpu.memref_slice %arg7[%mul3A_2] : memref<53248xf32, #tpu.memory_space<hbm>> -> memref<1664xf32, #tpu.memory_space<hbm>>
      %dma_start3A_775 = tpu.memref_slice %arg7[%mul3A_2] : memref<53248xf32, #tpu.memory_space<hbm>> -> memref<1664xf32, #tpu.memory_space<hbm>>
      tpu.enqueue_dma source(%arg17 : memref<1664xf32, #tpu.memory_space<vmem>>) target(%dma_start3A_775 : memref<1664xf32, #tpu.memory_space<hbm>>) target_semaphore(%run_scoped3A : memref<!tpu.dma_semaphore, #tpu.memory_space<semaphore_mem>>)
      %dma_wait3A_776 = tpu.memref_slice %arg7[%mul3A_2] : memref<53248xf32, #tpu.memory_space<hbm>> -> memref<1664xf32, #tpu.memory_space<hbm>>
      %dma_wait3A_777 = tpu.memref_slice %arg7[%mul3A_2] : memref<53248xf32, #tpu.memory_space<hbm>> -> memref<1664xf32, #tpu.memory_space<hbm>>
      tpu.wait_dma2 semaphore(%run_scoped3A : memref<!tpu.dma_semaphore, #tpu.memory_space<semaphore_mem>>) src(%arg17 : memref<1664xf32, #tpu.memory_space<vmem>>) dst(%dma_wait3A_777 : memref<1664xf32, #tpu.memory_space<hbm>>)
      tpu.yield
    }) : () -> ()
    "tpu.region"() ({
      %run_scoped3A = tpu.sem_alloc : memref<!tpu.dma_semaphore, #tpu.memory_space<semaphore_mem>>
      %dma_start3A_774 = arith.constant 0 : i32
      %dma_start3A_775 = tpu.memref_slice %arg8[%dma_start3A_774, %mul3A_2] : memref<4x53248xf32, #tpu.memory_space<hbm>> -> memref<4x1664xf32, #tpu.memory_space<hbm>>
      %dma_start3A_776 = arith.constant 0 : i32
      %dma_start3A_777 = tpu.memref_slice %arg8[%dma_start3A_776, %mul3A_2] : memref<4x53248xf32, #tpu.memory_space<hbm>> -> memref<4x1664xf32, #tpu.memory_space<hbm>>
      tpu.enqueue_dma source(%arg18 : memref<4x1664xf32, #tpu.memory_space<vmem>>) target(%dma_start3A_777 : memref<4x1664xf32, #tpu.memory_space<hbm>>) target_semaphore(%run_scoped3A : memref<!tpu.dma_semaphore, #tpu.memory_space<semaphore_mem>>)
      %dma_wait3A_778 = arith.constant 0 : i32
      %dma_wait3A_779 = tpu.memref_slice %arg8[%dma_wait3A_778, %mul3A_2] : memref<4x53248xf32, #tpu.memory_space<hbm>> -> memref<4x1664xf32, #tpu.memory_space<hbm>>
      %dma_wait3A_780 = arith.constant 0 : i32
      %dma_wait3A_781 = tpu.memref_slice %arg8[%dma_wait3A_780, %mul3A_2] : memref<4x53248xf32, #tpu.memory_space<hbm>> -> memref<4x1664xf32, #tpu.memory_space<hbm>>
      tpu.wait_dma2 semaphore(%run_scoped3A : memref<!tpu.dma_semaphore, #tpu.memory_space<semaphore_mem>>) src(%arg18 : memref<4x1664xf32, #tpu.memory_space<vmem>>) dst(%dma_wait3A_781 : memref<4x1664xf32, #tpu.memory_space<hbm>>)
      tpu.yield
    }) : () -> ()
    return
  }
}

#map = affine_map<(d0, d1) -> (0)>
module attributes {stable_mosaic.version = 14 : i64} {
  func.func @k(%arg0: i32, %arg1: i32, %arg2: memref<53248xi32, #tpu.memory_space<hbm>>, %arg3: memref<53248xf32, #tpu.memory_space<hbm>>, %arg4: memref<53248xf32, #tpu.memory_space<hbm>>, %arg5: memref<13312xi32, #tpu.memory_space<vmem>>, %arg6: memref<13312xi32, #tpu.memory_space<vmem>>, %arg7: memref<13312xf32, #tpu.memory_space<vmem>>, %arg8: memref<13312xf32, #tpu.memory_space<vmem>>, %arg9: memref<53248xf32, #tpu.memory_space<vmem>>, %arg10: memref<1664xf32, #tpu.memory_space<vmem>>, %arg11: memref<!tpu.dma_semaphore, #tpu.memory_space<semaphore_mem>>) attributes {dimension_semantics = [#tpu.dimension_semantics<core_parallel>, #tpu.dimension_semantics<subcore_parallel>], iteration_bounds = array<i64: 2, 16>, scalar_prefetch = 0 : i64, scratch_operands = 7 : i64, tpu.core_type = #tpu.core_type<sc_vector_subcore>, window_params = [{transform_indices = #map}, {transform_indices = #map}, {transform_indices = #map}]} {
    %mul3A = arith.constant 2 : i32
    %mul3A_0 = arith.muli %arg1, %mul3A : i32
    %add3A = arith.addi %mul3A_0, %arg0 : i32
    %mul3A_1 = arith.constant 1664 : i32
    %mul3A_2 = arith.muli %add3A, %mul3A_1 : i32
    %iota3A = tpu.iota {dimensions = array<i32: 0>} : vector<16xi32>
    %mul3A_3 = arith.constant 1664 : i32
    %mul3A_4 = vector.broadcast %mul3A_3 : i32 to vector<16xi32>
    %mul3A_5 = arith.muli %iota3A, %mul3A_4 : vector<16xi32>
    %add3A_6 = arith.constant 26624 : i32
    %add3A_7 = vector.broadcast %add3A_6 : i32 to vector<16xi32>
    %add3A_8 = arith.addi %mul3A_5, %add3A_7 : vector<16xi32>
    %dma_start3A = arith.constant 0 : i32
    %dma_start3A_9 = tpu.memref_slice %arg2[%dma_start3A] : memref<53248xi32, #tpu.memory_space<hbm>> -> memref<13312xi32, #tpu.memory_space<hbm>>
    %dma_start3A_10 = arith.constant 0 : i32
    %dma_start3A_11 = tpu.memref_slice %arg2[%dma_start3A_10] : memref<53248xi32, #tpu.memory_space<hbm>> -> memref<13312xi32, #tpu.memory_space<hbm>>
    tpu.enqueue_dma source(%dma_start3A_11 : memref<13312xi32, #tpu.memory_space<hbm>>) target(%arg5 : memref<13312xi32, #tpu.memory_space<vmem>>) target_semaphore(%arg11 : memref<!tpu.dma_semaphore, #tpu.memory_space<semaphore_mem>>)
    %dma_start3A_12 = arith.constant 0 : i32
    %dma_start3A_13 = tpu.memref_slice %arg3[%dma_start3A_12] : memref<53248xf32, #tpu.memory_space<hbm>> -> memref<13312xf32, #tpu.memory_space<hbm>>
    %dma_start3A_14 = arith.constant 0 : i32
    %dma_start3A_15 = tpu.memref_slice %arg3[%dma_start3A_14] : memref<53248xf32, #tpu.memory_space<hbm>> -> memref<13312xf32, #tpu.memory_space<hbm>>
    tpu.enqueue_dma source(%dma_start3A_15 : memref<13312xf32, #tpu.memory_space<hbm>>) target(%arg7 : memref<13312xf32, #tpu.memory_space<vmem>>) target_semaphore(%arg11 : memref<!tpu.dma_semaphore, #tpu.memory_space<semaphore_mem>>)
    %scan3A = arith.constant 0 : i32
    %scan3A_16 = arith.constant 0 : i32
    %scan3A_17 = arith.constant 3328 : i32
    %scan3A_18 = arith.addi %scan3A_16, %scan3A_17 : i32
    %scan3A_19 = arith.constant 1 : i32
    scf.for %scan3A_106 = %scan3A_16 to %scan3A_18 step %scan3A_19  : i32 {
      %broadcast_in_dim3A = arith.constant 0.000000e+00 : f32
      %broadcast_in_dim3A_107 = vector.broadcast %broadcast_in_dim3A : f32 to vector<16xf32>
      %mul3A_108 = arith.constant 16 : i32
      %mul3A_109 = arith.muli %scan3A_106, %mul3A_108 : i32
      %swap3A = arith.index_cast %mul3A_109 : i32 to index
      %swap3A_110 = tpu.vector_load %arg9[%swap3A] {strides = array<i32>} : memref<53248xf32, #tpu.memory_space<vmem>>, vector<16xf32>,
      tpu.vector_store %arg9[%swap3A], %broadcast_in_dim3A_107 {strides = array<i32>} : memref<53248xf32, #tpu.memory_space<vmem>>, vector<16xf32>,
    }
    %scan3A_20 = arith.constant 3328 : i32
    %dma_start3A_21 = arith.constant 13312 : i32
    %dma_start3A_22 = tpu.memref_slice %arg2[%dma_start3A_21] : memref<53248xi32, #tpu.memory_space<hbm>> -> memref<13312xi32, #tpu.memory_space<hbm>>
    %dma_start3A_23 = arith.constant 13312 : i32
    %dma_start3A_24 = tpu.memref_slice %arg2[%dma_start3A_23] : memref<53248xi32, #tpu.memory_space<hbm>> -> memref<13312xi32, #tpu.memory_space<hbm>>
    tpu.enqueue_dma source(%dma_start3A_24 : memref<13312xi32, #tpu.memory_space<hbm>>) target(%arg6 : memref<13312xi32, #tpu.memory_space<vmem>>) target_semaphore(%arg11 : memref<!tpu.dma_semaphore, #tpu.memory_space<semaphore_mem>>)
    %dma_start3A_25 = arith.constant 13312 : i32
    %dma_start3A_26 = tpu.memref_slice %arg3[%dma_start3A_25] : memref<53248xf32, #tpu.memory_space<hbm>> -> memref<13312xf32, #tpu.memory_space<hbm>>
    %dma_start3A_27 = arith.constant 13312 : i32
    %dma_start3A_28 = tpu.memref_slice %arg3[%dma_start3A_27] : memref<53248xf32, #tpu.memory_space<hbm>> -> memref<13312xf32, #tpu.memory_space<hbm>>
    tpu.enqueue_dma source(%dma_start3A_28 : memref<13312xf32, #tpu.memory_space<hbm>>) target(%arg8 : memref<13312xf32, #tpu.memory_space<vmem>>) target_semaphore(%arg11 : memref<!tpu.dma_semaphore, #tpu.memory_space<semaphore_mem>>)
    %dma_wait3A = arith.constant 0 : i32
    %dma_wait3A_29 = tpu.memref_slice %arg2[%dma_wait3A] : memref<53248xi32, #tpu.memory_space<hbm>> -> memref<13312xi32, #tpu.memory_space<hbm>>
    %dma_wait3A_30 = arith.constant 0 : i32
    %dma_wait3A_31 = tpu.memref_slice %arg2[%dma_wait3A_30] : memref<53248xi32, #tpu.memory_space<hbm>> -> memref<13312xi32, #tpu.memory_space<hbm>>
    tpu.wait_dma2 semaphore(%arg11 : memref<!tpu.dma_semaphore, #tpu.memory_space<semaphore_mem>>) src(%dma_wait3A_31 : memref<13312xi32, #tpu.memory_space<hbm>>) dst(%arg5 : memref<13312xi32, #tpu.memory_space<vmem>>)
    %dma_wait3A_32 = arith.constant 0 : i32
    %dma_wait3A_33 = tpu.memref_slice %arg3[%dma_wait3A_32] : memref<53248xf32, #tpu.memory_space<hbm>> -> memref<13312xf32, #tpu.memory_space<hbm>>
    %dma_wait3A_34 = arith.constant 0 : i32
    %dma_wait3A_35 = tpu.memref_slice %arg3[%dma_wait3A_34] : memref<53248xf32, #tpu.memory_space<hbm>> -> memref<13312xf32, #tpu.memory_space<hbm>>
    tpu.wait_dma2 semaphore(%arg11 : memref<!tpu.dma_semaphore, #tpu.memory_space<semaphore_mem>>) src(%dma_wait3A_35 : memref<13312xf32, #tpu.memory_space<hbm>>) dst(%arg7 : memref<13312xf32, #tpu.memory_space<vmem>>)
    %scan3A_36 = arith.constant 0 : i32
    %scan3A_37 = arith.constant 0 : i32
    %scan3A_38 = arith.constant 416 : i32
    %scan3A_39 = arith.addi %scan3A_37, %scan3A_38 : i32
    %scan3A_40 = arith.constant 1 : i32
    scf.for %scan3A_106 = %scan3A_37 to %scan3A_39 step %scan3A_40  : i32 {
      %mul3A_107 = arith.constant 32 : i32
      %mul3A_108 = arith.muli %scan3A_106, %mul3A_107 : i32
      %mul3A_109 = arith.constant 32 : i32
      %mul3A_110 = arith.muli %scan3A_106, %mul3A_109 : i32
      %add3A_111 = arith.constant 16 : i32
      %add3A_112 = arith.addi %mul3A_110, %add3A_111 : i32
      %get3A = arith.index_cast %mul3A_108 : i32 to index
      %get3A_113 = tpu.vector_load %arg5[%get3A] {strides = array<i32>} : memref<13312xi32, #tpu.memory_space<vmem>>, vector<16xi32>,
      %sub3A = vector.broadcast %mul3A_2 : i32 to vector<16xi32>
      %sub3A_114 = arith.subi %get3A_113, %sub3A : vector<16xi32>
      %get3A_115 = arith.index_cast %add3A_112 : i32 to index
      %get3A_116 = tpu.vector_load %arg5[%get3A_115] {strides = array<i32>} : memref<13312xi32, #tpu.memory_space<vmem>>, vector<16xi32>,
      %sub3A_117 = vector.broadcast %mul3A_2 : i32 to vector<16xi32>
      %sub3A_118 = arith.subi %get3A_116, %sub3A_117 : vector<16xi32>
      %get3A_119 = arith.index_cast %mul3A_108 : i32 to index
      %get3A_120 = tpu.vector_load %arg7[%get3A_119] {strides = array<i32>} : memref<13312xf32, #tpu.memory_space<vmem>>, vector<16xf32>,
      %get3A_121 = arith.index_cast %add3A_112 : i32 to index
      %get3A_122 = tpu.vector_load %arg7[%get3A_121] {strides = array<i32>} : memref<13312xf32, #tpu.memory_space<vmem>>, vector<16xf32>,
      %ge3A = arith.constant 0 : i32
      %ge3A_123 = vector.broadcast %ge3A : i32 to vector<16xi32>
      %ge3A_124 = arith.cmpi sge, %sub3A_114, %ge3A_123 : vector<16xi32>
      %lt3A = arith.constant 1664 : i32
      %lt3A_125 = vector.broadcast %lt3A : i32 to vector<16xi32>
      %lt3A_126 = arith.cmpi slt, %sub3A_114, %lt3A_125 : vector<16xi32>
      %and3A = arith.andi %ge3A_124, %lt3A_126 : vector<16xi1>
      %ge3A_127 = arith.constant 0 : i32
      %ge3A_128 = vector.broadcast %ge3A_127 : i32 to vector<16xi32>
      %ge3A_129 = arith.cmpi sge, %sub3A_118, %ge3A_128 : vector<16xi32>
      %lt3A_130 = arith.constant 1664 : i32
      %lt3A_131 = vector.broadcast %lt3A_130 : i32 to vector<16xi32>
      %lt3A_132 = arith.cmpi slt, %sub3A_118, %lt3A_131 : vector<16xi32>
      %and3A_133 = arith.andi %ge3A_129, %lt3A_132 : vector<16xi1>
      %jit3A = arith.constant 0 : i32
      %jit3A_134 = arith.constant 1663 : i32
      %max3A = vector.broadcast %jit3A : i32 to vector<16xi32>
      %max3A_135 = arith.maxsi %max3A, %sub3A_114 : vector<16xi32>
      %min3A = vector.broadcast %jit3A_134 : i32 to vector<16xi32>
      %min3A_136 = arith.minsi %min3A, %max3A_135 : vector<16xi32>
      %add3A_137 = arith.addi %min3A_136, %mul3A_5 : vector<16xi32>
      %jit3A_138 = arith.constant 0 : i32
      %jit3A_139 = arith.constant 1663 : i32
      %max3A_140 = vector.broadcast %jit3A_138 : i32 to vector<16xi32>
      %max3A_141 = arith.maxsi %max3A_140, %sub3A_118 : vector<16xi32>
      %min3A_142 = vector.broadcast %jit3A_139 : i32 to vector<16xi32>
      %min3A_143 = arith.minsi %min3A_142, %max3A_141 : vector<16xi32>
      %add3A_144 = arith.addi %min3A_143, %add3A_8 : vector<16xi32>
      %gather3A = tpu.vector_load_idx %arg9[%add3A_137] : memref<53248xf32, #tpu.memory_space<vmem>>[vector<16xi32>], vector<16xf32>,
      %gather3A_145 = tpu.vector_load_idx %arg9[%add3A_144] : memref<53248xf32, #tpu.memory_space<vmem>>[vector<16xi32>], vector<16xf32>,
      %max3A_146 = arith.maximumf %gather3A, %get3A_120 : vector<16xf32>
      tpu.vector_store_idx %arg9[%add3A_137], %max3A_146 masked %and3A : memref<53248xf32, #tpu.memory_space<vmem>>[vector<16xi32>], vector<16xf32>, vector<16xi1>
      %max3A_147 = arith.maximumf %gather3A_145, %get3A_122 : vector<16xf32>
      tpu.vector_store_idx %arg9[%add3A_144], %max3A_147 masked %and3A_133 : memref<53248xf32, #tpu.memory_space<vmem>>[vector<16xi32>], vector<16xf32>, vector<16xi1>
    }
    %scan3A_41 = arith.constant 416 : i32
    %dma_start3A_42 = arith.constant 26624 : i32
    %dma_start3A_43 = tpu.memref_slice %arg2[%dma_start3A_42] : memref<53248xi32, #tpu.memory_space<hbm>> -> memref<13312xi32, #tpu.memory_space<hbm>>
    %dma_start3A_44 = arith.constant 26624 : i32
    %dma_start3A_45 = tpu.memref_slice %arg2[%dma_start3A_44] : memref<53248xi32, #tpu.memory_space<hbm>> -> memref<13312xi32, #tpu.memory_space<hbm>>
    tpu.enqueue_dma source(%dma_start3A_45 : memref<13312xi32, #tpu.memory_space<hbm>>) target(%arg5 : memref<13312xi32, #tpu.memory_space<vmem>>) target_semaphore(%arg11 : memref<!tpu.dma_semaphore, #tpu.memory_space<semaphore_mem>>)
    %dma_start3A_46 = arith.constant 26624 : i32
    %dma_start3A_47 = tpu.memref_slice %arg3[%dma_start3A_46] : memref<53248xf32, #tpu.memory_space<hbm>> -> memref<13312xf32, #tpu.memory_space<hbm>>
    %dma_start3A_48 = arith.constant 26624 : i32
    %dma_start3A_49 = tpu.memref_slice %arg3[%dma_start3A_48] : memref<53248xf32, #tpu.memory_space<hbm>> -> memref<13312xf32, #tpu.memory_space<hbm>>
    tpu.enqueue_dma source(%dma_start3A_49 : memref<13312xf32, #tpu.memory_space<hbm>>) target(%arg7 : memref<13312xf32, #tpu.memory_space<vmem>>) target_semaphore(%arg11 : memref<!tpu.dma_semaphore, #tpu.memory_space<semaphore_mem>>)
    %dma_wait3A_50 = arith.constant 13312 : i32
    %dma_wait3A_51 = tpu.memref_slice %arg2[%dma_wait3A_50] : memref<53248xi32, #tpu.memory_space<hbm>> -> memref<13312xi32, #tpu.memory_space<hbm>>
    %dma_wait3A_52 = arith.constant 13312 : i32
    %dma_wait3A_53 = tpu.memref_slice %arg2[%dma_wait3A_52] : memref<53248xi32, #tpu.memory_space<hbm>> -> memref<13312xi32, #tpu.memory_space<hbm>>
    tpu.wait_dma2 semaphore(%arg11 : memref<!tpu.dma_semaphore, #tpu.memory_space<semaphore_mem>>) src(%dma_wait3A_53 : memref<13312xi32, #tpu.memory_space<hbm>>) dst(%arg6 : memref<13312xi32, #tpu.memory_space<vmem>>)
    %dma_wait3A_54 = arith.constant 13312 : i32
    %dma_wait3A_55 = tpu.memref_slice %arg3[%dma_wait3A_54] : memref<53248xf32, #tpu.memory_space<hbm>> -> memref<13312xf32, #tpu.memory_space<hbm>>
    %dma_wait3A_56 = arith.constant 13312 : i32
    %dma_wait3A_57 = tpu.memref_slice %arg3[%dma_wait3A_56] : memref<53248xf32, #tpu.memory_space<hbm>> -> memref<13312xf32, #tpu.memory_space<hbm>>
    tpu.wait_dma2 semaphore(%arg11 : memref<!tpu.dma_semaphore, #tpu.memory_space<semaphore_mem>>) src(%dma_wait3A_57 : memref<13312xf32, #tpu.memory_space<hbm>>) dst(%arg8 : memref<13312xf32, #tpu.memory_space<vmem>>)
    %scan3A_58 = arith.constant 0 : i32
    %scan3A_59 = arith.constant 0 : i32
    %scan3A_60 = arith.constant 416 : i32
    %scan3A_61 = arith.addi %scan3A_59, %scan3A_60 : i32
    %scan3A_62 = arith.constant 1 : i32
    scf.for %scan3A_106 = %scan3A_59 to %scan3A_61 step %scan3A_62  : i32 {
      %mul3A_107 = arith.constant 32 : i32
      %mul3A_108 = arith.muli %scan3A_106, %mul3A_107 : i32
      %mul3A_109 = arith.constant 32 : i32
      %mul3A_110 = arith.muli %scan3A_106, %mul3A_109 : i32
      %add3A_111 = arith.constant 16 : i32
      %add3A_112 = arith.addi %mul3A_110, %add3A_111 : i32
      %get3A = arith.index_cast %mul3A_108 : i32 to index
      %get3A_113 = tpu.vector_load %arg6[%get3A] {strides = array<i32>} : memref<13312xi32, #tpu.memory_space<vmem>>, vector<16xi32>,
      %sub3A = vector.broadcast %mul3A_2 : i32 to vector<16xi32>
      %sub3A_114 = arith.subi %get3A_113, %sub3A : vector<16xi32>
      %get3A_115 = arith.index_cast %add3A_112 : i32 to index
      %get3A_116 = tpu.vector_load %arg6[%get3A_115] {strides = array<i32>} : memref<13312xi32, #tpu.memory_space<vmem>>, vector<16xi32>,
      %sub3A_117 = vector.broadcast %mul3A_2 : i32 to vector<16xi32>
      %sub3A_118 = arith.subi %get3A_116, %sub3A_117 : vector<16xi32>
      %get3A_119 = arith.index_cast %mul3A_108 : i32 to index
      %get3A_120 = tpu.vector_load %arg8[%get3A_119] {strides = array<i32>} : memref<13312xf32, #tpu.memory_space<vmem>>, vector<16xf32>,
      %get3A_121 = arith.index_cast %add3A_112 : i32 to index
      %get3A_122 = tpu.vector_load %arg8[%get3A_121] {strides = array<i32>} : memref<13312xf32, #tpu.memory_space<vmem>>, vector<16xf32>,
      %ge3A = arith.constant 0 : i32
      %ge3A_123 = vector.broadcast %ge3A : i32 to vector<16xi32>
      %ge3A_124 = arith.cmpi sge, %sub3A_114, %ge3A_123 : vector<16xi32>
      %lt3A = arith.constant 1664 : i32
      %lt3A_125 = vector.broadcast %lt3A : i32 to vector<16xi32>
      %lt3A_126 = arith.cmpi slt, %sub3A_114, %lt3A_125 : vector<16xi32>
      %and3A = arith.andi %ge3A_124, %lt3A_126 : vector<16xi1>
      %ge3A_127 = arith.constant 0 : i32
      %ge3A_128 = vector.broadcast %ge3A_127 : i32 to vector<16xi32>
      %ge3A_129 = arith.cmpi sge, %sub3A_118, %ge3A_128 : vector<16xi32>
      %lt3A_130 = arith.constant 1664 : i32
      %lt3A_131 = vector.broadcast %lt3A_130 : i32 to vector<16xi32>
      %lt3A_132 = arith.cmpi slt, %sub3A_118, %lt3A_131 : vector<16xi32>
      %and3A_133 = arith.andi %ge3A_129, %lt3A_132 : vector<16xi1>
      %jit3A = arith.constant 0 : i32
      %jit3A_134 = arith.constant 1663 : i32
      %max3A = vector.broadcast %jit3A : i32 to vector<16xi32>
      %max3A_135 = arith.maxsi %max3A, %sub3A_114 : vector<16xi32>
      %min3A = vector.broadcast %jit3A_134 : i32 to vector<16xi32>
      %min3A_136 = arith.minsi %min3A, %max3A_135 : vector<16xi32>
      %add3A_137 = arith.addi %min3A_136, %mul3A_5 : vector<16xi32>
      %jit3A_138 = arith.constant 0 : i32
      %jit3A_139 = arith.constant 1663 : i32
      %max3A_140 = vector.broadcast %jit3A_138 : i32 to vector<16xi32>
      %max3A_141 = arith.maxsi %max3A_140, %sub3A_118 : vector<16xi32>
      %min3A_142 = vector.broadcast %jit3A_139 : i32 to vector<16xi32>
      %min3A_143 = arith.minsi %min3A_142, %max3A_141 : vector<16xi32>
      %add3A_144 = arith.addi %min3A_143, %add3A_8 : vector<16xi32>
      %gather3A = tpu.vector_load_idx %arg9[%add3A_137] : memref<53248xf32, #tpu.memory_space<vmem>>[vector<16xi32>], vector<16xf32>,
      %gather3A_145 = tpu.vector_load_idx %arg9[%add3A_144] : memref<53248xf32, #tpu.memory_space<vmem>>[vector<16xi32>], vector<16xf32>,
      %max3A_146 = arith.maximumf %gather3A, %get3A_120 : vector<16xf32>
      tpu.vector_store_idx %arg9[%add3A_137], %max3A_146 masked %and3A : memref<53248xf32, #tpu.memory_space<vmem>>[vector<16xi32>], vector<16xf32>, vector<16xi1>
      %max3A_147 = arith.maximumf %gather3A_145, %get3A_122 : vector<16xf32>
      tpu.vector_store_idx %arg9[%add3A_144], %max3A_147 masked %and3A_133 : memref<53248xf32, #tpu.memory_space<vmem>>[vector<16xi32>], vector<16xf32>, vector<16xi1>
    }
    %scan3A_63 = arith.constant 416 : i32
    %dma_start3A_64 = arith.constant 39936 : i32
    %dma_start3A_65 = tpu.memref_slice %arg2[%dma_start3A_64] : memref<53248xi32, #tpu.memory_space<hbm>> -> memref<13312xi32, #tpu.memory_space<hbm>>
    %dma_start3A_66 = arith.constant 39936 : i32
    %dma_start3A_67 = tpu.memref_slice %arg2[%dma_start3A_66] : memref<53248xi32, #tpu.memory_space<hbm>> -> memref<13312xi32, #tpu.memory_space<hbm>>
    tpu.enqueue_dma source(%dma_start3A_67 : memref<13312xi32, #tpu.memory_space<hbm>>) target(%arg6 : memref<13312xi32, #tpu.memory_space<vmem>>) target_semaphore(%arg11 : memref<!tpu.dma_semaphore, #tpu.memory_space<semaphore_mem>>)
    %dma_start3A_68 = arith.constant 39936 : i32
    %dma_start3A_69 = tpu.memref_slice %arg3[%dma_start3A_68] : memref<53248xf32, #tpu.memory_space<hbm>> -> memref<13312xf32, #tpu.memory_space<hbm>>
    %dma_start3A_70 = arith.constant 39936 : i32
    %dma_start3A_71 = tpu.memref_slice %arg3[%dma_start3A_70] : memref<53248xf32, #tpu.memory_space<hbm>> -> memref<13312xf32, #tpu.memory_space<hbm>>
    tpu.enqueue_dma source(%dma_start3A_71 : memref<13312xf32, #tpu.memory_space<hbm>>) target(%arg8 : memref<13312xf32, #tpu.memory_space<vmem>>) target_semaphore(%arg11 : memref<!tpu.dma_semaphore, #tpu.memory_space<semaphore_mem>>)
    %dma_wait3A_72 = arith.constant 26624 : i32
    %dma_wait3A_73 = tpu.memref_slice %arg2[%dma_wait3A_72] : memref<53248xi32, #tpu.memory_space<hbm>> -> memref<13312xi32, #tpu.memory_space<hbm>>
    %dma_wait3A_74 = arith.constant 26624 : i32
    %dma_wait3A_75 = tpu.memref_slice %arg2[%dma_wait3A_74] : memref<53248xi32, #tpu.memory_space<hbm>> -> memref<13312xi32, #tpu.memory_space<hbm>>
    tpu.wait_dma2 semaphore(%arg11 : memref<!tpu.dma_semaphore, #tpu.memory_space<semaphore_mem>>) src(%dma_wait3A_75 : memref<13312xi32, #tpu.memory_space<hbm>>) dst(%arg5 : memref<13312xi32, #tpu.memory_space<vmem>>)
    %dma_wait3A_76 = arith.constant 26624 : i32
    %dma_wait3A_77 = tpu.memref_slice %arg3[%dma_wait3A_76] : memref<53248xf32, #tpu.memory_space<hbm>> -> memref<13312xf32, #tpu.memory_space<hbm>>
    %dma_wait3A_78 = arith.constant 26624 : i32
    %dma_wait3A_79 = tpu.memref_slice %arg3[%dma_wait3A_78] : memref<53248xf32, #tpu.memory_space<hbm>> -> memref<13312xf32, #tpu.memory_space<hbm>>
    tpu.wait_dma2 semaphore(%arg11 : memref<!tpu.dma_semaphore, #tpu.memory_space<semaphore_mem>>) src(%dma_wait3A_79 : memref<13312xf32, #tpu.memory_space<hbm>>) dst(%arg7 : memref<13312xf32, #tpu.memory_space<vmem>>)
    %scan3A_80 = arith.constant 0 : i32
    %scan3A_81 = arith.constant 0 : i32
    %scan3A_82 = arith.constant 416 : i32
    %scan3A_83 = arith.addi %scan3A_81, %scan3A_82 : i32
    %scan3A_84 = arith.constant 1 : i32
    scf.for %scan3A_106 = %scan3A_81 to %scan3A_83 step %scan3A_84  : i32 {
      %mul3A_107 = arith.constant 32 : i32
      %mul3A_108 = arith.muli %scan3A_106, %mul3A_107 : i32
      %mul3A_109 = arith.constant 32 : i32
      %mul3A_110 = arith.muli %scan3A_106, %mul3A_109 : i32
      %add3A_111 = arith.constant 16 : i32
      %add3A_112 = arith.addi %mul3A_110, %add3A_111 : i32
      %get3A = arith.index_cast %mul3A_108 : i32 to index
      %get3A_113 = tpu.vector_load %arg5[%get3A] {strides = array<i32>} : memref<13312xi32, #tpu.memory_space<vmem>>, vector<16xi32>,
      %sub3A = vector.broadcast %mul3A_2 : i32 to vector<16xi32>
      %sub3A_114 = arith.subi %get3A_113, %sub3A : vector<16xi32>
      %get3A_115 = arith.index_cast %add3A_112 : i32 to index
      %get3A_116 = tpu.vector_load %arg5[%get3A_115] {strides = array<i32>} : memref<13312xi32, #tpu.memory_space<vmem>>, vector<16xi32>,
      %sub3A_117 = vector.broadcast %mul3A_2 : i32 to vector<16xi32>
      %sub3A_118 = arith.subi %get3A_116, %sub3A_117 : vector<16xi32>
      %get3A_119 = arith.index_cast %mul3A_108 : i32 to index
      %get3A_120 = tpu.vector_load %arg7[%get3A_119] {strides = array<i32>} : memref<13312xf32, #tpu.memory_space<vmem>>, vector<16xf32>,
      %get3A_121 = arith.index_cast %add3A_112 : i32 to index
      %get3A_122 = tpu.vector_load %arg7[%get3A_121] {strides = array<i32>} : memref<13312xf32, #tpu.memory_space<vmem>>, vector<16xf32>,
      %ge3A = arith.constant 0 : i32
      %ge3A_123 = vector.broadcast %ge3A : i32 to vector<16xi32>
      %ge3A_124 = arith.cmpi sge, %sub3A_114, %ge3A_123 : vector<16xi32>
      %lt3A = arith.constant 1664 : i32
      %lt3A_125 = vector.broadcast %lt3A : i32 to vector<16xi32>
      %lt3A_126 = arith.cmpi slt, %sub3A_114, %lt3A_125 : vector<16xi32>
      %and3A = arith.andi %ge3A_124, %lt3A_126 : vector<16xi1>
      %ge3A_127 = arith.constant 0 : i32
      %ge3A_128 = vector.broadcast %ge3A_127 : i32 to vector<16xi32>
      %ge3A_129 = arith.cmpi sge, %sub3A_118, %ge3A_128 : vector<16xi32>
      %lt3A_130 = arith.constant 1664 : i32
      %lt3A_131 = vector.broadcast %lt3A_130 : i32 to vector<16xi32>
      %lt3A_132 = arith.cmpi slt, %sub3A_118, %lt3A_131 : vector<16xi32>
      %and3A_133 = arith.andi %ge3A_129, %lt3A_132 : vector<16xi1>
      %jit3A = arith.constant 0 : i32
      %jit3A_134 = arith.constant 1663 : i32
      %max3A = vector.broadcast %jit3A : i32 to vector<16xi32>
      %max3A_135 = arith.maxsi %max3A, %sub3A_114 : vector<16xi32>
      %min3A = vector.broadcast %jit3A_134 : i32 to vector<16xi32>
      %min3A_136 = arith.minsi %min3A, %max3A_135 : vector<16xi32>
      %add3A_137 = arith.addi %min3A_136, %mul3A_5 : vector<16xi32>
      %jit3A_138 = arith.constant 0 : i32
      %jit3A_139 = arith.constant 1663 : i32
      %max3A_140 = vector.broadcast %jit3A_138 : i32 to vector<16xi32>
      %max3A_141 = arith.maxsi %max3A_140, %sub3A_118 : vector<16xi32>
      %min3A_142 = vector.broadcast %jit3A_139 : i32 to vector<16xi32>
      %min3A_143 = arith.minsi %min3A_142, %max3A_141 : vector<16xi32>
      %add3A_144 = arith.addi %min3A_143, %add3A_8 : vector<16xi32>
      %gather3A = tpu.vector_load_idx %arg9[%add3A_137] : memref<53248xf32, #tpu.memory_space<vmem>>[vector<16xi32>], vector<16xf32>,
      %gather3A_145 = tpu.vector_load_idx %arg9[%add3A_144] : memref<53248xf32, #tpu.memory_space<vmem>>[vector<16xi32>], vector<16xf32>,
      %max3A_146 = arith.maximumf %gather3A, %get3A_120 : vector<16xf32>
      tpu.vector_store_idx %arg9[%add3A_137], %max3A_146 masked %and3A : memref<53248xf32, #tpu.memory_space<vmem>>[vector<16xi32>], vector<16xf32>, vector<16xi1>
      %max3A_147 = arith.maximumf %gather3A_145, %get3A_122 : vector<16xf32>
      tpu.vector_store_idx %arg9[%add3A_144], %max3A_147 masked %and3A_133 : memref<53248xf32, #tpu.memory_space<vmem>>[vector<16xi32>], vector<16xf32>, vector<16xi1>
    }
    %scan3A_85 = arith.constant 416 : i32
    %dma_wait3A_86 = arith.constant 39936 : i32
    %dma_wait3A_87 = tpu.memref_slice %arg2[%dma_wait3A_86] : memref<53248xi32, #tpu.memory_space<hbm>> -> memref<13312xi32, #tpu.memory_space<hbm>>
    %dma_wait3A_88 = arith.constant 39936 : i32
    %dma_wait3A_89 = tpu.memref_slice %arg2[%dma_wait3A_88] : memref<53248xi32, #tpu.memory_space<hbm>> -> memref<13312xi32, #tpu.memory_space<hbm>>
    tpu.wait_dma2 semaphore(%arg11 : memref<!tpu.dma_semaphore, #tpu.memory_space<semaphore_mem>>) src(%dma_wait3A_89 : memref<13312xi32, #tpu.memory_space<hbm>>) dst(%arg6 : memref<13312xi32, #tpu.memory_space<vmem>>)
    %dma_wait3A_90 = arith.constant 39936 : i32
    %dma_wait3A_91 = tpu.memref_slice %arg3[%dma_wait3A_90] : memref<53248xf32, #tpu.memory_space<hbm>> -> memref<13312xf32, #tpu.memory_space<hbm>>
    %dma_wait3A_92 = arith.constant 39936 : i32
    %dma_wait3A_93 = tpu.memref_slice %arg3[%dma_wait3A_92] : memref<53248xf32, #tpu.memory_space<hbm>> -> memref<13312xf32, #tpu.memory_space<hbm>>
    tpu.wait_dma2 semaphore(%arg11 : memref<!tpu.dma_semaphore, #tpu.memory_space<semaphore_mem>>) src(%dma_wait3A_93 : memref<13312xf32, #tpu.memory_space<hbm>>) dst(%arg8 : memref<13312xf32, #tpu.memory_space<vmem>>)
    %scan3A_94 = arith.constant 0 : i32
    %scan3A_95 = arith.constant 0 : i32
    %scan3A_96 = arith.constant 416 : i32
    %scan3A_97 = arith.addi %scan3A_95, %scan3A_96 : i32
    %scan3A_98 = arith.constant 1 : i32
    scf.for %scan3A_106 = %scan3A_95 to %scan3A_97 step %scan3A_98  : i32 {
      %mul3A_107 = arith.constant 32 : i32
      %mul3A_108 = arith.muli %scan3A_106, %mul3A_107 : i32
      %mul3A_109 = arith.constant 32 : i32
      %mul3A_110 = arith.muli %scan3A_106, %mul3A_109 : i32
      %add3A_111 = arith.constant 16 : i32
      %add3A_112 = arith.addi %mul3A_110, %add3A_111 : i32
      %get3A = arith.index_cast %mul3A_108 : i32 to index
      %get3A_113 = tpu.vector_load %arg6[%get3A] {strides = array<i32>} : memref<13312xi32, #tpu.memory_space<vmem>>, vector<16xi32>,
      %sub3A = vector.broadcast %mul3A_2 : i32 to vector<16xi32>
      %sub3A_114 = arith.subi %get3A_113, %sub3A : vector<16xi32>
      %get3A_115 = arith.index_cast %add3A_112 : i32 to index
      %get3A_116 = tpu.vector_load %arg6[%get3A_115] {strides = array<i32>} : memref<13312xi32, #tpu.memory_space<vmem>>, vector<16xi32>,
      %sub3A_117 = vector.broadcast %mul3A_2 : i32 to vector<16xi32>
      %sub3A_118 = arith.subi %get3A_116, %sub3A_117 : vector<16xi32>
      %get3A_119 = arith.index_cast %mul3A_108 : i32 to index
      %get3A_120 = tpu.vector_load %arg8[%get3A_119] {strides = array<i32>} : memref<13312xf32, #tpu.memory_space<vmem>>, vector<16xf32>,
      %get3A_121 = arith.index_cast %add3A_112 : i32 to index
      %get3A_122 = tpu.vector_load %arg8[%get3A_121] {strides = array<i32>} : memref<13312xf32, #tpu.memory_space<vmem>>, vector<16xf32>,
      %ge3A = arith.constant 0 : i32
      %ge3A_123 = vector.broadcast %ge3A : i32 to vector<16xi32>
      %ge3A_124 = arith.cmpi sge, %sub3A_114, %ge3A_123 : vector<16xi32>
      %lt3A = arith.constant 1664 : i32
      %lt3A_125 = vector.broadcast %lt3A : i32 to vector<16xi32>
      %lt3A_126 = arith.cmpi slt, %sub3A_114, %lt3A_125 : vector<16xi32>
      %and3A = arith.andi %ge3A_124, %lt3A_126 : vector<16xi1>
      %ge3A_127 = arith.constant 0 : i32
      %ge3A_128 = vector.broadcast %ge3A_127 : i32 to vector<16xi32>
      %ge3A_129 = arith.cmpi sge, %sub3A_118, %ge3A_128 : vector<16xi32>
      %lt3A_130 = arith.constant 1664 : i32
      %lt3A_131 = vector.broadcast %lt3A_130 : i32 to vector<16xi32>
      %lt3A_132 = arith.cmpi slt, %sub3A_118, %lt3A_131 : vector<16xi32>
      %and3A_133 = arith.andi %ge3A_129, %lt3A_132 : vector<16xi1>
      %jit3A = arith.constant 0 : i32
      %jit3A_134 = arith.constant 1663 : i32
      %max3A = vector.broadcast %jit3A : i32 to vector<16xi32>
      %max3A_135 = arith.maxsi %max3A, %sub3A_114 : vector<16xi32>
      %min3A = vector.broadcast %jit3A_134 : i32 to vector<16xi32>
      %min3A_136 = arith.minsi %min3A, %max3A_135 : vector<16xi32>
      %add3A_137 = arith.addi %min3A_136, %mul3A_5 : vector<16xi32>
      %jit3A_138 = arith.constant 0 : i32
      %jit3A_139 = arith.constant 1663 : i32
      %max3A_140 = vector.broadcast %jit3A_138 : i32 to vector<16xi32>
      %max3A_141 = arith.maxsi %max3A_140, %sub3A_118 : vector<16xi32>
      %min3A_142 = vector.broadcast %jit3A_139 : i32 to vector<16xi32>
      %min3A_143 = arith.minsi %min3A_142, %max3A_141 : vector<16xi32>
      %add3A_144 = arith.addi %min3A_143, %add3A_8 : vector<16xi32>
      %gather3A = tpu.vector_load_idx %arg9[%add3A_137] : memref<53248xf32, #tpu.memory_space<vmem>>[vector<16xi32>], vector<16xf32>,
      %gather3A_145 = tpu.vector_load_idx %arg9[%add3A_144] : memref<53248xf32, #tpu.memory_space<vmem>>[vector<16xi32>], vector<16xf32>,
      %max3A_146 = arith.maximumf %gather3A, %get3A_120 : vector<16xf32>
      tpu.vector_store_idx %arg9[%add3A_137], %max3A_146 masked %and3A : memref<53248xf32, #tpu.memory_space<vmem>>[vector<16xi32>], vector<16xf32>, vector<16xi1>
      %max3A_147 = arith.maximumf %gather3A_145, %get3A_122 : vector<16xf32>
      tpu.vector_store_idx %arg9[%add3A_144], %max3A_147 masked %and3A_133 : memref<53248xf32, #tpu.memory_space<vmem>>[vector<16xi32>], vector<16xf32>, vector<16xi1>
    }
    %scan3A_99 = arith.constant 416 : i32
    %scan3A_100 = arith.constant 0 : i32
    %scan3A_101 = arith.constant 0 : i32
    %scan3A_102 = arith.constant 104 : i32
    %scan3A_103 = arith.addi %scan3A_101, %scan3A_102 : i32
    %scan3A_104 = arith.constant 1 : i32
    scf.for %scan3A_106 = %scan3A_101 to %scan3A_103 step %scan3A_104  : i32 {
      %mul3A_107 = arith.constant 16 : i32
      %mul3A_108 = arith.muli %scan3A_106, %mul3A_107 : i32
      %get3A = arith.index_cast %mul3A_108 : i32 to index
      %get3A_109 = tpu.vector_load %arg9[%get3A] {strides = array<i32>} : memref<53248xf32, #tpu.memory_space<vmem>>, vector<16xf32>,
      %mul3A_110 = arith.constant 16 : i32
      %mul3A_111 = arith.muli %scan3A_106, %mul3A_110 : i32
      %add3A_112 = arith.constant 1664 : i32
      %add3A_113 = arith.addi %add3A_112, %mul3A_111 : i32
      %get3A_114 = arith.index_cast %add3A_113 : i32 to index
      %get3A_115 = tpu.vector_load %arg9[%get3A_114] {strides = array<i32>} : memref<53248xf32, #tpu.memory_space<vmem>>, vector<16xf32>,
      %max3A = arith.maximumf %get3A_109, %get3A_115 : vector<16xf32>
      %mul3A_116 = arith.constant 16 : i32
      %mul3A_117 = arith.muli %scan3A_106, %mul3A_116 : i32
      %add3A_118 = arith.constant 3328 : i32
      %add3A_119 = arith.addi %add3A_118, %mul3A_117 : i32
      %get3A_120 = arith.index_cast %add3A_119 : i32 to index
      %get3A_121 = tpu.vector_load %arg9[%get3A_120] {strides = array<i32>} : memref<53248xf32, #tpu.memory_space<vmem>>, vector<16xf32>,
      %max3A_122 = arith.maximumf %max3A, %get3A_121 : vector<16xf32>
      %mul3A_123 = arith.constant 16 : i32
      %mul3A_124 = arith.muli %scan3A_106, %mul3A_123 : i32
      %add3A_125 = arith.constant 4992 : i32
      %add3A_126 = arith.addi %add3A_125, %mul3A_124 : i32
      %get3A_127 = arith.index_cast %add3A_126 : i32 to index
      %get3A_128 = tpu.vector_load %arg9[%get3A_127] {strides = array<i32>} : memref<53248xf32, #tpu.memory_space<vmem>>, vector<16xf32>,
      %max3A_129 = arith.maximumf %max3A_122, %get3A_128 : vector<16xf32>
      %mul3A_130 = arith.constant 16 : i32
      %mul3A_131 = arith.muli %scan3A_106, %mul3A_130 : i32
      %add3A_132 = arith.constant 6656 : i32
      %add3A_133 = arith.addi %add3A_132, %mul3A_131 : i32
      %get3A_134 = arith.index_cast %add3A_133 : i32 to index
      %get3A_135 = tpu.vector_load %arg9[%get3A_134] {strides = array<i32>} : memref<53248xf32, #tpu.memory_space<vmem>>, vector<16xf32>,
      %max3A_136 = arith.maximumf %max3A_129, %get3A_135 : vector<16xf32>
      %mul3A_137 = arith.constant 16 : i32
      %mul3A_138 = arith.muli %scan3A_106, %mul3A_137 : i32
      %add3A_139 = arith.constant 8320 : i32
      %add3A_140 = arith.addi %add3A_139, %mul3A_138 : i32
      %get3A_141 = arith.index_cast %add3A_140 : i32 to index
      %get3A_142 = tpu.vector_load %arg9[%get3A_141] {strides = array<i32>} : memref<53248xf32, #tpu.memory_space<vmem>>, vector<16xf32>,
      %max3A_143 = arith.maximumf %max3A_136, %get3A_142 : vector<16xf32>
      %mul3A_144 = arith.constant 16 : i32
      %mul3A_145 = arith.muli %scan3A_106, %mul3A_144 : i32
      %add3A_146 = arith.constant 9984 : i32
      %add3A_147 = arith.addi %add3A_146, %mul3A_145 : i32
      %get3A_148 = arith.index_cast %add3A_147 : i32 to index
      %get3A_149 = tpu.vector_load %arg9[%get3A_148] {strides = array<i32>} : memref<53248xf32, #tpu.memory_space<vmem>>, vector<16xf32>,
      %max3A_150 = arith.maximumf %max3A_143, %get3A_149 : vector<16xf32>
      %mul3A_151 = arith.constant 16 : i32
      %mul3A_152 = arith.muli %scan3A_106, %mul3A_151 : i32
      %add3A_153 = arith.constant 11648 : i32
      %add3A_154 = arith.addi %add3A_153, %mul3A_152 : i32
      %get3A_155 = arith.index_cast %add3A_154 : i32 to index
      %get3A_156 = tpu.vector_load %arg9[%get3A_155] {strides = array<i32>} : memref<53248xf32, #tpu.memory_space<vmem>>, vector<16xf32>,
      %max3A_157 = arith.maximumf %max3A_150, %get3A_156 : vector<16xf32>
      %mul3A_158 = arith.constant 16 : i32
      %mul3A_159 = arith.muli %scan3A_106, %mul3A_158 : i32
      %add3A_160 = arith.constant 13312 : i32
      %add3A_161 = arith.addi %add3A_160, %mul3A_159 : i32
      %get3A_162 = arith.index_cast %add3A_161 : i32 to index
      %get3A_163 = tpu.vector_load %arg9[%get3A_162] {strides = array<i32>} : memref<53248xf32, #tpu.memory_space<vmem>>, vector<16xf32>,
      %max3A_164 = arith.maximumf %max3A_157, %get3A_163 : vector<16xf32>
      %mul3A_165 = arith.constant 16 : i32
      %mul3A_166 = arith.muli %scan3A_106, %mul3A_165 : i32
      %add3A_167 = arith.constant 14976 : i32
      %add3A_168 = arith.addi %add3A_167, %mul3A_166 : i32
      %get3A_169 = arith.index_cast %add3A_168 : i32 to index
      %get3A_170 = tpu.vector_load %arg9[%get3A_169] {strides = array<i32>} : memref<53248xf32, #tpu.memory_space<vmem>>, vector<16xf32>,
      %max3A_171 = arith.maximumf %max3A_164, %get3A_170 : vector<16xf32>
      %mul3A_172 = arith.constant 16 : i32
      %mul3A_173 = arith.muli %scan3A_106, %mul3A_172 : i32
      %add3A_174 = arith.constant 16640 : i32
      %add3A_175 = arith.addi %add3A_174, %mul3A_173 : i32
      %get3A_176 = arith.index_cast %add3A_175 : i32 to index
      %get3A_177 = tpu.vector_load %arg9[%get3A_176] {strides = array<i32>} : memref<53248xf32, #tpu.memory_space<vmem>>, vector<16xf32>,
      %max3A_178 = arith.maximumf %max3A_171, %get3A_177 : vector<16xf32>
      %mul3A_179 = arith.constant 16 : i32
      %mul3A_180 = arith.muli %scan3A_106, %mul3A_179 : i32
      %add3A_181 = arith.constant 18304 : i32
      %add3A_182 = arith.addi %add3A_181, %mul3A_180 : i32
      %get3A_183 = arith.index_cast %add3A_182 : i32 to index
      %get3A_184 = tpu.vector_load %arg9[%get3A_183] {strides = array<i32>} : memref<53248xf32, #tpu.memory_space<vmem>>, vector<16xf32>,
      %max3A_185 = arith.maximumf %max3A_178, %get3A_184 : vector<16xf32>
      %mul3A_186 = arith.constant 16 : i32
      %mul3A_187 = arith.muli %scan3A_106, %mul3A_186 : i32
      %add3A_188 = arith.constant 19968 : i32
      %add3A_189 = arith.addi %add3A_188, %mul3A_187 : i32
      %get3A_190 = arith.index_cast %add3A_189 : i32 to index
      %get3A_191 = tpu.vector_load %arg9[%get3A_190] {strides = array<i32>} : memref<53248xf32, #tpu.memory_space<vmem>>, vector<16xf32>,
      %max3A_192 = arith.maximumf %max3A_185, %get3A_191 : vector<16xf32>
      %mul3A_193 = arith.constant 16 : i32
      %mul3A_194 = arith.muli %scan3A_106, %mul3A_193 : i32
      %add3A_195 = arith.constant 21632 : i32
      %add3A_196 = arith.addi %add3A_195, %mul3A_194 : i32
      %get3A_197 = arith.index_cast %add3A_196 : i32 to index
      %get3A_198 = tpu.vector_load %arg9[%get3A_197] {strides = array<i32>} : memref<53248xf32, #tpu.memory_space<vmem>>, vector<16xf32>,
      %max3A_199 = arith.maximumf %max3A_192, %get3A_198 : vector<16xf32>
      %mul3A_200 = arith.constant 16 : i32
      %mul3A_201 = arith.muli %scan3A_106, %mul3A_200 : i32
      %add3A_202 = arith.constant 23296 : i32
      %add3A_203 = arith.addi %add3A_202, %mul3A_201 : i32
      %get3A_204 = arith.index_cast %add3A_203 : i32 to index
      %get3A_205 = tpu.vector_load %arg9[%get3A_204] {strides = array<i32>} : memref<53248xf32, #tpu.memory_space<vmem>>, vector<16xf32>,
      %max3A_206 = arith.maximumf %max3A_199, %get3A_205 : vector<16xf32>
      %mul3A_207 = arith.constant 16 : i32
      %mul3A_208 = arith.muli %scan3A_106, %mul3A_207 : i32
      %add3A_209 = arith.constant 24960 : i32
      %add3A_210 = arith.addi %add3A_209, %mul3A_208 : i32
      %get3A_211 = arith.index_cast %add3A_210 : i32 to index
      %get3A_212 = tpu.vector_load %arg9[%get3A_211] {strides = array<i32>} : memref<53248xf32, #tpu.memory_space<vmem>>, vector<16xf32>,
      %max3A_213 = arith.maximumf %max3A_206, %get3A_212 : vector<16xf32>
      %mul3A_214 = arith.constant 16 : i32
      %mul3A_215 = arith.muli %scan3A_106, %mul3A_214 : i32
      %add3A_216 = arith.constant 26624 : i32
      %add3A_217 = arith.addi %add3A_216, %mul3A_215 : i32
      %get3A_218 = arith.index_cast %add3A_217 : i32 to index
      %get3A_219 = tpu.vector_load %arg9[%get3A_218] {strides = array<i32>} : memref<53248xf32, #tpu.memory_space<vmem>>, vector<16xf32>,
      %max3A_220 = arith.maximumf %max3A_213, %get3A_219 : vector<16xf32>
      %mul3A_221 = arith.constant 16 : i32
      %mul3A_222 = arith.muli %scan3A_106, %mul3A_221 : i32
      %add3A_223 = arith.constant 28288 : i32
      %add3A_224 = arith.addi %add3A_223, %mul3A_222 : i32
      %get3A_225 = arith.index_cast %add3A_224 : i32 to index
      %get3A_226 = tpu.vector_load %arg9[%get3A_225] {strides = array<i32>} : memref<53248xf32, #tpu.memory_space<vmem>>, vector<16xf32>,
      %max3A_227 = arith.maximumf %max3A_220, %get3A_226 : vector<16xf32>
      %mul3A_228 = arith.constant 16 : i32
      %mul3A_229 = arith.muli %scan3A_106, %mul3A_228 : i32
      %add3A_230 = arith.constant 29952 : i32
      %add3A_231 = arith.addi %add3A_230, %mul3A_229 : i32
      %get3A_232 = arith.index_cast %add3A_231 : i32 to index
      %get3A_233 = tpu.vector_load %arg9[%get3A_232] {strides = array<i32>} : memref<53248xf32, #tpu.memory_space<vmem>>, vector<16xf32>,
      %max3A_234 = arith.maximumf %max3A_227, %get3A_233 : vector<16xf32>
      %mul3A_235 = arith.constant 16 : i32
      %mul3A_236 = arith.muli %scan3A_106, %mul3A_235 : i32
      %add3A_237 = arith.constant 31616 : i32
      %add3A_238 = arith.addi %add3A_237, %mul3A_236 : i32
      %get3A_239 = arith.index_cast %add3A_238 : i32 to index
      %get3A_240 = tpu.vector_load %arg9[%get3A_239] {strides = array<i32>} : memref<53248xf32, #tpu.memory_space<vmem>>, vector<16xf32>,
      %max3A_241 = arith.maximumf %max3A_234, %get3A_240 : vector<16xf32>
      %mul3A_242 = arith.constant 16 : i32
      %mul3A_243 = arith.muli %scan3A_106, %mul3A_242 : i32
      %add3A_244 = arith.constant 33280 : i32
      %add3A_245 = arith.addi %add3A_244, %mul3A_243 : i32
      %get3A_246 = arith.index_cast %add3A_245 : i32 to index
      %get3A_247 = tpu.vector_load %arg9[%get3A_246] {strides = array<i32>} : memref<53248xf32, #tpu.memory_space<vmem>>, vector<16xf32>,
      %max3A_248 = arith.maximumf %max3A_241, %get3A_247 : vector<16xf32>
      %mul3A_249 = arith.constant 16 : i32
      %mul3A_250 = arith.muli %scan3A_106, %mul3A_249 : i32
      %add3A_251 = arith.constant 34944 : i32
      %add3A_252 = arith.addi %add3A_251, %mul3A_250 : i32
      %get3A_253 = arith.index_cast %add3A_252 : i32 to index
      %get3A_254 = tpu.vector_load %arg9[%get3A_253] {strides = array<i32>} : memref<53248xf32, #tpu.memory_space<vmem>>, vector<16xf32>,
      %max3A_255 = arith.maximumf %max3A_248, %get3A_254 : vector<16xf32>
      %mul3A_256 = arith.constant 16 : i32
      %mul3A_257 = arith.muli %scan3A_106, %mul3A_256 : i32
      %add3A_258 = arith.constant 36608 : i32
      %add3A_259 = arith.addi %add3A_258, %mul3A_257 : i32
      %get3A_260 = arith.index_cast %add3A_259 : i32 to index
      %get3A_261 = tpu.vector_load %arg9[%get3A_260] {strides = array<i32>} : memref<53248xf32, #tpu.memory_space<vmem>>, vector<16xf32>,
      %max3A_262 = arith.maximumf %max3A_255, %get3A_261 : vector<16xf32>
      %mul3A_263 = arith.constant 16 : i32
      %mul3A_264 = arith.muli %scan3A_106, %mul3A_263 : i32
      %add3A_265 = arith.constant 38272 : i32
      %add3A_266 = arith.addi %add3A_265, %mul3A_264 : i32
      %get3A_267 = arith.index_cast %add3A_266 : i32 to index
      %get3A_268 = tpu.vector_load %arg9[%get3A_267] {strides = array<i32>} : memref<53248xf32, #tpu.memory_space<vmem>>, vector<16xf32>,
      %max3A_269 = arith.maximumf %max3A_262, %get3A_268 : vector<16xf32>
      %mul3A_270 = arith.constant 16 : i32
      %mul3A_271 = arith.muli %scan3A_106, %mul3A_270 : i32
      %add3A_272 = arith.constant 39936 : i32
      %add3A_273 = arith.addi %add3A_272, %mul3A_271 : i32
      %get3A_274 = arith.index_cast %add3A_273 : i32 to index
      %get3A_275 = tpu.vector_load %arg9[%get3A_274] {strides = array<i32>} : memref<53248xf32, #tpu.memory_space<vmem>>, vector<16xf32>,
      %max3A_276 = arith.maximumf %max3A_269, %get3A_275 : vector<16xf32>
      %mul3A_277 = arith.constant 16 : i32
      %mul3A_278 = arith.muli %scan3A_106, %mul3A_277 : i32
      %add3A_279 = arith.constant 41600 : i32
      %add3A_280 = arith.addi %add3A_279, %mul3A_278 : i32
      %get3A_281 = arith.index_cast %add3A_280 : i32 to index
      %get3A_282 = tpu.vector_load %arg9[%get3A_281] {strides = array<i32>} : memref<53248xf32, #tpu.memory_space<vmem>>, vector<16xf32>,
      %max3A_283 = arith.maximumf %max3A_276, %get3A_282 : vector<16xf32>
      %mul3A_284 = arith.constant 16 : i32
      %mul3A_285 = arith.muli %scan3A_106, %mul3A_284 : i32
      %add3A_286 = arith.constant 43264 : i32
      %add3A_287 = arith.addi %add3A_286, %mul3A_285 : i32
      %get3A_288 = arith.index_cast %add3A_287 : i32 to index
      %get3A_289 = tpu.vector_load %arg9[%get3A_288] {strides = array<i32>} : memref<53248xf32, #tpu.memory_space<vmem>>, vector<16xf32>,
      %max3A_290 = arith.maximumf %max3A_283, %get3A_289 : vector<16xf32>
      %mul3A_291 = arith.constant 16 : i32
      %mul3A_292 = arith.muli %scan3A_106, %mul3A_291 : i32
      %add3A_293 = arith.constant 44928 : i32
      %add3A_294 = arith.addi %add3A_293, %mul3A_292 : i32
      %get3A_295 = arith.index_cast %add3A_294 : i32 to index
      %get3A_296 = tpu.vector_load %arg9[%get3A_295] {strides = array<i32>} : memref<53248xf32, #tpu.memory_space<vmem>>, vector<16xf32>,
      %max3A_297 = arith.maximumf %max3A_290, %get3A_296 : vector<16xf32>
      %mul3A_298 = arith.constant 16 : i32
      %mul3A_299 = arith.muli %scan3A_106, %mul3A_298 : i32
      %add3A_300 = arith.constant 46592 : i32
      %add3A_301 = arith.addi %add3A_300, %mul3A_299 : i32
      %get3A_302 = arith.index_cast %add3A_301 : i32 to index
      %get3A_303 = tpu.vector_load %arg9[%get3A_302] {strides = array<i32>} : memref<53248xf32, #tpu.memory_space<vmem>>, vector<16xf32>,
      %max3A_304 = arith.maximumf %max3A_297, %get3A_303 : vector<16xf32>
      %mul3A_305 = arith.constant 16 : i32
      %mul3A_306 = arith.muli %scan3A_106, %mul3A_305 : i32
      %add3A_307 = arith.constant 48256 : i32
      %add3A_308 = arith.addi %add3A_307, %mul3A_306 : i32
      %get3A_309 = arith.index_cast %add3A_308 : i32 to index
      %get3A_310 = tpu.vector_load %arg9[%get3A_309] {strides = array<i32>} : memref<53248xf32, #tpu.memory_space<vmem>>, vector<16xf32>,
      %max3A_311 = arith.maximumf %max3A_304, %get3A_310 : vector<16xf32>
      %mul3A_312 = arith.constant 16 : i32
      %mul3A_313 = arith.muli %scan3A_106, %mul3A_312 : i32
      %add3A_314 = arith.constant 49920 : i32
      %add3A_315 = arith.addi %add3A_314, %mul3A_313 : i32
      %get3A_316 = arith.index_cast %add3A_315 : i32 to index
      %get3A_317 = tpu.vector_load %arg9[%get3A_316] {strides = array<i32>} : memref<53248xf32, #tpu.memory_space<vmem>>, vector<16xf32>,
      %max3A_318 = arith.maximumf %max3A_311, %get3A_317 : vector<16xf32>
      %mul3A_319 = arith.constant 16 : i32
      %mul3A_320 = arith.muli %scan3A_106, %mul3A_319 : i32
      %add3A_321 = arith.constant 51584 : i32
      %add3A_322 = arith.addi %add3A_321, %mul3A_320 : i32
      %get3A_323 = arith.index_cast %add3A_322 : i32 to index
      %get3A_324 = tpu.vector_load %arg9[%get3A_323] {strides = array<i32>} : memref<53248xf32, #tpu.memory_space<vmem>>, vector<16xf32>,
      %max3A_325 = arith.maximumf %max3A_318, %get3A_324 : vector<16xf32>
      %mul3A_326 = arith.constant 16 : i32
      %mul3A_327 = arith.muli %scan3A_106, %mul3A_326 : i32
      %swap3A = arith.index_cast %mul3A_327 : i32 to index
      %swap3A_328 = tpu.vector_load %arg10[%swap3A] {strides = array<i32>} : memref<1664xf32, #tpu.memory_space<vmem>>, vector<16xf32>,
      tpu.vector_store %arg10[%swap3A], %max3A_325 {strides = array<i32>} : memref<1664xf32, #tpu.memory_space<vmem>>, vector<16xf32>,
    }
    %scan3A_105 = arith.constant 104 : i32
    "tpu.region"() ({
      %run_scoped3A = tpu.sem_alloc : memref<!tpu.dma_semaphore, #tpu.memory_space<semaphore_mem>>
      %dma_start3A_106 = tpu.memref_slice %arg4[%mul3A_2] : memref<53248xf32, #tpu.memory_space<hbm>> -> memref<1664xf32, #tpu.memory_space<hbm>>
      %dma_start3A_107 = tpu.memref_slice %arg4[%mul3A_2] : memref<53248xf32, #tpu.memory_space<hbm>> -> memref<1664xf32, #tpu.memory_space<hbm>>
      tpu.enqueue_dma source(%arg10 : memref<1664xf32, #tpu.memory_space<vmem>>) target(%dma_start3A_107 : memref<1664xf32, #tpu.memory_space<hbm>>) target_semaphore(%run_scoped3A : memref<!tpu.dma_semaphore, #tpu.memory_space<semaphore_mem>>)
      %dma_wait3A_108 = tpu.memref_slice %arg4[%mul3A_2] : memref<53248xf32, #tpu.memory_space<hbm>> -> memref<1664xf32, #tpu.memory_space<hbm>>
      %dma_wait3A_109 = tpu.memref_slice %arg4[%mul3A_2] : memref<53248xf32, #tpu.memory_space<hbm>> -> memref<1664xf32, #tpu.memory_space<hbm>>
      tpu.wait_dma2 semaphore(%run_scoped3A : memref<!tpu.dma_semaphore, #tpu.memory_space<semaphore_mem>>) src(%arg10 : memref<1664xf32, #tpu.memory_space<vmem>>) dst(%dma_wait3A_109 : memref<1664xf32, #tpu.memory_space<hbm>>)
      tpu.yield
    }) : () -> ()
    return
  }
}

module attributes {stable_mosaic.version = 14 : i64} {
  func.func @body(%arg0: i32, %arg1: memref<2048x128xf32, #tpu.memory_space<vmem>>, %arg2: memref<4x2048xf32, #tpu.memory_space<vmem>>, %arg3: memref<4x128xf32, #tpu.memory_space<vmem>>, %arg4: memref<1x128xf32, #tpu.memory_space<vmem>>, %arg5: memref<1x128xf32, #tpu.memory_space<vmem>>) attributes {dimension_semantics = [#tpu.dimension_semantics<arbitrary>], iteration_bounds = array<i64: 25>, scalar_prefetch = 0 : i64, scratch_operands = 0 : i64, tpu.core_type = #tpu.core_type<tc>, window_params = [{transform_indices = @transform_0, window_bounds = array<i64: 2048, 128>}, {transform_indices = @transform_1, window_bounds = array<i64: 4, 2048>}, {pipeline_mode = #tpu.pipeline_mode<synchronous>, transform_indices = @transform_2, window_bounds = array<i64: 4, 128>}, {pipeline_mode = #tpu.pipeline_mode<synchronous>, transform_indices = @transform_3, window_bounds = array<i64: 1, 128>}, {pipeline_mode = #tpu.pipeline_mode<synchronous>, transform_indices = @transform_4, window_bounds = array<i64: 1, 128>}]} {
    %get3A = arith.constant 0 : index
    %get3A_0 = arith.constant 0 : index
    %get3A_1 = vector.load %arg1[%get3A, %get3A_0] : memref<2048x128xf32, #tpu.memory_space<vmem>>, vector<2048x128xf32>
    %get3A_2 = arith.constant 0 : index
    %get3A_3 = arith.constant 0 : index
    %get3A_4 = vector.load %arg2[%get3A_2, %get3A_3] : memref<4x2048xf32, #tpu.memory_space<vmem>>, vector<4x2048xf32>
    %get3A_5 = arith.constant 0 : index
    %get3A_6 = arith.constant 0 : index
    %get3A_7 = vector.load %arg3[%get3A_5, %get3A_6] : memref<4x128xf32, #tpu.memory_space<vmem>>, vector<4x128xf32>
    %dot_general3A = arith.constant dense<0.000000e+00> : vector<2048x128xf32>
    %dot_general3A_8 = tpu.matmul %get3A_4, %get3A_7, %dot_general3A {dimension_numbers = #tpu.dot_dimension_numbers<[0], [0], [1], [1], [0, 1, 1, 1], [], []>, transpose_lhs_hint = false} : vector<4x2048xf32>, vector<4x128xf32>, vector<2048x128xf32> -> vector<2048x128xf32>
    %add3A = arith.addf %get3A_1, %dot_general3A_8 : vector<2048x128xf32>
    %max3A = arith.constant 0.000000e+00 : f32
    %max3A_9 = vector.broadcast %max3A : f32 to vector<2048x128xf32>
    %max3A_10 = arith.maximumf %add3A, %max3A_9 : vector<2048x128xf32>
    %mul3A = arith.constant 2048 : i32
    %mul3A_11 = arith.muli %arg0, %mul3A : i32
    %iota3A = tpu.iota {dimensions = array<i32: 0>} : vector<2048x1xi32>
    %add3A_12 = vector.broadcast %mul3A_11 : i32 to vector<2048x1xi32>
    %add3A_13 = arith.addi %add3A_12, %iota3A : vector<2048x1xi32>
    %lt3A = arith.constant 50000 : i32
    %lt3A_14 = vector.broadcast %lt3A : i32 to vector<2048x1xi32>
    %lt3A_15 = arith.cmpi slt, %add3A_13, %lt3A_14 : vector<2048x1xi32>
    %jit3A = arith.constant 0.000000e+00 : f32
    %broadcast_in_dim3A = vector.shape_cast %lt3A_15 : vector<2048x1xi1> to vector<2048x1xi1>
    %broadcast_in_dim3A_16 = vector.broadcast %broadcast_in_dim3A : vector<2048x1xi1> to vector<2048x128xi1>
    %broadcast_in_dim3A_17 = vector.broadcast %jit3A : f32 to vector<2048x128xf32>
    %select_n3A = arith.select %broadcast_in_dim3A_16, %max3A_10, %broadcast_in_dim3A_17 : vector<2048x128xi1>, vector<2048x128xf32>
    %eq3A = arith.constant 0 : i32
    %eq3A_18 = arith.cmpi eq, %arg0, %eq3A : i32
    %convert_element_type3A = arith.extui %eq3A_18 : i1 to i32
    %cond3A = arith.constant 0 : i32
    %cond3A_19 = arith.cmpi ne, %convert_element_type3A, %cond3A : i32
    scf.if %cond3A_19 {
      %broadcast_in_dim3A_39 = arith.constant 0.000000e+00 : f32
      %broadcast_in_dim3A_40 = vector.broadcast %broadcast_in_dim3A_39 : f32 to vector<1x128xf32>
      %swap3A_41 = arith.constant 0 : index
      %swap3A_42 = arith.constant 0 : index
      %swap3A_43 = vector.load %arg4[%swap3A_41, %swap3A_42] : memref<1x128xf32, #tpu.memory_space<vmem>>, vector<1x128xf32>
      tpu.vector_store %arg4[%swap3A_41, %swap3A_42], %broadcast_in_dim3A_40 {strides = array<i32>} : memref<1x128xf32, #tpu.memory_space<vmem>>, vector<1x128xf32>,
      %broadcast_in_dim3A_44 = arith.constant 0.000000e+00 : f32
      %broadcast_in_dim3A_45 = vector.broadcast %broadcast_in_dim3A_44 : f32 to vector<1x128xf32>
      %swap3A_46 = arith.constant 0 : index
      %swap3A_47 = arith.constant 0 : index
      %swap3A_48 = vector.load %arg5[%swap3A_46, %swap3A_47] : memref<1x128xf32, #tpu.memory_space<vmem>>, vector<1x128xf32>
      tpu.vector_store %arg5[%swap3A_46, %swap3A_47], %broadcast_in_dim3A_45 {strides = array<i32>} : memref<1x128xf32, #tpu.memory_space<vmem>>, vector<1x128xf32>,
    } else {
    }
    %get3A_20 = arith.constant 0 : index
    %get3A_21 = arith.constant 0 : index
    %get3A_22 = vector.load %arg4[%get3A_20, %get3A_21] : memref<1x128xf32, #tpu.memory_space<vmem>>, vector<1x128xf32>
    %reduce_sum3A = arith.constant dense<0.000000e+00> : vector<128xf32>
    %reduce_sum3A_23 = vector.multi_reduction <add>, %select_n3A, %reduce_sum3A [0] : vector<2048x128xf32> to vector<128xf32>
    %broadcast_in_dim3A_24 = vector.shape_cast %reduce_sum3A_23 : vector<128xf32> to vector<1x128xf32>
    %add3A_25 = arith.addf %get3A_22, %broadcast_in_dim3A_24 : vector<1x128xf32>
    %swap3A = arith.constant 0 : index
    %swap3A_26 = arith.constant 0 : index
    %swap3A_27 = vector.load %arg4[%swap3A, %swap3A_26] : memref<1x128xf32, #tpu.memory_space<vmem>>, vector<1x128xf32>
    tpu.vector_store %arg4[%swap3A, %swap3A_26], %add3A_25 {strides = array<i32>} : memref<1x128xf32, #tpu.memory_space<vmem>>, vector<1x128xf32>,
    %get3A_28 = arith.constant 0 : index
    %get3A_29 = arith.constant 0 : index
    %get3A_30 = vector.load %arg5[%get3A_28, %get3A_29] : memref<1x128xf32, #tpu.memory_space<vmem>>, vector<1x128xf32>
    %mul3A_31 = arith.mulf %select_n3A, %select_n3A : vector<2048x128xf32>
    %reduce_sum3A_32 = arith.constant dense<0.000000e+00> : vector<128xf32>
    %reduce_sum3A_33 = vector.multi_reduction <add>, %mul3A_31, %reduce_sum3A_32 [0] : vector<2048x128xf32> to vector<128xf32>
    %broadcast_in_dim3A_34 = vector.shape_cast %reduce_sum3A_33 : vector<128xf32> to vector<1x128xf32>
    %add3A_35 = arith.addf %get3A_30, %broadcast_in_dim3A_34 : vector<1x128xf32>
    %swap3A_36 = arith.constant 0 : index
    %swap3A_37 = arith.constant 0 : index
    %swap3A_38 = vector.load %arg5[%swap3A_36, %swap3A_37] : memref<1x128xf32, #tpu.memory_space<vmem>>, vector<1x128xf32>
    tpu.vector_store %arg5[%swap3A_36, %swap3A_37], %add3A_35 {strides = array<i32>} : memref<1x128xf32, #tpu.memory_space<vmem>>, vector<1x128xf32>,
    return
  }
  func.func @transform_0(%arg0: i32) -> (i32, i32) {
    %c0_i32 = arith.constant 0 : i32
    %c0_i32_0 = arith.constant 0 : i32
    return %arg0, %c0_i32 : i32, i32
  }
  func.func @transform_1(%arg0: i32) -> (i32, i32) {
    %c0_i32 = arith.constant 0 : i32
    %c0_i32_0 = arith.constant 0 : i32
    return %c0_i32, %arg0 : i32, i32
  }
  func.func @transform_2(%arg0: i32) -> (i32, i32) {
    %c0_i32 = arith.constant 0 : i32
    %c0_i32_0 = arith.constant 0 : i32
    %c0_i32_1 = arith.constant 0 : i32
    return %c0_i32, %c0_i32_0 : i32, i32
  }
  func.func @transform_3(%arg0: i32) -> (i32, i32) {
    %c0_i32 = arith.constant 0 : i32
    %c0_i32_0 = arith.constant 0 : i32
    %c0_i32_1 = arith.constant 0 : i32
    return %c0_i32, %c0_i32_0 : i32, i32
  }
  func.func @transform_4(%arg0: i32) -> (i32, i32) {
    %c0_i32 = arith.constant 0 : i32
    %c0_i32_0 = arith.constant 0 : i32
    %c0_i32_1 = arith.constant 0 : i32
    return %c0_i32, %c0_i32_0 : i32, i32
  }
}

module attributes {stable_mosaic.version = 14 : i64} {
  func.func @body(%arg0: i32, %arg1: memref<1024x512xf32, #tpu.memory_space<vmem>>, %arg2: memref<512x512xf32, #tpu.memory_space<vmem>>, %arg3: memref<1x512xf32, #tpu.memory_space<vmem>>, %arg4: memref<512x128xf32, #tpu.memory_space<vmem>>, %arg5: memref<1x128xf32, #tpu.memory_space<vmem>>, %arg6: memref<1024x128xf32, #tpu.memory_space<vmem>>, %arg7: memref<512x128xf32, #tpu.memory_space<vmem>>, %arg8: memref<1x128xf32, #tpu.memory_space<vmem>>) attributes {dimension_semantics = [#tpu.dimension_semantics<arbitrary>], iteration_bounds = array<i64: 49>, scalar_prefetch = 0 : i64, scratch_operands = 2 : i64, tpu.core_type = #tpu.core_type<tc>, window_params = [{transform_indices = @transform_0, window_bounds = array<i64: 1024, 512>}, {pipeline_mode = #tpu.pipeline_mode<synchronous>, transform_indices = @transform_1, window_bounds = array<i64: 512, 512>}, {pipeline_mode = #tpu.pipeline_mode<synchronous>, transform_indices = @transform_2, window_bounds = array<i64: 1, 512>}, {pipeline_mode = #tpu.pipeline_mode<synchronous>, transform_indices = @transform_3, window_bounds = array<i64: 512, 128>}, {pipeline_mode = #tpu.pipeline_mode<synchronous>, transform_indices = @transform_4, window_bounds = array<i64: 1, 128>}, {transform_indices = @transform_5, window_bounds = array<i64: 1024, 128>}]} {
    %eq3A = arith.constant 0 : i32
    %eq3A_0 = arith.cmpi eq, %arg0, %eq3A : i32
    %convert_element_type3A = arith.extui %eq3A_0 : i1 to i32
    %cond3A = arith.constant 0 : i32
    %cond3A_1 = arith.cmpi ne, %convert_element_type3A, %cond3A : i32
    scf.if %cond3A_1 {
      %get3A_14 = arith.constant 0 : index
      %get3A_15 = arith.constant 0 : index
      %get3A_16 = vector.load %arg2[%get3A_14, %get3A_15] : memref<512x512xf32, #tpu.memory_space<vmem>>, vector<512x512xf32>
      %get3A_17 = arith.constant 0 : index
      %get3A_18 = arith.constant 0 : index
      %get3A_19 = vector.load %arg4[%get3A_17, %get3A_18] : memref<512x128xf32, #tpu.memory_space<vmem>>, vector<512x128xf32>
      %dot_general3A_20 = arith.constant dense<0.000000e+00> : vector<512x128xf32>
      %dot_general3A_21 = tpu.matmul %get3A_16, %get3A_19, %dot_general3A_20 {dimension_numbers = #tpu.dot_dimension_numbers<[1], [0], [0], [1], [0, 0, 1, 1], [], []>, transpose_lhs_hint = false} : vector<512x512xf32>, vector<512x128xf32>, vector<512x128xf32> -> vector<512x128xf32>
      %swap3A_22 = arith.constant 0 : index
      %swap3A_23 = arith.constant 0 : index
      %swap3A_24 = vector.load %arg7[%swap3A_22, %swap3A_23] : memref<512x128xf32, #tpu.memory_space<vmem>>, vector<512x128xf32>
      tpu.vector_store %arg7[%swap3A_22, %swap3A_23], %dot_general3A_21 {strides = array<i32>} : memref<512x128xf32, #tpu.memory_space<vmem>>, vector<512x128xf32>,
      %get3A_25 = arith.constant 0 : index
      %get3A_26 = arith.constant 0 : index
      %get3A_27 = vector.load %arg3[%get3A_25, %get3A_26] : memref<1x512xf32, #tpu.memory_space<vmem>>, vector<1x512xf32>
      %get3A_28 = arith.constant 0 : index
      %get3A_29 = arith.constant 0 : index
      %get3A_30 = vector.load %arg4[%get3A_28, %get3A_29] : memref<512x128xf32, #tpu.memory_space<vmem>>, vector<512x128xf32>
      %dot_general3A_31 = arith.constant dense<0.000000e+00> : vector<1x128xf32>
      %dot_general3A_32 = tpu.matmul %get3A_27, %get3A_30, %dot_general3A_31 {dimension_numbers = #tpu.dot_dimension_numbers<[1], [0], [0], [1], [0, 0, 1, 1], [], []>, transpose_lhs_hint = false} : vector<1x512xf32>, vector<512x128xf32>, vector<1x128xf32> -> vector<1x128xf32>
      %get3A_33 = arith.constant 0 : index
      %get3A_34 = arith.constant 0 : index
      %get3A_35 = vector.load %arg5[%get3A_33, %get3A_34] : memref<1x128xf32, #tpu.memory_space<vmem>>, vector<1x128xf32>
      %add3A_36 = arith.addf %dot_general3A_32, %get3A_35 : vector<1x128xf32>
      %swap3A_37 = arith.constant 0 : index
      %swap3A_38 = arith.constant 0 : index
      %swap3A_39 = vector.load %arg8[%swap3A_37, %swap3A_38] : memref<1x128xf32, #tpu.memory_space<vmem>>, vector<1x128xf32>
      tpu.vector_store %arg8[%swap3A_37, %swap3A_38], %add3A_36 {strides = array<i32>} : memref<1x128xf32, #tpu.memory_space<vmem>>, vector<1x128xf32>,
    } else {
    }
    %get3A = arith.constant 0 : index
    %get3A_2 = arith.constant 0 : index
    %get3A_3 = vector.load %arg1[%get3A, %get3A_2] : memref<1024x512xf32, #tpu.memory_space<vmem>>, vector<1024x512xf32>
    %get3A_4 = arith.constant 0 : index
    %get3A_5 = arith.constant 0 : index
    %get3A_6 = vector.load %arg7[%get3A_4, %get3A_5] : memref<512x128xf32, #tpu.memory_space<vmem>>, vector<512x128xf32>
    %dot_general3A = arith.constant dense<0.000000e+00> : vector<1024x128xf32>
    %dot_general3A_7 = tpu.matmul %get3A_3, %get3A_6, %dot_general3A {dimension_numbers = #tpu.dot_dimension_numbers<[1], [0], [0], [1], [0, 0, 1, 1], [], []>, transpose_lhs_hint = false} : vector<1024x512xf32>, vector<512x128xf32>, vector<1024x128xf32> -> vector<1024x128xf32>
    %get3A_8 = arith.constant 0 : index
    %get3A_9 = arith.constant 0 : index
    %get3A_10 = vector.load %arg8[%get3A_8, %get3A_9] : memref<1x128xf32, #tpu.memory_space<vmem>>, vector<1x128xf32>
    %add3A = vector.broadcast %get3A_10 : vector<1x128xf32> to vector<1024x128xf32>
    %add3A_11 = arith.addf %dot_general3A_7, %add3A : vector<1024x128xf32>
    %swap3A = arith.constant 0 : index
    %swap3A_12 = arith.constant 0 : index
    %swap3A_13 = vector.load %arg6[%swap3A, %swap3A_12] : memref<1024x128xf32, #tpu.memory_space<vmem>>, vector<1024x128xf32>
    tpu.vector_store %arg6[%swap3A, %swap3A_12], %add3A_11 {strides = array<i32>} : memref<1024x128xf32, #tpu.memory_space<vmem>>, vector<1024x128xf32>,
    return
  }
  func.func @transform_0(%arg0: i32) -> (i32, i32) {
    %c0_i32 = arith.constant 0 : i32
    %c0_i32_0 = arith.constant 0 : i32
    return %arg0, %c0_i32 : i32, i32
  }
  func.func @transform_1(%arg0: i32) -> (i32, i32) {
    %c0_i32 = arith.constant 0 : i32
    %c0_i32_0 = arith.constant 0 : i32
    %c0_i32_1 = arith.constant 0 : i32
    return %c0_i32, %c0_i32_0 : i32, i32
  }
  func.func @transform_2(%arg0: i32) -> (i32, i32) {
    %c0_i32 = arith.constant 0 : i32
    %c0_i32_0 = arith.constant 0 : i32
    %c0_i32_1 = arith.constant 0 : i32
    return %c0_i32, %c0_i32_0 : i32, i32
  }
  func.func @transform_3(%arg0: i32) -> (i32, i32) {
    %c0_i32 = arith.constant 0 : i32
    %c0_i32_0 = arith.constant 0 : i32
    %c0_i32_1 = arith.constant 0 : i32
    return %c0_i32, %c0_i32_0 : i32, i32
  }
  func.func @transform_4(%arg0: i32) -> (i32, i32) {
    %c0_i32 = arith.constant 0 : i32
    %c0_i32_0 = arith.constant 0 : i32
    %c0_i32_1 = arith.constant 0 : i32
    return %c0_i32, %c0_i32_0 : i32, i32
  }
  func.func @transform_5(%arg0: i32) -> (i32, i32) {
    %c0_i32 = arith.constant 0 : i32
    %c0_i32_0 = arith.constant 0 : i32
    return %arg0, %c0_i32 : i32, i32
  }
}

module attributes {stable_mosaic.version = 14 : i64} {
  func.func @body(%arg0: i32, %arg1: memref<2048x128xf32, #tpu.memory_space<vmem>>, %arg2: memref<4x2048xf32, #tpu.memory_space<vmem>>, %arg3: memref<4x128xf32, #tpu.memory_space<vmem>>, %arg4: memref<1x128xf32, #tpu.memory_space<vmem>>, %arg5: memref<1x128xf32, #tpu.memory_space<vmem>>, %arg6: memref<1x128xf32, #tpu.memory_space<vmem>>, %arg7: memref<1x128xf32, #tpu.memory_space<vmem>>, %arg8: memref<2048x128xf32, #tpu.memory_space<vmem>>) attributes {dimension_semantics = [#tpu.dimension_semantics<arbitrary>], iteration_bounds = array<i64: 25>, scalar_prefetch = 0 : i64, scratch_operands = 0 : i64, tpu.core_type = #tpu.core_type<tc>, window_params = [{transform_indices = @transform_0, window_bounds = array<i64: 2048, 128>}, {transform_indices = @transform_1, window_bounds = array<i64: 4, 2048>}, {pipeline_mode = #tpu.pipeline_mode<synchronous>, transform_indices = @transform_2, window_bounds = array<i64: 4, 128>}, {pipeline_mode = #tpu.pipeline_mode<synchronous>, transform_indices = @transform_3, window_bounds = array<i64: 1, 128>}, {pipeline_mode = #tpu.pipeline_mode<synchronous>, transform_indices = @transform_4, window_bounds = array<i64: 1, 128>}, {pipeline_mode = #tpu.pipeline_mode<synchronous>, transform_indices = @transform_5, window_bounds = array<i64: 1, 128>}, {pipeline_mode = #tpu.pipeline_mode<synchronous>, transform_indices = @transform_6, window_bounds = array<i64: 1, 128>}, {transform_indices = @transform_7, window_bounds = array<i64: 2048, 128>}]} {
    %get3A = arith.constant 0 : index
    %get3A_0 = arith.constant 0 : index
    %get3A_1 = vector.load %arg1[%get3A, %get3A_0] : memref<2048x128xf32, #tpu.memory_space<vmem>>, vector<2048x128xf32>
    %get3A_2 = arith.constant 0 : index
    %get3A_3 = arith.constant 0 : index
    %get3A_4 = vector.load %arg2[%get3A_2, %get3A_3] : memref<4x2048xf32, #tpu.memory_space<vmem>>, vector<4x2048xf32>
    %get3A_5 = arith.constant 0 : index
    %get3A_6 = arith.constant 0 : index
    %get3A_7 = vector.load %arg3[%get3A_5, %get3A_6] : memref<4x128xf32, #tpu.memory_space<vmem>>, vector<4x128xf32>
    %dot_general3A = arith.constant dense<0.000000e+00> : vector<2048x128xf32>
    %dot_general3A_8 = tpu.matmul %get3A_4, %get3A_7, %dot_general3A {dimension_numbers = #tpu.dot_dimension_numbers<[0], [0], [1], [1], [0, 1, 1, 1], [], []>, transpose_lhs_hint = false} : vector<4x2048xf32>, vector<4x128xf32>, vector<2048x128xf32> -> vector<2048x128xf32>
    %add3A = arith.addf %get3A_1, %dot_general3A_8 : vector<2048x128xf32>
    %max3A = arith.constant 0.000000e+00 : f32
    %max3A_9 = vector.broadcast %max3A : f32 to vector<2048x128xf32>
    %max3A_10 = arith.maximumf %add3A, %max3A_9 : vector<2048x128xf32>
    %get3A_11 = arith.constant 0 : index
    %get3A_12 = arith.constant 0 : index
    %get3A_13 = vector.load %arg4[%get3A_11, %get3A_12] : memref<1x128xf32, #tpu.memory_space<vmem>>, vector<1x128xf32>
    %mul3A = arith.constant 2.000000e-05 : f32
    %mul3A_14 = vector.broadcast %mul3A : f32 to vector<1x128xf32>
    %mul3A_15 = arith.mulf %get3A_13, %mul3A_14 : vector<1x128xf32>
    %get3A_16 = arith.constant 0 : index
    %get3A_17 = arith.constant 0 : index
    %get3A_18 = vector.load %arg5[%get3A_16, %get3A_17] : memref<1x128xf32, #tpu.memory_space<vmem>>, vector<1x128xf32>
    %mul3A_19 = arith.constant 2.000000e-05 : f32
    %mul3A_20 = vector.broadcast %mul3A_19 : f32 to vector<1x128xf32>
    %mul3A_21 = arith.mulf %get3A_18, %mul3A_20 : vector<1x128xf32>
    %mul3A_22 = arith.mulf %mul3A_15, %mul3A_15 : vector<1x128xf32>
    %sub3A = arith.subf %mul3A_21, %mul3A_22 : vector<1x128xf32>
    %get3A_23 = arith.constant 0 : index
    %get3A_24 = arith.constant 0 : index
    %get3A_25 = vector.load %arg6[%get3A_23, %get3A_24] : memref<1x128xf32, #tpu.memory_space<vmem>>, vector<1x128xf32>
    %add3A_26 = arith.constant 9.99999974E-6 : f32
    %add3A_27 = vector.broadcast %add3A_26 : f32 to vector<1x128xf32>
    %add3A_28 = arith.addf %sub3A, %add3A_27 : vector<1x128xf32>
    %sqrt3A = math.sqrt %add3A_28 : vector<1x128xf32>
    %div3A = arith.divf %get3A_25, %sqrt3A : vector<1x128xf32>
    %sub3A_29 = vector.broadcast %mul3A_15 : vector<1x128xf32> to vector<2048x128xf32>
    %sub3A_30 = arith.subf %max3A_10, %sub3A_29 : vector<2048x128xf32>
    %mul3A_31 = vector.broadcast %div3A : vector<1x128xf32> to vector<2048x128xf32>
    %mul3A_32 = arith.mulf %sub3A_30, %mul3A_31 : vector<2048x128xf32>
    %get3A_33 = arith.constant 0 : index
    %get3A_34 = arith.constant 0 : index
    %get3A_35 = vector.load %arg7[%get3A_33, %get3A_34] : memref<1x128xf32, #tpu.memory_space<vmem>>, vector<1x128xf32>
    %add3A_36 = vector.broadcast %get3A_35 : vector<1x128xf32> to vector<2048x128xf32>
    %add3A_37 = arith.addf %mul3A_32, %add3A_36 : vector<2048x128xf32>
    %swap3A = arith.constant 0 : index
    %swap3A_38 = arith.constant 0 : index
    %swap3A_39 = vector.load %arg8[%swap3A, %swap3A_38] : memref<2048x128xf32, #tpu.memory_space<vmem>>, vector<2048x128xf32>
    tpu.vector_store %arg8[%swap3A, %swap3A_38], %add3A_37 {strides = array<i32>} : memref<2048x128xf32, #tpu.memory_space<vmem>>, vector<2048x128xf32>,
    return
  }
  func.func @transform_0(%arg0: i32) -> (i32, i32) {
    %c0_i32 = arith.constant 0 : i32
    %c0_i32_0 = arith.constant 0 : i32
    return %arg0, %c0_i32 : i32, i32
  }
  func.func @transform_1(%arg0: i32) -> (i32, i32) {
    %c0_i32 = arith.constant 0 : i32
    %c0_i32_0 = arith.constant 0 : i32
    return %c0_i32, %arg0 : i32, i32
  }
  func.func @transform_2(%arg0: i32) -> (i32, i32) {
    %c0_i32 = arith.constant 0 : i32
    %c0_i32_0 = arith.constant 0 : i32
    %c0_i32_1 = arith.constant 0 : i32
    return %c0_i32, %c0_i32_0 : i32, i32
  }
  func.func @transform_3(%arg0: i32) -> (i32, i32) {
    %c0_i32 = arith.constant 0 : i32
    %c0_i32_0 = arith.constant 0 : i32
    %c0_i32_1 = arith.constant 0 : i32
    return %c0_i32, %c0_i32_0 : i32, i32
  }
  func.func @transform_4(%arg0: i32) -> (i32, i32) {
    %c0_i32 = arith.constant 0 : i32
    %c0_i32_0 = arith.constant 0 : i32
    %c0_i32_1 = arith.constant 0 : i32
    return %c0_i32, %c0_i32_0 : i32, i32
  }
  func.func @transform_5(%arg0: i32) -> (i32, i32) {
    %c0_i32 = arith.constant 0 : i32
    %c0_i32_0 = arith.constant 0 : i32
    %c0_i32_1 = arith.constant 0 : i32
    return %c0_i32, %c0_i32_0 : i32, i32
  }
  func.func @transform_6(%arg0: i32) -> (i32, i32) {
    %c0_i32 = arith.constant 0 : i32
    %c0_i32_0 = arith.constant 0 : i32
    %c0_i32_1 = arith.constant 0 : i32
    return %c0_i32, %c0_i32_0 : i32, i32
  }
  func.func @transform_7(%arg0: i32) -> (i32, i32) {
    %c0_i32 = arith.constant 0 : i32
    %c0_i32_0 = arith.constant 0 : i32
    return %arg0, %c0_i32 : i32, i32
  }
}

</mosaic_0001>

<sc_bundles>
// kernel: kernel.11.cloned.1.call-start
scs
__scs_entry_jumppad:
0x0: {  	(pc) =	sbr.rel $0x88, $3  }
0x1: {  	(tag) =	ssettag $0x0;
	lr =	simm.s32 $0x1  }
0x2: {  	[smem:$0x3F98] =	sst lr;
	_ =	strace $0xD0000000  }
0x3: {  	_ = 	snop  }
0x4: {  	_ = 	snop  }
0x5: {  	_ = 	snop  }
0x6: {  	_ = 	snop  }
0x7: {  	_ = 	snop  }
__scs_overlays_trampoline_lowered:
0x8: {  	[smem:$0x3FA7] =	sst s0  }
0x9: {  	[smem:$0x3FA8] =	sst s1  }
0xa: {  	[smem:$0x3FA9] =	sst s2  }
0xb: {  	[smem:$0x3FAA] =	sst s3  }
0xc: {  	[smem:$0x3FAB] =	sst s4  }
0xd: {  	[smem:$0x3FAC] =	sst s5  }
0xe: {  	[smem:$0x3FAD] =	sst s6  }
0xf: {  	[smem:$0x3FAE] =	sst s7  }
0x10: {  	[smem:$0x3FAF] =	sst s8  }
0x11: {  	[smem:$0x3FB0] =	sst s9;
	s0 =	simm.s32 @!p0 $0x0  }
0x12: {  	s1 =	sld [smem:$0x3F96];
	s0 =	simm.s32 @p0 $0x1  }
0x13: {  	[smem:$0x3FB1] =	sst s0;
	s0 =	simm.s32 @!p1 $0x0  }
0x14: {  	s2 =	sld [smem:$0x3F95];
	s0 =	simm.s32 @p1 $0x1  }
0x15: {  	[smem:$0x3FB2] =	sst s0;
	s0 =	simm.s32 @!p2 $0x0  }
0x16: {  	s3 =	sld [smem:$0x3FDB];
	s0 =	simm.s32 @p2 $0x1  }
0x17: {  	s4 =	simm.s32 $0x1BF5;
	[smem:$0x3FB4] =	sst s0  }
0x18: {  	s0 =	sld [smem:$0x3F97];
	_ =	swait.ge [sflag:s4], $0x0  }
0x19: {  	s7 =	sld [smem:$0x3F98]  }
0x1a: {  	s8 =	sadd.s32 $0xFFFFE003, lr  }
0x1b: {  	s9 =	sadd.s32 $0xFFFFFEF7, lr;
	s5 =	simm.s32 $0xFFFFFFFF;
	p2 =	slt.u32 s8, $0xFFFFF086  }
0x1c: {  	p1 =	slt.u32 s9, $0xF7A;
	s5 =	simm.s32 @!p2 $0x0  }
0x1d: {  	s5 =	simm.s32 @p1 $0x1;
	p0 =	seq.s32 s7, s2  }
0x1e: {  	s7 =	smul.u32 @!p0 $0xF7A, s2;
	p2 =	seq.s32 @!p0 s5, $0x0  }
0x1f: {  	s9 =	smul.u32 $0xF7A, s1;
	s8 =	simm.s32 @!p0 $0x1BF5;
	p2 =	por !p2, p0  }
0x20: {  	[sflag:s8] =	ssyncset.s32 @!p0 $0xFFFFF086;
	s6 =	sadd.s32 @!p0 s3, s7;
	s7 =	simm.s32 @!p0 $0x108  }
0x21: {  	s3 =	sadd.s32 s3, s9;
	s6 =	sadd.s32 @!p0 $0x88, s6;
	s7 =	simm.s32 @p2 $0x1082  }
0x22: {  	[simem:s7], [sflag:s8] =	dma.local @!p0 [hbm:s6], $0xF7A  }
0x23: {  	s9 =	sor.u32 $0xD0000000, s2;
	s6 =	simm.s32 $0x108;
	_ =	swait.ge @!p0 [sflag:s8], $0x0  }
0x24: {  	s3 =	sadd.s32 $0x88, s3;
	s6 =	simm.s32 @!p1 $0x1082;
	[sflag:s4] =	ssyncset.s32 $0xFFFFF086  }
0x25: {  	[simem:s6], [sflag:s4] =	dma.local [hbm:s3], $0xF7A  }
0x26: {  	[smem:$0x3F98] =	sst s1;
	(tag) =	ssettag s2;
	_ =	strace s9  }
0x27: {  	s1 =	sld [smem:$0x3FA8]  }
0x28: {  	s2 =	sld [smem:$0x3FA9]  }
0x29: {  	s4 =	sld [smem:$0x3FAB]  }
0x2a: {  	p0 =	seq.s32 s5, $0x0;
	s5 =	sld [smem:$0x3FAC]  }
0x2b: {  	s6 =	sld [smem:$0x3FAD]  }
0x2c: {  	s7 =	sld [smem:$0x3FAE]  }
0x2d: {  	s3 =	simm.s32 $0x108;
	s8 =	sld [smem:$0x3FAF]  }
0x2e: {  	s3 =	simm.s32 @!p0 $0x1082;
	s9 =	sld [smem:$0x3FB0]  }
0x2f: {  	lr =	sadd.s32 s0, s3;
	s0 =	sld [smem:$0x3FA7]  }
0x30: {  	s3 =	sld [smem:$0x3FAA]  }
0x31: {  	[smem:$0x3FB3] =	sst s10  }
0x32: {  	s10 =	sld [smem:$0x3FB1];
	_ =	sdelay $0x3  }
0x33: {  	p0 =	seq.s32 s10, $0x1;
	s10 =	sld [smem:$0x3FB3];
	_ =	sdelay $0x3  }
0x34: {  	[smem:$0x3FB3] =	sst s10  }
0x35: {  	s10 =	sld [smem:$0x3FB2];
	_ =	sdelay $0x3  }
0x36: {  	p1 =	seq.s32 s10, $0x1;
	s10 =	sld [smem:$0x3FB3];
	_ =	sdelay $0x3  }
0x37: {  	[smem:$0x3FB3] =	sst s10  }
0x38: {  	s10 =	sld [smem:$0x3FB4]  }
0x39: {  	_ = 	snop;
	(pc) =	sbr.ind lr, $3  }
0x3a: {  	_ = 	snop  }
0x3b: {  	_ = 	snop  }
0x3c: {  	p2 =	seq.s32 s10, $0x1;
	s10 =	sld [smem:$0x3FB3]  }
0x3d: {  	_ =	shalt  }
0x3e: {  	_ =	shalt  }
0x3f: {  	_ =	shalt  }
0x40: {  	_ =	shalt  }
0x41: {  	_ =	shalt  }
0x42: {  	_ =	shalt  }
0x43: {  	_ =	shalt  }
0x44: {  	_ =	shalt  }
0x45: {  	_ =	shalt  }
0x46: {  	_ =	shalt  }
0x47: {  	_ =	shalt  }
0x48: {  	_ =	shalt  }
0x49: {  	_ =	shalt  }
0x4a: {  	_ =	shalt  }
0x4b: {  	_ =	shalt  }
0x4c: {  	_ =	shalt  }
0x4d: {  	_ =	shalt  }
0x4e: {  	_ =	shalt  }
0x4f: {  	_ =	shalt  }
0x50: {  	_ =	shalt  }
0x51: {  	_ =	shalt  }
0x52: {  	_ =	shalt  }
0x53: {  	_ =	shalt  }
0x54: {  	_ =	shalt  }
0x55: {  	_ =	shalt  }
0x56: {  	_ =	shalt  }
0x57: {  	_ =	shalt  }
0x58: {  	_ =	shalt  }
0x59: {  	_ =	shalt  }
0x5a: {  	_ =	shalt  }
0x5b: {  	_ =	shalt  }
0x5c: {  	_ =	shalt  }
0x5d: {  	_ =	shalt  }
0x5e: {  	_ =	shalt  }
0x5f: {  	_ =	shalt  }
0x60: {  	_ =	shalt  }
0x61: {  	_ =	shalt  }
0x62: {  	_ =	shalt  }
0x63: {  	_ =	shalt  }
0x64: {  	_ =	shalt  }
0x65: {  	_ =	shalt  }
0x66: {  	_ =	shalt  }
0x67: {  	_ =	shalt  }
0x68: {  	_ =	shalt  }
0x69: {  	_ =	shalt  }
0x6a: {  	_ =	shalt  }
0x6b: {  	_ =	shalt  }
0x6c: {  	_ =	shalt  }
0x6d: {  	_ =	shalt  }
0x6e: {  	_ =	shalt  }
0x6f: {  	_ =	shalt  }
0x70: {  	_ =	shalt  }
0x71: {  	_ =	shalt  }
0x72: {  	_ =	shalt  }
0x73: {  	_ =	shalt  }
0x74: {  	_ =	shalt  }
0x75: {  	_ =	shalt  }
0x76: {  	_ =	shalt  }
0x77: {  	_ =	shalt  }
0x78: {  	_ =	shalt  }
0x79: {  	_ =	shalt  }
0x7a: {  	_ =	shalt  }
0x7b: {  	_ =	shalt  }
0x7c: {  	_ =	shalt  }
0x7d: {  	_ =	shalt  }
0x7e: {  	_ =	shalt  }
0x7f: {  	_ =	shalt  }
0x80: {  	_ =	shalt  }
0x81: {  	_ =	shalt  }
0x82: {  	_ =	shalt  }
0x83: {  	_ =	shalt  }
0x84: {  	_ =	shalt  }
0x85: {  	_ =	shalt  }
0x86: {  	_ =	shalt  }
0x87: {  	_ =	shalt  }
.Lfunc_end0:
.L_simem_size_0:
called_computation.1_lowered:
.L_overlay_start_0:
0x88: {  	s2 =	sld [smem:$0x3FD9]  }
0x89: {  	s3 =	sld [smem:$0x3FFE];
	_ =	sdelay $0x1  }
0x8a: {  	s1 =	srdreg.scid  }
0x8b: {  	s0 =	sand.u32 $0x1, s1  }
0x8c: {  	s16 =	sshll.u32 s0, $0xA;
	s2 =	sadd.s32 s3, s2  }
0x8d: {  	s2 =	sadd.s32 s2, s16  }
0x8e: {  	[smem:$0x3FBF] =	sst s2  }
0x8f: {  	_ = 	snop  }
0x90: {  	(tm) =	ssettm $0x1  }
0x91: {  	s17 =	sld [smem:$0x3FFB];
	_ =	sdelay $0x3  }
0x92: {  	_ =	strace s17  }
0x93: {  	s2 =	sld [smem:$0x3FFC];
	_ =	sdelay $0x3  }
0x94: {  	_ =	strace s2  }
0x95: {  	s2 =	sld [smem:$0x3FFD];
	_ =	sdelay $0x3  }
0x96: {  	_ =	strace s2  }
0x97: {  	_ =	strace $0x8FFFFFFF  }
0x98: {  	s18 =	sld [smem:$0x3FDB];
	_ =	sdelay $0x1  }
0x99: {  	s19 =	simm.s32 $_scs_section_size  }
0x9a: {  	s4 =	simm.s32 $_size__tile_overlayer_lowered;
	s5 =	simm.s32 $_tile_overlayer_lowered  }
0x9b: {  	s22 =	simm.s32 $0x1BFF;
	s21 =	sshll.u32 s5, $0x1;
	s2 =	sadd.s32 s19, s18  }
0x9c: {  	s6 =	simm.s32 $0x0;
	s20 =	sshll.u32 s4, $0x1;
	s4 =	sadd.s32 s21, s2  }
0x9d: {  	[timem:s6], [sflag:s22] =	dma.local [hbm:s4], s20  }
0x9e: {  	_ =	swait.ge [sflag:s22], s20  }
0x9f: {  	s3 =	ssub.s32 $0x0, s20;
	[sflag:s22] =	ssyncset.done $0x0  }
0xa0: {  	[sflag:s22] =	ssyncadd.s32 s3;
	_ =	sdelay $0x1  }
0xa1: {  	s23 =	simm.s32 $0x1B8B  }
0xa2: {  	_ =	swait.ge [sflag:s23], $0x1  }
0xa3: {  	[sflag:s23] =	ssyncset.done $0x0  }
0xa4: {  	s25 =	simm.s32 $0x1B8E;
	s24 =	sld [smem:$0x3FFE];
	[sflag:s23] =	ssyncadd.s32 $0xFFFFFFFF  }
0xa5: {  	s26 =	simm.s32 $execute0_lowered;
	[smem:$0x3FD2] =	sst s25  }
0xa6: {  	s4 =	sshll.u32 s26, $0x1;
	_ =	strace $0x80000049;
	[dreg:$0x1] =	wrdreg $0xFFFFFFFF  }
0xa7: {  	s28 =	simm.s32 $_size_execute0_lowered;
	s2 =	sadd.s32 s2, s4;
	[dreg:$0x0] =	wrdreg $0x0  }
0xa8: {  	s4 =	sshll.u32 s28, $0x1;
	[dreg:$0x2] =	wrdreg s2  }
0xa9: {  	[dreg:$0x3] =	wrdreg s4  }
0xaa: {  	[dreg:$0x4] =	wrdreg $0xC0  }
0xab: {  	_ =	task [dreg:s6], $0x5FFFF  }
0xac: {  	[dreg:$0x1] =	wrdreg $0xFFFFFFFF  }
0xad: {  	[dreg:$0x0] =	wrdreg $0x60  }
0xae: {  	[dreg:$0x2] =	wrdreg s24  }
0xaf: {  	[dreg:$0x3] =	wrdreg $0x9  }
0xb0: {  	_ =	task.clear_ibuf [dreg:s6], $0x4FFFF;
	_ =	strace $0x90000049  }
0xb1: {  	s29 =	simm.s32 $0x9;
	_ =	strace $0x8000004B  }
0xb2: {  	_ =	swait.ge [sflag:s29], $0x1  }
0xb3: {  	[sflag:s29] =	ssyncadd.s32 $0xFFFFFFFF  }
0xb4: {  	_ =	strace $0x9000004B  }
0xb5: {  	_ =	sfence  }
0xb6: {  	s30 =	sld [smem:$0x0];
	_ =	sdelay $0x2  }
0xb7: {  	s31 =	sshll.u32 s1, $0xD;
	s1 =	sshrl.u32 s1, $0x2  }
0xb8: {  	s3 =	sand.u32 $0x4000, s31;
	s1 =	sadd.s32 s1, s30  }
0xb9: {  	s0 =	sor.u32 s3, s0;
	s1 =	sshll.u32 s1, $0x11  }
0xba: {  	s0 =	sor.u32 s1, s0  }
0xbb: {  	s0 =	sadd.s32 $0x8F2B, s0  }
0xbc: {  	[sflag:s0] =	ssyncadd.remote.s32 $0x1  }
0xbd: {  	_ =	sfence.sel $0xFFFF  }
0xbe: {  	[dreg:$0x0] =	wrdreg $0xFFFFFFFF;
	(pc) =	sbr.abs _section_cstart, $3  }
0xbf: {  	[dreg:$0x1] =	wrdreg $0xFFFFFFFF  }
0xc0: {  	_ =	task.clear_ibuf [dreg:s6], $0x2FFFF;
	_ =	strace $0x9FFFFFFF  }
0xc1: {  	(tm) =	ssettm $0x7FFFFFFF  }
tec
execute0_lowered:
.L_overlay_start_1:
0x0: {  	(tag) =	ssettag $0x1  }
0x1: {  	s1 =	srdreg.scid  }
0x2: {  	s0 =	stileid.u32;
	s10 =	rddreg [dreg:$0x0];
	s2 =	simm.s32 $0x0  }
0x3: {  	s13 =	simm.s32 $0x6800;
	s14 =	simm.s32 $0x3400;
	s15 =	simm.s32 $0x9C00  }
0x4: {  	s16 =	simm.s32 $0x1;
	s17 =	simm.s32 $0xD000;
	s19 =	simm.s32 $0x2  }
0x5: {  	s20 =	simm.s32 $0x0;
	s4 =	sand.u32 $0x1, s1;
	s1 =	rddreg [dreg:$0x1]  }
0x6: {  	s3 =	sshll.u32 s0, $0x1;
	[smem:$0x7FF] =	sst s2;
	s8 =	sadd.s32 $0x7900, s10  }
0x7: {  	s9 =	sadd.s32 $0x10180, s10;
	s3 =	sor.u32 s4, s3;
	s5 =	ssub.s32 $0x2, s4  }
0x8: {  	_ =	strace $0x8000004A;
	s18 =	smul.u32 $0x680, s3;
	s7 =	sshrl.u32 s5, $0x1  }
0x9: {  	v0 =	vlaneseq.u32;
	s4 =	sadd.s32 $0x6C00, s10;
	s3 =	sadd.s32 $0xEE00, s10;
	s12 =	ssub.s32 s5, s7  }
0xa: {  	v0 =	vmul.u32 $0x680, v0;
	s5 =	sadd.s32 $0xF480, s10;
	s7 =	sadd.s32 $0xFB00, s10;
	s6 =	sshrl.u32 s18, $0x3  }
0xb: {  	s12 =	smax.u32 s12, $0x1;
	v1 =	vmov s18;
	s18 =	simm.s32 $0x1A000;
	s11 =	sadd.s32 s6, s10  }
0xc: {  	v2 =	vimm.f32 $0.0e+00;
	v3 =	vadd.s32 $0x6800, v0;
	s6 =	sadd.s32 $0x7280, s10;
	s10 =	sadd.s32 $0x7F80, s10;
	s11 =	sadd.s32 $0x400, s11  }
.LBB2_1:
0xd: {  	[tilespmem:s2], [sflag:$0x1] =	stream.linear.gather [hbm4b:s3+s2], $0x3400, $0x38;
	[tilespmem:$0x1A680] =	vst v63  }
0xe: {  	s21 =	simm.s32 $0x40;
	s22 =	simm.s32 $0x0  }
0xf: {  	[tilespmem:s13], [sflag:$0x1] =	stream.linear.gather [hbm4b:s4+s2], $0x3400, $0x38;
	[tilespmem:$0x1A680] =	vst v63  }
.LBB2_2:
0x10: {  	p0 =	sne.s32 s21, $0x33FC0;
	[tilespmem:s22+$0xD000] =	vst v2;
	s22 =	smov.u32 s21;
	s21 =	sadd.s32 $0x40, s21  }
.Ltmp0:
0x11: {  	(pc) =	sbr.rel @p0 .LBB2_2-.Ltmp0, $2  }
0x12: {  	_ =	sdelay $0x2  }
0x13: {  	s22 =	sshra.s32 s22, $0x2  }
0x14: {  	[tilespmem:s22+$0xD000] =	vst v2;
	s21 =	simm.s32 $0x0  }
0x15: {  	[tilespmem:s14], [sflag:$0x1] =	stream.linear.gather [hbm4b:s5+s21], $0x3400, $0x38;
	[tilespmem:$0x1A680] =	vst v63  }
0x16: {  	_ = 	snop  }
0x17: {  	[tilespmem:s15], [sflag:$0x1] =	stream.linear.gather [hbm4b:s6+s21], $0x3400, $0x38;
	[tilespmem:$0x1A680] =	vst v63  }
0x18: {  	_ =	swait.ge [sflag:s16], $0x3400  }
0x19: {  	[sflag:s16] =	ssyncset.done $0x0  }
0x1a: {  	[sflag:s16] =	ssyncadd.s32 $0xFFFFCC00  }
0x1b: {  	_ =	swait.ge [sflag:s16], $0x3400  }
0x1c: {  	[sflag:s16] =	ssyncset.done $0x0  }
0x1d: {  	s21 =	simm.s32 $0x0;
	[sflag:s16] =	ssyncadd.s32 $0xFFFFCC00  }
0x1e: {  	s22 =	simm.s32 $0x80;
	v4 =	vld [tilespmem:s21+$0x0]  }
.LBB2_4:
0x1f: {  	p0 =	sne.s32 s22, $0xCF80;
	v5 =	vld [tilespmem:s21+$0x10];
	_ =	sdelay $0x3  }
0x20: {  	v4 =	vsub.s32 v4, v1  }
0x21: {  	v5 =	vsub.s32 v5, v1;
	vm0 =	vgt.s32 v4, $0x0  }
0x22: {  	v6 =	vnsel vm0, $0x0, v4;
	vm0 =	vgt.s32 v5, $0x0  }
0x23: {  	v6 =	vmin.u32 v6, $0x67F;
	v7 =	vnsel vm0, $0x0, v5  }
0x24: {  	v8 =	vadd.s32 v0, v6;
	v7 =	vmin.u32 v7, $0x67F  }
0x25: {  	v6 =	vand.u32 $0x7F, v6;
	v9 =	vadd.s32 v3, v7;
	v8 =	vand.u32 $0xFF80, v8  }
0x26: {  	v7 =	vand.u32 $0x7F, v7;
	v6 =	vor.u32 v6, v8;
	v8 =	vand.u32 $0x1FF80, v9  }
0x27: {  	v7 =	vor.u32 v7, v8;
	_ =	sdelay $0x2  }
0x28: {  	v8 =	vld [tilespmem:s21+$0x6800]  }
0x29: {  	v9 =	vld.idx.msk [tilespmem:v6+s17+$0x0], $0xffff  }
0x2a: {  	vm0 =	vlt.u32 v4, $0x680;
	v4 =	vld.idx.msk [tilespmem:v7+s17+$0x0], $0xffff  }
0x2b: {  	vm1 =	vlt.u32 v5, $0x680;
	v10 =	vld [tilespmem:s21+$0x6810];
	_ =	sdelay $0x2  }
.Ltmp1:
0x2c: {  	(pc) =	sbr.rel @p0 .LBB2_4-.Ltmp1, $4  }
0x2d: {  	v5 =	vmax.f32 v9, v8  }
0x2e: {  	[tilespmem:v6+s17+$0x0] =	vst.idx.msk vm0, v5;
	v4 =	vmax.f32 v4, v10  }
0x2f: {  	s21 =	sshra.s32 s22, $0x2;
	[tilespmem:v7+s17+$0x0] =	vst.idx.msk vm1, v4  }
0x30: {  	s22 =	sadd.s32 $0x80, s22;
	v4 =	vld [tilespmem:s21+$0x0]  }
0x31: {  	v5 =	vld [tilespmem:s21+$0x10];
	_ =	sdelay $0x3  }
0x32: {  	v4 =	vsub.s32 v4, v1  }
0x33: {  	v5 =	vsub.s32 v5, v1;
	vm0 =	vgt.s32 v4, $0x0  }
0x34: {  	v6 =	vnsel vm0, $0x0, v4;
	vm14 =	vgt.s32 v5, $0x0  }
0x35: {  	v6 =	vmin.u32 v6, $0x67F;
	v7 =	vnsel vm14, $0x0, v5  }
0x36: {  	v8 =	vadd.s32 v0, v6;
	v7 =	vmin.u32 v7, $0x67F  }
0x37: {  	v6 =	vand.u32 $0x7F, v6;
	v9 =	vadd.s32 v3, v7;
	v8 =	vand.u32 $0xFF80, v8  }
0x38: {  	v7 =	vand.u32 $0x7F, v7;
	v6 =	vor.u32 v6, v8;
	v61 =	vand.u32 $0x1FF80, v9  }
0x39: {  	v7 =	vor.u32 v7, v61;
	_ =	sdelay $0x1  }
0x3a: {  	v62 =	vld [tilespmem:s21+$0x6800]  }
0x3b: {  	v10 =	vld [tilespmem:s21+$0x6810]  }
0x3c: {  	vm15 =	vlt.u32 v4, $0x680;
	v63 =	vld.idx.msk [tilespmem:v6+s17+$0x0], $0xffff  }
0x3d: {  	vm1 =	vlt.u32 v5, $0x680;
	v4 =	vld.idx.msk [tilespmem:v7+s17+$0x0], $0xffff;
	_ =	sdelay $0x3  }
0x3e: {  	v5 =	vmax.f32 v63, v62  }
0x3f: {  	[tilespmem:v6+s17+$0x0] =	vst.idx.msk vm15, v5;
	v4 =	vmax.f32 v4, v10  }
0x40: {  	s31 =	simm.s32 $0x0;
	[tilespmem:v7+s17+$0x0] =	vst.idx.msk vm1, v4  }
0x41: {  	[tilespmem:s31], [sflag:$0x1] =	stream.linear.gather [hbm4b:s7+s31], $0x3400, $0x38;
	[tilespmem:$0x1A680] =	vst v63  }
0x42: {  	_ = 	snop  }
0x43: {  	[tilespmem:s13], [sflag:$0x1] =	stream.linear.gather [hbm4b:s8+s31], $0x3400, $0x38;
	[tilespmem:$0x1A680] =	vst v63  }
0x44: {  	_ =	swait.ge [sflag:s16], $0x3400  }
0x45: {  	[sflag:s16] =	ssyncset.done $0x0  }
0x46: {  	[sflag:s16] =	ssyncadd.s32 $0xFFFFCC00  }
0x47: {  	_ =	swait.ge [sflag:s16], $0x3400  }
0x48: {  	[sflag:s16] =	ssyncset.done $0x0  }
0x49: {  	s21 =	simm.s32 $0x0;
	[sflag:s16] =	ssyncadd.s32 $0xFFFFCC00  }
0x4a: {  	s22 =	simm.s32 $0x80;
	v4 =	vld [tilespmem:s21+$0x3400]  }
.LBB2_6:
0x4b: {  	p0 =	sne.s32 s22, $0xCF80;
	v5 =	vld [tilespmem:s21+$0x3410];
	_ =	sdelay $0x3  }
0x4c: {  	v4 =	vsub.s32 v4, v1  }
0x4d: {  	v5 =	vsub.s32 v5, v1;
	vm0 =	vgt.s32 v4, $0x0  }
0x4e: {  	v6 =	vnsel vm0, $0x0, v4;
	vm0 =	vgt.s32 v5, $0x0  }
0x4f: {  	v6 =	vmin.u32 v6, $0x67F;
	v7 =	vnsel vm0, $0x0, v5  }
0x50: {  	v8 =	vadd.s32 v0, v6;
	v7 =	vmin.u32 v7, $0x67F  }
0x51: {  	v6 =	vand.u32 $0x7F, v6;
	v9 =	vadd.s32 v3, v7;
	v8 =	vand.u32 $0xFF80, v8  }
0x52: {  	v7 =	vand.u32 $0x7F, v7;
	v6 =	vor.u32 v6, v8;
	v8 =	vand.u32 $0x1FF80, v9  }
0x53: {  	v7 =	vor.u32 v7, v8;
	_ =	sdelay $0x2  }
0x54: {  	v8 =	vld [tilespmem:s21+$0x9C00]  }
0x55: {  	v9 =	vld.idx.msk [tilespmem:v6+s17+$0x0], $0xffff  }
0x56: {  	vm0 =	vlt.u32 v4, $0x680;
	v4 =	vld.idx.msk [tilespmem:v7+s17+$0x0], $0xffff  }
0x57: {  	vm1 =	vlt.u32 v5, $0x680;
	v10 =	vld [tilespmem:s21+$0x9C10];
	_ =	sdelay $0x2  }
.Ltmp2:
0x58: {  	(pc) =	sbr.rel @p0 .LBB2_6-.Ltmp2, $4  }
0x59: {  	v5 =	vmax.f32 v9, v8  }
0x5a: {  	[tilespmem:v6+s17+$0x0] =	vst.idx.msk vm0, v5;
	v4 =	vmax.f32 v4, v10  }
0x5b: {  	s21 =	sshra.s32 s22, $0x2;
	[tilespmem:v7+s17+$0x0] =	vst.idx.msk vm1, v4  }
0x5c: {  	s22 =	sadd.s32 $0x80, s22;
	v4 =	vld [tilespmem:s21+$0x3400]  }
0x5d: {  	v5 =	vld [tilespmem:s21+$0x3410];
	_ =	sdelay $0x3  }
0x5e: {  	v4 =	vsub.s32 v4, v1  }
0x5f: {  	v5 =	vsub.s32 v5, v1;
	vm0 =	vgt.s32 v4, $0x0  }
0x60: {  	v6 =	vnsel vm0, $0x0, v4;
	vm14 =	vgt.s32 v5, $0x0  }
0x61: {  	v6 =	vmin.u32 v6, $0x67F;
	v7 =	vnsel vm14, $0x0, v5  }
0x62: {  	v8 =	vadd.s32 v0, v6;
	v7 =	vmin.u32 v7, $0x67F  }
0x63: {  	v6 =	vand.u32 $0x7F, v6;
	v9 =	vadd.s32 v3, v7;
	v8 =	vand.u32 $0xFF80, v8  }
0x64: {  	v7 =	vand.u32 $0x7F, v7;
	v6 =	vor.u32 v6, v8;
	v61 =	vand.u32 $0x1FF80, v9  }
0x65: {  	v7 =	vor.u32 v7, v61;
	_ =	sdelay $0x1  }
0x66: {  	v62 =	vld [tilespmem:s21+$0x9C00]  }
0x67: {  	v10 =	vld [tilespmem:s21+$0x9C10]  }
0x68: {  	vm15 =	vlt.u32 v4, $0x680;
	v63 =	vld.idx.msk [tilespmem:v6+s17+$0x0], $0xffff  }
0x69: {  	vm1 =	vlt.u32 v5, $0x680;
	v4 =	vld.idx.msk [tilespmem:v7+s17+$0x0], $0xffff;
	_ =	sdelay $0x3  }
0x6a: {  	v5 =	vmax.f32 v63, v62  }
0x6b: {  	[tilespmem:v6+s17+$0x0] =	vst.idx.msk vm15, v5;
	v4 =	vmax.f32 v4, v10  }
0x6c: {  	s31 =	simm.s32 $0x0;
	[tilespmem:v7+s17+$0x0] =	vst.idx.msk vm1, v4  }
0x6d: {  	[tilespmem:s14], [sflag:$0x1] =	stream.linear.gather [hbm4b:s9+s31], $0x3400, $0x38;
	[tilespmem:$0x1A680] =	vst v63  }
0x6e: {  	_ = 	snop  }
0x6f: {  	[tilespmem:s15], [sflag:$0x1] =	stream.linear.gather [hbm4b:s10+s31], $0x3400, $0x38;
	[tilespmem:$0x1A680] =	vst v63  }
0x70: {  	_ =	swait.ge [sflag:s16], $0x3400  }
0x71: {  	[sflag:s16] =	ssyncset.done $0x0  }
0x72: {  	[sflag:s16] =	ssyncadd.s32 $0xFFFFCC00  }
0x73: {  	_ =	swait.ge [sflag:s16], $0x3400  }
0x74: {  	[sflag:s16] =	ssyncset.done $0x0  }
0x75: {  	s21 =	simm.s32 $0x0;
	[sflag:s16] =	ssyncadd.s32 $0xFFFFCC00  }
0x76: {  	s22 =	simm.s32 $0x80;
	v4 =	vld [tilespmem:s21+$0x0]  }
.LBB2_8:
0x77: {  	p0 =	sne.s32 s22, $0xCF80;
	v5 =	vld [tilespmem:s21+$0x10];
	_ =	sdelay $0x3  }
0x78: {  	v4 =	vsub.s32 v4, v1  }
0x79: {  	v5 =	vsub.s32 v5, v1;
	vm0 =	vgt.s32 v4, $0x0  }
0x7a: {  	v6 =	vnsel vm0, $0x0, v4;
	vm0 =	vgt.s32 v5, $0x0  }
0x7b: {  	v6 =	vmin.u32 v6, $0x67F;
	v7 =	vnsel vm0, $0x0, v5  }
0x7c: {  	v8 =	vadd.s32 v0, v6;
	v7 =	vmin.u32 v7, $0x67F  }
0x7d: {  	v6 =	vand.u32 $0x7F, v6;
	v9 =	vadd.s32 v3, v7;
	v8 =	vand.u32 $0xFF80, v8  }
0x7e: {  	v7 =	vand.u32 $0x7F, v7;
	v6 =	vor.u32 v6, v8;
	v8 =	vand.u32 $0x1FF80, v9  }
0x7f: {  	v7 =	vor.u32 v7, v8;
	_ =	sdelay $0x2  }
0x80: {  	v8 =	vld [tilespmem:s21+$0x6800]  }
0x81: {  	v9 =	vld.idx.msk [tilespmem:v6+s17+$0x0], $0xffff  }
0x82: {  	vm0 =	vlt.u32 v4, $0x680;
	v4 =	vld.idx.msk [tilespmem:v7+s17+$0x0], $0xffff  }
0x83: {  	vm1 =	vlt.u32 v5, $0x680;
	v10 =	vld [tilespmem:s21+$0x6810];
	_ =	sdelay $0x2  }
.Ltmp3:
0x84: {  	(pc) =	sbr.rel @p0 .LBB2_8-.Ltmp3, $4  }
0x85: {  	v5 =	vmax.f32 v9, v8  }
0x86: {  	[tilespmem:v6+s17+$0x0] =	vst.idx.msk vm0, v5;
	v4 =	vmax.f32 v4, v10  }
0x87: {  	s21 =	sshra.s32 s22, $0x2;
	[tilespmem:v7+s17+$0x0] =	vst.idx.msk vm1, v4  }
0x88: {  	s22 =	sadd.s32 $0x80, s22;
	v4 =	vld [tilespmem:s21+$0x0]  }
0x89: {  	v5 =	vld [tilespmem:s21+$0x10];
	_ =	sdelay $0x3  }
0x8a: {  	v4 =	vsub.s32 v4, v1  }
0x8b: {  	v5 =	vsub.s32 v5, v1;
	vm0 =	vgt.s32 v4, $0x0  }
0x8c: {  	v6 =	vnsel vm0, $0x0, v4;
	vm14 =	vgt.s32 v5, $0x0  }
0x8d: {  	v6 =	vmin.u32 v6, $0x67F;
	v7 =	vnsel vm14, $0x0, v5  }
0x8e: {  	v8 =	vadd.s32 v0, v6;
	v7 =	vmin.u32 v7, $0x67F  }
0x8f: {  	v6 =	vand.u32 $0x7F, v6;
	v9 =	vadd.s32 v3, v7;
	v8 =	vand.u32 $0xFF80, v8  }
0x90: {  	v7 =	vand.u32 $0x7F, v7;
	v6 =	vor.u32 v6, v8;
	v61 =	vand.u32 $0x1FF80, v9  }
0x91: {  	v7 =	vor.u32 v7, v61;
	_ =	sdelay $0x1  }
0x92: {  	v62 =	vld [tilespmem:s21+$0x6800]  }
0x93: {  	v10 =	vld [tilespmem:s21+$0x6810]  }
0x94: {  	vm15 =	vlt.u32 v4, $0x680;
	v63 =	vld.idx.msk [tilespmem:v6+s17+$0x0], $0xffff  }
0x95: {  	vm1 =	vlt.u32 v5, $0x680;
	v4 =	vld.idx.msk [tilespmem:v7+s17+$0x0], $0xffff;
	_ =	sdelay $0x3  }
0x96: {  	v5 =	vmax.f32 v63, v62  }
0x97: {  	[tilespmem:v6+s17+$0x0] =	vst.idx.msk vm15, v5;
	v4 =	vmax.f32 v4, v10  }
0x98: {  	[tilespmem:v7+s17+$0x0] =	vst.idx.msk vm1, v4  }
0x99: {  	_ =	swait.ge [sflag:s16], $0x3400  }
0x9a: {  	[sflag:s16] =	ssyncset.done $0x0  }
0x9b: {  	[sflag:s16] =	ssyncadd.s32 $0xFFFFCC00  }
0x9c: {  	_ =	swait.ge [sflag:s16], $0x3400  }
0x9d: {  	[sflag:s16] =	ssyncset.done $0x0  }
0x9e: {  	s21 =	simm.s32 $0x0;
	s22 =	simm.s32 $0x0;
	[sflag:s16] =	ssyncadd.s32 $0xFFFFCC00  }
.LBB2_10:
0x9f: {  	s23 =	sshra.s32 s22, $0x2  }
0xa0: {  	v4 =	vld [tilespmem:s23+$0x3400]  }
0xa1: {  	v5 =	vld [tilespmem:s23+$0x3410];
	_ =	sdelay $0x3  }
0xa2: {  	v4 =	vsub.s32 v4, v1  }
0xa3: {  	v5 =	vsub.s32 v5, v1;
	vm0 =	vgt.s32 v4, $0x0  }
0xa4: {  	vm14 =	vgt.s32 v5, $0x0;
	v6 =	vnsel vm0, $0x0, v4  }
0xa5: {  	v7 =	vnsel vm14, $0x0, v5;
	v6 =	vmin.u32 v6, $0x67F  }
0xa6: {  	v7 =	vmin.u32 v7, $0x67F;
	v8 =	vadd.s32 v0, v6  }
0xa7: {  	v9 =	vadd.s32 v3, v7;
	v6 =	vand.u32 $0x7F, v6;
	v8 =	vand.u32 $0xFF80, v8  }
0xa8: {  	v7 =	vand.u32 $0x7F, v7;
	v61 =	vand.u32 $0x1FF80, v9;
	v6 =	vor.u32 v6, v8  }
0xa9: {  	v7 =	vor.u32 v7, v61;
	_ =	sdelay $0x1  }
0xaa: {  	v62 =	vld [tilespmem:s23+$0x9C00]  }
0xab: {  	v63 =	vld [tilespmem:s23+$0x9C10];
	s23 =	simm.s32 $0xD000  }
0xac: {  	vm15 =	vlt.u32 v4, $0x680;
	v4 =	vld.idx.msk [tilespmem:v6+s23+$0x0], $0xffff  }
0xad: {  	vm1 =	vlt.u32 v5, $0x680;
	v5 =	vld.idx.msk [tilespmem:v7+s23+$0x0], $0xffff  }
0xae: {  	p0 =	sne.s32 s22, $0xCF80  }
.Ltmp4:
0xaf: {  	_ = 	snop;
	(pc) =	sbr.rel @p0 .LBB2_10-.Ltmp4, $4  }
0xb0: {  	_ = 	snop  }
0xb1: {  	v4 =	vmax.f32 v4, v62  }
0xb2: {  	[tilespmem:v6+s23+$0x0] =	vst.idx.msk vm15, v4;
	v4 =	vmax.f32 v5, v63  }
0xb3: {  	s22 =	sadd.s32 $0x80, s22;
	[tilespmem:v7+s23+$0x0] =	vst.idx.msk vm1, v4  }
0xb4: {  	s21 =	sand.u32 $0x7F0, s21;
	v5 =	vld [tilespmem:s23+$0x0]  }
0xb5: {  	v4 =	vld [tilespmem:s21+$0xD680]  }
0xb6: {  	v6 =	vld [tilespmem:s21+$0xDD00]  }
0xb7: {  	v7 =	vld [tilespmem:s21+$0xE380]  }
0xb8: {  	v8 =	vld [tilespmem:s21+$0xEA00]  }
0xb9: {  	v9 =	vld [tilespmem:s21+$0xF080]  }
0xba: {  	v4 =	vmax.f32 v5, v4;
	v5 =	vld [tilespmem:s21+$0xF700]  }
0xbb: {  	v4 =	vmax.f32 v4, v6;
	v6 =	vld [tilespmem:s21+$0xFD80]  }
0xbc: {  	v4 =	vmax.f32 v4, v7;
	v7 =	vld [tilespmem:s21+$0x10400]  }
0xbd: {  	v54 =	vld [tilespmem:s21+$0x10A80];
	v4 =	vmax.f32 v4, v8  }
0xbe: {  	v55 =	vld [tilespmem:s21+$0x11100];
	v4 =	vmax.f32 v4, v9  }
0xbf: {  	v4 =	vmax.f32 v4, v5;
	v5 =	vld [tilespmem:s21+$0x11780]  }
0xc0: {  	v4 =	vmax.f32 v4, v6;
	v6 =	vld [tilespmem:s21+$0x11E00]  }
0xc1: {  	v4 =	vmax.f32 v4, v7;
	v7 =	vld [tilespmem:s21+$0x12480]  }
0xc2: {  	v56 =	vld [tilespmem:s21+$0x12B00];
	v4 =	vmax.f32 v4, v54  }
0xc3: {  	v57 =	vld [tilespmem:s21+$0x13180];
	v4 =	vmax.f32 v4, v55  }
0xc4: {  	v4 =	vmax.f32 v4, v5;
	v5 =	vld [tilespmem:s21+$0x13800]  }
0xc5: {  	v4 =	vmax.f32 v4, v6;
	v6 =	vld [tilespmem:s21+$0x13E80]  }
0xc6: {  	v4 =	vmax.f32 v4, v7;
	v7 =	vld [tilespmem:s21+$0x14500]  }
0xc7: {  	v58 =	vld [tilespmem:s21+$0x14B80];
	v4 =	vmax.f32 v4, v56  }
0xc8: {  	v59 =	vld [tilespmem:s21+$0x15200];
	v4 =	vmax.f32 v4, v57  }
0xc9: {  	v4 =	vmax.f32 v4, v5;
	v5 =	vld [tilespmem:s21+$0x15880]  }
0xca: {  	v4 =	vmax.f32 v4, v6;
	v6 =	vld [tilespmem:s21+$0x15F00]  }
0xcb: {  	v4 =	vmax.f32 v4, v7;
	v7 =	vld [tilespmem:s21+$0x16580]  }
0xcc: {  	v60 =	vld [tilespmem:s21+$0x16C00];
	v4 =	vmax.f32 v4, v58  }
0xcd: {  	v61 =	vld [tilespmem:s21+$0x17280];
	v4 =	vmax.f32 v4, v59  }
0xce: {  	v4 =	vmax.f32 v4, v5;
	v5 =	vld [tilespmem:s21+$0x17900]  }
0xcf: {  	v4 =	vmax.f32 v4, v6;
	v6 =	vld [tilespmem:s21+$0x17F80]  }
0xd0: {  	v4 =	vmax.f32 v4, v7;
	v7 =	vld [tilespmem:s21+$0x18600]  }
0xd1: {  	v62 =	vld [tilespmem:s21+$0x18C80];
	v4 =	vmax.f32 v4, v60  }
0xd2: {  	v63 =	vld [tilespmem:s21+$0x19300];
	v4 =	vmax.f32 v4, v61  }
0xd3: {  	v4 =	vmax.f32 v4, v5;
	v5 =	vld [tilespmem:s21+$0x19980]  }
0xd4: {  	v4 =	vmax.f32 v4, v6  }
0xd5: {  	v4 =	vmax.f32 v4, v7  }
0xd6: {  	v4 =	vmax.f32 v4, v62  }
0xd7: {  	v4 =	vmax.f32 v4, v63  }
0xd8: {  	s22 =	simm.s32 $0x10;
	s21 =	simm.s32 $0x1A000;
	v4 =	vmax.f32 v4, v5  }
0xd9: {  	s22 =	sand.u32 $0x7F0, s22;
	[tilespmem:s21+$0x0] =	vst v4  }
0xda: {  	s24 =	simm.s32 $0x20;
	s23 =	simm.s32 $0xD010;
	v4 =	vld [tilespmem:s22+$0xD680]  }
.LBB2_12:
0xdb: {  	p0 =	sne.s32 s24, $0x670;
	v5 =	vld [tilespmem:s23+$0x0]  }
0xdc: {  	v6 =	vld [tilespmem:s22+$0xDD00]  }
0xdd: {  	v7 =	vld [tilespmem:s22+$0xE380]  }
0xde: {  	v8 =	vld [tilespmem:s22+$0xEA00]  }
0xdf: {  	v9 =	vld [tilespmem:s22+$0xF080]  }
0xe0: {  	v4 =	vmax.f32 v5, v4;
	v5 =	vld [tilespmem:s22+$0xF700]  }
0xe1: {  	v4 =	vmax.f32 v4, v6;
	v6 =	vld [tilespmem:s22+$0xFD80]  }
0xe2: {  	v4 =	vmax.f32 v4, v7;
	v7 =	vld [tilespmem:s22+$0x10400]  }
0xe3: {  	v4 =	vmax.f32 v4, v8;
	v8 =	vld [tilespmem:s22+$0x10A80]  }
0xe4: {  	v4 =	vmax.f32 v4, v9;
	v9 =	vld [tilespmem:s22+$0x11100]  }
0xe5: {  	v4 =	vmax.f32 v4, v5;
	v5 =	vld [tilespmem:s22+$0x11780]  }
0xe6: {  	v4 =	vmax.f32 v4, v6;
	v6 =	vld [tilespmem:s22+$0x11E00]  }
0xe7: {  	v4 =	vmax.f32 v4, v7;
	v7 =	vld [tilespmem:s22+$0x12480]  }
0xe8: {  	v4 =	vmax.f32 v4, v8;
	v8 =	vld [tilespmem:s22+$0x12B00]  }
0xe9: {  	v4 =	vmax.f32 v4, v9;
	v9 =	vld [tilespmem:s22+$0x13180]  }
0xea: {  	v4 =	vmax.f32 v4, v5;
	v5 =	vld [tilespmem:s22+$0x13800]  }
0xeb: {  	v4 =	vmax.f32 v4, v6;
	v6 =	vld [tilespmem:s22+$0x13E80]  }
0xec: {  	v4 =	vmax.f32 v4, v7;
	v7 =	vld [tilespmem:s22+$0x14500]  }
0xed: {  	v4 =	vmax.f32 v4, v8;
	v8 =	vld [tilespmem:s22+$0x14B80]  }
0xee: {  	v4 =	vmax.f32 v4, v9;
	v9 =	vld [tilespmem:s22+$0x15200]  }
0xef: {  	v4 =	vmax.f32 v4, v5;
	v5 =	vld [tilespmem:s22+$0x15880]  }
0xf0: {  	v4 =	vmax.f32 v4, v6;
	v6 =	vld [tilespmem:s22+$0x15F00]  }
0xf1: {  	v4 =	vmax.f32 v4, v7;
	v7 =	vld [tilespmem:s22+$0x16580]  }
0xf2: {  	v4 =	vmax.f32 v4, v8;
	v8 =	vld [tilespmem:s22+$0x16C00]  }
0xf3: {  	v4 =	vmax.f32 v4, v9;
	v9 =	vld [tilespmem:s22+$0x17280]  }
0xf4: {  	v4 =	vmax.f32 v4, v5;
	v5 =	vld [tilespmem:s22+$0x17900]  }
0xf5: {  	v4 =	vmax.f32 v4, v6;
	v6 =	vld [tilespmem:s22+$0x17F80]  }
0xf6: {  	v4 =	vmax.f32 v4, v7;
	v7 =	vld [tilespmem:s22+$0x18600]  }
0xf7: {  	v4 =	vmax.f32 v4, v8;
	v8 =	vld [tilespmem:s22+$0x18C80]  }
0xf8: {  	v4 =	vmax.f32 v4, v9;
	v9 =	vld [tilespmem:s22+$0x19300]  }
0xf9: {  	v4 =	vmax.f32 v4, v5;
	v5 =	vld [tilespmem:s22+$0x19980]  }
0xfa: {  	v4 =	vmax.f32 v4, v6  }
0xfb: {  	v4 =	vmax.f32 v4, v7  }
.Ltmp5:
0xfc: {  	v4 =	vmax.f32 v4, v8;
	(pc) =	sbr.rel @p0 .LBB2_12-.Ltmp5, $4  }
0xfd: {  	v4 =	vmax.f32 v4, v9  }
0xfe: {  	s21 =	sadd.s32 $0x10, s21;
	v4 =	vmax.f32 v4, v5  }
0xff: {  	s22 =	sand.u32 $0x7F0, s24;
	[tilespmem:s21+$0x0] =	vst v4  }
0x100: {  	s23 =	sadd.s32 $0x10, s23;
	s24 =	sadd.s32 $0x10, s24;
	v4 =	vld [tilespmem:s22+$0xD680]  }
0x101: {  	v5 =	vld [tilespmem:s23+$0x0]  }
0x102: {  	v6 =	vld [tilespmem:s22+$0xDD00]  }
0x103: {  	v7 =	vld [tilespmem:s22+$0xE380]  }
0x104: {  	v8 =	vld [tilespmem:s22+$0xEA00]  }
0x105: {  	v9 =	vld [tilespmem:s22+$0xF080]  }
0x106: {  	v4 =	vmax.f32 v5, v4;
	v5 =	vld [tilespmem:s22+$0xF700]  }
0x107: {  	v44 =	vld [tilespmem:s22+$0xFD80];
	v4 =	vmax.f32 v4, v6  }
0x108: {  	v45 =	vld [tilespmem:s22+$0x10400];
	v4 =	vmax.f32 v4, v7  }
0x109: {  	v46 =	vld [tilespmem:s22+$0x10A80];
	v4 =	vmax.f32 v4, v8  }
0x10a: {  	v47 =	vld [tilespmem:s22+$0x11100];
	v4 =	vmax.f32 v4, v9  }
0x10b: {  	v4 =	vmax.f32 v4, v5;
	v5 =	vld [tilespmem:s22+$0x11780]  }
0x10c: {  	v48 =	vld [tilespmem:s22+$0x11E00];
	v4 =	vmax.f32 v4, v44  }
0x10d: {  	v49 =	vld [tilespmem:s22+$0x12480];
	v4 =	vmax.f32 v4, v45  }
0x10e: {  	v50 =	vld [tilespmem:s22+$0x12B00];
	v4 =	vmax.f32 v4, v46  }
0x10f: {  	v51 =	vld [tilespmem:s22+$0x13180];
	v4 =	vmax.f32 v4, v47  }
0x110: {  	v4 =	vmax.f32 v4, v5;
	v5 =	vld [tilespmem:s22+$0x13800]  }
0x111: {  	v52 =	vld [tilespmem:s22+$0x13E80];
	v4 =	vmax.f32 v4, v48  }
0x112: {  	v53 =	vld [tilespmem:s22+$0x14500];
	v4 =	vmax.f32 v4, v49  }
0x113: {  	v54 =	vld [tilespmem:s22+$0x14B80];
	v4 =	vmax.f32 v4, v50  }
0x114: {  	v55 =	vld [tilespmem:s22+$0x15200];
	v4 =	vmax.f32 v4, v51  }
0x115: {  	v4 =	vmax.f32 v4, v5;
	v5 =	vld [tilespmem:s22+$0x15880]  }
0x116: {  	v56 =	vld [tilespmem:s22+$0x15F00];
	v4 =	vmax.f32 v4, v52  }
0x117: {  	v57 =	vld [tilespmem:s22+$0x16580];
	v4 =	vmax.f32 v4, v53  }
0x118: {  	v58 =	vld [tilespmem:s22+$0x16C00];
	v4 =	vmax.f32 v4, v54  }
0x119: {  	v59 =	vld [tilespmem:s22+$0x17280];
	v4 =	vmax.f32 v4, v55  }
0x11a: {  	v4 =	vmax.f32 v4, v5;
	v5 =	vld [tilespmem:s22+$0x17900]  }
0x11b: {  	v60 =	vld [tilespmem:s22+$0x17F80];
	v4 =	vmax.f32 v4, v56  }
0x11c: {  	v61 =	vld [tilespmem:s22+$0x18600];
	v4 =	vmax.f32 v4, v57  }
0x11d: {  	v62 =	vld [tilespmem:s22+$0x18C80];
	v4 =	vmax.f32 v4, v58  }
0x11e: {  	v63 =	vld [tilespmem:s22+$0x19300];
	v4 =	vmax.f32 v4, v59  }
0x11f: {  	v4 =	vmax.f32 v4, v5;
	v5 =	vld [tilespmem:s22+$0x19980]  }
0x120: {  	v4 =	vmax.f32 v4, v60  }
0x121: {  	v4 =	vmax.f32 v4, v61  }
0x122: {  	v4 =	vmax.f32 v4, v62  }
0x123: {  	s20 =	sadd.s32 $0x1, s20;
	v4 =	vmax.f32 v4, v63  }
0x124: {  	s21 =	sadd.s32 $0x10, s21;
	p0 =	sne.s32 s20, s12;
	v4 =	vmax.f32 v4, v5  }
.Ltmp6:
0x125: {  	[tilespmem:s21+$0x0] =	vst v4;
	(pc) =	sbr.rel @p0 .LBB2_1-.Ltmp6, $4  }
0x126: {  	[hbm4b:s11+s2] =	stream.linear.scatter [tilespmem:s18], [sflag:$0x2], $0x680, $0x38;
	[tilespmem:$0x1A680] =	vst v63  }
0x127: {  	_ =	swait.ge [sflag:s19], $0x680  }
0x128: {  	[sflag:s19] =	ssyncset.done $0x0  }
0x129: {  	[sflag:s19] =	ssyncadd.s32 $0xFFFFF980  }
0x12a: {  	_ =	sfence.sel $0x180000  }
0x12b: {  	[bflag:$0x0] =	sbarrier.arrive $0xFFFF  }
0x12c: {  	p0 =	sne.s32 s0, $0x0;
	_ =	strace $0x9000004A  }
0x12d: {  	s0 =	sadd.s32 @!p0 $0x100000, s1;
	[bflag:$0x2] =	sbarrier.arrive $0xFFFF  }
0x12e: {  	[sflag:s0] =	ssyncadd.tile.s32 @!p0 $0x1;
	_ =	shalt  }
.Lfunc_end2:
_tile_overlayer_lowered:
.L_overlay_start_2:
0x12f: {  	(tag) =	ssettag $0x2  }
0x130: {  	s0 =	rddreg [dreg:$0x0];
	s2 =	stileid.u32  }
0x131: {  	s1 =	rddreg [dreg:$0x1];
	p0 =	sne.s32 s2, $0x0  }
0x132: {  	s3 =	rddreg [dreg:$0x2];
	[bflag:$0x3] =	sbarrier.arrive $0xFFFF;
	s2 =	simm.s32 @!p0 $0x1C02  }
0x133: {  	[timem:s3], [sflag:s2] =	dma.local @!p0 [hbm:s0], s1  }
0x134: {  	s0 =	simm.s32 @!p0 $0x2  }
0x135: {  	_ =	swait.ge @!p0 [sflag:s0], s1  }
0x136: {  	s1 =	ssub.s32 @!p0 $0x0, s1;
	[sflag:s0] =	ssyncset.done @!p0 $0x0  }
0x137: {  	[sflag:s0] =	ssyncadd.s32 @!p0 s1  }
0x138: {  	[bflag:$0x3] =	sbarrier.arrive $0xFFFF  }
0x139: {  	_ =	shalt  }

// kernel: kernel.14.cloned.1.call-start
scs
__scs_entry_jumppad:
0x0: {  	(pc) =	sbr.rel $0x88, $3  }
0x1: {  	(tag) =	ssettag $0x0;
	lr =	simm.s32 $0x1  }
0x2: {  	[smem:$0x3F98] =	sst lr;
	_ =	strace $0xD0000000  }
0x3: {  	_ = 	snop  }
0x4: {  	_ = 	snop  }
0x5: {  	_ = 	snop  }
0x6: {  	_ = 	snop  }
0x7: {  	_ = 	snop  }
__scs_overlays_trampoline_lowered:
0x8: {  	[smem:$0x3FA7] =	sst s0  }
0x9: {  	[smem:$0x3FA8] =	sst s1  }
0xa: {  	[smem:$0x3FA9] =	sst s2  }
0xb: {  	[smem:$0x3FAA] =	sst s3  }
0xc: {  	[smem:$0x3FAB] =	sst s4  }
0xd: {  	[smem:$0x3FAC] =	sst s5  }
0xe: {  	[smem:$0x3FAD] =	sst s6  }
0xf: {  	[smem:$0x3FAE] =	sst s7  }
0x10: {  	[smem:$0x3FAF] =	sst s8  }
0x11: {  	[smem:$0x3FB0] =	sst s9;
	s0 =	simm.s32 @!p0 $0x0  }
0x12: {  	s1 =	sld [smem:$0x3F96];
	s0 =	simm.s32 @p0 $0x1  }
0x13: {  	[smem:$0x3FB1] =	sst s0;
	s0 =	simm.s32 @!p1 $0x0  }
0x14: {  	s2 =	sld [smem:$0x3F95];
	s0 =	simm.s32 @p1 $0x1  }
0x15: {  	[smem:$0x3FB2] =	sst s0;
	s0 =	simm.s32 @!p2 $0x0  }
0x16: {  	s3 =	sld [smem:$0x3FDB];
	s0 =	simm.s32 @p2 $0x1  }
0x17: {  	s4 =	simm.s32 $0x1BF5;
	[smem:$0x3FB4] =	sst s0  }
0x18: {  	s0 =	sld [smem:$0x3F97];
	_ =	swait.ge [sflag:s4], $0x0  }
0x19: {  	s7 =	sld [smem:$0x3F98]  }
0x1a: {  	s8 =	sadd.s32 $0xFFFFE003, lr  }
0x1b: {  	s9 =	sadd.s32 $0xFFFFFEF7, lr;
	s5 =	simm.s32 $0xFFFFFFFF;
	p2 =	slt.u32 s8, $0xFFFFF086  }
0x1c: {  	p1 =	slt.u32 s9, $0xF7A;
	s5 =	simm.s32 @!p2 $0x0  }
0x1d: {  	s5 =	simm.s32 @p1 $0x1;
	p0 =	seq.s32 s7, s2  }
0x1e: {  	s7 =	smul.u32 @!p0 $0xF7A, s2;
	p2 =	seq.s32 @!p0 s5, $0x0  }
0x1f: {  	s9 =	smul.u32 $0xF7A, s1;
	s8 =	simm.s32 @!p0 $0x1BF5;
	p2 =	por !p2, p0  }
0x20: {  	[sflag:s8] =	ssyncset.s32 @!p0 $0xFFFFF086;
	s6 =	sadd.s32 @!p0 s3, s7;
	s7 =	simm.s32 @!p0 $0x108  }
0x21: {  	s3 =	sadd.s32 s3, s9;
	s6 =	sadd.s32 @!p0 $0x88, s6;
	s7 =	simm.s32 @p2 $0x1082  }
0x22: {  	[simem:s7], [sflag:s8] =	dma.local @!p0 [hbm:s6], $0xF7A  }
0x23: {  	s9 =	sor.u32 $0xD0000000, s2;
	s6 =	simm.s32 $0x108;
	_ =	swait.ge @!p0 [sflag:s8], $0x0  }
0x24: {  	s3 =	sadd.s32 $0x88, s3;
	s6 =	simm.s32 @!p1 $0x1082;
	[sflag:s4] =	ssyncset.s32 $0xFFFFF086  }
0x25: {  	[simem:s6], [sflag:s4] =	dma.local [hbm:s3], $0xF7A  }
0x26: {  	[smem:$0x3F98] =	sst s1;
	(tag) =	ssettag s2;
	_ =	strace s9  }
0x27: {  	s1 =	sld [smem:$0x3FA8]  }
0x28: {  	s2 =	sld [smem:$0x3FA9]  }
0x29: {  	s4 =	sld [smem:$0x3FAB]  }
0x2a: {  	p0 =	seq.s32 s5, $0x0;
	s5 =	sld [smem:$0x3FAC]  }
0x2b: {  	s6 =	sld [smem:$0x3FAD]  }
0x2c: {  	s7 =	sld [smem:$0x3FAE]  }
0x2d: {  	s3 =	simm.s32 $0x108;
	s8 =	sld [smem:$0x3FAF]  }
0x2e: {  	s3 =	simm.s32 @!p0 $0x1082;
	s9 =	sld [smem:$0x3FB0]  }
0x2f: {  	lr =	sadd.s32 s0, s3;
	s0 =	sld [smem:$0x3FA7]  }
0x30: {  	s3 =	sld [smem:$0x3FAA]  }
0x31: {  	[smem:$0x3FB3] =	sst s10  }
0x32: {  	s10 =	sld [smem:$0x3FB1];
	_ =	sdelay $0x3  }
0x33: {  	p0 =	seq.s32 s10, $0x1;
	s10 =	sld [smem:$0x3FB3];
	_ =	sdelay $0x3  }
0x34: {  	[smem:$0x3FB3] =	sst s10  }
0x35: {  	s10 =	sld [smem:$0x3FB2];
	_ =	sdelay $0x3  }
0x36: {  	p1 =	seq.s32 s10, $0x1;
	s10 =	sld [smem:$0x3FB3];
	_ =	sdelay $0x3  }
0x37: {  	[smem:$0x3FB3] =	sst s10  }
0x38: {  	s10 =	sld [smem:$0x3FB4]  }
0x39: {  	_ = 	snop;
	(pc) =	sbr.ind lr, $3  }
0x3a: {  	_ = 	snop  }
0x3b: {  	_ = 	snop  }
0x3c: {  	p2 =	seq.s32 s10, $0x1;
	s10 =	sld [smem:$0x3FB3]  }
0x3d: {  	_ =	shalt  }
0x3e: {  	_ =	shalt  }
0x3f: {  	_ =	shalt  }
0x40: {  	_ =	shalt  }
0x41: {  	_ =	shalt  }
0x42: {  	_ =	shalt  }
0x43: {  	_ =	shalt  }
0x44: {  	_ =	shalt  }
0x45: {  	_ =	shalt  }
0x46: {  	_ =	shalt  }
0x47: {  	_ =	shalt  }
0x48: {  	_ =	shalt  }
0x49: {  	_ =	shalt  }
0x4a: {  	_ =	shalt  }
0x4b: {  	_ =	shalt  }
0x4c: {  	_ =	shalt  }
0x4d: {  	_ =	shalt  }
0x4e: {  	_ =	shalt  }
0x4f: {  	_ =	shalt  }
0x50: {  	_ =	shalt  }
0x51: {  	_ =	shalt  }
0x52: {  	_ =	shalt  }
0x53: {  	_ =	shalt  }
0x54: {  	_ =	shalt  }
0x55: {  	_ =	shalt  }
0x56: {  	_ =	shalt  }
0x57: {  	_ =	shalt  }
0x58: {  	_ =	shalt  }
0x59: {  	_ =	shalt  }
0x5a: {  	_ =	shalt  }
0x5b: {  	_ =	shalt  }
0x5c: {  	_ =	shalt  }
0x5d: {  	_ =	shalt  }
0x5e: {  	_ =	shalt  }
0x5f: {  	_ =	shalt  }
0x60: {  	_ =	shalt  }
0x61: {  	_ =	shalt  }
0x62: {  	_ =	shalt  }
0x63: {  	_ =	shalt  }
0x64: {  	_ =	shalt  }
0x65: {  	_ =	shalt  }
0x66: {  	_ =	shalt  }
0x67: {  	_ =	shalt  }
0x68: {  	_ =	shalt  }
0x69: {  	_ =	shalt  }
0x6a: {  	_ =	shalt  }
0x6b: {  	_ =	shalt  }
0x6c: {  	_ =	shalt  }
0x6d: {  	_ =	shalt  }
0x6e: {  	_ =	shalt  }
0x6f: {  	_ =	shalt  }
0x70: {  	_ =	shalt  }
0x71: {  	_ =	shalt  }
0x72: {  	_ =	shalt  }
0x73: {  	_ =	shalt  }
0x74: {  	_ =	shalt  }
0x75: {  	_ =	shalt  }
0x76: {  	_ =	shalt  }
0x77: {  	_ =	shalt  }
0x78: {  	_ =	shalt  }
0x79: {  	_ =	shalt  }
0x7a: {  	_ =	shalt  }
0x7b: {  	_ =	shalt  }
0x7c: {  	_ =	shalt  }
0x7d: {  	_ =	shalt  }
0x7e: {  	_ =	shalt  }
0x7f: {  	_ =	shalt  }
0x80: {  	_ =	shalt  }
0x81: {  	_ =	shalt  }
0x82: {  	_ =	shalt  }
0x83: {  	_ =	shalt  }
0x84: {  	_ =	shalt  }
0x85: {  	_ =	shalt  }
0x86: {  	_ =	shalt  }
0x87: {  	_ =	shalt  }
.Lfunc_end0:
.L_simem_size_0:
called_computation.2_lowered:
.L_overlay_start_0:
0x88: {  	s2 =	sld [smem:$0x3FD9]  }
0x89: {  	s3 =	sld [smem:$0x3FFE];
	_ =	sdelay $0x1  }
0x8a: {  	s1 =	srdreg.scid  }
0x8b: {  	s0 =	sand.u32 $0x1, s1  }
0x8c: {  	s17 =	sshll.u32 s0, $0xA;
	s2 =	sadd.s32 s3, s2  }
0x8d: {  	s2 =	sadd.s32 s2, s17  }
0x8e: {  	[smem:$0x3FBF] =	sst s2  }
0x8f: {  	_ = 	snop  }
0x90: {  	s2 =	sld [smem:$0x3FD0];
	(tm) =	ssettm $0x1  }
0x91: {  	s18 =	sld [smem:$0x3FFB];
	_ =	sdelay $0x3  }
0x92: {  	_ =	strace s18  }
0x93: {  	s3 =	sld [smem:$0x3FFC];
	_ =	sdelay $0x3  }
0x94: {  	_ =	strace s3  }
0x95: {  	s3 =	sld [smem:$0x3FFD];
	_ =	sdelay $0x3  }
0x96: {  	_ =	strace s3  }
0x97: {  	_ =	strace $0x8FFFFFFF  }
0x98: {  	s19 =	sld [smem:$0x3FDB];
	_ =	sdelay $0x1  }
0x99: {  	s4 =	simm.s32 $_scs_section_size  }
0x9a: {  	s5 =	simm.s32 $_size__tile_overlayer_lowered;
	s6 =	simm.s32 $_tile_overlayer_lowered  }
0x9b: {  	s22 =	simm.s32 $0x1BFF;
	s21 =	sshll.u32 s6, $0x1;
	s3 =	sadd.s32 s4, s19  }
0x9c: {  	s7 =	simm.s32 $0x0;
	s20 =	sshll.u32 s5, $0x1;
	s5 =	sadd.s32 s21, s3  }
0x9d: {  	[timem:s7], [sflag:s22] =	dma.local [hbm:s5], s20  }
0x9e: {  	_ =	swait.ge [sflag:s22], s20  }
0x9f: {  	s4 =	ssub.s32 $0x0, s20;
	[sflag:s22] =	ssyncset.done $0x0  }
0xa0: {  	[sflag:s22] =	ssyncadd.s32 s4;
	_ =	sdelay $0x1  }
0xa1: {  	s23 =	simm.s32 $0x1B8B  }
0xa2: {  	_ =	swait.ge [sflag:s23], $0x1  }
0xa3: {  	[sflag:s23] =	ssyncset.done $0x0  }
0xa4: {  	s25 =	simm.s32 $0x1B8E;
	s24 =	sld [smem:$0x3FFE];
	[sflag:s23] =	ssyncadd.s32 $0xFFFFFFFF  }
0xa5: {  	s26 =	simm.s32 $execute0_lowered;
	[smem:$0x3FD2] =	sst s25  }
0xa6: {  	s5 =	sshll.u32 s26, $0x1;
	_ =	strace $0x8000004C;
	[dreg:$0x1] =	wrdreg $0xFFFFFFFF  }
0xa7: {  	s28 =	simm.s32 $_size_execute0_lowered;
	s3 =	sadd.s32 s3, s5;
	[dreg:$0x0] =	wrdreg $0x0  }
0xa8: {  	s5 =	sshll.u32 s28, $0x1;
	[dreg:$0x2] =	wrdreg s3  }
0xa9: {  	[dreg:$0x3] =	wrdreg s5  }
0xaa: {  	[dreg:$0x4] =	wrdreg $0xC0  }
0xab: {  	_ =	task [dreg:s7], $0x5FFFF  }
0xac: {  	[dreg:$0x1] =	wrdreg $0xFFFFFFFF  }
0xad: {  	[dreg:$0x0] =	wrdreg $0x60  }
0xae: {  	[dreg:$0x2] =	wrdreg s24  }
0xaf: {  	[dreg:$0x3] =	wrdreg s2  }
0xb0: {  	[dreg:$0x4] =	wrdreg $0x9  }
0xb1: {  	_ =	task.clear_ibuf [dreg:s7], $0x5FFFF;
	_ =	strace $0x9000004C  }
0xb2: {  	s29 =	simm.s32 $0x9;
	_ =	strace $0x8000004E  }
0xb3: {  	_ =	swait.ge [sflag:s29], $0x1  }
0xb4: {  	[sflag:s29] =	ssyncadd.s32 $0xFFFFFFFF  }
0xb5: {  	_ =	strace $0x9000004E  }
0xb6: {  	_ =	sfence  }
0xb7: {  	s30 =	sld [smem:$0x0];
	_ =	sdelay $0x2  }
0xb8: {  	s31 =	sshll.u32 s1, $0xD;
	s1 =	sshrl.u32 s1, $0x2  }
0xb9: {  	s3 =	sand.u32 $0x4000, s31;
	s1 =	sadd.s32 s1, s30  }
0xba: {  	s0 =	sor.u32 s3, s0;
	s1 =	sshll.u32 s1, $0x11  }
0xbb: {  	s0 =	sor.u32 s1, s0  }
0xbc: {  	s0 =	sadd.s32 $0x8F2B, s0  }
0xbd: {  	[sflag:s0] =	ssyncadd.remote.s32 $0x1  }
0xbe: {  	_ =	sfence.sel $0xFFFF  }
0xbf: {  	[dreg:$0x0] =	wrdreg $0xFFFFFFFF;
	(pc) =	sbr.abs _section_cstart, $3  }
0xc0: {  	[dreg:$0x1] =	wrdreg $0xFFFFFFFF  }
0xc1: {  	_ =	task.clear_ibuf [dreg:s7], $0x2FFFF;
	_ =	strace $0x9FFFFFFF  }
0xc2: {  	(tm) =	ssettm $0x7FFFFFFF  }
0xc3: {  	_ =	shalt  }
tec
execute0_lowered:
.L_overlay_start_1:
0x0: {  	(tag) =	ssettag $0x1  }
0x1: {  	s0 =	rddreg [dreg:$0x0];
	s1 =	srdreg.scid  }
0x2: {  	s3 =	stileid.u32;
	s2 =	rddreg [dreg:$0x1]  }
0x3: {  	s28 =	simm.s32 $0x4;
	s1 =	sand.u32 $0x1, s1;
	s4 =	sshll.u32 s3, $0x1  }
0x4: {  	s29 =	simm.s32 $0x68;
	s30 =	simm.s32 $0x4780;
	s5 =	sor.u32 s1, s4  }
0x5: {  	s31 =	simm.s32 $0xAF80;
	s3 =	simm.s32 $0x0;
	s6 =	smul.u32 $0xD0, s5  }
0x6: {  	[smem:$0x7FF] =	sst s3;
	s4 =	sadd.s32 $0x400, s0;
	s7 =	smul.u32 $0x340, s5  }
0x7: {  	s1 =	ssub.s32 $0x2, s1;
	_ =	strace $0x8000004D;
	s9 =	smul.u32 $0x34000, s5  }
0x8: {  	s8 =	sshrl.u32 s1, $0x1;
	s5 =	smul.u32 $0x6800, s5;
	s6 =	sadd.s32 s6, s0  }
0x9: {  	s1 =	ssub.s32 s1, s8;
	s7 =	sadd.s32 s7, s0;
	s15 =	sadd.s32 $0x5200, s6  }
0xa: {  	s0 =	sadd.s32 $0x17000, s0;
	s6 =	sadd.s32 $0xEE00, s6;
	[dreg:$0x3] =	wrdreg s15  }
0xb: {  	s16 =	sshrl.u32 s9, $0x3;
	s17 =	sadd.s32 $0x8600, s7;
	[dreg:$0x4] =	wrdreg s6  }
0xc: {  	s8 =	sadd.s32 s0, s5;
	s18 =	sadd.s32 $0x10800, s7;
	[dreg:$0x5] =	wrdreg s17  }
0xd: {  	s0 =	sadd.s32 s0, s16;
	[dreg:$0x6] =	wrdreg s18;
	s19 =	sadd.s32 $0x680, s8  }
0xe: {  	s10 =	simm.s32 $0x1;
	s20 =	sadd.s32 $0xD00, s0;
	[dreg:$0x7] =	wrdreg s19  }
0xf: {  	s11 =	simm.s32 $0x2;
	s21 =	sadd.s32 $0x1380, s0;
	[dreg:$0x8] =	wrdreg s20  }
0x10: {  	s12 =	simm.s32 $0x0;
	s22 =	sadd.s32 $0x1A00, s0;
	[dreg:$0x9] =	wrdreg s21  }
0x11: {  	s9 =	simm.s32 $0x3;
	s23 =	sadd.s32 $0x2080, s0;
	[dreg:$0xa] =	wrdreg s22  }
0x12: {  	s5 =	simm.s32 $0x11780;
	s24 =	sadd.s32 $0x2700, s0;
	[dreg:$0xb] =	wrdreg s23  }
0x13: {  	s7 =	simm.s32 $0x17F80;
	s25 =	sadd.s32 $0x2D80, s0;
	[dreg:$0xc] =	wrdreg s24  }
0x14: {  	s26 =	sadd.s32 $0x3400, s0;
	s18 =	sadd.s32 $0x3A80, s0;
	[dreg:$0xd] =	wrdreg s25  }
0x15: {  	s6 =	simm.s32 $0x14B80;
	[dreg:$0xe] =	wrdreg s26;
	s19 =	sadd.s32 $0x4100, s0  }
0x16: {  	s20 =	sadd.s32 $0x4780, s0;
	s21 =	sadd.s32 $0x4E00, s0;
	s22 =	sadd.s32 $0x5480, s0  }
0x17: {  	s23 =	sadd.s32 $0x5B00, s0;
	s24 =	sadd.s32 $0x6180, s0;
	s25 =	smax.u32 s1, $0x1  }
0x18: {  	s26 =	simm.s32 $0x680;
	s1 =	simm.s32 $0x7B80;
	s0 =	simm.s32 $0xE380  }
.LBB2_1:
0x19: {  	s13 =	rddreg [dreg:$0x3]  }
0x1a: {  	[tilespmem:s26], [sflag:$0x4] =	stream.linear.gather [hbm4b:s13+s3], $0x680, $0x38;
	[tilespmem:$0x1B380] =	vst v63  }
0x1b: {  	_ =	swait.ge [sflag:s28], $0x680  }
0x1c: {  	[sflag:s28] =	ssyncset.done $0x0  }
0x1d: {  	[sflag:s28] =	ssyncadd.s32 $0xFFFFF980  }
0x1e: {  	[tilespmem:s30], [sflag:$0x1] =	stream.indirect.gather [hbm4b:s2+s29], $0x80, s26, s29, $0xb8;
	[tilespmem:$0x1B380] =	vst v63  }
0x1f: {  	s14 =	simm.s32 $0x6E8  }
0x20: {  	[tilespmem:s1], [sflag:$0x1] =	stream.indirect.gather [hbm4b:s2+s29], $0x80, s14, s29, $0xb8;
	[tilespmem:$0x1B380] =	vst v63  }
0x21: {  	s15 =	simm.s32 $0x750  }
0x22: {  	[tilespmem:s31], [sflag:$0x1] =	stream.indirect.gather [hbm4b:s2+s29], $0x80, s15, s29, $0xb8;
	[tilespmem:$0x1B380] =	vst v63  }
0x23: {  	s16 =	simm.s32 $0x7B8  }
0x24: {  	[tilespmem:s0], [sflag:$0x1] =	stream.indirect.gather [hbm4b:s2+s29], $0x80, s16, s29, $0xb8;
	[tilespmem:$0x1B380] =	vst v63  }
0x25: {  	s17 =	simm.s32 $0x820  }
0x26: {  	[tilespmem:s5], [sflag:$0x1] =	stream.indirect.gather [hbm4b:s2+s29], $0x80, s17, s29, $0xb8;
	[tilespmem:$0x1B380] =	vst v63  }
0x27: {  	s14 =	simm.s32 $0x888  }
0x28: {  	[tilespmem:s6], [sflag:$0x1] =	stream.indirect.gather [hbm4b:s2+s29], $0x80, s14, s29, $0xb8;
	[tilespmem:$0x1B380] =	vst v63  }
0x29: {  	s15 =	simm.s32 $0x8F0  }
0x2a: {  	[tilespmem:s7], [sflag:$0x1] =	stream.indirect.gather [hbm4b:s2+s29], $0x80, s15, s29, $0xb8;
	[tilespmem:$0x1B380] =	vst v63  }
0x2b: {  	s16 =	rddreg [dreg:$0x4]  }
0x2c: {  	[tilespmem:s3], [sflag:$0x4] =	stream.linear.gather [hbm4b:s16+s3], $0x680, $0x38;
	[tilespmem:$0x1B380] =	vst v63  }
0x2d: {  	_ =	swait.ge [sflag:s28], $0x680  }
0x2e: {  	[sflag:s28] =	ssyncset.done $0x0  }
0x2f: {  	s17 =	simm.s32 $0xD00;
	[sflag:s28] =	ssyncadd.s32 $0xFFFFF980  }
0x30: {  	[tilespmem:s17], [sflag:$0x3] =	stream.indirect.gather [hbm4b:s4+s29], $0x1, s3, s29, $0xb8;
	[tilespmem:$0x1B380] =	vst v63  }
0x31: {  	s14 =	simm.s32 $0xD68  }
0x32: {  	[tilespmem:s14], [sflag:$0x3] =	stream.indirect.gather [hbm4b:s4+s29], $0x1, s29, s29, $0xb8;
	[tilespmem:$0x1B380] =	vst v63  }
0x33: {  	s15 =	simm.s32 $0xD0;
	s14 =	simm.s32 $0xDD0  }
0x34: {  	[tilespmem:s14], [sflag:$0x3] =	stream.indirect.gather [hbm4b:s4+s29], $0x1, s15, s29, $0xb8;
	[tilespmem:$0x1B380] =	vst v63  }
0x35: {  	s16 =	simm.s32 $0x138;
	s17 =	simm.s32 $0xE38  }
0x36: {  	[tilespmem:s17], [sflag:$0x3] =	stream.indirect.gather [hbm4b:s4+s29], $0x1, s16, s29, $0xb8;
	[tilespmem:$0x1B380] =	vst v63  }
0x37: {  	s14 =	simm.s32 $0x1A0;
	s15 =	simm.s32 $0xEA0  }
0x38: {  	[tilespmem:s15], [sflag:$0x3] =	stream.indirect.gather [hbm4b:s4+s29], $0x1, s14, s29, $0xb8;
	[tilespmem:$0x1B380] =	vst v63  }
0x39: {  	s16 =	simm.s32 $0x208;
	s17 =	simm.s32 $0xF08  }
0x3a: {  	[tilespmem:s17], [sflag:$0x3] =	stream.indirect.gather [hbm4b:s4+s29], $0x1, s16, s29, $0xb8;
	[tilespmem:$0x1B380] =	vst v63  }
0x3b: {  	s14 =	simm.s32 $0x270;
	s15 =	simm.s32 $0xF70  }
0x3c: {  	[tilespmem:s15], [sflag:$0x3] =	stream.indirect.gather [hbm4b:s4+s29], $0x1, s14, s29, $0xb8;
	[tilespmem:$0x1B380] =	vst v63  }
0x3d: {  	s16 =	simm.s32 $0x2D8;
	s17 =	simm.s32 $0xFD8  }
0x3e: {  	[tilespmem:s17], [sflag:$0x3] =	stream.indirect.gather [hbm4b:s4+s29], $0x1, s16, s29, $0xb8;
	[tilespmem:$0x1B380] =	vst v63  }
0x3f: {  	s14 =	simm.s32 $0x340;
	s15 =	simm.s32 $0x1040  }
0x40: {  	[tilespmem:s15], [sflag:$0x3] =	stream.indirect.gather [hbm4b:s4+s29], $0x1, s14, s29, $0xb8;
	[tilespmem:$0x1B380] =	vst v63  }
0x41: {  	s16 =	simm.s32 $0x3A8;
	s17 =	simm.s32 $0x10A8  }
0x42: {  	[tilespmem:s17], [sflag:$0x3] =	stream.indirect.gather [hbm4b:s4+s29], $0x1, s16, s29, $0xb8;
	[tilespmem:$0x1B380] =	vst v63  }
0x43: {  	s14 =	simm.s32 $0x410;
	s15 =	simm.s32 $0x1110  }
0x44: {  	[tilespmem:s15], [sflag:$0x3] =	stream.indirect.gather [hbm4b:s4+s29], $0x1, s14, s29, $0xb8;
	[tilespmem:$0x1B380] =	vst v63  }
0x45: {  	s16 =	simm.s32 $0x478;
	s17 =	simm.s32 $0x1178  }
0x46: {  	[tilespmem:s17], [sflag:$0x3] =	stream.indirect.gather [hbm4b:s4+s29], $0x1, s16, s29, $0xb8;
	[tilespmem:$0x1B380] =	vst v63  }
0x47: {  	s14 =	simm.s32 $0x4E0;
	s15 =	simm.s32 $0x11E0  }
0x48: {  	[tilespmem:s15], [sflag:$0x3] =	stream.indirect.gather [hbm4b:s4+s29], $0x1, s14, s29, $0xb8;
	[tilespmem:$0x1B380] =	vst v63  }
0x49: {  	s16 =	simm.s32 $0x548;
	s17 =	simm.s32 $0x1248  }
0x4a: {  	[tilespmem:s17], [sflag:$0x3] =	stream.indirect.gather [hbm4b:s4+s29], $0x1, s16, s29, $0xb8;
	[tilespmem:$0x1B380] =	vst v63  }
0x4b: {  	s14 =	simm.s32 $0x5B0;
	s15 =	simm.s32 $0x12B0  }
0x4c: {  	[tilespmem:s15], [sflag:$0x3] =	stream.indirect.gather [hbm4b:s4+s29], $0x1, s14, s29, $0xb8;
	[tilespmem:$0x1B380] =	vst v63  }
0x4d: {  	s16 =	simm.s32 $0x618;
	s17 =	simm.s32 $0x1318  }
0x4e: {  	[tilespmem:s17], [sflag:$0x3] =	stream.indirect.gather [hbm4b:s4+s29], $0x1, s16, s29, $0xb8;
	[tilespmem:$0x1B380] =	vst v63  }
0x4f: {  	s14 =	rddreg [dreg:$0x5];
	s15 =	simm.s32 $0x1380  }
0x50: {  	[tilespmem:s15], [sflag:$0x4] =	stream.linear.gather [hbm4b:s14+s3], $0x1A00, $0x38;
	[tilespmem:$0x1B380] =	vst v63  }
0x51: {  	_ =	swait.ge [sflag:s28], $0x1A00  }
0x52: {  	[sflag:s28] =	ssyncset.done $0x0  }
0x53: {  	[sflag:s28] =	ssyncadd.s32 $0xFFFFE600  }
0x54: {  	_ =	swait.ge [sflag:s9], $0x68  }
0x55: {  	[sflag:s9] =	ssyncset.done $0x0  }
0x56: {  	[sflag:s9] =	ssyncadd.s32 $0xFFFFFF98  }
0x57: {  	_ =	swait.ge [sflag:s9], $0x68  }
0x58: {  	[sflag:s9] =	ssyncset.done $0x0  }
0x59: {  	[sflag:s9] =	ssyncadd.s32 $0xFFFFFF98  }
0x5a: {  	_ =	swait.ge [sflag:s9], $0x68  }
0x5b: {  	[sflag:s9] =	ssyncset.done $0x0  }
0x5c: {  	[sflag:s9] =	ssyncadd.s32 $0xFFFFFF98  }
0x5d: {  	_ =	swait.ge [sflag:s9], $0x68  }
0x5e: {  	[sflag:s9] =	ssyncset.done $0x0  }
0x5f: {  	[sflag:s9] =	ssyncadd.s32 $0xFFFFFF98  }
0x60: {  	_ =	swait.ge [sflag:s9], $0x68  }
0x61: {  	[sflag:s9] =	ssyncset.done $0x0  }
0x62: {  	[sflag:s9] =	ssyncadd.s32 $0xFFFFFF98  }
0x63: {  	_ =	swait.ge [sflag:s9], $0x68  }
0x64: {  	[sflag:s9] =	ssyncset.done $0x0  }
0x65: {  	[sflag:s9] =	ssyncadd.s32 $0xFFFFFF98  }
0x66: {  	_ =	swait.ge [sflag:s9], $0x68  }
0x67: {  	[sflag:s9] =	ssyncset.done $0x0  }
0x68: {  	[sflag:s9] =	ssyncadd.s32 $0xFFFFFF98  }
0x69: {  	_ =	swait.ge [sflag:s9], $0x68  }
0x6a: {  	[sflag:s9] =	ssyncset.done $0x0  }
0x6b: {  	[sflag:s9] =	ssyncadd.s32 $0xFFFFFF98  }
0x6c: {  	_ =	swait.ge [sflag:s9], $0x68  }
0x6d: {  	[sflag:s9] =	ssyncset.done $0x0  }
0x6e: {  	[sflag:s9] =	ssyncadd.s32 $0xFFFFFF98  }
0x6f: {  	_ =	swait.ge [sflag:s9], $0x68  }
0x70: {  	[sflag:s9] =	ssyncset.done $0x0  }
0x71: {  	[sflag:s9] =	ssyncadd.s32 $0xFFFFFF98  }
0x72: {  	_ =	swait.ge [sflag:s9], $0x68  }
0x73: {  	[sflag:s9] =	ssyncset.done $0x0  }
0x74: {  	[sflag:s9] =	ssyncadd.s32 $0xFFFFFF98  }
0x75: {  	_ =	swait.ge [sflag:s9], $0x68  }
0x76: {  	[sflag:s9] =	ssyncset.done $0x0  }
0x77: {  	[sflag:s9] =	ssyncadd.s32 $0xFFFFFF98  }
0x78: {  	_ =	swait.ge [sflag:s9], $0x68  }
0x79: {  	[sflag:s9] =	ssyncset.done $0x0  }
0x7a: {  	[sflag:s9] =	ssyncadd.s32 $0xFFFFFF98  }
0x7b: {  	_ =	swait.ge [sflag:s9], $0x68  }
0x7c: {  	[sflag:s9] =	ssyncset.done $0x0  }
0x7d: {  	[sflag:s9] =	ssyncadd.s32 $0xFFFFFF98  }
0x7e: {  	_ =	swait.ge [sflag:s9], $0x68  }
0x7f: {  	[sflag:s9] =	ssyncset.done $0x0  }
0x80: {  	[sflag:s9] =	ssyncadd.s32 $0xFFFFFF98  }
0x81: {  	_ =	swait.ge [sflag:s9], $0x68  }
0x82: {  	s16 =	sand.u32 $0x70, s3;
	s17 =	sand.u32 $0x1E00, s3;
	[sflag:s9] =	ssyncset.done $0x0  }
0x83: {  	s13 =	sor.u32 s16, s17;
	[sflag:s9] =	ssyncadd.s32 $0xFFFFFF98  }
0x84: {  	v0 =	vld [tilespmem:s13+$0x1500];
	_ =	sdelay $0x3  }
0x85: {  	s16 =	simm.s32 $0x0;
	s14 =	simm.s32 $0x10;
	s15 =	simm.s32 $0x0  }
.LBB2_2:
0x86: {  	p0 =	sne.s32 s14, $0x670;
	v1 =	vld [tilespmem:s16+$0xD00];
	[tilespmem:s13+$0x2F00] =	vst v0;
	_ =	sdelay $0x4  }
0x87: {  	v0 =	vmax.f32 v1, $9.999999930e-09  }
0x88: {  	(erf) = vrcp.f32 v0;
	_ =	sdelay $0x3  }
0x89: {  	v1 =	vld [tilespmem:s13+$0x1380]  }
0x8a: {  	v2 =	vld [tilespmem:s13+$0x1400]  }
0x8b: {  	v3 =	vld [tilespmem:s13+$0x1480]  }
0x8c: {  	s15 =	sadd.s32 $0x40, s15  }
0x8d: {  	s16 =	sand.u32 $0x70, s14;
	s17 =	sand.u32 $0x1E00, s15  }
0x8e: {  	s17 =	sor.u32 s16, s17;
	v4 =	vpop (erf)  }
.Ltmp0:
0x8f: {  	v0 =	vld [tilespmem:s17+$0x1500];
	v1 =	vmul.f32 v4, v1;
	v2 =	vmul.f32 v2, v4;
	(pc) =	sbr.rel @p0 .LBB2_2-.Ltmp0, $4  }
0x90: {  	v3 =	vmul.f32 v3, v4  }
0x91: {  	[tilespmem:s13+$0x2D80] =	vst v1  }
0x92: {  	[tilespmem:s13+$0x2E00] =	vst v2  }
0x93: {  	s14 =	sadd.s32 $0x10, s14;
	s16 =	sshra.s32 s15, $0x2;
	[tilespmem:s13+$0x2E80] =	vst v3;
	s13 =	smov.u32 s17  }
0x94: {  	v1 =	vld [tilespmem:s16+$0xD00];
	_ =	sdelay $0x4  }
0x95: {  	v1 =	vmax.f32 v1, $9.999999930e-09  }
0x96: {  	(erf) = vrcp.f32 v1;
	_ =	sdelay $0x4  }
0x97: {  	v62 =	vld [tilespmem:s13+$0x1380]  }
0x98: {  	v63 =	vld [tilespmem:s13+$0x1400]  }
0x99: {  	v2 =	vld [tilespmem:s13+$0x1480];
	_ =	sdelay $0x1  }
0x9a: {  	v3 =	vpop (erf)  }
0x9b: {  	[tilespmem:s13+$0x2F00] =	vst v0;
	v0 =	vmul.f32 v3, v62  }
0x9c: {  	v1 =	vmul.f32 v63, v3  }
0x9d: {  	v2 =	vmul.f32 v2, v3;
	[tilespmem:s13+$0x2D80] =	vst v0  }
0x9e: {  	[tilespmem:s13+$0x2E00] =	vst v1  }
0x9f: {  	s16 =	rddreg [dreg:$0x6];
	s14 =	simm.s32 $0x2D80;
	[tilespmem:s13+$0x2E80] =	vst v2  }
0xa0: {  	[hbm4b:s16+s3] =	stream.linear.scatter [tilespmem:s14], [sflag:$0x4], $0x1A00, $0x38;
	[tilespmem:$0x1B380] =	vst v63  }
0xa1: {  	_ =	swait.ge [sflag:s28], $0x1A00  }
0xa2: {  	[sflag:s28] =	ssyncset.done $0x0  }
0xa3: {  	[sflag:s28] =	ssyncadd.s32 $0xFFFFE600  }
0xa4: {  	_ =	swait.ge [sflag:s10], $0x3400  }
0xa5: {  	[sflag:s10] =	ssyncset.done $0x0  }
0xa6: {  	[sflag:s10] =	ssyncadd.s32 $0xFFFFCC00  }
0xa7: {  	[hbm4b:s8+s3] =	stream.linear.scatter [tilespmem:s30], [sflag:$0x2], $0x3400, $0x38;
	[tilespmem:$0x1B380] =	vst v63  }
0xa8: {  	_ =	swait.ge [sflag:s10], $0x3400  }
0xa9: {  	[sflag:s10] =	ssyncset.done $0x0  }
0xaa: {  	s17 =	rddreg [dreg:$0x7];
	[sflag:s10] =	ssyncadd.s32 $0xFFFFCC00  }
0xab: {  	[hbm4b:s17+s3] =	stream.linear.scatter [tilespmem:s1], [sflag:$0x2], $0x3400, $0x38;
	[tilespmem:$0x1B380] =	vst v63  }
0xac: {  	_ =	swait.ge [sflag:s11], $0x3400  }
0xad: {  	[sflag:s11] =	ssyncset.done $0x0  }
0xae: {  	s14 =	simm.s32 $0x958;
	[sflag:s11] =	ssyncadd.s32 $0xFFFFCC00  }
0xaf: {  	[tilespmem:s30], [sflag:$0x1] =	stream.indirect.gather [hbm4b:s2+s29], $0x80, s14, s29, $0xb8;
	[tilespmem:$0x1B380] =	vst v63  }
0xb0: {  	_ =	swait.ge [sflag:s10], $0x3400  }
0xb1: {  	[sflag:s10] =	ssyncset.done $0x0  }
0xb2: {  	s15 =	rddreg [dreg:$0x8];
	[sflag:s10] =	ssyncadd.s32 $0xFFFFCC00  }
0xb3: {  	[hbm4b:s15+s3] =	stream.linear.scatter [tilespmem:s31], [sflag:$0x2], $0x3400, $0x38;
	[tilespmem:$0x1B380] =	vst v63  }
0xb4: {  	_ =	swait.ge [sflag:s11], $0x3400  }
0xb5: {  	[sflag:s11] =	ssyncset.done $0x0  }
0xb6: {  	s16 =	simm.s32 $0x9C0;
	[sflag:s11] =	ssyncadd.s32 $0xFFFFCC00  }
0xb7: {  	[tilespmem:s1], [sflag:$0x1] =	stream.indirect.gather [hbm4b:s2+s29], $0x80, s16, s29, $0xb8;
	[tilespmem:$0x1B380] =	vst v63  }
0xb8: {  	_ =	swait.ge [sflag:s10], $0x3400  }
0xb9: {  	[sflag:s10] =	ssyncset.done $0x0  }
0xba: {  	s17 =	rddreg [dreg:$0x9];
	[sflag:s10] =	ssyncadd.s32 $0xFFFFCC00  }
0xbb: {  	[hbm4b:s17+s3] =	stream.linear.scatter [tilespmem:s0], [sflag:$0x2], $0x3400, $0x38;
	[tilespmem:$0x1B380] =	vst v63  }
0xbc: {  	_ =	swait.ge [sflag:s11], $0x3400  }
0xbd: {  	[sflag:s11] =	ssyncset.done $0x0  }
0xbe: {  	s14 =	simm.s32 $0xA28;
	[sflag:s11] =	ssyncadd.s32 $0xFFFFCC00  }
0xbf: {  	[tilespmem:s31], [sflag:$0x1] =	stream.indirect.gather [hbm4b:s2+s29], $0x80, s14, s29, $0xb8;
	[tilespmem:$0x1B380] =	vst v63  }
0xc0: {  	_ =	swait.ge [sflag:s10], $0x3400  }
0xc1: {  	[sflag:s10] =	ssyncset.done $0x0  }
0xc2: {  	s15 =	rddreg [dreg:$0xa];
	[sflag:s10] =	ssyncadd.s32 $0xFFFFCC00  }
0xc3: {  	[hbm4b:s15+s3] =	stream.linear.scatter [tilespmem:s5], [sflag:$0x2], $0x3400, $0x38;
	[tilespmem:$0x1B380] =	vst v63  }
0xc4: {  	_ =	swait.ge [sflag:s11], $0x3400  }
0xc5: {  	[sflag:s11] =	ssyncset.done $0x0  }
0xc6: {  	s16 =	simm.s32 $0xA90;
	[sflag:s11] =	ssyncadd.s32 $0xFFFFCC00  }
0xc7: {  	[tilespmem:s0], [sflag:$0x1] =	stream.indirect.gather [hbm4b:s2+s29], $0x80, s16, s29, $0xb8;
	[tilespmem:$0x1B380] =	vst v63  }
0xc8: {  	_ =	swait.ge [sflag:s10], $0x3400  }
0xc9: {  	[sflag:s10] =	ssyncset.done $0x0  }
0xca: {  	s17 =	rddreg [dreg:$0xb];
	[sflag:s10] =	ssyncadd.s32 $0xFFFFCC00  }
0xcb: {  	[hbm4b:s17+s3] =	stream.linear.scatter [tilespmem:s6], [sflag:$0x2], $0x3400, $0x38;
	[tilespmem:$0x1B380] =	vst v63  }
0xcc: {  	_ =	swait.ge [sflag:s11], $0x3400  }
0xcd: {  	[sflag:s11] =	ssyncset.done $0x0  }
0xce: {  	s14 =	simm.s32 $0xAF8;
	[sflag:s11] =	ssyncadd.s32 $0xFFFFCC00  }
0xcf: {  	[tilespmem:s5], [sflag:$0x1] =	stream.indirect.gather [hbm4b:s2+s29], $0x80, s14, s29, $0xb8;
	[tilespmem:$0x1B380] =	vst v63  }
0xd0: {  	_ =	swait.ge [sflag:s10], $0x3400  }
0xd1: {  	[sflag:s10] =	ssyncset.done $0x0  }
0xd2: {  	s15 =	rddreg [dreg:$0xc];
	[sflag:s10] =	ssyncadd.s32 $0xFFFFCC00  }
0xd3: {  	[hbm4b:s15+s3] =	stream.linear.scatter [tilespmem:s7], [sflag:$0x2], $0x3400, $0x38;
	[tilespmem:$0x1B380] =	vst v63  }
0xd4: {  	_ =	swait.ge [sflag:s11], $0x3400  }
0xd5: {  	[sflag:s11] =	ssyncset.done $0x0  }
0xd6: {  	s16 =	simm.s32 $0xB60;
	[sflag:s11] =	ssyncadd.s32 $0xFFFFCC00  }
0xd7: {  	[tilespmem:s6], [sflag:$0x1] =	stream.indirect.gather [hbm4b:s2+s29], $0x80, s16, s29, $0xb8;
	[tilespmem:$0x1B380] =	vst v63  }
0xd8: {  	_ =	swait.ge [sflag:s10], $0x3400  }
0xd9: {  	[sflag:s10] =	ssyncset.done $0x0  }
0xda: {  	s17 =	rddreg [dreg:$0xd];
	[sflag:s10] =	ssyncadd.s32 $0xFFFFCC00  }
0xdb: {  	[hbm4b:s17+s3] =	stream.linear.scatter [tilespmem:s30], [sflag:$0x2], $0x3400, $0x38;
	[tilespmem:$0x1B380] =	vst v63  }
0xdc: {  	_ =	swait.ge [sflag:s11], $0x3400  }
0xdd: {  	[sflag:s11] =	ssyncset.done $0x0  }
0xde: {  	s14 =	simm.s32 $0xBC8;
	[sflag:s11] =	ssyncadd.s32 $0xFFFFCC00  }
0xdf: {  	[tilespmem:s7], [sflag:$0x1] =	stream.indirect.gather [hbm4b:s2+s29], $0x80, s14, s29, $0xb8;
	[tilespmem:$0x1B380] =	vst v63  }
0xe0: {  	_ =	swait.ge [sflag:s10], $0x3400  }
0xe1: {  	[sflag:s10] =	ssyncset.done $0x0  }
0xe2: {  	s15 =	rddreg [dreg:$0xe];
	[sflag:s10] =	ssyncadd.s32 $0xFFFFCC00  }
0xe3: {  	[hbm4b:s15+s3] =	stream.linear.scatter [tilespmem:s1], [sflag:$0x2], $0x3400, $0x38;
	[tilespmem:$0x1B380] =	vst v63  }
0xe4: {  	_ =	swait.ge [sflag:s11], $0x3400  }
0xe5: {  	[sflag:s11] =	ssyncset.done $0x0  }
0xe6: {  	s16 =	simm.s32 $0xC30;
	[sflag:s11] =	ssyncadd.s32 $0xFFFFCC00  }
0xe7: {  	[tilespmem:s30], [sflag:$0x1] =	stream.indirect.gather [hbm4b:s2+s29], $0x80, s16, s29, $0xb8;
	[tilespmem:$0x1B380] =	vst v63  }
0xe8: {  	_ =	swait.ge [sflag:s10], $0x3400  }
0xe9: {  	[sflag:s10] =	ssyncset.done $0x0  }
0xea: {  	[sflag:s10] =	ssyncadd.s32 $0xFFFFCC00  }
0xeb: {  	[hbm4b:s18+s3] =	stream.linear.scatter [tilespmem:s31], [sflag:$0x2], $0x3400, $0x38;
	[tilespmem:$0x1B380] =	vst v63  }
0xec: {  	_ =	swait.ge [sflag:s11], $0x3400  }
0xed: {  	[sflag:s11] =	ssyncset.done $0x0  }
0xee: {  	s17 =	simm.s32 $0xC98;
	[sflag:s11] =	ssyncadd.s32 $0xFFFFCC00  }
0xef: {  	[tilespmem:s1], [sflag:$0x1] =	stream.indirect.gather [hbm4b:s2+s29], $0x80, s17, s29, $0xb8;
	[tilespmem:$0x1B380] =	vst v63  }
0xf0: {  	_ =	swait.ge [sflag:s10], $0x3400  }
0xf1: {  	[sflag:s10] =	ssyncset.done $0x0  }
0xf2: {  	[sflag:s10] =	ssyncadd.s32 $0xFFFFCC00  }
0xf3: {  	[hbm4b:s19+s3] =	stream.linear.scatter [tilespmem:s0], [sflag:$0x2], $0x3400, $0x38;
	[tilespmem:$0x1B380] =	vst v63  }
0xf4: {  	_ =	swait.ge [sflag:s10], $0x3400  }
0xf5: {  	[sflag:s10] =	ssyncset.done $0x0  }
0xf6: {  	[sflag:s10] =	ssyncadd.s32 $0xFFFFCC00  }
0xf7: {  	[hbm4b:s20+s3] =	stream.linear.scatter [tilespmem:s5], [sflag:$0x2], $0x3400, $0x38;
	[tilespmem:$0x1B380] =	vst v63  }
0xf8: {  	_ =	swait.ge [sflag:s10], $0x3400  }
0xf9: {  	[sflag:s10] =	ssyncset.done $0x0  }
0xfa: {  	[sflag:s10] =	ssyncadd.s32 $0xFFFFCC00  }
0xfb: {  	[hbm4b:s21+s3] =	stream.linear.scatter [tilespmem:s6], [sflag:$0x2], $0x3400, $0x38;
	[tilespmem:$0x1B380] =	vst v63  }
0xfc: {  	_ =	swait.ge [sflag:s10], $0x3400  }
0xfd: {  	[sflag:s10] =	ssyncset.done $0x0  }
0xfe: {  	[sflag:s10] =	ssyncadd.s32 $0xFFFFCC00  }
0xff: {  	[hbm4b:s22+s3] =	stream.linear.scatter [tilespmem:s7], [sflag:$0x2], $0x3400, $0x38;
	[tilespmem:$0x1B380] =	vst v63  }
0x100: {  	_ =	swait.ge [sflag:s10], $0x3400  }
0x101: {  	[sflag:s10] =	ssyncset.done $0x0  }
0x102: {  	[sflag:s10] =	ssyncadd.s32 $0xFFFFCC00  }
0x103: {  	[hbm4b:s23+s3] =	stream.linear.scatter [tilespmem:s30], [sflag:$0x2], $0x3400, $0x38;
	[tilespmem:$0x1B380] =	vst v63  }
0x104: {  	_ =	swait.ge [sflag:s10], $0x3400  }
0x105: {  	[sflag:s10] =	ssyncset.done $0x0  }
0x106: {  	[sflag:s10] =	ssyncadd.s32 $0xFFFFCC00  }
0x107: {  	[hbm4b:s24+s3] =	stream.linear.scatter [tilespmem:s1], [sflag:$0x2], $0x3400, $0x38;
	[tilespmem:$0x1B380] =	vst v63  }
0x108: {  	_ =	swait.ge [sflag:s11], $0x3400  }
0x109: {  	[sflag:s11] =	ssyncset.done $0x0  }
0x10a: {  	[sflag:s11] =	ssyncadd.s32 $0xFFFFCC00  }
0x10b: {  	_ =	swait.ge [sflag:s11], $0x3400  }
0x10c: {  	[sflag:s11] =	ssyncset.done $0x0  }
0x10d: {  	[sflag:s11] =	ssyncadd.s32 $0xFFFFCC00  }
0x10e: {  	_ =	swait.ge [sflag:s11], $0x3400  }
0x10f: {  	[sflag:s11] =	ssyncset.done $0x0  }
0x110: {  	[sflag:s11] =	ssyncadd.s32 $0xFFFFCC00  }
0x111: {  	_ =	swait.ge [sflag:s11], $0x3400  }
0x112: {  	[sflag:s11] =	ssyncset.done $0x0  }
0x113: {  	[sflag:s11] =	ssyncadd.s32 $0xFFFFCC00  }
0x114: {  	_ =	swait.ge [sflag:s11], $0x3400  }
0x115: {  	[sflag:s11] =	ssyncset.done $0x0  }
0x116: {  	s12 =	sadd.s32 $0x1, s12;
	[sflag:s11] =	ssyncadd.s32 $0xFFFFCC00  }
0x117: {  	p0 =	sne.s32 s12, s25;
	_ =	swait.ge [sflag:s11], $0x3400  }
.Ltmp1:
0x118: {  	[sflag:s11] =	ssyncset.done $0x0;
	(pc) =	sbr.rel @p0 .LBB2_1-.Ltmp1, $4  }
0x119: {  	[sflag:s11] =	ssyncadd.s32 $0xFFFFCC00  }
0x11a: {  	_ =	swait.ge [sflag:s11], $0x3400  }
0x11b: {  	[sflag:s11] =	ssyncset.done $0x0  }
0x11c: {  	[sflag:s11] =	ssyncadd.s32 $0xFFFFCC00  }
0x11d: {  	_ =	sfence.sel $0x180000  }
0x11e: {  	[bflag:$0x0] =	sbarrier.arrive $0xFFFF  }
0x11f: {  	_ =	strace $0x9000004D  }
0x120: {  	s0 =	stileid.u32;
	[bflag:$0x2] =	sbarrier.arrive $0xFFFF  }
0x121: {  	p0 =	sne.s32 s0, $0x0;
	s0 =	rddreg [dreg:$0x2]  }
0x122: {  	s0 =	sadd.s32 @!p0 $0x100000, s0  }
0x123: {  	[sflag:s0] =	ssyncadd.tile.s32 @!p0 $0x1;
	_ =	shalt  }
.Lfunc_end2:
_tile_overlayer_lowered:
.L_overlay_start_2:
0x124: {  	(tag) =	ssettag $0x2  }
0x125: {  	s0 =	rddreg [dreg:$0x0];
	s2 =	stileid.u32  }
0x126: {  	s1 =	rddreg [dreg:$0x1];
	p0 =	sne.s32 s2, $0x0  }
0x127: {  	s3 =	rddreg [dreg:$0x2];
	[bflag:$0x3] =	sbarrier.arrive $0xFFFF;
	s2 =	simm.s32 @!p0 $0x1C04  }
0x128: {  	[timem:s3], [sflag:s2] =	dma.local @!p0 [hbm:s0], s1  }
0x129: {  	s0 =	simm.s32 @!p0 $0x4  }
0x12a: {  	_ =	swait.ge @!p0 [sflag:s0], s1  }
0x12b: {  	s1 =	ssub.s32 @!p0 $0x0, s1;
	[sflag:s0] =	ssyncset.done @!p0 $0x0  }
0x12c: {  	[sflag:s0] =	ssyncadd.s32 @!p0 s1  }
0x12d: {  	[bflag:$0x3] =	sbarrier.arrive $0xFFFF  }
0x12e: {  	_ =	shalt  }

// kernel: kernel.8.cloned.1.call-start
scs
__scs_entry_jumppad:
0x0: {  	(pc) =	sbr.rel $0x88, $3  }
0x1: {  	(tag) =	ssettag $0x0;
	lr =	simm.s32 $0x1  }
0x2: {  	[smem:$0x3F98] =	sst lr;
	_ =	strace $0xD0000000  }
0x3: {  	_ = 	snop  }
0x4: {  	_ = 	snop  }
0x5: {  	_ = 	snop  }
0x6: {  	_ = 	snop  }
0x7: {  	_ = 	snop  }
__scs_overlays_trampoline_lowered:
0x8: {  	[smem:$0x3FA7] =	sst s0  }
0x9: {  	[smem:$0x3FA8] =	sst s1  }
0xa: {  	[smem:$0x3FA9] =	sst s2  }
0xb: {  	[smem:$0x3FAA] =	sst s3  }
0xc: {  	[smem:$0x3FAB] =	sst s4  }
0xd: {  	[smem:$0x3FAC] =	sst s5  }
0xe: {  	[smem:$0x3FAD] =	sst s6  }
0xf: {  	[smem:$0x3FAE] =	sst s7  }
0x10: {  	[smem:$0x3FAF] =	sst s8  }
0x11: {  	[smem:$0x3FB0] =	sst s9;
	s0 =	simm.s32 @!p0 $0x0  }
0x12: {  	s1 =	sld [smem:$0x3F96];
	s0 =	simm.s32 @p0 $0x1  }
0x13: {  	[smem:$0x3FB1] =	sst s0;
	s0 =	simm.s32 @!p1 $0x0  }
0x14: {  	s2 =	sld [smem:$0x3F95];
	s0 =	simm.s32 @p1 $0x1  }
0x15: {  	[smem:$0x3FB2] =	sst s0;
	s0 =	simm.s32 @!p2 $0x0  }
0x16: {  	s3 =	sld [smem:$0x3FDB];
	s0 =	simm.s32 @p2 $0x1  }
0x17: {  	s4 =	simm.s32 $0x1BF5;
	[smem:$0x3FB4] =	sst s0  }
0x18: {  	s0 =	sld [smem:$0x3F97];
	_ =	swait.ge [sflag:s4], $0x0  }
0x19: {  	s7 =	sld [smem:$0x3F98]  }
0x1a: {  	s8 =	sadd.s32 $0xFFFFE003, lr  }
0x1b: {  	s9 =	sadd.s32 $0xFFFFFEF7, lr;
	s5 =	simm.s32 $0xFFFFFFFF;
	p2 =	slt.u32 s8, $0xFFFFF086  }
0x1c: {  	p1 =	slt.u32 s9, $0xF7A;
	s5 =	simm.s32 @!p2 $0x0  }
0x1d: {  	s5 =	simm.s32 @p1 $0x1;
	p0 =	seq.s32 s7, s2  }
0x1e: {  	s7 =	smul.u32 @!p0 $0xF7A, s2;
	p2 =	seq.s32 @!p0 s5, $0x0  }
0x1f: {  	s9 =	smul.u32 $0xF7A, s1;
	s8 =	simm.s32 @!p0 $0x1BF5;
	p2 =	por !p2, p0  }
0x20: {  	[sflag:s8] =	ssyncset.s32 @!p0 $0xFFFFF086;
	s6 =	sadd.s32 @!p0 s3, s7;
	s7 =	simm.s32 @!p0 $0x108  }
0x21: {  	s3 =	sadd.s32 s3, s9;
	s6 =	sadd.s32 @!p0 $0x88, s6;
	s7 =	simm.s32 @p2 $0x1082  }
0x22: {  	[simem:s7], [sflag:s8] =	dma.local @!p0 [hbm:s6], $0xF7A  }
0x23: {  	s9 =	sor.u32 $0xD0000000, s2;
	s6 =	simm.s32 $0x108;
	_ =	swait.ge @!p0 [sflag:s8], $0x0  }
0x24: {  	s3 =	sadd.s32 $0x88, s3;
	s6 =	simm.s32 @!p1 $0x1082;
	[sflag:s4] =	ssyncset.s32 $0xFFFFF086  }
0x25: {  	[simem:s6], [sflag:s4] =	dma.local [hbm:s3], $0xF7A  }
0x26: {  	[smem:$0x3F98] =	sst s1;
	(tag) =	ssettag s2;
	_ =	strace s9  }
0x27: {  	s1 =	sld [smem:$0x3FA8]  }
0x28: {  	s2 =	sld [smem:$0x3FA9]  }
0x29: {  	s4 =	sld [smem:$0x3FAB]  }
0x2a: {  	p0 =	seq.s32 s5, $0x0;
	s5 =	sld [smem:$0x3FAC]  }
0x2b: {  	s6 =	sld [smem:$0x3FAD]  }
0x2c: {  	s7 =	sld [smem:$0x3FAE]  }
0x2d: {  	s3 =	simm.s32 $0x108;
	s8 =	sld [smem:$0x3FAF]  }
0x2e: {  	s3 =	simm.s32 @!p0 $0x1082;
	s9 =	sld [smem:$0x3FB0]  }
0x2f: {  	lr =	sadd.s32 s0, s3;
	s0 =	sld [smem:$0x3FA7]  }
0x30: {  	s3 =	sld [smem:$0x3FAA]  }
0x31: {  	[smem:$0x3FB3] =	sst s10  }
0x32: {  	s10 =	sld [smem:$0x3FB1];
	_ =	sdelay $0x3  }
0x33: {  	p0 =	seq.s32 s10, $0x1;
	s10 =	sld [smem:$0x3FB3];
	_ =	sdelay $0x3  }
0x34: {  	[smem:$0x3FB3] =	sst s10  }
0x35: {  	s10 =	sld [smem:$0x3FB2];
	_ =	sdelay $0x3  }
0x36: {  	p1 =	seq.s32 s10, $0x1;
	s10 =	sld [smem:$0x3FB3];
	_ =	sdelay $0x3  }
0x37: {  	[smem:$0x3FB3] =	sst s10  }
0x38: {  	s10 =	sld [smem:$0x3FB4]  }
0x39: {  	_ = 	snop;
	(pc) =	sbr.ind lr, $3  }
0x3a: {  	_ = 	snop  }
0x3b: {  	_ = 	snop  }
0x3c: {  	p2 =	seq.s32 s10, $0x1;
	s10 =	sld [smem:$0x3FB3]  }
0x3d: {  	_ =	shalt  }
0x3e: {  	_ =	shalt  }
0x3f: {  	_ =	shalt  }
0x40: {  	_ =	shalt  }
0x41: {  	_ =	shalt  }
0x42: {  	_ =	shalt  }
0x43: {  	_ =	shalt  }
0x44: {  	_ =	shalt  }
0x45: {  	_ =	shalt  }
0x46: {  	_ =	shalt  }
0x47: {  	_ =	shalt  }
0x48: {  	_ =	shalt  }
0x49: {  	_ =	shalt  }
0x4a: {  	_ =	shalt  }
0x4b: {  	_ =	shalt  }
0x4c: {  	_ =	shalt  }
0x4d: {  	_ =	shalt  }
0x4e: {  	_ =	shalt  }
0x4f: {  	_ =	shalt  }
0x50: {  	_ =	shalt  }
0x51: {  	_ =	shalt  }
0x52: {  	_ =	shalt  }
0x53: {  	_ =	shalt  }
0x54: {  	_ =	shalt  }
0x55: {  	_ =	shalt  }
0x56: {  	_ =	shalt  }
0x57: {  	_ =	shalt  }
0x58: {  	_ =	shalt  }
0x59: {  	_ =	shalt  }
0x5a: {  	_ =	shalt  }
0x5b: {  	_ =	shalt  }
0x5c: {  	_ =	shalt  }
0x5d: {  	_ =	shalt  }
0x5e: {  	_ =	shalt  }
0x5f: {  	_ =	shalt  }
0x60: {  	_ =	shalt  }
0x61: {  	_ =	shalt  }
0x62: {  	_ =	shalt  }
0x63: {  	_ =	shalt  }
0x64: {  	_ =	shalt  }
0x65: {  	_ =	shalt  }
0x66: {  	_ =	shalt  }
0x67: {  	_ =	shalt  }
0x68: {  	_ =	shalt  }
0x69: {  	_ =	shalt  }
0x6a: {  	_ =	shalt  }
0x6b: {  	_ =	shalt  }
0x6c: {  	_ =	shalt  }
0x6d: {  	_ =	shalt  }
0x6e: {  	_ =	shalt  }
0x6f: {  	_ =	shalt  }
0x70: {  	_ =	shalt  }
0x71: {  	_ =	shalt  }
0x72: {  	_ =	shalt  }
0x73: {  	_ =	shalt  }
0x74: {  	_ =	shalt  }
0x75: {  	_ =	shalt  }
0x76: {  	_ =	shalt  }
0x77: {  	_ =	shalt  }
0x78: {  	_ =	shalt  }
0x79: {  	_ =	shalt  }
0x7a: {  	_ =	shalt  }
0x7b: {  	_ =	shalt  }
0x7c: {  	_ =	shalt  }
0x7d: {  	_ =	shalt  }
0x7e: {  	_ =	shalt  }
0x7f: {  	_ =	shalt  }
0x80: {  	_ =	shalt  }
0x81: {  	_ =	shalt  }
0x82: {  	_ =	shalt  }
0x83: {  	_ =	shalt  }
0x84: {  	_ =	shalt  }
0x85: {  	_ =	shalt  }
0x86: {  	_ =	shalt  }
0x87: {  	_ =	shalt  }
.Lfunc_end0:
.L_simem_size_0:
called_computation_lowered:
.L_overlay_start_0:
0x88: {  	s2 =	sld [smem:$0x3FD9]  }
0x89: {  	s3 =	sld [smem:$0x3FFE];
	_ =	sdelay $0x1  }
0x8a: {  	s1 =	srdreg.scid  }
0x8b: {  	s0 =	sand.u32 $0x1, s1  }
0x8c: {  	s17 =	sshll.u32 s0, $0xA;
	s2 =	sadd.s32 s3, s2  }
0x8d: {  	s2 =	sadd.s32 s2, s17  }
0x8e: {  	[smem:$0x3FBF] =	sst s2  }
0x8f: {  	_ = 	snop  }
0x90: {  	s2 =	sld [smem:$0x3FD0];
	(tm) =	ssettm $0x1  }
0x91: {  	s18 =	sld [smem:$0x3FFB];
	_ =	sdelay $0x3  }
0x92: {  	_ =	strace s18  }
0x93: {  	s3 =	sld [smem:$0x3FFC];
	_ =	sdelay $0x3  }
0x94: {  	_ =	strace s3  }
0x95: {  	s3 =	sld [smem:$0x3FFD];
	_ =	sdelay $0x3  }
0x96: {  	_ =	strace s3  }
0x97: {  	_ =	strace $0x8FFFFFFF  }
0x98: {  	s19 =	sld [smem:$0x3FDB];
	_ =	sdelay $0x1  }
0x99: {  	s4 =	simm.s32 $_scs_section_size  }
0x9a: {  	s5 =	simm.s32 $_size__tile_overlayer_lowered;
	s6 =	simm.s32 $_tile_overlayer_lowered  }
0x9b: {  	s22 =	simm.s32 $0x1BFF;
	s21 =	sshll.u32 s6, $0x1;
	s3 =	sadd.s32 s4, s19  }
0x9c: {  	s7 =	simm.s32 $0x0;
	s20 =	sshll.u32 s5, $0x1;
	s5 =	sadd.s32 s21, s3  }
0x9d: {  	[timem:s7], [sflag:s22] =	dma.local [hbm:s5], s20  }
0x9e: {  	_ =	swait.ge [sflag:s22], s20  }
0x9f: {  	s4 =	ssub.s32 $0x0, s20;
	[sflag:s22] =	ssyncset.done $0x0  }
0xa0: {  	[sflag:s22] =	ssyncadd.s32 s4;
	_ =	sdelay $0x1  }
0xa1: {  	s23 =	simm.s32 $0x1B8B  }
0xa2: {  	_ =	swait.ge [sflag:s23], $0x1  }
0xa3: {  	[sflag:s23] =	ssyncset.done $0x0  }
0xa4: {  	s25 =	simm.s32 $0x1B8E;
	s24 =	sld [smem:$0x3FFE];
	[sflag:s23] =	ssyncadd.s32 $0xFFFFFFFF  }
0xa5: {  	s26 =	simm.s32 $execute0_lowered;
	[smem:$0x3FD2] =	sst s25  }
0xa6: {  	s5 =	sshll.u32 s26, $0x1;
	_ =	strace $0x80000046;
	[dreg:$0x1] =	wrdreg $0xFFFFFFFF  }
0xa7: {  	s28 =	simm.s32 $_size_execute0_lowered;
	s3 =	sadd.s32 s3, s5;
	[dreg:$0x0] =	wrdreg $0x0  }
0xa8: {  	s5 =	sshll.u32 s28, $0x1;
	[dreg:$0x2] =	wrdreg s3  }
0xa9: {  	[dreg:$0x3] =	wrdreg s5  }
0xaa: {  	[dreg:$0x4] =	wrdreg $0xC0  }
0xab: {  	_ =	task [dreg:s7], $0x5FFFF  }
0xac: {  	[dreg:$0x1] =	wrdreg $0xFFFFFFFF  }
0xad: {  	[dreg:$0x0] =	wrdreg $0x60  }
0xae: {  	[dreg:$0x2] =	wrdreg s2  }
0xaf: {  	[dreg:$0x3] =	wrdreg s24  }
0xb0: {  	[dreg:$0x4] =	wrdreg $0x9  }
0xb1: {  	_ =	task.clear_ibuf [dreg:s7], $0x5FFFF;
	_ =	strace $0x90000046  }
0xb2: {  	s29 =	simm.s32 $0x9;
	_ =	strace $0x80000048  }
0xb3: {  	_ =	swait.ge [sflag:s29], $0x1  }
0xb4: {  	[sflag:s29] =	ssyncadd.s32 $0xFFFFFFFF  }
0xb5: {  	_ =	strace $0x90000048  }
0xb6: {  	_ =	sfence  }
0xb7: {  	s30 =	sld [smem:$0x0];
	_ =	sdelay $0x2  }
0xb8: {  	s31 =	sshll.u32 s1, $0xD;
	s1 =	sshrl.u32 s1, $0x2  }
0xb9: {  	s3 =	sand.u32 $0x4000, s31;
	s1 =	sadd.s32 s1, s30  }
0xba: {  	s0 =	sor.u32 s3, s0;
	s1 =	sshll.u32 s1, $0x11  }
0xbb: {  	s0 =	sor.u32 s1, s0  }
0xbc: {  	s0 =	sadd.s32 $0x8F2B, s0  }
0xbd: {  	[sflag:s0] =	ssyncadd.remote.s32 $0x1  }
0xbe: {  	_ =	sfence.sel $0xFFFF  }
0xbf: {  	[dreg:$0x0] =	wrdreg $0xFFFFFFFF;
	(pc) =	sbr.abs _section_cstart, $3  }
0xc0: {  	[dreg:$0x1] =	wrdreg $0xFFFFFFFF  }
0xc1: {  	_ =	task.clear_ibuf [dreg:s7], $0x2FFFF;
	_ =	strace $0x9FFFFFFF  }
0xc2: {  	(tm) =	ssettm $0x7FFFFFFF  }
0xc3: {  	_ =	shalt  }
tec
execute0_lowered:
.L_overlay_start_1:
0x0: {  	(tag) =	ssettag $0x1  }
0x1: {  	s2 =	rddreg [dreg:$0x0];
	s0 =	srdreg.scid  }
0x2: {  	s3 =	stileid.u32;
	s1 =	rddreg [dreg:$0x1]  }
0x3: {  	s15 =	simm.s32 $0x2;
	s19 =	simm.s32 $0x68;
	s16 =	simm.s32 $0x138  }
0x4: {  	s22 =	simm.s32 $0x1A0;
	s28 =	simm.s32 $0x208;
	s17 =	simm.s32 $0x270  }
0x5: {  	s23 =	simm.s32 $0x3A8;
	s21 =	simm.s32 $0x4E0;
	s20 =	simm.s32 $0x548  }
0x6: {  	s31 =	simm.s32 $0x618;
	s18 =	simm.s32 $0x1;
	s30 =	simm.s32 $0x0  }
0x7: {  	s0 =	sand.u32 $0x1, s0;
	s4 =	sshll.u32 s3, $0x1;
	s3 =	simm.s32 $0x0  }
0x8: {  	s5 =	sadd.s32 $0x400, s1;
	s7 =	sor.u32 s0, s4;
	s0 =	ssub.s32 $0x2, s0  }
0x9: {  	[smem:$0x7FF] =	sst s3;
	s4 =	smul.u32 $0x680, s7;
	s11 =	sshrl.u32 s0, $0x1  }
0xa: {  	s6 =	sadd.s32 $0x1E00, s1;
	_ =	strace $0x80000047;
	s0 =	ssub.s32 s0, s11  }
0xb: {  	s9 =	smul.u32 $0x340, s7;
	s8 =	sshrl.u32 s4, $0x3;
	s0 =	smax.u32 s0, $0x1  }
0xc: {  	s7 =	sadd.s32 $0x3800, s1;
	s25 =	sadd.s32 s2, s8;
	[dreg:$0x9] =	wrdreg s0  }
0xd: {  	s10 =	sadd.s32 s8, s1;
	s26 =	sadd.s32 s5, s8;
	[dreg:$0x4] =	wrdreg s25  }
0xe: {  	s1 =	sadd.s32 s9, s1;
	s8 =	sadd.s32 s6, s8;
	[dreg:$0x5] =	wrdreg s26  }
0xf: {  	s0 =	simm.s32 $0x410;
	s24 =	sadd.s32 $0x5200, s10;
	[dreg:$0x6] =	wrdreg s8  }
0x10: {  	s29 =	sadd.s32 $0x6C00, s10;
	s1 =	sadd.s32 $0x8600, s1;
	[dreg:$0x3] =	wrdreg s24  }
0x11: {  	s26 =	simm.s32 $0x478;
	s25 =	simm.s32 $0x5B0;
	[dreg:$0x7] =	wrdreg s29  }
0x12: {  	[dreg:$0x8] =	wrdreg s1;
	s24 =	simm.s32 $0x2D8;
	s1 =	simm.s32 $0x340  }
.LBB2_1:
0x13: {  	s8 =	rddreg [dreg:$0x3]  }
0x14: {  	[tilespmem:s3], [sflag:$0x2] =	stream.linear.gather [hbm4b:s8+s3], $0x680, $0x38;
	[tilespmem:$0x5480] =	vst v63  }
0x15: {  	_ =	swait.ge [sflag:s15], $0x680  }
0x16: {  	[sflag:s15] =	ssyncset.done $0x0  }
0x17: {  	s9 =	simm.s32 $0x2080;
	s29 =	rddreg [dreg:$0x4];
	[sflag:s15] =	ssyncadd.s32 $0xFFFFF980  }
0x18: {  	[tilespmem:s9], [sflag:$0x2] =	stream.linear.gather [hbm4b:s29+s3], $0x680, $0x38;
	[tilespmem:$0x5480] =	vst v63  }
0x19: {  	_ =	swait.ge [sflag:s15], $0x680  }
0x1a: {  	[sflag:s15] =	ssyncset.done $0x0  }
0x1b: {  	s10 =	simm.s32 $0x2700;
	s9 =	rddreg [dreg:$0x5];
	[sflag:s15] =	ssyncadd.s32 $0xFFFFF980  }
0x1c: {  	[tilespmem:s10], [sflag:$0x2] =	stream.linear.gather [hbm4b:s9+s3], $0x680, $0x38;
	[tilespmem:$0x5480] =	vst v63  }
0x1d: {  	_ =	swait.ge [sflag:s15], $0x680  }
0x1e: {  	[sflag:s15] =	ssyncset.done $0x0  }
0x1f: {  	s12 =	simm.s32 $0x2D80;
	s11 =	rddreg [dreg:$0x6];
	[sflag:s15] =	ssyncadd.s32 $0xFFFFF980  }
0x20: {  	[tilespmem:s12], [sflag:$0x2] =	stream.linear.gather [hbm4b:s11+s3], $0x680, $0x38;
	[tilespmem:$0x5480] =	vst v63  }
0x21: {  	_ =	swait.ge [sflag:s15], $0x680  }
0x22: {  	[sflag:s15] =	ssyncset.done $0x0  }
0x23: {  	s13 =	simm.s32 $0x680;
	[sflag:s15] =	ssyncadd.s32 $0xFFFFF980  }
0x24: {  	[tilespmem:s13], [sflag:$0x1] =	stream.indirect.gather [hbm4b:s2+s19], $0x1, s3, s19, $0xb8;
	[tilespmem:$0x5480] =	vst v63  }
0x25: {  	s14 =	simm.s32 $0xD00  }
0x26: {  	[tilespmem:s14], [sflag:$0x1] =	stream.indirect.gather [hbm4b:s5+s19], $0x1, s3, s19, $0xb8;
	[tilespmem:$0x5480] =	vst v63  }
0x27: {  	s29 =	simm.s32 $0x1380  }
0x28: {  	[tilespmem:s29], [sflag:$0x1] =	stream.indirect.gather [hbm4b:s6+s19], $0x1, s3, s19, $0xb8;
	[tilespmem:$0x5480] =	vst v63  }
0x29: {  	s9 =	simm.s32 $0x1A00  }
0x2a: {  	[tilespmem:s9], [sflag:$0x1] =	stream.indirect.gather [hbm4b:s7+s19], $0x1, s3, s19, $0xb8;
	[tilespmem:$0x5480] =	vst v63  }
0x2b: {  	s10 =	simm.s32 $0x6E8  }
0x2c: {  	[tilespmem:s10], [sflag:$0x1] =	stream.indirect.gather [hbm4b:s2+s19], $0x1, s19, s19, $0xb8;
	[tilespmem:$0x5480] =	vst v63  }
0x2d: {  	s11 =	simm.s32 $0xD68  }
0x2e: {  	[tilespmem:s11], [sflag:$0x1] =	stream.indirect.gather [hbm4b:s5+s19], $0x1, s19, s19, $0xb8;
	[tilespmem:$0x5480] =	vst v63  }
0x2f: {  	s12 =	simm.s32 $0x13E8  }
0x30: {  	[tilespmem:s12], [sflag:$0x1] =	stream.indirect.gather [hbm4b:s6+s19], $0x1, s19, s19, $0xb8;
	[tilespmem:$0x5480] =	vst v63  }
0x31: {  	s13 =	simm.s32 $0x1A68  }
0x32: {  	[tilespmem:s13], [sflag:$0x1] =	stream.indirect.gather [hbm4b:s7+s19], $0x1, s19, s19, $0xb8;
	[tilespmem:$0x5480] =	vst v63  }
0x33: {  	s14 =	simm.s32 $0xD0;
	s29 =	simm.s32 $0x750  }
0x34: {  	[tilespmem:s29], [sflag:$0x1] =	stream.indirect.gather [hbm4b:s2+s19], $0x1, s14, s19, $0xb8;
	[tilespmem:$0x5480] =	vst v63  }
0x35: {  	s10 =	simm.s32 $0xDD0  }
0x36: {  	[tilespmem:s10], [sflag:$0x1] =	stream.indirect.gather [hbm4b:s5+s19], $0x1, s14, s19, $0xb8;
	[tilespmem:$0x5480] =	vst v63  }
0x37: {  	s11 =	simm.s32 $0x1450  }
0x38: {  	[tilespmem:s11], [sflag:$0x1] =	stream.indirect.gather [hbm4b:s6+s19], $0x1, s14, s19, $0xb8;
	[tilespmem:$0x5480] =	vst v63  }
0x39: {  	s12 =	simm.s32 $0x1AD0  }
0x3a: {  	[tilespmem:s12], [sflag:$0x1] =	stream.indirect.gather [hbm4b:s7+s19], $0x1, s14, s19, $0xb8;
	[tilespmem:$0x5480] =	vst v63  }
0x3b: {  	s13 =	simm.s32 $0x7B8  }
0x3c: {  	[tilespmem:s13], [sflag:$0x1] =	stream.indirect.gather [hbm4b:s2+s19], $0x1, s16, s19, $0xb8;
	[tilespmem:$0x5480] =	vst v63  }
0x3d: {  	s14 =	simm.s32 $0xE38  }
0x3e: {  	[tilespmem:s14], [sflag:$0x1] =	stream.indirect.gather [hbm4b:s5+s19], $0x1, s16, s19, $0xb8;
	[tilespmem:$0x5480] =	vst v63  }
0x3f: {  	s29 =	simm.s32 $0x14B8  }
0x40: {  	[tilespmem:s29], [sflag:$0x1] =	stream.indirect.gather [hbm4b:s6+s19], $0x1, s16, s19, $0xb8;
	[tilespmem:$0x5480] =	vst v63  }
0x41: {  	s9 =	simm.s32 $0x1B38  }
0x42: {  	[tilespmem:s9], [sflag:$0x1] =	stream.indirect.gather [hbm4b:s7+s19], $0x1, s16, s19, $0xb8;
	[tilespmem:$0x5480] =	vst v63  }
0x43: {  	s10 =	simm.s32 $0x820  }
0x44: {  	[tilespmem:s10], [sflag:$0x1] =	stream.indirect.gather [hbm4b:s2+s19], $0x1, s22, s19, $0xb8;
	[tilespmem:$0x5480] =	vst v63  }
0x45: {  	s11 =	simm.s32 $0xEA0  }
0x46: {  	[tilespmem:s11], [sflag:$0x1] =	stream.indirect.gather [hbm4b:s5+s19], $0x1, s22, s19, $0xb8;
	[tilespmem:$0x5480] =	vst v63  }
0x47: {  	s12 =	simm.s32 $0x1520  }
0x48: {  	[tilespmem:s12], [sflag:$0x1] =	stream.indirect.gather [hbm4b:s6+s19], $0x1, s22, s19, $0xb8;
	[tilespmem:$0x5480] =	vst v63  }
0x49: {  	s13 =	simm.s32 $0x1BA0  }
0x4a: {  	[tilespmem:s13], [sflag:$0x1] =	stream.indirect.gather [hbm4b:s7+s19], $0x1, s22, s19, $0xb8;
	[tilespmem:$0x5480] =	vst v63  }
0x4b: {  	s14 =	simm.s32 $0x888  }
0x4c: {  	[tilespmem:s14], [sflag:$0x1] =	stream.indirect.gather [hbm4b:s2+s19], $0x1, s28, s19, $0xb8;
	[tilespmem:$0x5480] =	vst v63  }
0x4d: {  	s29 =	simm.s32 $0xF08  }
0x4e: {  	[tilespmem:s29], [sflag:$0x1] =	stream.indirect.gather [hbm4b:s5+s19], $0x1, s28, s19, $0xb8;
	[tilespmem:$0x5480] =	vst v63  }
0x4f: {  	s9 =	simm.s32 $0x1588  }
0x50: {  	[tilespmem:s9], [sflag:$0x1] =	stream.indirect.gather [hbm4b:s6+s19], $0x1, s28, s19, $0xb8;
	[tilespmem:$0x5480] =	vst v63  }
0x51: {  	s10 =	simm.s32 $0x1C08  }
0x52: {  	[tilespmem:s10], [sflag:$0x1] =	stream.indirect.gather [hbm4b:s7+s19], $0x1, s28, s19, $0xb8;
	[tilespmem:$0x5480] =	vst v63  }
0x53: {  	s11 =	simm.s32 $0x8F0  }
0x54: {  	[tilespmem:s11], [sflag:$0x1] =	stream.indirect.gather [hbm4b:s2+s19], $0x1, s17, s19, $0xb8;
	[tilespmem:$0x5480] =	vst v63  }
0x55: {  	s12 =	simm.s32 $0xF70  }
0x56: {  	[tilespmem:s12], [sflag:$0x1] =	stream.indirect.gather [hbm4b:s5+s19], $0x1, s17, s19, $0xb8;
	[tilespmem:$0x5480] =	vst v63  }
0x57: {  	s13 =	simm.s32 $0x15F0  }
0x58: {  	[tilespmem:s13], [sflag:$0x1] =	stream.indirect.gather [hbm4b:s6+s19], $0x1, s17, s19, $0xb8;
	[tilespmem:$0x5480] =	vst v63  }
0x59: {  	s14 =	simm.s32 $0x1C70  }
0x5a: {  	[tilespmem:s14], [sflag:$0x1] =	stream.indirect.gather [hbm4b:s7+s19], $0x1, s17, s19, $0xb8;
	[tilespmem:$0x5480] =	vst v63  }
0x5b: {  	s29 =	simm.s32 $0x958  }
0x5c: {  	[tilespmem:s29], [sflag:$0x1] =	stream.indirect.gather [hbm4b:s2+s19], $0x1, s24, s19, $0xb8;
	[tilespmem:$0x5480] =	vst v63  }
0x5d: {  	s9 =	simm.s32 $0xFD8  }
0x5e: {  	[tilespmem:s9], [sflag:$0x1] =	stream.indirect.gather [hbm4b:s5+s19], $0x1, s24, s19, $0xb8;
	[tilespmem:$0x5480] =	vst v63  }
0x5f: {  	s10 =	simm.s32 $0x1658  }
0x60: {  	[tilespmem:s10], [sflag:$0x1] =	stream.indirect.gather [hbm4b:s6+s19], $0x1, s24, s19, $0xb8;
	[tilespmem:$0x5480] =	vst v63  }
0x61: {  	s11 =	simm.s32 $0x1CD8  }
0x62: {  	[tilespmem:s11], [sflag:$0x1] =	stream.indirect.gather [hbm4b:s7+s19], $0x1, s24, s19, $0xb8;
	[tilespmem:$0x5480] =	vst v63  }
0x63: {  	s12 =	simm.s32 $0x9C0  }
0x64: {  	[tilespmem:s12], [sflag:$0x1] =	stream.indirect.gather [hbm4b:s2+s19], $0x1, s1, s19, $0xb8;
	[tilespmem:$0x5480] =	vst v63  }
0x65: {  	s13 =	simm.s32 $0x1040  }
0x66: {  	[tilespmem:s13], [sflag:$0x1] =	stream.indirect.gather [hbm4b:s5+s19], $0x1, s1, s19, $0xb8;
	[tilespmem:$0x5480] =	vst v63  }
0x67: {  	s14 =	simm.s32 $0x16C0  }
0x68: {  	[tilespmem:s14], [sflag:$0x1] =	stream.indirect.gather [hbm4b:s6+s19], $0x1, s1, s19, $0xb8;
	[tilespmem:$0x5480] =	vst v63  }
0x69: {  	s29 =	simm.s32 $0x1D40  }
0x6a: {  	[tilespmem:s29], [sflag:$0x1] =	stream.indirect.gather [hbm4b:s7+s19], $0x1, s1, s19, $0xb8;
	[tilespmem:$0x5480] =	vst v63  }
0x6b: {  	s9 =	simm.s32 $0xA28  }
0x6c: {  	[tilespmem:s9], [sflag:$0x1] =	stream.indirect.gather [hbm4b:s2+s19], $0x1, s23, s19, $0xb8;
	[tilespmem:$0x5480] =	vst v63  }
0x6d: {  	s10 =	simm.s32 $0x10A8  }
0x6e: {  	[tilespmem:s10], [sflag:$0x1] =	stream.indirect.gather [hbm4b:s5+s19], $0x1, s23, s19, $0xb8;
	[tilespmem:$0x5480] =	vst v63  }
0x6f: {  	s11 =	simm.s32 $0x1728  }
0x70: {  	[tilespmem:s11], [sflag:$0x1] =	stream.indirect.gather [hbm4b:s6+s19], $0x1, s23, s19, $0xb8;
	[tilespmem:$0x5480] =	vst v63  }
0x71: {  	s12 =	simm.s32 $0x1DA8  }
0x72: {  	[tilespmem:s12], [sflag:$0x1] =	stream.indirect.gather [hbm4b:s7+s19], $0x1, s23, s19, $0xb8;
	[tilespmem:$0x5480] =	vst v63  }
0x73: {  	s13 =	simm.s32 $0xA90  }
0x74: {  	[tilespmem:s13], [sflag:$0x1] =	stream.indirect.gather [hbm4b:s2+s19], $0x1, s0, s19, $0xb8;
	[tilespmem:$0x5480] =	vst v63  }
0x75: {  	s14 =	simm.s32 $0x1110  }
0x76: {  	[tilespmem:s14], [sflag:$0x1] =	stream.indirect.gather [hbm4b:s5+s19], $0x1, s0, s19, $0xb8;
	[tilespmem:$0x5480] =	vst v63  }
0x77: {  	s29 =	simm.s32 $0x1790  }
0x78: {  	[tilespmem:s29], [sflag:$0x1] =	stream.indirect.gather [hbm4b:s6+s19], $0x1, s0, s19, $0xb8;
	[tilespmem:$0x5480] =	vst v63  }
0x79: {  	s9 =	simm.s32 $0x1E10  }
0x7a: {  	[tilespmem:s9], [sflag:$0x1] =	stream.indirect.gather [hbm4b:s7+s19], $0x1, s0, s19, $0xb8;
	[tilespmem:$0x5480] =	vst v63  }
0x7b: {  	s10 =	simm.s32 $0xAF8  }
0x7c: {  	[tilespmem:s10], [sflag:$0x1] =	stream.indirect.gather [hbm4b:s2+s19], $0x1, s26, s19, $0xb8;
	[tilespmem:$0x5480] =	vst v63  }
0x7d: {  	s11 =	simm.s32 $0x1178  }
0x7e: {  	[tilespmem:s11], [sflag:$0x1] =	stream.indirect.gather [hbm4b:s5+s19], $0x1, s26, s19, $0xb8;
	[tilespmem:$0x5480] =	vst v63  }
0x7f: {  	s12 =	simm.s32 $0x17F8  }
0x80: {  	[tilespmem:s12], [sflag:$0x1] =	stream.indirect.gather [hbm4b:s6+s19], $0x1, s26, s19, $0xb8;
	[tilespmem:$0x5480] =	vst v63  }
0x81: {  	s13 =	simm.s32 $0x1E78  }
0x82: {  	[tilespmem:s13], [sflag:$0x1] =	stream.indirect.gather [hbm4b:s7+s19], $0x1, s26, s19, $0xb8;
	[tilespmem:$0x5480] =	vst v63  }
0x83: {  	s14 =	simm.s32 $0xB60  }
0x84: {  	[tilespmem:s14], [sflag:$0x1] =	stream.indirect.gather [hbm4b:s2+s19], $0x1, s21, s19, $0xb8;
	[tilespmem:$0x5480] =	vst v63  }
0x85: {  	s29 =	simm.s32 $0x11E0  }
0x86: {  	[tilespmem:s29], [sflag:$0x1] =	stream.indirect.gather [hbm4b:s5+s19], $0x1, s21, s19, $0xb8;
	[tilespmem:$0x5480] =	vst v63  }
0x87: {  	s9 =	simm.s32 $0x1860  }
0x88: {  	[tilespmem:s9], [sflag:$0x1] =	stream.indirect.gather [hbm4b:s6+s19], $0x1, s21, s19, $0xb8;
	[tilespmem:$0x5480] =	vst v63  }
0x89: {  	s10 =	simm.s32 $0x1EE0  }
0x8a: {  	[tilespmem:s10], [sflag:$0x1] =	stream.indirect.gather [hbm4b:s7+s19], $0x1, s21, s19, $0xb8;
	[tilespmem:$0x5480] =	vst v63  }
0x8b: {  	s11 =	simm.s32 $0xBC8  }
0x8c: {  	[tilespmem:s11], [sflag:$0x1] =	stream.indirect.gather [hbm4b:s2+s19], $0x1, s20, s19, $0xb8;
	[tilespmem:$0x5480] =	vst v63  }
0x8d: {  	s12 =	simm.s32 $0x1248  }
0x8e: {  	[tilespmem:s12], [sflag:$0x1] =	stream.indirect.gather [hbm4b:s5+s19], $0x1, s20, s19, $0xb8;
	[tilespmem:$0x5480] =	vst v63  }
0x8f: {  	s13 =	simm.s32 $0x18C8  }
0x90: {  	[tilespmem:s13], [sflag:$0x1] =	stream.indirect.gather [hbm4b:s6+s19], $0x1, s20, s19, $0xb8;
	[tilespmem:$0x5480] =	vst v63  }
0x91: {  	s14 =	simm.s32 $0x1F48  }
0x92: {  	[tilespmem:s14], [sflag:$0x1] =	stream.indirect.gather [hbm4b:s7+s19], $0x1, s20, s19, $0xb8;
	[tilespmem:$0x5480] =	vst v63  }
0x93: {  	s29 =	simm.s32 $0xC30  }
0x94: {  	[tilespmem:s29], [sflag:$0x1] =	stream.indirect.gather [hbm4b:s2+s19], $0x1, s25, s19, $0xb8;
	[tilespmem:$0x5480] =	vst v63  }
0x95: {  	s9 =	simm.s32 $0x12B0  }
0x96: {  	[tilespmem:s9], [sflag:$0x1] =	stream.indirect.gather [hbm4b:s5+s19], $0x1, s25, s19, $0xb8;
	[tilespmem:$0x5480] =	vst v63  }
0x97: {  	s10 =	simm.s32 $0x1930  }
0x98: {  	[tilespmem:s10], [sflag:$0x1] =	stream.indirect.gather [hbm4b:s6+s19], $0x1, s25, s19, $0xb8;
	[tilespmem:$0x5480] =	vst v63  }
0x99: {  	s11 =	simm.s32 $0x1FB0  }
0x9a: {  	[tilespmem:s11], [sflag:$0x1] =	stream.indirect.gather [hbm4b:s7+s19], $0x1, s25, s19, $0xb8;
	[tilespmem:$0x5480] =	vst v63  }
0x9b: {  	s12 =	simm.s32 $0xC98  }
0x9c: {  	[tilespmem:s12], [sflag:$0x1] =	stream.indirect.gather [hbm4b:s2+s19], $0x1, s31, s19, $0xb8;
	[tilespmem:$0x5480] =	vst v63  }
0x9d: {  	s13 =	simm.s32 $0x1318  }
0x9e: {  	[tilespmem:s13], [sflag:$0x1] =	stream.indirect.gather [hbm4b:s5+s19], $0x1, s31, s19, $0xb8;
	[tilespmem:$0x5480] =	vst v63  }
0x9f: {  	s14 =	simm.s32 $0x1998  }
0xa0: {  	[tilespmem:s14], [sflag:$0x1] =	stream.indirect.gather [hbm4b:s6+s19], $0x1, s31, s19, $0xb8;
	[tilespmem:$0x5480] =	vst v63  }
0xa1: {  	s29 =	simm.s32 $0x2018  }
0xa2: {  	[tilespmem:s29], [sflag:$0x1] =	stream.indirect.gather [hbm4b:s7+s19], $0x1, s31, s19, $0xb8;
	[tilespmem:$0x5480] =	vst v63  }
0xa3: {  	_ =	swait.ge [sflag:s18], $0x68  }
0xa4: {  	[sflag:s18] =	ssyncset.done $0x0  }
0xa5: {  	[sflag:s18] =	ssyncadd.s32 $0xFFFFFF98  }
0xa6: {  	_ =	swait.ge [sflag:s18], $0x68  }
0xa7: {  	[sflag:s18] =	ssyncset.done $0x0  }
0xa8: {  	[sflag:s18] =	ssyncadd.s32 $0xFFFFFF98  }
0xa9: {  	_ =	swait.ge [sflag:s18], $0x68  }
0xaa: {  	[sflag:s18] =	ssyncset.done $0x0  }
0xab: {  	[sflag:s18] =	ssyncadd.s32 $0xFFFFFF98  }
0xac: {  	_ =	swait.ge [sflag:s18], $0x68  }
0xad: {  	[sflag:s18] =	ssyncset.done $0x0  }
0xae: {  	[sflag:s18] =	ssyncadd.s32 $0xFFFFFF98  }
0xaf: {  	_ =	swait.ge [sflag:s18], $0x68  }
0xb0: {  	[sflag:s18] =	ssyncset.done $0x0  }
0xb1: {  	[sflag:s18] =	ssyncadd.s32 $0xFFFFFF98  }
0xb2: {  	_ =	swait.ge [sflag:s18], $0x68  }
0xb3: {  	[sflag:s18] =	ssyncset.done $0x0  }
0xb4: {  	[sflag:s18] =	ssyncadd.s32 $0xFFFFFF98  }
0xb5: {  	_ =	swait.ge [sflag:s18], $0x68  }
0xb6: {  	[sflag:s18] =	ssyncset.done $0x0  }
0xb7: {  	[sflag:s18] =	ssyncadd.s32 $0xFFFFFF98  }
0xb8: {  	_ =	swait.ge [sflag:s18], $0x68  }
0xb9: {  	[sflag:s18] =	ssyncset.done $0x0  }
0xba: {  	[sflag:s18] =	ssyncadd.s32 $0xFFFFFF98  }
0xbb: {  	_ =	swait.ge [sflag:s18], $0x68  }
0xbc: {  	[sflag:s18] =	ssyncset.done $0x0  }
0xbd: {  	[sflag:s18] =	ssyncadd.s32 $0xFFFFFF98  }
0xbe: {  	_ =	swait.ge [sflag:s18], $0x68  }
0xbf: {  	[sflag:s18] =	ssyncset.done $0x0  }
0xc0: {  	[sflag:s18] =	ssyncadd.s32 $0xFFFFFF98  }
0xc1: {  	_ =	swait.ge [sflag:s18], $0x68  }
0xc2: {  	[sflag:s18] =	ssyncset.done $0x0  }
0xc3: {  	[sflag:s18] =	ssyncadd.s32 $0xFFFFFF98  }
0xc4: {  	_ =	swait.ge [sflag:s18], $0x68  }
0xc5: {  	[sflag:s18] =	ssyncset.done $0x0  }
0xc6: {  	[sflag:s18] =	ssyncadd.s32 $0xFFFFFF98  }
0xc7: {  	_ =	swait.ge [sflag:s18], $0x68  }
0xc8: {  	[sflag:s18] =	ssyncset.done $0x0  }
0xc9: {  	[sflag:s18] =	ssyncadd.s32 $0xFFFFFF98  }
0xca: {  	_ =	swait.ge [sflag:s18], $0x68  }
0xcb: {  	[sflag:s18] =	ssyncset.done $0x0  }
0xcc: {  	[sflag:s18] =	ssyncadd.s32 $0xFFFFFF98  }
0xcd: {  	_ =	swait.ge [sflag:s18], $0x68  }
0xce: {  	[sflag:s18] =	ssyncset.done $0x0  }
0xcf: {  	[sflag:s18] =	ssyncadd.s32 $0xFFFFFF98  }
0xd0: {  	_ =	swait.ge [sflag:s18], $0x68  }
0xd1: {  	[sflag:s18] =	ssyncset.done $0x0  }
0xd2: {  	[sflag:s18] =	ssyncadd.s32 $0xFFFFFF98  }
0xd3: {  	_ =	swait.ge [sflag:s18], $0x68  }
0xd4: {  	[sflag:s18] =	ssyncset.done $0x0  }
0xd5: {  	[sflag:s18] =	ssyncadd.s32 $0xFFFFFF98  }
0xd6: {  	_ =	swait.ge [sflag:s18], $0x68  }
0xd7: {  	[sflag:s18] =	ssyncset.done $0x0  }
0xd8: {  	[sflag:s18] =	ssyncadd.s32 $0xFFFFFF98  }
0xd9: {  	_ =	swait.ge [sflag:s18], $0x68  }
0xda: {  	[sflag:s18] =	ssyncset.done $0x0  }
0xdb: {  	[sflag:s18] =	ssyncadd.s32 $0xFFFFFF98  }
0xdc: {  	_ =	swait.ge [sflag:s18], $0x68  }
0xdd: {  	[sflag:s18] =	ssyncset.done $0x0  }
0xde: {  	[sflag:s18] =	ssyncadd.s32 $0xFFFFFF98  }
0xdf: {  	_ =	swait.ge [sflag:s18], $0x68  }
0xe0: {  	[sflag:s18] =	ssyncset.done $0x0  }
0xe1: {  	[sflag:s18] =	ssyncadd.s32 $0xFFFFFF98  }
0xe2: {  	_ =	swait.ge [sflag:s18], $0x68  }
0xe3: {  	[sflag:s18] =	ssyncset.done $0x0  }
0xe4: {  	[sflag:s18] =	ssyncadd.s32 $0xFFFFFF98  }
0xe5: {  	_ =	swait.ge [sflag:s18], $0x68  }
0xe6: {  	[sflag:s18] =	ssyncset.done $0x0  }
0xe7: {  	[sflag:s18] =	ssyncadd.s32 $0xFFFFFF98  }
0xe8: {  	_ =	swait.ge [sflag:s18], $0x68  }
0xe9: {  	[sflag:s18] =	ssyncset.done $0x0  }
0xea: {  	[sflag:s18] =	ssyncadd.s32 $0xFFFFFF98  }
0xeb: {  	_ =	swait.ge [sflag:s18], $0x68  }
0xec: {  	[sflag:s18] =	ssyncset.done $0x0  }
0xed: {  	[sflag:s18] =	ssyncadd.s32 $0xFFFFFF98  }
0xee: {  	_ =	swait.ge [sflag:s18], $0x68  }
0xef: {  	[sflag:s18] =	ssyncset.done $0x0  }
0xf0: {  	[sflag:s18] =	ssyncadd.s32 $0xFFFFFF98  }
0xf1: {  	_ =	swait.ge [sflag:s18], $0x68  }
0xf2: {  	[sflag:s18] =	ssyncset.done $0x0  }
0xf3: {  	[sflag:s18] =	ssyncadd.s32 $0xFFFFFF98  }
0xf4: {  	_ =	swait.ge [sflag:s18], $0x68  }
0xf5: {  	[sflag:s18] =	ssyncset.done $0x0  }
0xf6: {  	[sflag:s18] =	ssyncadd.s32 $0xFFFFFF98  }
0xf7: {  	_ =	swait.ge [sflag:s18], $0x68  }
0xf8: {  	[sflag:s18] =	ssyncset.done $0x0  }
0xf9: {  	[sflag:s18] =	ssyncadd.s32 $0xFFFFFF98  }
0xfa: {  	_ =	swait.ge [sflag:s18], $0x68  }
0xfb: {  	[sflag:s18] =	ssyncset.done $0x0  }
0xfc: {  	[sflag:s18] =	ssyncadd.s32 $0xFFFFFF98  }
0xfd: {  	_ =	swait.ge [sflag:s18], $0x68  }
0xfe: {  	[sflag:s18] =	ssyncset.done $0x0  }
0xff: {  	[sflag:s18] =	ssyncadd.s32 $0xFFFFFF98  }
0x100: {  	_ =	swait.ge [sflag:s18], $0x68  }
0x101: {  	[sflag:s18] =	ssyncset.done $0x0  }
0x102: {  	[sflag:s18] =	ssyncadd.s32 $0xFFFFFF98  }
0x103: {  	_ =	swait.ge [sflag:s18], $0x68  }
0x104: {  	[sflag:s18] =	ssyncset.done $0x0  }
0x105: {  	[sflag:s18] =	ssyncadd.s32 $0xFFFFFF98  }
0x106: {  	_ =	swait.ge [sflag:s18], $0x68  }
0x107: {  	[sflag:s18] =	ssyncset.done $0x0  }
0x108: {  	[sflag:s18] =	ssyncadd.s32 $0xFFFFFF98  }
0x109: {  	_ =	swait.ge [sflag:s18], $0x68  }
0x10a: {  	[sflag:s18] =	ssyncset.done $0x0  }
0x10b: {  	[sflag:s18] =	ssyncadd.s32 $0xFFFFFF98  }
0x10c: {  	_ =	swait.ge [sflag:s18], $0x68  }
0x10d: {  	[sflag:s18] =	ssyncset.done $0x0  }
0x10e: {  	[sflag:s18] =	ssyncadd.s32 $0xFFFFFF98  }
0x10f: {  	_ =	swait.ge [sflag:s18], $0x68  }
0x110: {  	[sflag:s18] =	ssyncset.done $0x0  }
0x111: {  	[sflag:s18] =	ssyncadd.s32 $0xFFFFFF98  }
0x112: {  	_ =	swait.ge [sflag:s18], $0x68  }
0x113: {  	[sflag:s18] =	ssyncset.done $0x0  }
0x114: {  	[sflag:s18] =	ssyncadd.s32 $0xFFFFFF98  }
0x115: {  	_ =	swait.ge [sflag:s18], $0x68  }
0x116: {  	[sflag:s18] =	ssyncset.done $0x0  }
0x117: {  	[sflag:s18] =	ssyncadd.s32 $0xFFFFFF98  }
0x118: {  	_ =	swait.ge [sflag:s18], $0x68  }
0x119: {  	[sflag:s18] =	ssyncset.done $0x0  }
0x11a: {  	[sflag:s18] =	ssyncadd.s32 $0xFFFFFF98  }
0x11b: {  	_ =	swait.ge [sflag:s18], $0x68  }
0x11c: {  	[sflag:s18] =	ssyncset.done $0x0  }
0x11d: {  	[sflag:s18] =	ssyncadd.s32 $0xFFFFFF98  }
0x11e: {  	_ =	swait.ge [sflag:s18], $0x68  }
0x11f: {  	[sflag:s18] =	ssyncset.done $0x0  }
0x120: {  	[sflag:s18] =	ssyncadd.s32 $0xFFFFFF98  }
0x121: {  	_ =	swait.ge [sflag:s18], $0x68  }
0x122: {  	[sflag:s18] =	ssyncset.done $0x0  }
0x123: {  	[sflag:s18] =	ssyncadd.s32 $0xFFFFFF98  }
0x124: {  	_ =	swait.ge [sflag:s18], $0x68  }
0x125: {  	[sflag:s18] =	ssyncset.done $0x0  }
0x126: {  	[sflag:s18] =	ssyncadd.s32 $0xFFFFFF98  }
0x127: {  	_ =	swait.ge [sflag:s18], $0x68  }
0x128: {  	[sflag:s18] =	ssyncset.done $0x0  }
0x129: {  	[sflag:s18] =	ssyncadd.s32 $0xFFFFFF98  }
0x12a: {  	_ =	swait.ge [sflag:s18], $0x68  }
0x12b: {  	[sflag:s18] =	ssyncset.done $0x0  }
0x12c: {  	[sflag:s18] =	ssyncadd.s32 $0xFFFFFF98  }
0x12d: {  	_ =	swait.ge [sflag:s18], $0x68  }
0x12e: {  	[sflag:s18] =	ssyncset.done $0x0  }
0x12f: {  	[sflag:s18] =	ssyncadd.s32 $0xFFFFFF98  }
0x130: {  	_ =	swait.ge [sflag:s18], $0x68  }
0x131: {  	[sflag:s18] =	ssyncset.done $0x0  }
0x132: {  	[sflag:s18] =	ssyncadd.s32 $0xFFFFFF98  }
0x133: {  	_ =	swait.ge [sflag:s18], $0x68  }
0x134: {  	[sflag:s18] =	ssyncset.done $0x0  }
0x135: {  	[sflag:s18] =	ssyncadd.s32 $0xFFFFFF98  }
0x136: {  	_ =	swait.ge [sflag:s18], $0x68  }
0x137: {  	[sflag:s18] =	ssyncset.done $0x0  }
0x138: {  	[sflag:s18] =	ssyncadd.s32 $0xFFFFFF98  }
0x139: {  	_ =	swait.ge [sflag:s18], $0x68  }
0x13a: {  	[sflag:s18] =	ssyncset.done $0x0  }
0x13b: {  	[sflag:s18] =	ssyncadd.s32 $0xFFFFFF98  }
0x13c: {  	_ =	swait.ge [sflag:s18], $0x68  }
0x13d: {  	[sflag:s18] =	ssyncset.done $0x0  }
0x13e: {  	[sflag:s18] =	ssyncadd.s32 $0xFFFFFF98  }
0x13f: {  	_ =	swait.ge [sflag:s18], $0x68  }
0x140: {  	[sflag:s18] =	ssyncset.done $0x0  }
0x141: {  	[sflag:s18] =	ssyncadd.s32 $0xFFFFFF98  }
0x142: {  	_ =	swait.ge [sflag:s18], $0x68  }
0x143: {  	[sflag:s18] =	ssyncset.done $0x0  }
0x144: {  	[sflag:s18] =	ssyncadd.s32 $0xFFFFFF98  }
0x145: {  	_ =	swait.ge [sflag:s18], $0x68  }
0x146: {  	[sflag:s18] =	ssyncset.done $0x0  }
0x147: {  	[sflag:s18] =	ssyncadd.s32 $0xFFFFFF98  }
0x148: {  	_ =	swait.ge [sflag:s18], $0x68  }
0x149: {  	[sflag:s18] =	ssyncset.done $0x0  }
0x14a: {  	[sflag:s18] =	ssyncadd.s32 $0xFFFFFF98  }
0x14b: {  	_ =	swait.ge [sflag:s18], $0x68  }
0x14c: {  	[sflag:s18] =	ssyncset.done $0x0  }
0x14d: {  	[sflag:s18] =	ssyncadd.s32 $0xFFFFFF98  }
0x14e: {  	_ =	swait.ge [sflag:s18], $0x68  }
0x14f: {  	[sflag:s18] =	ssyncset.done $0x0  }
0x150: {  	[sflag:s18] =	ssyncadd.s32 $0xFFFFFF98  }
0x151: {  	_ =	swait.ge [sflag:s18], $0x68  }
0x152: {  	[sflag:s18] =	ssyncset.done $0x0  }
0x153: {  	[sflag:s18] =	ssyncadd.s32 $0xFFFFFF98  }
0x154: {  	_ =	swait.ge [sflag:s18], $0x68  }
0x155: {  	[sflag:s18] =	ssyncset.done $0x0  }
0x156: {  	[sflag:s18] =	ssyncadd.s32 $0xFFFFFF98  }
0x157: {  	_ =	swait.ge [sflag:s18], $0x68  }
0x158: {  	[sflag:s18] =	ssyncset.done $0x0  }
0x159: {  	[sflag:s18] =	ssyncadd.s32 $0xFFFFFF98  }
0x15a: {  	_ =	swait.ge [sflag:s18], $0x68  }
0x15b: {  	[sflag:s18] =	ssyncset.done $0x0  }
0x15c: {  	[sflag:s18] =	ssyncadd.s32 $0xFFFFFF98  }
0x15d: {  	_ =	swait.ge [sflag:s18], $0x68  }
0x15e: {  	[sflag:s18] =	ssyncset.done $0x0  }
0x15f: {  	[sflag:s18] =	ssyncadd.s32 $0xFFFFFF98  }
0x160: {  	_ =	swait.ge [sflag:s18], $0x68  }
0x161: {  	[sflag:s18] =	ssyncset.done $0x0  }
0x162: {  	s8 =	simm.s32 $0x0;
	[sflag:s18] =	ssyncadd.s32 $0xFFFFFF98  }
0x163: {  	v0 =	vld [tilespmem:s8+$0x2080]  }
0x164: {  	v1 =	vld [tilespmem:s8+$0x680]  }
0x165: {  	v2 =	vld [tilespmem:s8+$0x2700]  }
0x166: {  	v3 =	vld [tilespmem:s8+$0xD00]  }
0x167: {  	v4 =	vld [tilespmem:s8+$0x2D80]  }
0x168: {  	v5 =	vld [tilespmem:s8+$0x1380];
	_ =	sdelay $0x2  }
0x169: {  	v1 =	vsub.f32 v1, v0;
	v0 =	vsub.f32 v3, v2  }
0x16a: {  	s9 =	sand.u32 $0x70, s3  }
0x16b: {  	s10 =	simm.s32 $0x0;
	s11 =	simm.s32 $0x40;
	s12 =	simm.s32 $0x0;
	v2 =	vsub.f32 v5, v4;
	v3 =	vand.u32 $0x7FFFFFFF, v1;
	v4 =	vand.u32 $0x7FFFFFFF, v0  }
.LBB2_2:
0x16c: {  	p0 =	sne.s32 s11, $0x19C0  }
0x16d: {  	v3 =	vmax.f32 v3, v4;
	v4 =	vand.u32 $0x7FFFFFFF, v2;
	s13 =	sadd.s32 s4, s12;
	s12 =	sadd.s32 $0x10, s12;
	s14 =	smov.u32 s11  }
0x16e: {  	s11 =	sadd.s32 $0x40, s11;
	s29 =	sand.u32 $0x70, s12;
	v3 =	vmax.f32 v3, v4;
	p1 =	slt.u32 s13, $0xC350  }
0x16f: {  	s13 =	sand.u32 $0x1E00, s10;
	s10 =	smov.u32 s14;
	v3 =	vpsel !p1, $0x0, v3  }
0x170: {  	s13 =	sor.u32 s9, s13;
	s9 =	smov.u32 s29;
	[tilespmem:s8+$0x3400] =	vst v3  }
0x171: {  	[tilespmem:s13+$0x3B80] =	vst v2  }
0x172: {  	[tilespmem:s13+$0x3A80] =	vst v1  }
0x173: {  	s14 =	sshra.s32 s10, $0x2;
	[tilespmem:s13+$0x3B00] =	vst v0  }
0x174: {  	v0 =	vld [tilespmem:s8+$0x1A00];
	s8 =	smov.u32 s14;
	_ =	sdelay $0x4  }
0x175: {  	[tilespmem:s13+$0x3C00] =	vst v0  }
0x176: {  	v0 =	vld [tilespmem:s8+$0x2080]  }
0x177: {  	v1 =	vld [tilespmem:s8+$0x680]  }
0x178: {  	v2 =	vld [tilespmem:s8+$0x2700]  }
0x179: {  	v3 =	vld [tilespmem:s8+$0x2D80]  }
0x17a: {  	v4 =	vld [tilespmem:s8+$0xD00]  }
0x17b: {  	v5 =	vld [tilespmem:s8+$0x1380];
	_ =	sdelay $0x1  }
.Ltmp0:
0x17c: {  	(pc) =	sbr.rel @p0 .LBB2_2-.Ltmp0, $4  }
0x17d: {  	_ = 	snop  }
0x17e: {  	v1 =	vsub.f32 v1, v0;
	v0 =	vsub.f32 v4, v2  }
0x17f: {  	v2 =	vsub.f32 v5, v3  }
0x180: {  	v3 =	vand.u32 $0x7FFFFFFF, v1;
	v4 =	vand.u32 $0x7FFFFFFF, v0  }
0x181: {  	v3 =	vmax.f32 v3, v4;
	v63 =	vand.u32 $0x7FFFFFFF, v2;
	s11 =	sadd.s32 s4, s12  }
0x182: {  	v3 =	vmax.f32 v3, v63;
	p0 =	slt.u32 s11, $0xC350  }
0x183: {  	s10 =	sand.u32 $0x1E00, s10;
	v3 =	vpsel !p0, $0x0, v3  }
0x184: {  	s9 =	sor.u32 s9, s10;
	[tilespmem:s8+$0x3400] =	vst v3  }
0x185: {  	[tilespmem:s9+$0x3B80] =	vst v2  }
0x186: {  	[tilespmem:s9+$0x3A80] =	vst v1  }
0x187: {  	[tilespmem:s9+$0x3B00] =	vst v0  }
0x188: {  	v0 =	vld [tilespmem:s8+$0x1A00];
	_ =	sdelay $0x4  }
0x189: {  	s12 =	simm.s32 $0x3400;
	s11 =	rddreg [dreg:$0x7];
	[tilespmem:s9+$0x3C00] =	vst v0  }
0x18a: {  	[hbm4b:s11+s3] =	stream.linear.scatter [tilespmem:s12], [sflag:$0x2], $0x680, $0x38;
	[tilespmem:$0x5480] =	vst v63  }
0x18b: {  	_ =	swait.ge [sflag:s15], $0x680  }
0x18c: {  	[sflag:s15] =	ssyncset.done $0x0  }
0x18d: {  	s14 =	simm.s32 $0x3A80;
	s13 =	rddreg [dreg:$0x8];
	[sflag:s15] =	ssyncadd.s32 $0xFFFFF980  }
0x18e: {  	[hbm4b:s13+s3] =	stream.linear.scatter [tilespmem:s14], [sflag:$0x2], $0x1A00, $0x38;
	[tilespmem:$0x5480] =	vst v63  }
0x18f: {  	_ =	swait.ge [sflag:s15], $0x1A00  }
0x190: {  	s30 =	sadd.s32 $0x1, s30;
	s29 =	rddreg [dreg:$0x9]  }
0x191: {  	p0 =	sne.s32 s30, s29  }
.Ltmp1:
0x192: {  	_ = 	snop;
	(pc) =	sbr.rel @p0 .LBB2_1-.Ltmp1, $3  }
0x193: {  	_ =	sdelay $0x1  }
0x194: {  	[sflag:s15] =	ssyncset.done $0x0  }
0x195: {  	[sflag:s15] =	ssyncadd.s32 $0xFFFFE600  }
0x196: {  	_ =	sfence.sel $0x180000  }
0x197: {  	[bflag:$0x0] =	sbarrier.arrive $0xFFFF  }
0x198: {  	_ =	strace $0x90000047  }
0x199: {  	s0 =	stileid.u32;
	[bflag:$0x2] =	sbarrier.arrive $0xFFFF  }
0x19a: {  	p0 =	sne.s32 s0, $0x0;
	s0 =	rddreg [dreg:$0x2]  }
0x19b: {  	s0 =	sadd.s32 @!p0 $0x100000, s0  }
0x19c: {  	[sflag:s0] =	ssyncadd.tile.s32 @!p0 $0x1;
	_ =	shalt  }
.Lfunc_end2:
_tile_overlayer_lowered:
.L_overlay_start_2:
0x19d: {  	(tag) =	ssettag $0x2  }
0x19e: {  	s0 =	rddreg [dreg:$0x0];
	s2 =	stileid.u32  }
0x19f: {  	s1 =	rddreg [dreg:$0x1];
	p0 =	sne.s32 s2, $0x0  }
0x1a0: {  	s3 =	rddreg [dreg:$0x2];
	[bflag:$0x3] =	sbarrier.arrive $0xFFFF;
	s2 =	simm.s32 @!p0 $0x1C02  }
0x1a1: {  	[timem:s3], [sflag:s2] =	dma.local @!p0 [hbm:s0], s1  }
0x1a2: {  	s0 =	simm.s32 @!p0 $0x2  }
0x1a3: {  	_ =	swait.ge @!p0 [sflag:s0], s1  }
0x1a4: {  	s1 =	ssub.s32 @!p0 $0x0, s1;
	[sflag:s0] =	ssyncset.done @!p0 $0x0  }
0x1a5: {  	[sflag:s0] =	ssyncadd.s32 @!p0 s1  }
0x1a6: {  	[bflag:$0x3] =	sbarrier.arrive $0xFFFF  }
0x1a7: {  	_ =	shalt  }

</sc_bundles>
